<compile_context>
chip_gen: v7x
topology: tpu7x:2x2x1
jax: 0.10.2.dev20260603
libtpu: 0.0.44.dev20260713+nightly
codegen_flags: <defaults>
</compile_context>

<pallas_src>
import jax
import jax.numpy as jnp
from jax import lax
from jax.experimental import pallas as pl
from jax.experimental.pallas import tpu as pltpu
from jax.experimental.pallas import tpu_sc as plsc

_B, _Q, _C = 32, 900, 91
_N = _Q * _C
_NB = _N // 256
_TB = _NB * 256
_NSTRIDE = 81904
_CAP = 512
_K = 100
_IMIN = -(2 ** 31)
_IMAX = 2 ** 31 - 1


def _monokey(bits):
    return bits ^ ((bits >> 31) & jnp.int32(0x7FFFFFFF))


def _treemax(xs):
    while len(xs) > 1:
        xs = [jnp.maximum(a, b) for a, b in zip(xs[::2], xs[1::2])] + (
            [xs[-1]] if len(xs) % 2 else [])
    return xs[0]


def _sc_body(lg_hbm, bx_hbm, ts_hbm, scores_hbm, labels_hbm, obox_hbm,
             lg_v, bx_v, ts_v, hist_v, bmax_v, ckey_v, cidx_v,
             wkey_v, widx_v, score_v, label_v, obox_v):
    bb = lax.axis_index("s") * 2 + lax.axis_index("c")
    lanes = lax.iota(jnp.int32, 16)
    ones = jnp.ones((16,), jnp.int32)
    iminv = jnp.full((16,), _IMIN, jnp.int32)
    last = jnp.full((16,), 15, jnp.int32)

    pltpu.sync_copy(lg_hbm.at[pl.ds(bb * _NSTRIDE, _N)], lg_v)
    pltpu.sync_copy(bx_hbm.at[bb], bx_v)
    pltpu.sync_copy(ts_hbm, ts_v)

    def zero_hist(j, _):
        for u in range(8):
            hist_v[j * 8 + u] = jnp.zeros((16,), jnp.int32)
        return 0
    lax.fori_loop(0, 32, zero_hist, 0)

    def bmaxblk(blk, gacc):
        base = blk * 256
        m = _treemax([lg_v[pl.ds(base + 16 * u, 16)] for u in range(16)])
        bmax_v[blk] = m
        return jnp.maximum(gacc, m)
    gvec = lax.fori_loop(0, _NB, bmaxblk,
                         jnp.full((16,), -jnp.inf, jnp.float32))
    m = _treemax([lg_v[pl.ds(_TB + 16 * u, 16)] for u in range(14)]
                 + [lg_v[pl.ds(_N - 16, 16)]])
    bmax_v[_NB] = m
    gvec = jnp.maximum(gvec, m)

    def bhist(blk, _):
        for u in range(4):
            ks = _monokey(lax.bitcast_convert_type(bmax_v[blk * 4 + u],
                                                   jnp.int32))
            d = ((ks >> 20) & 0xFFF) ^ 0x800
            plsc.addupdate_scatter(hist_v, [d >> 4, d & 15], ones)
        return 0
    lax.fori_loop(0, (_NB + 1) // 4, bhist, 0)

    gk = plsc.cummax(
        _monokey(lax.bitcast_convert_type(gvec, jnp.int32))
    ).at[last].get(mode="promise_in_bounds")
    row0 = jnp.max((((gk >> 20) & 0xFFF) ^ 0x800) >> 4)

    def scond(carry):
        return carry[1] < _K

    def sbody(carry):
        row, cum = carry
        return row - 1, cum + jnp.sum(hist_v[row])
    rend, cume = lax.while_loop(scond, sbody, (row0, jnp.int32(0)))
    rstar = rend + 1
    s = hist_v[rstar]
    cum0 = cume - jnp.sum(s)
    srev = lax.rev(s, (0,))
    rc = plsc.cumsum(srev)
    istar = jnp.max(plsc.all_reduce_ffs(cum0 + rc >= _K))
    t20 = rstar * 16 + (15 - istar) - 0x800
    k0 = t20 << 20
    thresh_f = jnp.broadcast_to(
        lax.bitcast_convert_type(k0 ^ ((k0 >> 31) & jnp.int32(0x7FFFFFFF)),
                                 jnp.float32), (16,))

    def init_cand(j, _):
        ckey_v[j] = iminv
        return 0
    lax.fori_loop(0, _CAP // 16, init_cand, 0)

    def emit_block(nwv, xs, sels, gbases):
        css = [plsc.cumsum(s.astype(jnp.int32)) for s in sels]
        for x, sel, cs, gbase in zip(xs, sels, css, gbases):
            pos = nwv + cs - 1
            ok = jnp.logical_and(sel, pos < _CAP)
            pos = jnp.where(ok, pos, 0)
            ks = _monokey(lax.bitcast_convert_type(x, jnp.int32))
            plsc.store_scatter(ckey_v, [pos >> 4, pos & 15], ks, mask=ok)
            plsc.store_scatter(cidx_v, [pos >> 4, pos & 15],
                               gbase + lanes, mask=ok)
            nwv = nwv + cs.at[last].get(mode="promise_in_bounds")
        return nwv

    def gblk(blk, nwv):
        def hitf(nv):
            base = blk * 256
            xs = [lg_v[pl.ds(base + 16 * u, 16)] for u in range(16)]
            sels = [x >= thresh_f for x in xs]
            return emit_block(nv, xs, sels,
                              [base + 16 * u for u in range(16)])
        return lax.cond(jnp.any(bmax_v[blk] >= thresh_f), hitf,
                        lambda nv: nv, nwv)
    nwv = lax.fori_loop(0, _NB, gblk, jnp.zeros((16,), jnp.int32))

    def tailf(nv):
        xs = [lg_v[pl.ds(_TB + 16 * u, 16)] for u in range(14)]
        xs.append(lg_v[pl.ds(_N - 16, 16)])
        sels = [x >= thresh_f for x in xs[:14]]
        sels.append(jnp.logical_and(xs[14] >= thresh_f, lanes >= 4))
        return emit_block(nv, xs, sels,
                          [_TB + 16 * u for u in range(14)] + [_N - 16])
    nwv = lax.cond(jnp.any(bmax_v[_NB] >= thresh_f), tailf,
                   lambda nv: nv, nwv)
    nw = jnp.max(nwv)
    ncv = (jnp.minimum(nw, _CAP) + 15) >> 4

    def init_win(j, _):
        wkey_v[j] = iminv
        widx_v[j] = jnp.zeros((16,), jnp.int32)
        return 0
    lax.fori_loop(0, 8, init_win, 0)

    lane0 = lanes == 0

    def extract(k_, _):
        def scanv(j, carry):
            kv, pv = carry
            v = ckey_v[j]
            upd = v > kv
            kv = jnp.where(upd, v, kv)
            pv = jnp.where(upd, j * 16 + lanes, pv)
            return kv, pv
        kv, pv = lax.fori_loop(
            0, ncv, scanv, (iminv, jnp.zeros((16,), jnp.int32)))
        m = plsc.cummax(kv).at[last].get(mode="promise_in_bounds")
        pm = jnp.where(kv == m, pv, jnp.int32(_IMAX))
        pbest = -plsc.cummax(-pm).at[last].get(mode="promise_in_bounds")
        ph = pbest >> 4
        plo = pbest & 15
        wk = plsc.load_gather(ckey_v, [ph, plo])
        wi = plsc.load_gather(cidx_v, [ph, plo])
        plsc.store_scatter(ckey_v, [ph, plo], iminv, mask=lane0)
        kh = jnp.broadcast_to(k_ >> 4, (16,))
        kl = jnp.broadcast_to(k_ & 15, (16,))
        plsc.store_scatter(wkey_v, [kh, kl], wk, mask=lane0)
        plsc.store_scatter(widx_v, [kh, kl], wi, mask=lane0)
        return 0
    lax.fori_loop(0, _K, extract, 0)

    bbv = jnp.broadcast_to(bb, (16,))
    hf = plsc.load_gather(ts_v, [bbv, jnp.zeros((16,), jnp.int32)]
                          ).astype(jnp.float32)
    wf = plsc.load_gather(ts_v, [bbv, jnp.ones((16,), jnp.int32)]
                          ).astype(jnp.float32)
    for j in range(8):
        ks = wkey_v[j]
        logit = lax.bitcast_convert_type(_monokey(ks), jnp.float32)
        score = 1.0 / (1.0 + jnp.exp(-logit))
        idx = widx_v[j]
        q = (
            (idx.astype(jnp.float32) + 0.5) * jnp.float32(1.0 / 91.0)
        ).astype(jnp.int32)
        lab = idx - q * _C
        c0 = jnp.zeros((16,), jnp.int32)
        cx = plsc.load_gather(bx_v, [q, c0])
        cy = plsc.load_gather(bx_v, [q, c0 + 1])
        w = plsc.load_gather(bx_v, [q, c0 + 2])
        h = plsc.load_gather(bx_v, [q, c0 + 3])
        score_v[pl.ds(j * 16, 16)] = score
        label_v[pl.ds(j * 16, 16)] = lab
        gp = (j * 16 + lanes) * 4
        plsc.store_scatter(obox_v, [gp], (cx - 0.5 * w) * wf)
        plsc.store_scatter(obox_v, [gp + 1], (cy - 0.5 * h) * hf)
        plsc.store_scatter(obox_v, [gp + 2], (cx + 0.5 * w) * wf)
        plsc.store_scatter(obox_v, [gp + 3], (cy + 0.5 * h) * hf)

    pltpu.sync_copy(score_v, scores_hbm.at[bb])
    pltpu.sync_copy(label_v, labels_hbm.at[bb])
    pltpu.sync_copy(obox_v, obox_hbm.at[bb])


@jax.jit
def _postprocess_sc(lg, bx, ts):
    mesh = plsc.VectorSubcoreMesh(core_axis_name="c", subcore_axis_name="s",
                                  num_cores=2, num_subcores=16)
    f = pl.kernel(
        _sc_body,
        out_type=(
            jax.ShapeDtypeStruct((_B, 128), jnp.float32),
            jax.ShapeDtypeStruct((_B, 128), jnp.int32),
            jax.ShapeDtypeStruct((_B, 512), jnp.float32),
        ),
        mesh=mesh,
        compiler_params=pltpu.CompilerParams(needs_layout_passes=False,
                                             use_tc_tiling_on_sc=False),
        scratch_types=[
            pltpu.VMEM((_N,), jnp.float32),
            pltpu.VMEM((_Q, 4), jnp.float32),
            pltpu.VMEM((_B, 2), jnp.int32),
            pltpu.VMEM((256, 16), jnp.int32),
            pltpu.VMEM((_NB + 1, 16), jnp.float32),
            pltpu.VMEM((_CAP // 16, 16), jnp.int32),
            pltpu.VMEM((_CAP // 16, 16), jnp.int32),
            pltpu.VMEM((8, 16), jnp.int32),
            pltpu.VMEM((8, 16), jnp.int32),
            pltpu.VMEM((128,), jnp.float32),
            pltpu.VMEM((128,), jnp.int32),
            pltpu.VMEM((512,), jnp.float32),
        ],
    )
    return f(lg, bx, ts)


def kernel(pred_logits, pred_boxes, target_sizes):
    b, q, c = pred_logits.shape
    lg = jnp.pad(pred_logits.reshape(b, q * c),
                 ((0, 0), (0, _NSTRIDE - _N))).reshape(-1)
    scores, labels, obox = _postprocess_sc(lg, pred_boxes, target_sizes)
    return (scores[:, :_K], labels[:, :_K],
            obox.reshape(b, 128, 4)[:, :_K, :])

# --- scband reference (transcript-rebuilt; emitter-appended) ---
"""Pipeline reference for scband-post-process-80247168959292 (READ-ONLY COPY).

The authoritative reference and input builder live on the scoring server;
editing this copy changes nothing except your own understanding.
"""

import jax, jax.numpy as jnp
import numpy as np


def box_cxcywh_to_xyxy(x):
    cx = x[..., 0]
    cy = x[..., 1]
    w = x[..., 2]
    h = x[..., 3]
    return jnp.stack([cx - 0.5 * w, cy - 0.5 * h, cx + 0.5 * w, cy + 0.5 * h], axis=-1)


def setup_inputs(seed: int = 0) -> dict:
    key = jax.random.key(seed)
    k1, k2, k3 = jax.random.split(key, 3)
    pred_logits = jax.random.normal(k1, (32, 900, 91), dtype=jnp.float32)
    pred_boxes = jax.random.uniform(k2, (32, 900, 4), dtype=jnp.float32)
    target_sizes = jax.random.randint(k3, (32, 2), 1, 1333, dtype=jnp.int32)
    return {"pred_logits": pred_logits, "pred_boxes": pred_boxes, "target_sizes": target_sizes}


def reference(pred_logits, pred_boxes, target_sizes):
    B, Q, C = pred_logits.shape
    prob = jax.nn.sigmoid(pred_logits)
    flat = prob.reshape(B, -1)
    topk_values, topk_indexes = jax.lax.top_k(flat, 100)
    scores = topk_values
    topk_boxes = topk_indexes // C
    labels = topk_indexes % C
    boxes = box_cxcywh_to_xyxy(pred_boxes)
    gather_idx = jnp.repeat(topk_boxes[..., None], 4, axis=-1)
    boxes = jnp.take_along_axis(boxes, gather_idx, axis=1)
    img_h = target_sizes[:, 0]
    img_w = target_sizes[:, 1]
    scale_fct = jnp.stack([img_w, img_h, img_w, img_h], axis=1).astype(jnp.float32)
    boxes = boxes * scale_fct[:, None, :]
    return scores, labels, boxes

if __name__ == "__main__":
    import jax
    _d = setup_inputs()
    print(jax.jit(kernel)(*tuple(_d.values())))

</pallas_src>

<mosaic_0001>
#map = affine_map<(d0, d1) -> (0)>
#map1 = affine_map<(d0, d1) -> (0, 0, 0)>
#map2 = affine_map<(d0, d1) -> (0, 0)>
module attributes {stable_mosaic.version = 14 : i64} {
  func.func @_sc_body(%arg0: i32, %arg1: i32, %arg2: memref<2620928xf32, #tpu.memory_space<hbm>>, %arg3: memref<32x900x4xf32, #tpu.memory_space<hbm>>, %arg4: memref<32x2xi32, #tpu.memory_space<hbm>>, %arg5: memref<32x128xf32, #tpu.memory_space<hbm>>, %arg6: memref<32x128xi32, #tpu.memory_space<hbm>>, %arg7: memref<32x512xf32, #tpu.memory_space<hbm>>, %arg8: memref<81900xf32, #tpu.memory_space<vmem>>, %arg9: memref<900x4xf32, #tpu.memory_space<vmem>>, %arg10: memref<32x2xi32, #tpu.memory_space<vmem>>, %arg11: memref<256x16xi32, #tpu.memory_space<vmem>>, %arg12: memref<320x16xf32, #tpu.memory_space<vmem>>, %arg13: memref<32x16xi32, #tpu.memory_space<vmem>>, %arg14: memref<32x16xi32, #tpu.memory_space<vmem>>, %arg15: memref<8x16xi32, #tpu.memory_space<vmem>>, %arg16: memref<8x16xi32, #tpu.memory_space<vmem>>, %arg17: memref<128xf32, #tpu.memory_space<vmem>>, %arg18: memref<128xi32, #tpu.memory_space<vmem>>, %arg19: memref<512xf32, #tpu.memory_space<vmem>>) attributes {dimension_semantics = [#tpu.dimension_semantics<core_parallel>, #tpu.dimension_semantics<subcore_parallel>], iteration_bounds = array<i64: 2, 16>, scalar_prefetch = 0 : i64, scratch_operands = 12 : i64, tpu.core_type = #tpu.core_type<sc_vector_subcore>, window_params = [{transform_indices = #map}, {transform_indices = #map1}, {transform_indices = #map2}, {transform_indices = #map2}, {transform_indices = #map2}, {transform_indices = #map2}]} {
    %mul3A = arith.constant 2 : i32
    %mul3A_0 = arith.muli %arg1, %mul3A : i32
    %add3A = arith.addi %mul3A_0, %arg0 : i32
    %iota3A = tpu.iota {dimensions = array<i32: 0>} : vector<16xi32>
    %broadcast_in_dim3A = arith.constant 1 : i32
    %broadcast_in_dim3A_1 = vector.broadcast %broadcast_in_dim3A : i32 to vector<16xi32>
    %broadcast_in_dim3A_2 = arith.constant -2147483648 : i32
    %broadcast_in_dim3A_3 = vector.broadcast %broadcast_in_dim3A_2 : i32 to vector<16xi32>
    %broadcast_in_dim3A_4 = arith.constant 15 : i32
    %broadcast_in_dim3A_5 = vector.broadcast %broadcast_in_dim3A_4 : i32 to vector<16xi32>
    %mul3A_6 = arith.constant 81904 : i32
    %mul3A_7 = arith.muli %add3A, %mul3A_6 : i32
    "tpu.region"() ({
      %run_scoped3A = tpu.sem_alloc : memref<!tpu.dma_semaphore, #tpu.memory_space<semaphore_mem>>
      %dma_start3A = tpu.memref_slice %arg2[%mul3A_7] : memref<2620928xf32, #tpu.memory_space<hbm>> -> memref<81900xf32, #tpu.memory_space<hbm>>
      %dma_start3A_956 = tpu.memref_slice %arg2[%mul3A_7] : memref<2620928xf32, #tpu.memory_space<hbm>> -> memref<81900xf32, #tpu.memory_space<hbm>>
      tpu.enqueue_dma source(%dma_start3A_956 : memref<81900xf32, #tpu.memory_space<hbm>>) target(%arg8 : memref<81900xf32, #tpu.memory_space<vmem>>) target_semaphore(%run_scoped3A : memref<!tpu.dma_semaphore, #tpu.memory_space<semaphore_mem>>)
      %dma_wait3A = tpu.memref_slice %arg2[%mul3A_7] : memref<2620928xf32, #tpu.memory_space<hbm>> -> memref<81900xf32, #tpu.memory_space<hbm>>
      %dma_wait3A_957 = tpu.memref_slice %arg2[%mul3A_7] : memref<2620928xf32, #tpu.memory_space<hbm>> -> memref<81900xf32, #tpu.memory_space<hbm>>
      tpu.wait_dma2 semaphore(%run_scoped3A : memref<!tpu.dma_semaphore, #tpu.memory_space<semaphore_mem>>) src(%dma_wait3A_957 : memref<81900xf32, #tpu.memory_space<hbm>>) dst(%arg8 : memref<81900xf32, #tpu.memory_space<vmem>>)
      tpu.yield
    }) : () -> ()
    "tpu.region"() ({
      %run_scoped3A = tpu.sem_alloc : memref<!tpu.dma_semaphore, #tpu.memory_space<semaphore_mem>>
      %dma_start3A = arith.constant 0 : i32
      %dma_start3A_956 = arith.constant 0 : i32
      %dma_start3A_957 = tpu.memref_slice %arg3[%add3A, %dma_start3A, %dma_start3A_956] : memref<32x900x4xf32, #tpu.memory_space<hbm>> -> memref<1x900x4xf32, #tpu.memory_space<hbm>>
      %dma_start3A_958 = tpu.memref_squeeze %dma_start3A_957 : memref<1x900x4xf32, #tpu.memory_space<hbm>> -> memref<900x4xf32, #tpu.memory_space<hbm>>
      %dma_start3A_959 = arith.constant 0 : i32
      %dma_start3A_960 = arith.constant 0 : i32
      %dma_start3A_961 = tpu.memref_slice %arg3[%add3A, %dma_start3A_959, %dma_start3A_960] : memref<32x900x4xf32, #tpu.memory_space<hbm>> -> memref<1x900x4xf32, #tpu.memory_space<hbm>>
      %dma_start3A_962 = tpu.memref_squeeze %dma_start3A_961 : memref<1x900x4xf32, #tpu.memory_space<hbm>> -> memref<900x4xf32, #tpu.memory_space<hbm>>
      tpu.enqueue_dma source(%dma_start3A_962 : memref<900x4xf32, #tpu.memory_space<hbm>>) target(%arg9 : memref<900x4xf32, #tpu.memory_space<vmem>>) target_semaphore(%run_scoped3A : memref<!tpu.dma_semaphore, #tpu.memory_space<semaphore_mem>>)
      %dma_wait3A = arith.constant 0 : i32
      %dma_wait3A_963 = arith.constant 0 : i32
      %dma_wait3A_964 = tpu.memref_slice %arg3[%add3A, %dma_wait3A, %dma_wait3A_963] : memref<32x900x4xf32, #tpu.memory_space<hbm>> -> memref<1x900x4xf32, #tpu.memory_space<hbm>>
      %dma_wait3A_965 = tpu.memref_squeeze %dma_wait3A_964 : memref<1x900x4xf32, #tpu.memory_space<hbm>> -> memref<900x4xf32, #tpu.memory_space<hbm>>
      %dma_wait3A_966 = arith.constant 0 : i32
      %dma_wait3A_967 = arith.constant 0 : i32
      %dma_wait3A_968 = tpu.memref_slice %arg3[%add3A, %dma_wait3A_966, %dma_wait3A_967] : memref<32x900x4xf32, #tpu.memory_space<hbm>> -> memref<1x900x4xf32, #tpu.memory_space<hbm>>
      %dma_wait3A_969 = tpu.memref_squeeze %dma_wait3A_968 : memref<1x900x4xf32, #tpu.memory_space<hbm>> -> memref<900x4xf32, #tpu.memory_space<hbm>>
      tpu.wait_dma2 semaphore(%run_scoped3A : memref<!tpu.dma_semaphore, #tpu.memory_space<semaphore_mem>>) src(%dma_wait3A_969 : memref<900x4xf32, #tpu.memory_space<hbm>>) dst(%arg9 : memref<900x4xf32, #tpu.memory_space<vmem>>)
      tpu.yield
    }) : () -> ()
    "tpu.region"() ({
      %run_scoped3A = tpu.sem_alloc : memref<!tpu.dma_semaphore, #tpu.memory_space<semaphore_mem>>
      tpu.enqueue_dma source(%arg4 : memref<32x2xi32, #tpu.memory_space<hbm>>) target(%arg10 : memref<32x2xi32, #tpu.memory_space<vmem>>) target_semaphore(%run_scoped3A : memref<!tpu.dma_semaphore, #tpu.memory_space<semaphore_mem>>)
      tpu.wait_dma2 semaphore(%run_scoped3A : memref<!tpu.dma_semaphore, #tpu.memory_space<semaphore_mem>>) src(%arg4 : memref<32x2xi32, #tpu.memory_space<hbm>>) dst(%arg10 : memref<32x2xi32, #tpu.memory_space<vmem>>)
      tpu.yield
    }) : () -> ()
    %scan3A = arith.constant 0 : i32
    %scan3A_8 = arith.constant 0 : i32
    %scan3A_9 = arith.constant 32 : i32
    %scan3A_10 = arith.addi %scan3A_8, %scan3A_9 : i32
    %scan3A_11 = arith.constant 1 : i32
    %scan3A_12 = scf.for %scan3A_956 = %scan3A_8 to %scan3A_10 step %scan3A_11 iter_args(%scan3A_957 = %scan3A) -> (i32)  : i32 {
      %broadcast_in_dim3A_958 = arith.constant 0 : i32
      %broadcast_in_dim3A_959 = vector.broadcast %broadcast_in_dim3A_958 : i32 to vector<16xi32>
      %mul3A_960 = arith.constant 8 : i32
      %mul3A_961 = arith.muli %scan3A_956, %mul3A_960 : i32
      %add3A_962 = arith.constant 0 : i32
      %add3A_963 = arith.addi %mul3A_961, %add3A_962 : i32
      %swap3A_964 = arith.index_cast %add3A_963 : i32 to index
      %swap3A_965 = arith.constant 0 : index
      %swap3A_966 = tpu.vector_load %arg11[%swap3A_964, %swap3A_965] {strides = array<i32>} : memref<256x16xi32, #tpu.memory_space<vmem>>, vector<16xi32>,
      tpu.vector_store %arg11[%swap3A_964, %swap3A_965], %broadcast_in_dim3A_959 {strides = array<i32>} : memref<256x16xi32, #tpu.memory_space<vmem>>, vector<16xi32>,
      %broadcast_in_dim3A_967 = arith.constant 0 : i32
      %broadcast_in_dim3A_968 = vector.broadcast %broadcast_in_dim3A_967 : i32 to vector<16xi32>
      %mul3A_969 = arith.constant 8 : i32
      %mul3A_970 = arith.muli %scan3A_956, %mul3A_969 : i32
      %add3A_971 = arith.constant 1 : i32
      %add3A_972 = arith.addi %mul3A_970, %add3A_971 : i32
      %swap3A_973 = arith.index_cast %add3A_972 : i32 to index
      %swap3A_974 = arith.constant 0 : index
      %swap3A_975 = tpu.vector_load %arg11[%swap3A_973, %swap3A_974] {strides = array<i32>} : memref<256x16xi32, #tpu.memory_space<vmem>>, vector<16xi32>,
      tpu.vector_store %arg11[%swap3A_973, %swap3A_974], %broadcast_in_dim3A_968 {strides = array<i32>} : memref<256x16xi32, #tpu.memory_space<vmem>>, vector<16xi32>,
      %broadcast_in_dim3A_976 = arith.constant 0 : i32
      %broadcast_in_dim3A_977 = vector.broadcast %broadcast_in_dim3A_976 : i32 to vector<16xi32>
      %mul3A_978 = arith.constant 8 : i32
      %mul3A_979 = arith.muli %scan3A_956, %mul3A_978 : i32
      %add3A_980 = arith.constant 2 : i32
      %add3A_981 = arith.addi %mul3A_979, %add3A_980 : i32
      %swap3A_982 = arith.index_cast %add3A_981 : i32 to index
      %swap3A_983 = arith.constant 0 : index
      %swap3A_984 = tpu.vector_load %arg11[%swap3A_982, %swap3A_983] {strides = array<i32>} : memref<256x16xi32, #tpu.memory_space<vmem>>, vector<16xi32>,
      tpu.vector_store %arg11[%swap3A_982, %swap3A_983], %broadcast_in_dim3A_977 {strides = array<i32>} : memref<256x16xi32, #tpu.memory_space<vmem>>, vector<16xi32>,
      %broadcast_in_dim3A_985 = arith.constant 0 : i32
      %broadcast_in_dim3A_986 = vector.broadcast %broadcast_in_dim3A_985 : i32 to vector<16xi32>
      %mul3A_987 = arith.constant 8 : i32
      %mul3A_988 = arith.muli %scan3A_956, %mul3A_987 : i32
      %add3A_989 = arith.constant 3 : i32
      %add3A_990 = arith.addi %mul3A_988, %add3A_989 : i32
      %swap3A_991 = arith.index_cast %add3A_990 : i32 to index
      %swap3A_992 = arith.constant 0 : index
      %swap3A_993 = tpu.vector_load %arg11[%swap3A_991, %swap3A_992] {strides = array<i32>} : memref<256x16xi32, #tpu.memory_space<vmem>>, vector<16xi32>,
      tpu.vector_store %arg11[%swap3A_991, %swap3A_992], %broadcast_in_dim3A_986 {strides = array<i32>} : memref<256x16xi32, #tpu.memory_space<vmem>>, vector<16xi32>,
      %broadcast_in_dim3A_994 = arith.constant 0 : i32
      %broadcast_in_dim3A_995 = vector.broadcast %broadcast_in_dim3A_994 : i32 to vector<16xi32>
      %mul3A_996 = arith.constant 8 : i32
      %mul3A_997 = arith.muli %scan3A_956, %mul3A_996 : i32
      %add3A_998 = arith.constant 4 : i32
      %add3A_999 = arith.addi %mul3A_997, %add3A_998 : i32
      %swap3A_1000 = arith.index_cast %add3A_999 : i32 to index
      %swap3A_1001 = arith.constant 0 : index
      %swap3A_1002 = tpu.vector_load %arg11[%swap3A_1000, %swap3A_1001] {strides = array<i32>} : memref<256x16xi32, #tpu.memory_space<vmem>>, vector<16xi32>,
      tpu.vector_store %arg11[%swap3A_1000, %swap3A_1001], %broadcast_in_dim3A_995 {strides = array<i32>} : memref<256x16xi32, #tpu.memory_space<vmem>>, vector<16xi32>,
      %broadcast_in_dim3A_1003 = arith.constant 0 : i32
      %broadcast_in_dim3A_1004 = vector.broadcast %broadcast_in_dim3A_1003 : i32 to vector<16xi32>
      %mul3A_1005 = arith.constant 8 : i32
      %mul3A_1006 = arith.muli %scan3A_956, %mul3A_1005 : i32
      %add3A_1007 = arith.constant 5 : i32
      %add3A_1008 = arith.addi %mul3A_1006, %add3A_1007 : i32
      %swap3A_1009 = arith.index_cast %add3A_1008 : i32 to index
      %swap3A_1010 = arith.constant 0 : index
      %swap3A_1011 = tpu.vector_load %arg11[%swap3A_1009, %swap3A_1010] {strides = array<i32>} : memref<256x16xi32, #tpu.memory_space<vmem>>, vector<16xi32>,
      tpu.vector_store %arg11[%swap3A_1009, %swap3A_1010], %broadcast_in_dim3A_1004 {strides = array<i32>} : memref<256x16xi32, #tpu.memory_space<vmem>>, vector<16xi32>,
      %broadcast_in_dim3A_1012 = arith.constant 0 : i32
      %broadcast_in_dim3A_1013 = vector.broadcast %broadcast_in_dim3A_1012 : i32 to vector<16xi32>
      %mul3A_1014 = arith.constant 8 : i32
      %mul3A_1015 = arith.muli %scan3A_956, %mul3A_1014 : i32
      %add3A_1016 = arith.constant 6 : i32
      %add3A_1017 = arith.addi %mul3A_1015, %add3A_1016 : i32
      %swap3A_1018 = arith.index_cast %add3A_1017 : i32 to index
      %swap3A_1019 = arith.constant 0 : index
      %swap3A_1020 = tpu.vector_load %arg11[%swap3A_1018, %swap3A_1019] {strides = array<i32>} : memref<256x16xi32, #tpu.memory_space<vmem>>, vector<16xi32>,
      tpu.vector_store %arg11[%swap3A_1018, %swap3A_1019], %broadcast_in_dim3A_1013 {strides = array<i32>} : memref<256x16xi32, #tpu.memory_space<vmem>>, vector<16xi32>,
      %broadcast_in_dim3A_1021 = arith.constant 0 : i32
      %broadcast_in_dim3A_1022 = vector.broadcast %broadcast_in_dim3A_1021 : i32 to vector<16xi32>
      %mul3A_1023 = arith.constant 8 : i32
      %mul3A_1024 = arith.muli %scan3A_956, %mul3A_1023 : i32
      %add3A_1025 = arith.constant 7 : i32
      %add3A_1026 = arith.addi %mul3A_1024, %add3A_1025 : i32
      %swap3A_1027 = arith.index_cast %add3A_1026 : i32 to index
      %swap3A_1028 = arith.constant 0 : index
      %swap3A_1029 = tpu.vector_load %arg11[%swap3A_1027, %swap3A_1028] {strides = array<i32>} : memref<256x16xi32, #tpu.memory_space<vmem>>, vector<16xi32>,
      tpu.vector_store %arg11[%swap3A_1027, %swap3A_1028], %broadcast_in_dim3A_1022 {strides = array<i32>} : memref<256x16xi32, #tpu.memory_space<vmem>>, vector<16xi32>,
      %scan3A_1030 = arith.constant 0 : i32
      scf.yield %scan3A_1030 : i32
    }
    %scan3A_13 = arith.constant 32 : i32
    %broadcast_in_dim3A_14 = arith.constant 0xFF800000 : f32
    %broadcast_in_dim3A_15 = vector.broadcast %broadcast_in_dim3A_14 : f32 to vector<16xf32>
    %scan3A_16 = arith.constant 0 : i32
    %scan3A_17 = arith.constant 319 : i32
    %scan3A_18 = arith.addi %scan3A_16, %scan3A_17 : i32
    %scan3A_19 = arith.constant 1 : i32
    %scan3A_20 = scf.for %scan3A_956 = %scan3A_16 to %scan3A_18 step %scan3A_19 iter_args(%scan3A_957 = %broadcast_in_dim3A_15) -> (vector<16xf32>)  : i32 {
      %mul3A_958 = arith.constant 256 : i32
      %mul3A_959 = arith.muli %scan3A_956, %mul3A_958 : i32
      %add3A_960 = arith.constant 0 : i32
      %add3A_961 = arith.addi %mul3A_959, %add3A_960 : i32
      %get3A_962 = arith.index_cast %add3A_961 : i32 to index
      %get3A_963 = tpu.vector_load %arg8[%get3A_962] {strides = array<i32>} : memref<81900xf32, #tpu.memory_space<vmem>>, vector<16xf32>,
      %add3A_964 = arith.constant 16 : i32
      %add3A_965 = arith.addi %mul3A_959, %add3A_964 : i32
      %get3A_966 = arith.index_cast %add3A_965 : i32 to index
      %get3A_967 = tpu.vector_load %arg8[%get3A_966] {strides = array<i32>} : memref<81900xf32, #tpu.memory_space<vmem>>, vector<16xf32>,
      %add3A_968 = arith.constant 32 : i32
      %add3A_969 = arith.addi %mul3A_959, %add3A_968 : i32
      %get3A_970 = arith.index_cast %add3A_969 : i32 to index
      %get3A_971 = tpu.vector_load %arg8[%get3A_970] {strides = array<i32>} : memref<81900xf32, #tpu.memory_space<vmem>>, vector<16xf32>,
      %add3A_972 = arith.constant 48 : i32
      %add3A_973 = arith.addi %mul3A_959, %add3A_972 : i32
      %get3A_974 = arith.index_cast %add3A_973 : i32 to index
      %get3A_975 = tpu.vector_load %arg8[%get3A_974] {strides = array<i32>} : memref<81900xf32, #tpu.memory_space<vmem>>, vector<16xf32>,
      %add3A_976 = arith.constant 64 : i32
      %add3A_977 = arith.addi %mul3A_959, %add3A_976 : i32
      %get3A_978 = arith.index_cast %add3A_977 : i32 to index
      %get3A_979 = tpu.vector_load %arg8[%get3A_978] {strides = array<i32>} : memref<81900xf32, #tpu.memory_space<vmem>>, vector<16xf32>,
      %add3A_980 = arith.constant 80 : i32
      %add3A_981 = arith.addi %mul3A_959, %add3A_980 : i32
      %get3A_982 = arith.index_cast %add3A_981 : i32 to index
      %get3A_983 = tpu.vector_load %arg8[%get3A_982] {strides = array<i32>} : memref<81900xf32, #tpu.memory_space<vmem>>, vector<16xf32>,
      %add3A_984 = arith.constant 96 : i32
      %add3A_985 = arith.addi %mul3A_959, %add3A_984 : i32
      %get3A_986 = arith.index_cast %add3A_985 : i32 to index
      %get3A_987 = tpu.vector_load %arg8[%get3A_986] {strides = array<i32>} : memref<81900xf32, #tpu.memory_space<vmem>>, vector<16xf32>,
      %add3A_988 = arith.constant 112 : i32
      %add3A_989 = arith.addi %mul3A_959, %add3A_988 : i32
      %get3A_990 = arith.index_cast %add3A_989 : i32 to index
      %get3A_991 = tpu.vector_load %arg8[%get3A_990] {strides = array<i32>} : memref<81900xf32, #tpu.memory_space<vmem>>, vector<16xf32>,
      %add3A_992 = arith.constant 128 : i32
      %add3A_993 = arith.addi %mul3A_959, %add3A_992 : i32
      %get3A_994 = arith.index_cast %add3A_993 : i32 to index
      %get3A_995 = tpu.vector_load %arg8[%get3A_994] {strides = array<i32>} : memref<81900xf32, #tpu.memory_space<vmem>>, vector<16xf32>,
      %add3A_996 = arith.constant 144 : i32
      %add3A_997 = arith.addi %mul3A_959, %add3A_996 : i32
      %get3A_998 = arith.index_cast %add3A_997 : i32 to index
      %get3A_999 = tpu.vector_load %arg8[%get3A_998] {strides = array<i32>} : memref<81900xf32, #tpu.memory_space<vmem>>, vector<16xf32>,
      %add3A_1000 = arith.constant 160 : i32
      %add3A_1001 = arith.addi %mul3A_959, %add3A_1000 : i32
      %get3A_1002 = arith.index_cast %add3A_1001 : i32 to index
      %get3A_1003 = tpu.vector_load %arg8[%get3A_1002] {strides = array<i32>} : memref<81900xf32, #tpu.memory_space<vmem>>, vector<16xf32>,
      %add3A_1004 = arith.constant 176 : i32
      %add3A_1005 = arith.addi %mul3A_959, %add3A_1004 : i32
      %get3A_1006 = arith.index_cast %add3A_1005 : i32 to index
      %get3A_1007 = tpu.vector_load %arg8[%get3A_1006] {strides = array<i32>} : memref<81900xf32, #tpu.memory_space<vmem>>, vector<16xf32>,
      %add3A_1008 = arith.constant 192 : i32
      %add3A_1009 = arith.addi %mul3A_959, %add3A_1008 : i32
      %get3A_1010 = arith.index_cast %add3A_1009 : i32 to index
      %get3A_1011 = tpu.vector_load %arg8[%get3A_1010] {strides = array<i32>} : memref<81900xf32, #tpu.memory_space<vmem>>, vector<16xf32>,
      %add3A_1012 = arith.constant 208 : i32
      %add3A_1013 = arith.addi %mul3A_959, %add3A_1012 : i32
      %get3A_1014 = arith.index_cast %add3A_1013 : i32 to index
      %get3A_1015 = tpu.vector_load %arg8[%get3A_1014] {strides = array<i32>} : memref<81900xf32, #tpu.memory_space<vmem>>, vector<16xf32>,
      %add3A_1016 = arith.constant 224 : i32
      %add3A_1017 = arith.addi %mul3A_959, %add3A_1016 : i32
      %get3A_1018 = arith.index_cast %add3A_1017 : i32 to index
      %get3A_1019 = tpu.vector_load %arg8[%get3A_1018] {strides = array<i32>} : memref<81900xf32, #tpu.memory_space<vmem>>, vector<16xf32>,
      %add3A_1020 = arith.constant 240 : i32
      %add3A_1021 = arith.addi %mul3A_959, %add3A_1020 : i32
      %get3A_1022 = arith.index_cast %add3A_1021 : i32 to index
      %get3A_1023 = tpu.vector_load %arg8[%get3A_1022] {strides = array<i32>} : memref<81900xf32, #tpu.memory_space<vmem>>, vector<16xf32>,
      %max3A_1024 = arith.maximumf %get3A_963, %get3A_967 : vector<16xf32>
      %max3A_1025 = arith.maximumf %get3A_971, %get3A_975 : vector<16xf32>
      %max3A_1026 = arith.maximumf %get3A_979, %get3A_983 : vector<16xf32>
      %max3A_1027 = arith.maximumf %get3A_987, %get3A_991 : vector<16xf32>
      %max3A_1028 = arith.maximumf %get3A_995, %get3A_999 : vector<16xf32>
      %max3A_1029 = arith.maximumf %get3A_1003, %get3A_1007 : vector<16xf32>
      %max3A_1030 = arith.maximumf %get3A_1011, %get3A_1015 : vector<16xf32>
      %max3A_1031 = arith.maximumf %get3A_1019, %get3A_1023 : vector<16xf32>
      %max3A_1032 = arith.maximumf %max3A_1024, %max3A_1025 : vector<16xf32>
      %max3A_1033 = arith.maximumf %max3A_1026, %max3A_1027 : vector<16xf32>
      %max3A_1034 = arith.maximumf %max3A_1028, %max3A_1029 : vector<16xf32>
      %max3A_1035 = arith.maximumf %max3A_1030, %max3A_1031 : vector<16xf32>
      %max3A_1036 = arith.maximumf %max3A_1032, %max3A_1033 : vector<16xf32>
      %max3A_1037 = arith.maximumf %max3A_1034, %max3A_1035 : vector<16xf32>
      %max3A_1038 = arith.maximumf %max3A_1036, %max3A_1037 : vector<16xf32>
      %swap3A_1039 = arith.index_cast %scan3A_956 : i32 to index
      %swap3A_1040 = arith.constant 0 : index
      %swap3A_1041 = tpu.vector_load %arg12[%swap3A_1039, %swap3A_1040] {strides = array<i32>} : memref<320x16xf32, #tpu.memory_space<vmem>>, vector<16xf32>,
      tpu.vector_store %arg12[%swap3A_1039, %swap3A_1040], %max3A_1038 {strides = array<i32>} : memref<320x16xf32, #tpu.memory_space<vmem>>, vector<16xf32>,
      %max3A_1042 = arith.maximumf %scan3A_957, %max3A_1038 : vector<16xf32>
      scf.yield %max3A_1042 : vector<16xf32>
    }
    %scan3A_21 = arith.constant 319 : i32
    %get3A = arith.constant 81664 : index
    %get3A_22 = tpu.vector_load %arg8[%get3A] {strides = array<i32>} : memref<81900xf32, #tpu.memory_space<vmem>>, vector<16xf32>,
    %get3A_23 = arith.constant 81680 : index
    %get3A_24 = tpu.vector_load %arg8[%get3A_23] {strides = array<i32>} : memref<81900xf32, #tpu.memory_space<vmem>>, vector<16xf32>,
    %get3A_25 = arith.constant 81696 : index
    %get3A_26 = tpu.vector_load %arg8[%get3A_25] {strides = array<i32>} : memref<81900xf32, #tpu.memory_space<vmem>>, vector<16xf32>,
    %get3A_27 = arith.constant 81712 : index
    %get3A_28 = tpu.vector_load %arg8[%get3A_27] {strides = array<i32>} : memref<81900xf32, #tpu.memory_space<vmem>>, vector<16xf32>,
    %get3A_29 = arith.constant 81728 : index
    %get3A_30 = tpu.vector_load %arg8[%get3A_29] {strides = array<i32>} : memref<81900xf32, #tpu.memory_space<vmem>>, vector<16xf32>,
    %get3A_31 = arith.constant 81744 : index
    %get3A_32 = tpu.vector_load %arg8[%get3A_31] {strides = array<i32>} : memref<81900xf32, #tpu.memory_space<vmem>>, vector<16xf32>,
    %get3A_33 = arith.constant 81760 : index
    %get3A_34 = tpu.vector_load %arg8[%get3A_33] {strides = array<i32>} : memref<81900xf32, #tpu.memory_space<vmem>>, vector<16xf32>,
    %get3A_35 = arith.constant 81776 : index
    %get3A_36 = tpu.vector_load %arg8[%get3A_35] {strides = array<i32>} : memref<81900xf32, #tpu.memory_space<vmem>>, vector<16xf32>,
    %get3A_37 = arith.constant 81792 : index
    %get3A_38 = tpu.vector_load %arg8[%get3A_37] {strides = array<i32>} : memref<81900xf32, #tpu.memory_space<vmem>>, vector<16xf32>,
    %get3A_39 = arith.constant 81808 : index
    %get3A_40 = tpu.vector_load %arg8[%get3A_39] {strides = array<i32>} : memref<81900xf32, #tpu.memory_space<vmem>>, vector<16xf32>,
    %get3A_41 = arith.constant 81824 : index
    %get3A_42 = tpu.vector_load %arg8[%get3A_41] {strides = array<i32>} : memref<81900xf32, #tpu.memory_space<vmem>>, vector<16xf32>,
    %get3A_43 = arith.constant 81840 : index
    %get3A_44 = tpu.vector_load %arg8[%get3A_43] {strides = array<i32>} : memref<81900xf32, #tpu.memory_space<vmem>>, vector<16xf32>,
    %get3A_45 = arith.constant 81856 : index
    %get3A_46 = tpu.vector_load %arg8[%get3A_45] {strides = array<i32>} : memref<81900xf32, #tpu.memory_space<vmem>>, vector<16xf32>,
    %get3A_47 = arith.constant 81872 : index
    %get3A_48 = tpu.vector_load %arg8[%get3A_47] {strides = array<i32>} : memref<81900xf32, #tpu.memory_space<vmem>>, vector<16xf32>,
    %get3A_49 = arith.constant 81884 : index
    %get3A_50 = tpu.vector_load %arg8[%get3A_49] {strides = array<i32>} : memref<81900xf32, #tpu.memory_space<vmem>>, vector<16xf32>,
    %max3A = arith.maximumf %get3A_22, %get3A_24 : vector<16xf32>
    %max3A_51 = arith.maximumf %get3A_26, %get3A_28 : vector<16xf32>
    %max3A_52 = arith.maximumf %get3A_30, %get3A_32 : vector<16xf32>
    %max3A_53 = arith.maximumf %get3A_34, %get3A_36 : vector<16xf32>
    %max3A_54 = arith.maximumf %get3A_38, %get3A_40 : vector<16xf32>
    %max3A_55 = arith.maximumf %get3A_42, %get3A_44 : vector<16xf32>
    %max3A_56 = arith.maximumf %get3A_46, %get3A_48 : vector<16xf32>
    %max3A_57 = arith.maximumf %max3A, %max3A_51 : vector<16xf32>
    %max3A_58 = arith.maximumf %max3A_52, %max3A_53 : vector<16xf32>
    %max3A_59 = arith.maximumf %max3A_54, %max3A_55 : vector<16xf32>
    %max3A_60 = arith.maximumf %max3A_56, %get3A_50 : vector<16xf32>
    %max3A_61 = arith.maximumf %max3A_57, %max3A_58 : vector<16xf32>
    %max3A_62 = arith.maximumf %max3A_59, %max3A_60 : vector<16xf32>
    %max3A_63 = arith.maximumf %max3A_61, %max3A_62 : vector<16xf32>
    %swap3A = arith.constant 319 : i32
    %swap3A_64 = arith.index_cast %swap3A : i32 to index
    %swap3A_65 = arith.constant 0 : index
    %swap3A_66 = tpu.vector_load %arg12[%swap3A_64, %swap3A_65] {strides = array<i32>} : memref<320x16xf32, #tpu.memory_space<vmem>>, vector<16xf32>,
    tpu.vector_store %arg12[%swap3A_64, %swap3A_65], %max3A_63 {strides = array<i32>} : memref<320x16xf32, #tpu.memory_space<vmem>>, vector<16xf32>,
    %max3A_67 = arith.maximumf %scan3A_20, %max3A_63 : vector<16xf32>
    %scan3A_68 = arith.constant 0 : i32
    %scan3A_69 = arith.constant 0 : i32
    %scan3A_70 = arith.constant 80 : i32
    %scan3A_71 = arith.addi %scan3A_69, %scan3A_70 : i32
    %scan3A_72 = arith.constant 1 : i32
    %scan3A_73 = scf.for %scan3A_956 = %scan3A_69 to %scan3A_71 step %scan3A_72 iter_args(%scan3A_957 = %scan3A_68) -> (i32)  : i32 {
      %mul3A_958 = arith.constant 4 : i32
      %mul3A_959 = arith.muli %scan3A_956, %mul3A_958 : i32
      %add3A_960 = arith.constant 0 : i32
      %add3A_961 = arith.addi %mul3A_959, %add3A_960 : i32
      %get3A_962 = arith.index_cast %add3A_961 : i32 to index
      %get3A_963 = arith.constant 0 : index
      %get3A_964 = tpu.vector_load %arg12[%get3A_962, %get3A_963] {strides = array<i32>} : memref<320x16xf32, #tpu.memory_space<vmem>>, vector<16xf32>,
      %bitcast_convert_type3A_965 = tpu.bitcast %get3A_964 : vector<16xf32> -> vector<16xi32>
      %shift_right_arithmetic3A_966 = arith.constant 31 : i32
      %shift_right_arithmetic3A_967 = vector.broadcast %shift_right_arithmetic3A_966 : i32 to vector<16xi32>
      %shift_right_arithmetic3A_968 = arith.shrsi %bitcast_convert_type3A_965, %shift_right_arithmetic3A_967 : vector<16xi32>
      %and3A_969 = arith.constant 2147483647 : i32
      %and3A_970 = vector.broadcast %and3A_969 : i32 to vector<16xi32>
      %and3A_971 = arith.andi %shift_right_arithmetic3A_968, %and3A_970 : vector<16xi32>
      %xor3A_972 = arith.xori %bitcast_convert_type3A_965, %and3A_971 : vector<16xi32>
      %shift_right_arithmetic3A_973 = arith.constant 20 : i32
      %shift_right_arithmetic3A_974 = vector.broadcast %shift_right_arithmetic3A_973 : i32 to vector<16xi32>
      %shift_right_arithmetic3A_975 = arith.shrsi %xor3A_972, %shift_right_arithmetic3A_974 : vector<16xi32>
      %and3A_976 = arith.constant 4095 : i32
      %and3A_977 = vector.broadcast %and3A_976 : i32 to vector<16xi32>
      %and3A_978 = arith.andi %shift_right_arithmetic3A_975, %and3A_977 : vector<16xi32>
      %xor3A_979 = arith.constant 2048 : i32
      %xor3A_980 = vector.broadcast %xor3A_979 : i32 to vector<16xi32>
      %xor3A_981 = arith.xori %and3A_978, %xor3A_980 : vector<16xi32>
      %shift_right_arithmetic3A_982 = arith.constant 4 : i32
      %shift_right_arithmetic3A_983 = vector.broadcast %shift_right_arithmetic3A_982 : i32 to vector<16xi32>
      %shift_right_arithmetic3A_984 = arith.shrsi %xor3A_981, %shift_right_arithmetic3A_983 : vector<16xi32>
      %and3A_985 = arith.constant 15 : i32
      %and3A_986 = vector.broadcast %and3A_985 : i32 to vector<16xi32>
      %and3A_987 = arith.andi %xor3A_981, %and3A_986 : vector<16xi32>
      tpu.vector_store_idx %arg11[%shift_right_arithmetic3A_984, %and3A_987], %broadcast_in_dim3A_1 {add = true} : memref<256x16xi32, #tpu.memory_space<vmem>>[vector<16xi32>, vector<16xi32>], vector<16xi32>,
      %mul3A_988 = arith.constant 4 : i32
      %mul3A_989 = arith.muli %scan3A_956, %mul3A_988 : i32
      %add3A_990 = arith.constant 1 : i32
      %add3A_991 = arith.addi %mul3A_989, %add3A_990 : i32
      %get3A_992 = arith.index_cast %add3A_991 : i32 to index
      %get3A_993 = arith.constant 0 : index
      %get3A_994 = tpu.vector_load %arg12[%get3A_992, %get3A_993] {strides = array<i32>} : memref<320x16xf32, #tpu.memory_space<vmem>>, vector<16xf32>,
      %bitcast_convert_type3A_995 = tpu.bitcast %get3A_994 : vector<16xf32> -> vector<16xi32>
      %shift_right_arithmetic3A_996 = arith.constant 31 : i32
      %shift_right_arithmetic3A_997 = vector.broadcast %shift_right_arithmetic3A_996 : i32 to vector<16xi32>
      %shift_right_arithmetic3A_998 = arith.shrsi %bitcast_convert_type3A_995, %shift_right_arithmetic3A_997 : vector<16xi32>
      %and3A_999 = arith.constant 2147483647 : i32
      %and3A_1000 = vector.broadcast %and3A_999 : i32 to vector<16xi32>
      %and3A_1001 = arith.andi %shift_right_arithmetic3A_998, %and3A_1000 : vector<16xi32>
      %xor3A_1002 = arith.xori %bitcast_convert_type3A_995, %and3A_1001 : vector<16xi32>
      %shift_right_arithmetic3A_1003 = arith.constant 20 : i32
      %shift_right_arithmetic3A_1004 = vector.broadcast %shift_right_arithmetic3A_1003 : i32 to vector<16xi32>
      %shift_right_arithmetic3A_1005 = arith.shrsi %xor3A_1002, %shift_right_arithmetic3A_1004 : vector<16xi32>
      %and3A_1006 = arith.constant 4095 : i32
      %and3A_1007 = vector.broadcast %and3A_1006 : i32 to vector<16xi32>
      %and3A_1008 = arith.andi %shift_right_arithmetic3A_1005, %and3A_1007 : vector<16xi32>
      %xor3A_1009 = arith.constant 2048 : i32
      %xor3A_1010 = vector.broadcast %xor3A_1009 : i32 to vector<16xi32>
      %xor3A_1011 = arith.xori %and3A_1008, %xor3A_1010 : vector<16xi32>
      %shift_right_arithmetic3A_1012 = arith.constant 4 : i32
      %shift_right_arithmetic3A_1013 = vector.broadcast %shift_right_arithmetic3A_1012 : i32 to vector<16xi32>
      %shift_right_arithmetic3A_1014 = arith.shrsi %xor3A_1011, %shift_right_arithmetic3A_1013 : vector<16xi32>
      %and3A_1015 = arith.constant 15 : i32
      %and3A_1016 = vector.broadcast %and3A_1015 : i32 to vector<16xi32>
      %and3A_1017 = arith.andi %xor3A_1011, %and3A_1016 : vector<16xi32>
      tpu.vector_store_idx %arg11[%shift_right_arithmetic3A_1014, %and3A_1017], %broadcast_in_dim3A_1 {add = true} : memref<256x16xi32, #tpu.memory_space<vmem>>[vector<16xi32>, vector<16xi32>], vector<16xi32>,
      %mul3A_1018 = arith.constant 4 : i32
      %mul3A_1019 = arith.muli %scan3A_956, %mul3A_1018 : i32
      %add3A_1020 = arith.constant 2 : i32
      %add3A_1021 = arith.addi %mul3A_1019, %add3A_1020 : i32
      %get3A_1022 = arith.index_cast %add3A_1021 : i32 to index
      %get3A_1023 = arith.constant 0 : index
      %get3A_1024 = tpu.vector_load %arg12[%get3A_1022, %get3A_1023] {strides = array<i32>} : memref<320x16xf32, #tpu.memory_space<vmem>>, vector<16xf32>,
      %bitcast_convert_type3A_1025 = tpu.bitcast %get3A_1024 : vector<16xf32> -> vector<16xi32>
      %shift_right_arithmetic3A_1026 = arith.constant 31 : i32
      %shift_right_arithmetic3A_1027 = vector.broadcast %shift_right_arithmetic3A_1026 : i32 to vector<16xi32>
      %shift_right_arithmetic3A_1028 = arith.shrsi %bitcast_convert_type3A_1025, %shift_right_arithmetic3A_1027 : vector<16xi32>
      %and3A_1029 = arith.constant 2147483647 : i32
      %and3A_1030 = vector.broadcast %and3A_1029 : i32 to vector<16xi32>
      %and3A_1031 = arith.andi %shift_right_arithmetic3A_1028, %and3A_1030 : vector<16xi32>
      %xor3A_1032 = arith.xori %bitcast_convert_type3A_1025, %and3A_1031 : vector<16xi32>
      %shift_right_arithmetic3A_1033 = arith.constant 20 : i32
      %shift_right_arithmetic3A_1034 = vector.broadcast %shift_right_arithmetic3A_1033 : i32 to vector<16xi32>
      %shift_right_arithmetic3A_1035 = arith.shrsi %xor3A_1032, %shift_right_arithmetic3A_1034 : vector<16xi32>
      %and3A_1036 = arith.constant 4095 : i32
      %and3A_1037 = vector.broadcast %and3A_1036 : i32 to vector<16xi32>
      %and3A_1038 = arith.andi %shift_right_arithmetic3A_1035, %and3A_1037 : vector<16xi32>
      %xor3A_1039 = arith.constant 2048 : i32
      %xor3A_1040 = vector.broadcast %xor3A_1039 : i32 to vector<16xi32>
      %xor3A_1041 = arith.xori %and3A_1038, %xor3A_1040 : vector<16xi32>
      %shift_right_arithmetic3A_1042 = arith.constant 4 : i32
      %shift_right_arithmetic3A_1043 = vector.broadcast %shift_right_arithmetic3A_1042 : i32 to vector<16xi32>
      %shift_right_arithmetic3A_1044 = arith.shrsi %xor3A_1041, %shift_right_arithmetic3A_1043 : vector<16xi32>
      %and3A_1045 = arith.constant 15 : i32
      %and3A_1046 = vector.broadcast %and3A_1045 : i32 to vector<16xi32>
      %and3A_1047 = arith.andi %xor3A_1041, %and3A_1046 : vector<16xi32>
      tpu.vector_store_idx %arg11[%shift_right_arithmetic3A_1044, %and3A_1047], %broadcast_in_dim3A_1 {add = true} : memref<256x16xi32, #tpu.memory_space<vmem>>[vector<16xi32>, vector<16xi32>], vector<16xi32>,
      %mul3A_1048 = arith.constant 4 : i32
      %mul3A_1049 = arith.muli %scan3A_956, %mul3A_1048 : i32
      %add3A_1050 = arith.constant 3 : i32
      %add3A_1051 = arith.addi %mul3A_1049, %add3A_1050 : i32
      %get3A_1052 = arith.index_cast %add3A_1051 : i32 to index
      %get3A_1053 = arith.constant 0 : index
      %get3A_1054 = tpu.vector_load %arg12[%get3A_1052, %get3A_1053] {strides = array<i32>} : memref<320x16xf32, #tpu.memory_space<vmem>>, vector<16xf32>,
      %bitcast_convert_type3A_1055 = tpu.bitcast %get3A_1054 : vector<16xf32> -> vector<16xi32>
      %shift_right_arithmetic3A_1056 = arith.constant 31 : i32
      %shift_right_arithmetic3A_1057 = vector.broadcast %shift_right_arithmetic3A_1056 : i32 to vector<16xi32>
      %shift_right_arithmetic3A_1058 = arith.shrsi %bitcast_convert_type3A_1055, %shift_right_arithmetic3A_1057 : vector<16xi32>
      %and3A_1059 = arith.constant 2147483647 : i32
      %and3A_1060 = vector.broadcast %and3A_1059 : i32 to vector<16xi32>
      %and3A_1061 = arith.andi %shift_right_arithmetic3A_1058, %and3A_1060 : vector<16xi32>
      %xor3A_1062 = arith.xori %bitcast_convert_type3A_1055, %and3A_1061 : vector<16xi32>
      %shift_right_arithmetic3A_1063 = arith.constant 20 : i32
      %shift_right_arithmetic3A_1064 = vector.broadcast %shift_right_arithmetic3A_1063 : i32 to vector<16xi32>
      %shift_right_arithmetic3A_1065 = arith.shrsi %xor3A_1062, %shift_right_arithmetic3A_1064 : vector<16xi32>
      %and3A_1066 = arith.constant 4095 : i32
      %and3A_1067 = vector.broadcast %and3A_1066 : i32 to vector<16xi32>
      %and3A_1068 = arith.andi %shift_right_arithmetic3A_1065, %and3A_1067 : vector<16xi32>
      %xor3A_1069 = arith.constant 2048 : i32
      %xor3A_1070 = vector.broadcast %xor3A_1069 : i32 to vector<16xi32>
      %xor3A_1071 = arith.xori %and3A_1068, %xor3A_1070 : vector<16xi32>
      %shift_right_arithmetic3A_1072 = arith.constant 4 : i32
      %shift_right_arithmetic3A_1073 = vector.broadcast %shift_right_arithmetic3A_1072 : i32 to vector<16xi32>
      %shift_right_arithmetic3A_1074 = arith.shrsi %xor3A_1071, %shift_right_arithmetic3A_1073 : vector<16xi32>
      %and3A_1075 = arith.constant 15 : i32
      %and3A_1076 = vector.broadcast %and3A_1075 : i32 to vector<16xi32>
      %and3A_1077 = arith.andi %xor3A_1071, %and3A_1076 : vector<16xi32>
      tpu.vector_store_idx %arg11[%shift_right_arithmetic3A_1074, %and3A_1077], %broadcast_in_dim3A_1 {add = true} : memref<256x16xi32, #tpu.memory_space<vmem>>[vector<16xi32>, vector<16xi32>], vector<16xi32>,
      %scan3A_1078 = arith.constant 0 : i32
      scf.yield %scan3A_1078 : i32
    }
    %scan3A_74 = arith.constant 80 : i32
    %bitcast_convert_type3A = tpu.bitcast %max3A_67 : vector<16xf32> -> vector<16xi32>
    %shift_right_arithmetic3A = arith.constant 31 : i32
    %shift_right_arithmetic3A_75 = vector.broadcast %shift_right_arithmetic3A : i32 to vector<16xi32>
    %shift_right_arithmetic3A_76 = arith.shrsi %bitcast_convert_type3A, %shift_right_arithmetic3A_75 : vector<16xi32>
    %and3A = arith.constant 2147483647 : i32
    %and3A_77 = vector.broadcast %and3A : i32 to vector<16xi32>
    %and3A_78 = arith.andi %shift_right_arithmetic3A_76, %and3A_77 : vector<16xi32>
    %xor3A = arith.xori %bitcast_convert_type3A, %and3A_78 : vector<16xi32>
    %broadcast_in_dim3A_79 = arith.constant true
    %broadcast_in_dim3A_80 = vector.broadcast %broadcast_in_dim3A_79 : i1 to vector<16xi1>
    %masked_cummax3A = arith.constant -2147483648 : i32
    %masked_cummax3A_81 = vector.broadcast %masked_cummax3A : i32 to vector<16xi32>
    %masked_cummax3A_82 = arith.xori %xor3A, %masked_cummax3A_81 : vector<16xi32>
    %masked_cummax3A_83 = tpu.scan <max>, %masked_cummax3A_82 masked %broadcast_in_dim3A_80 : vector<16xi32>, vector<16xi1> -> vector<16xi32>
    %masked_cummax3A_84 = arith.xori %masked_cummax3A_83, %masked_cummax3A_81 : vector<16xi32>
    %lt3A = arith.constant 0 : i32
    %lt3A_85 = vector.broadcast %lt3A : i32 to vector<16xi32>
    %lt3A_86 = arith.cmpi slt, %broadcast_in_dim3A_5, %lt3A_85 : vector<16xi32>
    %add3A_87 = arith.constant 16 : i32
    %add3A_88 = vector.broadcast %add3A_87 : i32 to vector<16xi32>
    %add3A_89 = arith.addi %broadcast_in_dim3A_5, %add3A_88 : vector<16xi32>
    %select_n3A = arith.select %lt3A_86, %add3A_89, %broadcast_in_dim3A_5 : vector<16xi1>, vector<16xi32>
    %broadcast_in_dim3A_90 = vector.shape_cast %select_n3A : vector<16xi32> to vector<16x1xi32>
    %gather3A = vector.shape_cast %broadcast_in_dim3A_90 : vector<16x1xi32> to vector<16xi32>
    %gather3A_91 = tpu.dynamic_gather %masked_cummax3A_84[%gather3A] in [0] : vector<16xi32>, vector<16xi32> -> vector<16xi32>
    %shift_right_arithmetic3A_92 = arith.constant 20 : i32
    %shift_right_arithmetic3A_93 = vector.broadcast %shift_right_arithmetic3A_92 : i32 to vector<16xi32>
    %shift_right_arithmetic3A_94 = arith.shrsi %gather3A_91, %shift_right_arithmetic3A_93 : vector<16xi32>
    %and3A_95 = arith.constant 4095 : i32
    %and3A_96 = vector.broadcast %and3A_95 : i32 to vector<16xi32>
    %and3A_97 = arith.andi %shift_right_arithmetic3A_94, %and3A_96 : vector<16xi32>
    %xor3A_98 = arith.constant 2048 : i32
    %xor3A_99 = vector.broadcast %xor3A_98 : i32 to vector<16xi32>
    %xor3A_100 = arith.xori %and3A_97, %xor3A_99 : vector<16xi32>
    %shift_right_arithmetic3A_101 = arith.constant 4 : i32
    %shift_right_arithmetic3A_102 = vector.broadcast %shift_right_arithmetic3A_101 : i32 to vector<16xi32>
    %shift_right_arithmetic3A_103 = arith.shrsi %xor3A_100, %shift_right_arithmetic3A_102 : vector<16xi32>
    %reduce_max3A = arith.constant true
    %reduce_max3A_104 = vector.broadcast %reduce_max3A : i1 to vector<16xi1>
    %reduce_max3A_105 = arith.constant -2147483648 : i32
    %reduce_max3A_106 = vector.broadcast %reduce_max3A_105 : i32 to vector<16xi32>
    %reduce_max3A_107 = arith.xori %shift_right_arithmetic3A_103, %reduce_max3A_106 : vector<16xi32>
    %reduce_max3A_108 = tpu.scan <max>, %reduce_max3A_107 masked %reduce_max3A_104 : vector<16xi32>, vector<16xi1> -> vector<16xi32>
    %reduce_max3A_109 = arith.xori %reduce_max3A_108, %reduce_max3A_106 : vector<16xi32>
    %reduce_max3A_110 = vector.extract %reduce_max3A_109[15] : i32 from vector<16xi32>
    %while3A = arith.constant 0 : i32
    %while3A_111:2 = scf.while (%while3A_956 = %reduce_max3A_110, %while3A_957 = %while3A) : (i32, i32) -> (i32, i32) {
      %lt3A_958 = arith.constant 100 : i32
      %lt3A_959 = arith.cmpi slt, %while3A_957, %lt3A_958 : i32
      scf.condition(%lt3A_959) %while3A_956, %while3A_957 : i32, i32
    } do {
    ^bb0(%while3A_956: i32, %while3A_957: i32):
      %sub3A_958 = arith.constant 1 : i32
      %sub3A_959 = arith.subi %while3A_956, %sub3A_958 : i32
      %get3A_960 = arith.index_cast %while3A_956 : i32 to index
      %get3A_961 = arith.constant 0 : index
      %get3A_962 = tpu.vector_load %arg11[%get3A_960, %get3A_961] {strides = array<i32>} : memref<256x16xi32, #tpu.memory_space<vmem>>, vector<16xi32>,
      %reduce_sum3A_963 = arith.constant true
      %reduce_sum3A_964 = vector.broadcast %reduce_sum3A_963 : i1 to vector<16xi1>
      %reduce_sum3A_965 = tpu.scan <sum>, %get3A_962 masked %reduce_sum3A_964 : vector<16xi32>, vector<16xi1> -> vector<16xi32>
      %reduce_sum3A_966 = vector.extract %reduce_sum3A_965[15] : i32 from vector<16xi32>
      %add3A_967 = arith.addi %while3A_957, %reduce_sum3A_966 : i32
      scf.yield %sub3A_959, %add3A_967 : i32, i32
    }
    %add3A_112 = arith.constant 1 : i32
    %add3A_113 = arith.addi %while3A_111#0, %add3A_112 : i32
    %get3A_114 = arith.index_cast %add3A_113 : i32 to index
    %get3A_115 = arith.constant 0 : index
    %get3A_116 = tpu.vector_load %arg11[%get3A_114, %get3A_115] {strides = array<i32>} : memref<256x16xi32, #tpu.memory_space<vmem>>, vector<16xi32>,
    %reduce_sum3A = arith.constant true
    %reduce_sum3A_117 = vector.broadcast %reduce_sum3A : i1 to vector<16xi1>
    %reduce_sum3A_118 = tpu.scan <sum>, %get3A_116 masked %reduce_sum3A_117 : vector<16xi32>, vector<16xi1> -> vector<16xi32>
    %reduce_sum3A_119 = vector.extract %reduce_sum3A_118[15] : i32 from vector<16xi32>
    %sub3A = arith.subi %while3A_111#1, %reduce_sum3A_119 : i32
    %rev3A = arith.constant 15 : i32
    %rev3A_120 = vector.broadcast %rev3A : i32 to vector<16xi32>
    %rev3A_121 = tpu.iota {dimensions = array<i32: 0>} : vector<16xi32>
    %rev3A_122 = arith.subi %rev3A_120, %rev3A_121 : vector<16xi32>
    %rev3A_123 = tpu.dynamic_gather %get3A_116[%rev3A_122] in [0] : vector<16xi32>, vector<16xi32> -> vector<16xi32>
    %broadcast_in_dim3A_124 = arith.constant true
    %broadcast_in_dim3A_125 = vector.broadcast %broadcast_in_dim3A_124 : i1 to vector<16xi1>
    %masked_cumsum3A = tpu.scan <sum>, %rev3A_123 masked %broadcast_in_dim3A_125 : vector<16xi32>, vector<16xi1> -> vector<16xi32>
    %add3A_126 = vector.broadcast %sub3A : i32 to vector<16xi32>
    %add3A_127 = arith.addi %add3A_126, %masked_cumsum3A : vector<16xi32>
    %ge3A = arith.constant 100 : i32
    %ge3A_128 = vector.broadcast %ge3A : i32 to vector<16xi32>
    %ge3A_129 = arith.cmpi sge, %add3A_127, %ge3A_128 : vector<16xi32>
    %all_reduce_ffs3A = tpu.all_reduce %ge3A_129 {dim = 0 : i64, kind = #tpu.reduction_kind<find_first_set>} : vector<16xi1> -> vector<16xi32>
    %reduce_max3A_130 = arith.constant true
    %reduce_max3A_131 = vector.broadcast %reduce_max3A_130 : i1 to vector<16xi1>
    %reduce_max3A_132 = arith.constant -2147483648 : i32
    %reduce_max3A_133 = vector.broadcast %reduce_max3A_132 : i32 to vector<16xi32>
    %reduce_max3A_134 = arith.xori %all_reduce_ffs3A, %reduce_max3A_133 : vector<16xi32>
    %reduce_max3A_135 = tpu.scan <max>, %reduce_max3A_134 masked %reduce_max3A_131 : vector<16xi32>, vector<16xi1> -> vector<16xi32>
    %reduce_max3A_136 = arith.xori %reduce_max3A_135, %reduce_max3A_133 : vector<16xi32>
    %reduce_max3A_137 = vector.extract %reduce_max3A_136[15] : i32 from vector<16xi32>
    %mul3A_138 = arith.constant 16 : i32
    %mul3A_139 = arith.muli %add3A_113, %mul3A_138 : i32
    %sub3A_140 = arith.constant 15 : i32
    %sub3A_141 = arith.subi %sub3A_140, %reduce_max3A_137 : i32
    %add3A_142 = arith.addi %mul3A_139, %sub3A_141 : i32
    %sub3A_143 = arith.constant 2048 : i32
    %sub3A_144 = arith.subi %add3A_142, %sub3A_143 : i32
    %shift_left3A = arith.constant 20 : i32
    %shift_left3A_145 = arith.shli %sub3A_144, %shift_left3A : i32
    %shift_right_arithmetic3A_146 = arith.constant 31 : i32
    %shift_right_arithmetic3A_147 = arith.shrsi %shift_left3A_145, %shift_right_arithmetic3A_146 : i32
    %and3A_148 = arith.constant 2147483647 : i32
    %and3A_149 = arith.andi %shift_right_arithmetic3A_147, %and3A_148 : i32
    %xor3A_150 = arith.xori %shift_left3A_145, %and3A_149 : i32
    %bitcast_convert_type3A_151 = arith.bitcast %xor3A_150 : i32 to f32
    %broadcast_in_dim3A_152 = vector.broadcast %bitcast_convert_type3A_151 : f32 to vector<16xf32>
    %scan3A_153 = arith.constant 0 : i32
    %scan3A_154 = arith.constant 0 : i32
    %scan3A_155 = arith.constant 32 : i32
    %scan3A_156 = arith.addi %scan3A_154, %scan3A_155 : i32
    %scan3A_157 = arith.constant 1 : i32
    %scan3A_158 = scf.for %scan3A_956 = %scan3A_154 to %scan3A_156 step %scan3A_157 iter_args(%scan3A_957 = %scan3A_153) -> (i32)  : i32 {
      %swap3A_958 = arith.index_cast %scan3A_956 : i32 to index
      %swap3A_959 = arith.constant 0 : index
      %swap3A_960 = tpu.vector_load %arg13[%swap3A_958, %swap3A_959] {strides = array<i32>} : memref<32x16xi32, #tpu.memory_space<vmem>>, vector<16xi32>,
      tpu.vector_store %arg13[%swap3A_958, %swap3A_959], %broadcast_in_dim3A_3 {strides = array<i32>} : memref<32x16xi32, #tpu.memory_space<vmem>>, vector<16xi32>,
      %scan3A_961 = arith.constant 0 : i32
      scf.yield %scan3A_961 : i32
    }
    %scan3A_159 = arith.constant 32 : i32
    %broadcast_in_dim3A_160 = arith.constant 0 : i32
    %broadcast_in_dim3A_161 = vector.broadcast %broadcast_in_dim3A_160 : i32 to vector<16xi32>
    %scan3A_162 = arith.constant 0 : i32
    %scan3A_163 = arith.constant 319 : i32
    %scan3A_164 = arith.addi %scan3A_162, %scan3A_163 : i32
    %scan3A_165 = arith.constant 1 : i32
    %scan3A_166 = scf.for %scan3A_956 = %scan3A_162 to %scan3A_164 step %scan3A_165 iter_args(%scan3A_957 = %broadcast_in_dim3A_161) -> (vector<16xi32>)  : i32 {
      %get3A_958 = arith.index_cast %scan3A_956 : i32 to index
      %get3A_959 = arith.constant 0 : index
      %get3A_960 = tpu.vector_load %arg12[%get3A_958, %get3A_959] {strides = array<i32>} : memref<320x16xf32, #tpu.memory_space<vmem>>, vector<16xf32>,
      %ge3A_961 = arith.cmpf oge, %get3A_960, %broadcast_in_dim3A_152 : vector<16xf32>
      %reduce_or3A_962 = arith.constant 1.000000e+00 : f32
      %reduce_or3A_963 = arith.constant 0.000000e+00 : f32
      %reduce_or3A_964 = vector.broadcast %reduce_or3A_962 : f32 to vector<16xf32>
      %reduce_or3A_965 = vector.broadcast %reduce_or3A_963 : f32 to vector<16xf32>
      %reduce_or3A_966 = arith.select %ge3A_961, %reduce_or3A_964, %reduce_or3A_965 : vector<16xi1>, vector<16xf32>
      %reduce_or3A_967 = arith.constant true
      %reduce_or3A_968 = vector.broadcast %reduce_or3A_967 : i1 to vector<16xi1>
      %reduce_or3A_969 = tpu.scan <max>, %reduce_or3A_966 masked %reduce_or3A_968 : vector<16xf32>, vector<16xi1> -> vector<16xf32>
      %reduce_or3A_970 = vector.extract %reduce_or3A_969[15] : f32 from vector<16xf32>
      %reduce_or3A_971 = arith.constant 0.000000e+00 : f32
      %reduce_or3A_972 = arith.cmpf ogt, %reduce_or3A_970, %reduce_or3A_971 : f32
      %convert_element_type3A_973 = arith.extui %reduce_or3A_972 : i1 to i32
      %cond3A_974 = arith.constant 0 : i32
      %cond3A_975 = arith.cmpi ne, %convert_element_type3A_973, %cond3A_974 : i32
      %cond3A_976 = scf.if %cond3A_975 -> (vector<16xi32>) {
        %mul3A_977 = arith.constant 256 : i32
        %mul3A_978 = arith.muli %scan3A_956, %mul3A_977 : i32
        %add3A_979 = arith.constant 0 : i32
        %add3A_980 = arith.addi %mul3A_978, %add3A_979 : i32
        %get3A_981 = arith.index_cast %add3A_980 : i32 to index
        %get3A_982 = tpu.vector_load %arg8[%get3A_981] {strides = array<i32>} : memref<81900xf32, #tpu.memory_space<vmem>>, vector<16xf32>,
        %add3A_983 = arith.constant 16 : i32
        %add3A_984 = arith.addi %mul3A_978, %add3A_983 : i32
        %get3A_985 = arith.index_cast %add3A_984 : i32 to index
        %get3A_986 = tpu.vector_load %arg8[%get3A_985] {strides = array<i32>} : memref<81900xf32, #tpu.memory_space<vmem>>, vector<16xf32>,
        %add3A_987 = arith.constant 32 : i32
        %add3A_988 = arith.addi %mul3A_978, %add3A_987 : i32
        %get3A_989 = arith.index_cast %add3A_988 : i32 to index
        %get3A_990 = tpu.vector_load %arg8[%get3A_989] {strides = array<i32>} : memref<81900xf32, #tpu.memory_space<vmem>>, vector<16xf32>,
        %add3A_991 = arith.constant 48 : i32
        %add3A_992 = arith.addi %mul3A_978, %add3A_991 : i32
        %get3A_993 = arith.index_cast %add3A_992 : i32 to index
        %get3A_994 = tpu.vector_load %arg8[%get3A_993] {strides = array<i32>} : memref<81900xf32, #tpu.memory_space<vmem>>, vector<16xf32>,
        %add3A_995 = arith.constant 64 : i32
        %add3A_996 = arith.addi %mul3A_978, %add3A_995 : i32
        %get3A_997 = arith.index_cast %add3A_996 : i32 to index
        %get3A_998 = tpu.vector_load %arg8[%get3A_997] {strides = array<i32>} : memref<81900xf32, #tpu.memory_space<vmem>>, vector<16xf32>,
        %add3A_999 = arith.constant 80 : i32
        %add3A_1000 = arith.addi %mul3A_978, %add3A_999 : i32
        %get3A_1001 = arith.index_cast %add3A_1000 : i32 to index
        %get3A_1002 = tpu.vector_load %arg8[%get3A_1001] {strides = array<i32>} : memref<81900xf32, #tpu.memory_space<vmem>>, vector<16xf32>,
        %add3A_1003 = arith.constant 96 : i32
        %add3A_1004 = arith.addi %mul3A_978, %add3A_1003 : i32
        %get3A_1005 = arith.index_cast %add3A_1004 : i32 to index
        %get3A_1006 = tpu.vector_load %arg8[%get3A_1005] {strides = array<i32>} : memref<81900xf32, #tpu.memory_space<vmem>>, vector<16xf32>,
        %add3A_1007 = arith.constant 112 : i32
        %add3A_1008 = arith.addi %mul3A_978, %add3A_1007 : i32
        %get3A_1009 = arith.index_cast %add3A_1008 : i32 to index
        %get3A_1010 = tpu.vector_load %arg8[%get3A_1009] {strides = array<i32>} : memref<81900xf32, #tpu.memory_space<vmem>>, vector<16xf32>,
        %add3A_1011 = arith.constant 128 : i32
        %add3A_1012 = arith.addi %mul3A_978, %add3A_1011 : i32
        %get3A_1013 = arith.index_cast %add3A_1012 : i32 to index
        %get3A_1014 = tpu.vector_load %arg8[%get3A_1013] {strides = array<i32>} : memref<81900xf32, #tpu.memory_space<vmem>>, vector<16xf32>,
        %add3A_1015 = arith.constant 144 : i32
        %add3A_1016 = arith.addi %mul3A_978, %add3A_1015 : i32
        %get3A_1017 = arith.index_cast %add3A_1016 : i32 to index
        %get3A_1018 = tpu.vector_load %arg8[%get3A_1017] {strides = array<i32>} : memref<81900xf32, #tpu.memory_space<vmem>>, vector<16xf32>,
        %add3A_1019 = arith.constant 160 : i32
        %add3A_1020 = arith.addi %mul3A_978, %add3A_1019 : i32
        %get3A_1021 = arith.index_cast %add3A_1020 : i32 to index
        %get3A_1022 = tpu.vector_load %arg8[%get3A_1021] {strides = array<i32>} : memref<81900xf32, #tpu.memory_space<vmem>>, vector<16xf32>,
        %add3A_1023 = arith.constant 176 : i32
        %add3A_1024 = arith.addi %mul3A_978, %add3A_1023 : i32
        %get3A_1025 = arith.index_cast %add3A_1024 : i32 to index
        %get3A_1026 = tpu.vector_load %arg8[%get3A_1025] {strides = array<i32>} : memref<81900xf32, #tpu.memory_space<vmem>>, vector<16xf32>,
        %add3A_1027 = arith.constant 192 : i32
        %add3A_1028 = arith.addi %mul3A_978, %add3A_1027 : i32
        %get3A_1029 = arith.index_cast %add3A_1028 : i32 to index
        %get3A_1030 = tpu.vector_load %arg8[%get3A_1029] {strides = array<i32>} : memref<81900xf32, #tpu.memory_space<vmem>>, vector<16xf32>,
        %add3A_1031 = arith.constant 208 : i32
        %add3A_1032 = arith.addi %mul3A_978, %add3A_1031 : i32
        %get3A_1033 = arith.index_cast %add3A_1032 : i32 to index
        %get3A_1034 = tpu.vector_load %arg8[%get3A_1033] {strides = array<i32>} : memref<81900xf32, #tpu.memory_space<vmem>>, vector<16xf32>,
        %add3A_1035 = arith.constant 224 : i32
        %add3A_1036 = arith.addi %mul3A_978, %add3A_1035 : i32
        %get3A_1037 = arith.index_cast %add3A_1036 : i32 to index
        %get3A_1038 = tpu.vector_load %arg8[%get3A_1037] {strides = array<i32>} : memref<81900xf32, #tpu.memory_space<vmem>>, vector<16xf32>,
        %add3A_1039 = arith.constant 240 : i32
        %add3A_1040 = arith.addi %mul3A_978, %add3A_1039 : i32
        %get3A_1041 = arith.index_cast %add3A_1040 : i32 to index
        %get3A_1042 = tpu.vector_load %arg8[%get3A_1041] {strides = array<i32>} : memref<81900xf32, #tpu.memory_space<vmem>>, vector<16xf32>,
        %ge3A_1043 = arith.cmpf oge, %get3A_982, %broadcast_in_dim3A_152 : vector<16xf32>
        %ge3A_1044 = arith.cmpf oge, %get3A_986, %broadcast_in_dim3A_152 : vector<16xf32>
        %ge3A_1045 = arith.cmpf oge, %get3A_990, %broadcast_in_dim3A_152 : vector<16xf32>
        %ge3A_1046 = arith.cmpf oge, %get3A_994, %broadcast_in_dim3A_152 : vector<16xf32>
        %ge3A_1047 = arith.cmpf oge, %get3A_998, %broadcast_in_dim3A_152 : vector<16xf32>
        %ge3A_1048 = arith.cmpf oge, %get3A_1002, %broadcast_in_dim3A_152 : vector<16xf32>
        %ge3A_1049 = arith.cmpf oge, %get3A_1006, %broadcast_in_dim3A_152 : vector<16xf32>
        %ge3A_1050 = arith.cmpf oge, %get3A_1010, %broadcast_in_dim3A_152 : vector<16xf32>
        %ge3A_1051 = arith.cmpf oge, %get3A_1014, %broadcast_in_dim3A_152 : vector<16xf32>
        %ge3A_1052 = arith.cmpf oge, %get3A_1018, %broadcast_in_dim3A_152 : vector<16xf32>
        %ge3A_1053 = arith.cmpf oge, %get3A_1022, %broadcast_in_dim3A_152 : vector<16xf32>
        %ge3A_1054 = arith.cmpf oge, %get3A_1026, %broadcast_in_dim3A_152 : vector<16xf32>
        %ge3A_1055 = arith.cmpf oge, %get3A_1030, %broadcast_in_dim3A_152 : vector<16xf32>
        %ge3A_1056 = arith.cmpf oge, %get3A_1034, %broadcast_in_dim3A_152 : vector<16xf32>
        %ge3A_1057 = arith.cmpf oge, %get3A_1038, %broadcast_in_dim3A_152 : vector<16xf32>
        %ge3A_1058 = arith.cmpf oge, %get3A_1042, %broadcast_in_dim3A_152 : vector<16xf32>
        %add3A_1059 = arith.constant 0 : i32
        %add3A_1060 = arith.addi %mul3A_978, %add3A_1059 : i32
        %add3A_1061 = arith.constant 16 : i32
        %add3A_1062 = arith.addi %mul3A_978, %add3A_1061 : i32
        %add3A_1063 = arith.constant 32 : i32
        %add3A_1064 = arith.addi %mul3A_978, %add3A_1063 : i32
        %add3A_1065 = arith.constant 48 : i32
        %add3A_1066 = arith.addi %mul3A_978, %add3A_1065 : i32
        %add3A_1067 = arith.constant 64 : i32
        %add3A_1068 = arith.addi %mul3A_978, %add3A_1067 : i32
        %add3A_1069 = arith.constant 80 : i32
        %add3A_1070 = arith.addi %mul3A_978, %add3A_1069 : i32
        %add3A_1071 = arith.constant 96 : i32
        %add3A_1072 = arith.addi %mul3A_978, %add3A_1071 : i32
        %add3A_1073 = arith.constant 112 : i32
        %add3A_1074 = arith.addi %mul3A_978, %add3A_1073 : i32
        %add3A_1075 = arith.constant 128 : i32
        %add3A_1076 = arith.addi %mul3A_978, %add3A_1075 : i32
        %add3A_1077 = arith.constant 144 : i32
        %add3A_1078 = arith.addi %mul3A_978, %add3A_1077 : i32
        %add3A_1079 = arith.constant 160 : i32
        %add3A_1080 = arith.addi %mul3A_978, %add3A_1079 : i32
        %add3A_1081 = arith.constant 176 : i32
        %add3A_1082 = arith.addi %mul3A_978, %add3A_1081 : i32
        %add3A_1083 = arith.constant 192 : i32
        %add3A_1084 = arith.addi %mul3A_978, %add3A_1083 : i32
        %add3A_1085 = arith.constant 208 : i32
        %add3A_1086 = arith.addi %mul3A_978, %add3A_1085 : i32
        %add3A_1087 = arith.constant 224 : i32
        %add3A_1088 = arith.addi %mul3A_978, %add3A_1087 : i32
        %add3A_1089 = arith.constant 240 : i32
        %add3A_1090 = arith.addi %mul3A_978, %add3A_1089 : i32
        %convert_element_type3A_1091 = arith.extui %ge3A_1043 : vector<16xi1> to vector<16xi32>
        %broadcast_in_dim3A_1092 = arith.constant true
        %broadcast_in_dim3A_1093 = vector.broadcast %broadcast_in_dim3A_1092 : i1 to vector<16xi1>
        %masked_cumsum3A_1094 = tpu.scan <sum>, %convert_element_type3A_1091 masked %broadcast_in_dim3A_1093 : vector<16xi32>, vector<16xi1> -> vector<16xi32>
        %convert_element_type3A_1095 = arith.extui %ge3A_1044 : vector<16xi1> to vector<16xi32>
        %broadcast_in_dim3A_1096 = arith.constant true
        %broadcast_in_dim3A_1097 = vector.broadcast %broadcast_in_dim3A_1096 : i1 to vector<16xi1>
        %masked_cumsum3A_1098 = tpu.scan <sum>, %convert_element_type3A_1095 masked %broadcast_in_dim3A_1097 : vector<16xi32>, vector<16xi1> -> vector<16xi32>
        %convert_element_type3A_1099 = arith.extui %ge3A_1045 : vector<16xi1> to vector<16xi32>
        %broadcast_in_dim3A_1100 = arith.constant true
        %broadcast_in_dim3A_1101 = vector.broadcast %broadcast_in_dim3A_1100 : i1 to vector<16xi1>
        %masked_cumsum3A_1102 = tpu.scan <sum>, %convert_element_type3A_1099 masked %broadcast_in_dim3A_1101 : vector<16xi32>, vector<16xi1> -> vector<16xi32>
        %convert_element_type3A_1103 = arith.extui %ge3A_1046 : vector<16xi1> to vector<16xi32>
        %broadcast_in_dim3A_1104 = arith.constant true
        %broadcast_in_dim3A_1105 = vector.broadcast %broadcast_in_dim3A_1104 : i1 to vector<16xi1>
        %masked_cumsum3A_1106 = tpu.scan <sum>, %convert_element_type3A_1103 masked %broadcast_in_dim3A_1105 : vector<16xi32>, vector<16xi1> -> vector<16xi32>
        %convert_element_type3A_1107 = arith.extui %ge3A_1047 : vector<16xi1> to vector<16xi32>
        %broadcast_in_dim3A_1108 = arith.constant true
        %broadcast_in_dim3A_1109 = vector.broadcast %broadcast_in_dim3A_1108 : i1 to vector<16xi1>
        %masked_cumsum3A_1110 = tpu.scan <sum>, %convert_element_type3A_1107 masked %broadcast_in_dim3A_1109 : vector<16xi32>, vector<16xi1> -> vector<16xi32>
        %convert_element_type3A_1111 = arith.extui %ge3A_1048 : vector<16xi1> to vector<16xi32>
        %broadcast_in_dim3A_1112 = arith.constant true
        %broadcast_in_dim3A_1113 = vector.broadcast %broadcast_in_dim3A_1112 : i1 to vector<16xi1>
        %masked_cumsum3A_1114 = tpu.scan <sum>, %convert_element_type3A_1111 masked %broadcast_in_dim3A_1113 : vector<16xi32>, vector<16xi1> -> vector<16xi32>
        %convert_element_type3A_1115 = arith.extui %ge3A_1049 : vector<16xi1> to vector<16xi32>
        %broadcast_in_dim3A_1116 = arith.constant true
        %broadcast_in_dim3A_1117 = vector.broadcast %broadcast_in_dim3A_1116 : i1 to vector<16xi1>
        %masked_cumsum3A_1118 = tpu.scan <sum>, %convert_element_type3A_1115 masked %broadcast_in_dim3A_1117 : vector<16xi32>, vector<16xi1> -> vector<16xi32>
        %convert_element_type3A_1119 = arith.extui %ge3A_1050 : vector<16xi1> to vector<16xi32>
        %broadcast_in_dim3A_1120 = arith.constant true
        %broadcast_in_dim3A_1121 = vector.broadcast %broadcast_in_dim3A_1120 : i1 to vector<16xi1>
        %masked_cumsum3A_1122 = tpu.scan <sum>, %convert_element_type3A_1119 masked %broadcast_in_dim3A_1121 : vector<16xi32>, vector<16xi1> -> vector<16xi32>
        %convert_element_type3A_1123 = arith.extui %ge3A_1051 : vector<16xi1> to vector<16xi32>
        %broadcast_in_dim3A_1124 = arith.constant true
        %broadcast_in_dim3A_1125 = vector.broadcast %broadcast_in_dim3A_1124 : i1 to vector<16xi1>
        %masked_cumsum3A_1126 = tpu.scan <sum>, %convert_element_type3A_1123 masked %broadcast_in_dim3A_1125 : vector<16xi32>, vector<16xi1> -> vector<16xi32>
        %convert_element_type3A_1127 = arith.extui %ge3A_1052 : vector<16xi1> to vector<16xi32>
        %broadcast_in_dim3A_1128 = arith.constant true
        %broadcast_in_dim3A_1129 = vector.broadcast %broadcast_in_dim3A_1128 : i1 to vector<16xi1>
        %masked_cumsum3A_1130 = tpu.scan <sum>, %convert_element_type3A_1127 masked %broadcast_in_dim3A_1129 : vector<16xi32>, vector<16xi1> -> vector<16xi32>
        %convert_element_type3A_1131 = arith.extui %ge3A_1053 : vector<16xi1> to vector<16xi32>
        %broadcast_in_dim3A_1132 = arith.constant true
        %broadcast_in_dim3A_1133 = vector.broadcast %broadcast_in_dim3A_1132 : i1 to vector<16xi1>
        %masked_cumsum3A_1134 = tpu.scan <sum>, %convert_element_type3A_1131 masked %broadcast_in_dim3A_1133 : vector<16xi32>, vector<16xi1> -> vector<16xi32>
        %convert_element_type3A_1135 = arith.extui %ge3A_1054 : vector<16xi1> to vector<16xi32>
        %broadcast_in_dim3A_1136 = arith.constant true
        %broadcast_in_dim3A_1137 = vector.broadcast %broadcast_in_dim3A_1136 : i1 to vector<16xi1>
        %masked_cumsum3A_1138 = tpu.scan <sum>, %convert_element_type3A_1135 masked %broadcast_in_dim3A_1137 : vector<16xi32>, vector<16xi1> -> vector<16xi32>
        %convert_element_type3A_1139 = arith.extui %ge3A_1055 : vector<16xi1> to vector<16xi32>
        %broadcast_in_dim3A_1140 = arith.constant true
        %broadcast_in_dim3A_1141 = vector.broadcast %broadcast_in_dim3A_1140 : i1 to vector<16xi1>
        %masked_cumsum3A_1142 = tpu.scan <sum>, %convert_element_type3A_1139 masked %broadcast_in_dim3A_1141 : vector<16xi32>, vector<16xi1> -> vector<16xi32>
        %convert_element_type3A_1143 = arith.extui %ge3A_1056 : vector<16xi1> to vector<16xi32>
        %broadcast_in_dim3A_1144 = arith.constant true
        %broadcast_in_dim3A_1145 = vector.broadcast %broadcast_in_dim3A_1144 : i1 to vector<16xi1>
        %masked_cumsum3A_1146 = tpu.scan <sum>, %convert_element_type3A_1143 masked %broadcast_in_dim3A_1145 : vector<16xi32>, vector<16xi1> -> vector<16xi32>
        %convert_element_type3A_1147 = arith.extui %ge3A_1057 : vector<16xi1> to vector<16xi32>
        %broadcast_in_dim3A_1148 = arith.constant true
        %broadcast_in_dim3A_1149 = vector.broadcast %broadcast_in_dim3A_1148 : i1 to vector<16xi1>
        %masked_cumsum3A_1150 = tpu.scan <sum>, %convert_element_type3A_1147 masked %broadcast_in_dim3A_1149 : vector<16xi32>, vector<16xi1> -> vector<16xi32>
        %convert_element_type3A_1151 = arith.extui %ge3A_1058 : vector<16xi1> to vector<16xi32>
        %broadcast_in_dim3A_1152 = arith.constant true
        %broadcast_in_dim3A_1153 = vector.broadcast %broadcast_in_dim3A_1152 : i1 to vector<16xi1>
        %masked_cumsum3A_1154 = tpu.scan <sum>, %convert_element_type3A_1151 masked %broadcast_in_dim3A_1153 : vector<16xi32>, vector<16xi1> -> vector<16xi32>
        %add3A_1155 = arith.addi %scan3A_957, %masked_cumsum3A_1094 : vector<16xi32>
        %sub3A_1156 = arith.constant 1 : i32
        %sub3A_1157 = vector.broadcast %sub3A_1156 : i32 to vector<16xi32>
        %sub3A_1158 = arith.subi %add3A_1155, %sub3A_1157 : vector<16xi32>
        %lt3A_1159 = arith.constant 512 : i32
        %lt3A_1160 = vector.broadcast %lt3A_1159 : i32 to vector<16xi32>
        %lt3A_1161 = arith.cmpi slt, %sub3A_1158, %lt3A_1160 : vector<16xi32>
        %and3A_1162 = arith.andi %ge3A_1043, %lt3A_1161 : vector<16xi1>
        %jit3A = arith.constant 0 : i32
        %broadcast_in_dim3A_1163 = vector.broadcast %jit3A : i32 to vector<16xi32>
        %select_n3A_1164 = arith.select %and3A_1162, %sub3A_1158, %broadcast_in_dim3A_1163 : vector<16xi1>, vector<16xi32>
        %bitcast_convert_type3A_1165 = tpu.bitcast %get3A_982 : vector<16xf32> -> vector<16xi32>
        %shift_right_arithmetic3A_1166 = arith.constant 31 : i32
        %shift_right_arithmetic3A_1167 = vector.broadcast %shift_right_arithmetic3A_1166 : i32 to vector<16xi32>
        %shift_right_arithmetic3A_1168 = arith.shrsi %bitcast_convert_type3A_1165, %shift_right_arithmetic3A_1167 : vector<16xi32>
        %and3A_1169 = arith.constant 2147483647 : i32
        %and3A_1170 = vector.broadcast %and3A_1169 : i32 to vector<16xi32>
        %and3A_1171 = arith.andi %shift_right_arithmetic3A_1168, %and3A_1170 : vector<16xi32>
        %xor3A_1172 = arith.xori %bitcast_convert_type3A_1165, %and3A_1171 : vector<16xi32>
        %shift_right_arithmetic3A_1173 = arith.constant 4 : i32
        %shift_right_arithmetic3A_1174 = vector.broadcast %shift_right_arithmetic3A_1173 : i32 to vector<16xi32>
        %shift_right_arithmetic3A_1175 = arith.shrsi %select_n3A_1164, %shift_right_arithmetic3A_1174 : vector<16xi32>
        %and3A_1176 = arith.constant 15 : i32
        %and3A_1177 = vector.broadcast %and3A_1176 : i32 to vector<16xi32>
        %and3A_1178 = arith.andi %select_n3A_1164, %and3A_1177 : vector<16xi32>
        tpu.vector_store_idx %arg13[%shift_right_arithmetic3A_1175, %and3A_1178], %xor3A_1172 masked %and3A_1162 : memref<32x16xi32, #tpu.memory_space<vmem>>[vector<16xi32>, vector<16xi32>], vector<16xi32>, vector<16xi1>
        %shift_right_arithmetic3A_1179 = arith.constant 4 : i32
        %shift_right_arithmetic3A_1180 = vector.broadcast %shift_right_arithmetic3A_1179 : i32 to vector<16xi32>
        %shift_right_arithmetic3A_1181 = arith.shrsi %select_n3A_1164, %shift_right_arithmetic3A_1180 : vector<16xi32>
        %and3A_1182 = arith.constant 15 : i32
        %and3A_1183 = vector.broadcast %and3A_1182 : i32 to vector<16xi32>
        %and3A_1184 = arith.andi %select_n3A_1164, %and3A_1183 : vector<16xi32>
        %add3A_1185 = vector.broadcast %add3A_1060 : i32 to vector<16xi32>
        %add3A_1186 = arith.addi %add3A_1185, %iota3A : vector<16xi32>
        tpu.vector_store_idx %arg14[%shift_right_arithmetic3A_1181, %and3A_1184], %add3A_1186 masked %and3A_1162 : memref<32x16xi32, #tpu.memory_space<vmem>>[vector<16xi32>, vector<16xi32>], vector<16xi32>, vector<16xi1>
        %lt3A_1187 = arith.constant 0 : i32
        %lt3A_1188 = vector.broadcast %lt3A_1187 : i32 to vector<16xi32>
        %lt3A_1189 = arith.cmpi slt, %broadcast_in_dim3A_5, %lt3A_1188 : vector<16xi32>
        %add3A_1190 = arith.constant 16 : i32
        %add3A_1191 = vector.broadcast %add3A_1190 : i32 to vector<16xi32>
        %add3A_1192 = arith.addi %broadcast_in_dim3A_5, %add3A_1191 : vector<16xi32>
        %select_n3A_1193 = arith.select %lt3A_1189, %add3A_1192, %broadcast_in_dim3A_5 : vector<16xi1>, vector<16xi32>
        %broadcast_in_dim3A_1194 = vector.shape_cast %select_n3A_1193 : vector<16xi32> to vector<16x1xi32>
        %gather3A_1195 = vector.shape_cast %broadcast_in_dim3A_1194 : vector<16x1xi32> to vector<16xi32>
        %gather3A_1196 = tpu.dynamic_gather %masked_cumsum3A_1094[%gather3A_1195] in [0] : vector<16xi32>, vector<16xi32> -> vector<16xi32>
        %add3A_1197 = arith.addi %scan3A_957, %gather3A_1196 : vector<16xi32>
        %add3A_1198 = arith.addi %add3A_1197, %masked_cumsum3A_1098 : vector<16xi32>
        %sub3A_1199 = arith.constant 1 : i32
        %sub3A_1200 = vector.broadcast %sub3A_1199 : i32 to vector<16xi32>
        %sub3A_1201 = arith.subi %add3A_1198, %sub3A_1200 : vector<16xi32>
        %lt3A_1202 = arith.constant 512 : i32
        %lt3A_1203 = vector.broadcast %lt3A_1202 : i32 to vector<16xi32>
        %lt3A_1204 = arith.cmpi slt, %sub3A_1201, %lt3A_1203 : vector<16xi32>
        %and3A_1205 = arith.andi %ge3A_1044, %lt3A_1204 : vector<16xi1>
        %jit3A_1206 = arith.constant 0 : i32
        %broadcast_in_dim3A_1207 = vector.broadcast %jit3A_1206 : i32 to vector<16xi32>
        %select_n3A_1208 = arith.select %and3A_1205, %sub3A_1201, %broadcast_in_dim3A_1207 : vector<16xi1>, vector<16xi32>
        %bitcast_convert_type3A_1209 = tpu.bitcast %get3A_986 : vector<16xf32> -> vector<16xi32>
        %shift_right_arithmetic3A_1210 = arith.constant 31 : i32
        %shift_right_arithmetic3A_1211 = vector.broadcast %shift_right_arithmetic3A_1210 : i32 to vector<16xi32>
        %shift_right_arithmetic3A_1212 = arith.shrsi %bitcast_convert_type3A_1209, %shift_right_arithmetic3A_1211 : vector<16xi32>
        %and3A_1213 = arith.constant 2147483647 : i32
        %and3A_1214 = vector.broadcast %and3A_1213 : i32 to vector<16xi32>
        %and3A_1215 = arith.andi %shift_right_arithmetic3A_1212, %and3A_1214 : vector<16xi32>
        %xor3A_1216 = arith.xori %bitcast_convert_type3A_1209, %and3A_1215 : vector<16xi32>
        %shift_right_arithmetic3A_1217 = arith.constant 4 : i32
        %shift_right_arithmetic3A_1218 = vector.broadcast %shift_right_arithmetic3A_1217 : i32 to vector<16xi32>
        %shift_right_arithmetic3A_1219 = arith.shrsi %select_n3A_1208, %shift_right_arithmetic3A_1218 : vector<16xi32>
        %and3A_1220 = arith.constant 15 : i32
        %and3A_1221 = vector.broadcast %and3A_1220 : i32 to vector<16xi32>
        %and3A_1222 = arith.andi %select_n3A_1208, %and3A_1221 : vector<16xi32>
        tpu.vector_store_idx %arg13[%shift_right_arithmetic3A_1219, %and3A_1222], %xor3A_1216 masked %and3A_1205 : memref<32x16xi32, #tpu.memory_space<vmem>>[vector<16xi32>, vector<16xi32>], vector<16xi32>, vector<16xi1>
        %shift_right_arithmetic3A_1223 = arith.constant 4 : i32
        %shift_right_arithmetic3A_1224 = vector.broadcast %shift_right_arithmetic3A_1223 : i32 to vector<16xi32>
        %shift_right_arithmetic3A_1225 = arith.shrsi %select_n3A_1208, %shift_right_arithmetic3A_1224 : vector<16xi32>
        %and3A_1226 = arith.constant 15 : i32
        %and3A_1227 = vector.broadcast %and3A_1226 : i32 to vector<16xi32>
        %and3A_1228 = arith.andi %select_n3A_1208, %and3A_1227 : vector<16xi32>
        %add3A_1229 = vector.broadcast %add3A_1062 : i32 to vector<16xi32>
        %add3A_1230 = arith.addi %add3A_1229, %iota3A : vector<16xi32>
        tpu.vector_store_idx %arg14[%shift_right_arithmetic3A_1225, %and3A_1228], %add3A_1230 masked %and3A_1205 : memref<32x16xi32, #tpu.memory_space<vmem>>[vector<16xi32>, vector<16xi32>], vector<16xi32>, vector<16xi1>
        %lt3A_1231 = arith.constant 0 : i32
        %lt3A_1232 = vector.broadcast %lt3A_1231 : i32 to vector<16xi32>
        %lt3A_1233 = arith.cmpi slt, %broadcast_in_dim3A_5, %lt3A_1232 : vector<16xi32>
        %add3A_1234 = arith.constant 16 : i32
        %add3A_1235 = vector.broadcast %add3A_1234 : i32 to vector<16xi32>
        %add3A_1236 = arith.addi %broadcast_in_dim3A_5, %add3A_1235 : vector<16xi32>
        %select_n3A_1237 = arith.select %lt3A_1233, %add3A_1236, %broadcast_in_dim3A_5 : vector<16xi1>, vector<16xi32>
        %broadcast_in_dim3A_1238 = vector.shape_cast %select_n3A_1237 : vector<16xi32> to vector<16x1xi32>
        %gather3A_1239 = vector.shape_cast %broadcast_in_dim3A_1238 : vector<16x1xi32> to vector<16xi32>
        %gather3A_1240 = tpu.dynamic_gather %masked_cumsum3A_1098[%gather3A_1239] in [0] : vector<16xi32>, vector<16xi32> -> vector<16xi32>
        %add3A_1241 = arith.addi %add3A_1197, %gather3A_1240 : vector<16xi32>
        %add3A_1242 = arith.addi %add3A_1241, %masked_cumsum3A_1102 : vector<16xi32>
        %sub3A_1243 = arith.constant 1 : i32
        %sub3A_1244 = vector.broadcast %sub3A_1243 : i32 to vector<16xi32>
        %sub3A_1245 = arith.subi %add3A_1242, %sub3A_1244 : vector<16xi32>
        %lt3A_1246 = arith.constant 512 : i32
        %lt3A_1247 = vector.broadcast %lt3A_1246 : i32 to vector<16xi32>
        %lt3A_1248 = arith.cmpi slt, %sub3A_1245, %lt3A_1247 : vector<16xi32>
        %and3A_1249 = arith.andi %ge3A_1045, %lt3A_1248 : vector<16xi1>
        %jit3A_1250 = arith.constant 0 : i32
        %broadcast_in_dim3A_1251 = vector.broadcast %jit3A_1250 : i32 to vector<16xi32>
        %select_n3A_1252 = arith.select %and3A_1249, %sub3A_1245, %broadcast_in_dim3A_1251 : vector<16xi1>, vector<16xi32>
        %bitcast_convert_type3A_1253 = tpu.bitcast %get3A_990 : vector<16xf32> -> vector<16xi32>
        %shift_right_arithmetic3A_1254 = arith.constant 31 : i32
        %shift_right_arithmetic3A_1255 = vector.broadcast %shift_right_arithmetic3A_1254 : i32 to vector<16xi32>
        %shift_right_arithmetic3A_1256 = arith.shrsi %bitcast_convert_type3A_1253, %shift_right_arithmetic3A_1255 : vector<16xi32>
        %and3A_1257 = arith.constant 2147483647 : i32
        %and3A_1258 = vector.broadcast %and3A_1257 : i32 to vector<16xi32>
        %and3A_1259 = arith.andi %shift_right_arithmetic3A_1256, %and3A_1258 : vector<16xi32>
        %xor3A_1260 = arith.xori %bitcast_convert_type3A_1253, %and3A_1259 : vector<16xi32>
        %shift_right_arithmetic3A_1261 = arith.constant 4 : i32
        %shift_right_arithmetic3A_1262 = vector.broadcast %shift_right_arithmetic3A_1261 : i32 to vector<16xi32>
        %shift_right_arithmetic3A_1263 = arith.shrsi %select_n3A_1252, %shift_right_arithmetic3A_1262 : vector<16xi32>
        %and3A_1264 = arith.constant 15 : i32
        %and3A_1265 = vector.broadcast %and3A_1264 : i32 to vector<16xi32>
        %and3A_1266 = arith.andi %select_n3A_1252, %and3A_1265 : vector<16xi32>
        tpu.vector_store_idx %arg13[%shift_right_arithmetic3A_1263, %and3A_1266], %xor3A_1260 masked %and3A_1249 : memref<32x16xi32, #tpu.memory_space<vmem>>[vector<16xi32>, vector<16xi32>], vector<16xi32>, vector<16xi1>
        %shift_right_arithmetic3A_1267 = arith.constant 4 : i32
        %shift_right_arithmetic3A_1268 = vector.broadcast %shift_right_arithmetic3A_1267 : i32 to vector<16xi32>
        %shift_right_arithmetic3A_1269 = arith.shrsi %select_n3A_1252, %shift_right_arithmetic3A_1268 : vector<16xi32>
        %and3A_1270 = arith.constant 15 : i32
        %and3A_1271 = vector.broadcast %and3A_1270 : i32 to vector<16xi32>
        %and3A_1272 = arith.andi %select_n3A_1252, %and3A_1271 : vector<16xi32>
        %add3A_1273 = vector.broadcast %add3A_1064 : i32 to vector<16xi32>
        %add3A_1274 = arith.addi %add3A_1273, %iota3A : vector<16xi32>
        tpu.vector_store_idx %arg14[%shift_right_arithmetic3A_1269, %and3A_1272], %add3A_1274 masked %and3A_1249 : memref<32x16xi32, #tpu.memory_space<vmem>>[vector<16xi32>, vector<16xi32>], vector<16xi32>, vector<16xi1>
        %lt3A_1275 = arith.constant 0 : i32
        %lt3A_1276 = vector.broadcast %lt3A_1275 : i32 to vector<16xi32>
        %lt3A_1277 = arith.cmpi slt, %broadcast_in_dim3A_5, %lt3A_1276 : vector<16xi32>
        %add3A_1278 = arith.constant 16 : i32
        %add3A_1279 = vector.broadcast %add3A_1278 : i32 to vector<16xi32>
        %add3A_1280 = arith.addi %broadcast_in_dim3A_5, %add3A_1279 : vector<16xi32>
        %select_n3A_1281 = arith.select %lt3A_1277, %add3A_1280, %broadcast_in_dim3A_5 : vector<16xi1>, vector<16xi32>
        %broadcast_in_dim3A_1282 = vector.shape_cast %select_n3A_1281 : vector<16xi32> to vector<16x1xi32>
        %gather3A_1283 = vector.shape_cast %broadcast_in_dim3A_1282 : vector<16x1xi32> to vector<16xi32>
        %gather3A_1284 = tpu.dynamic_gather %masked_cumsum3A_1102[%gather3A_1283] in [0] : vector<16xi32>, vector<16xi32> -> vector<16xi32>
        %add3A_1285 = arith.addi %add3A_1241, %gather3A_1284 : vector<16xi32>
        %add3A_1286 = arith.addi %add3A_1285, %masked_cumsum3A_1106 : vector<16xi32>
        %sub3A_1287 = arith.constant 1 : i32
        %sub3A_1288 = vector.broadcast %sub3A_1287 : i32 to vector<16xi32>
        %sub3A_1289 = arith.subi %add3A_1286, %sub3A_1288 : vector<16xi32>
        %lt3A_1290 = arith.constant 512 : i32
        %lt3A_1291 = vector.broadcast %lt3A_1290 : i32 to vector<16xi32>
        %lt3A_1292 = arith.cmpi slt, %sub3A_1289, %lt3A_1291 : vector<16xi32>
        %and3A_1293 = arith.andi %ge3A_1046, %lt3A_1292 : vector<16xi1>
        %jit3A_1294 = arith.constant 0 : i32
        %broadcast_in_dim3A_1295 = vector.broadcast %jit3A_1294 : i32 to vector<16xi32>
        %select_n3A_1296 = arith.select %and3A_1293, %sub3A_1289, %broadcast_in_dim3A_1295 : vector<16xi1>, vector<16xi32>
        %bitcast_convert_type3A_1297 = tpu.bitcast %get3A_994 : vector<16xf32> -> vector<16xi32>
        %shift_right_arithmetic3A_1298 = arith.constant 31 : i32
        %shift_right_arithmetic3A_1299 = vector.broadcast %shift_right_arithmetic3A_1298 : i32 to vector<16xi32>
        %shift_right_arithmetic3A_1300 = arith.shrsi %bitcast_convert_type3A_1297, %shift_right_arithmetic3A_1299 : vector<16xi32>
        %and3A_1301 = arith.constant 2147483647 : i32
        %and3A_1302 = vector.broadcast %and3A_1301 : i32 to vector<16xi32>
        %and3A_1303 = arith.andi %shift_right_arithmetic3A_1300, %and3A_1302 : vector<16xi32>
        %xor3A_1304 = arith.xori %bitcast_convert_type3A_1297, %and3A_1303 : vector<16xi32>
        %shift_right_arithmetic3A_1305 = arith.constant 4 : i32
        %shift_right_arithmetic3A_1306 = vector.broadcast %shift_right_arithmetic3A_1305 : i32 to vector<16xi32>
        %shift_right_arithmetic3A_1307 = arith.shrsi %select_n3A_1296, %shift_right_arithmetic3A_1306 : vector<16xi32>
        %and3A_1308 = arith.constant 15 : i32
        %and3A_1309 = vector.broadcast %and3A_1308 : i32 to vector<16xi32>
        %and3A_1310 = arith.andi %select_n3A_1296, %and3A_1309 : vector<16xi32>
        tpu.vector_store_idx %arg13[%shift_right_arithmetic3A_1307, %and3A_1310], %xor3A_1304 masked %and3A_1293 : memref<32x16xi32, #tpu.memory_space<vmem>>[vector<16xi32>, vector<16xi32>], vector<16xi32>, vector<16xi1>
        %shift_right_arithmetic3A_1311 = arith.constant 4 : i32
        %shift_right_arithmetic3A_1312 = vector.broadcast %shift_right_arithmetic3A_1311 : i32 to vector<16xi32>
        %shift_right_arithmetic3A_1313 = arith.shrsi %select_n3A_1296, %shift_right_arithmetic3A_1312 : vector<16xi32>
        %and3A_1314 = arith.constant 15 : i32
        %and3A_1315 = vector.broadcast %and3A_1314 : i32 to vector<16xi32>
        %and3A_1316 = arith.andi %select_n3A_1296, %and3A_1315 : vector<16xi32>
        %add3A_1317 = vector.broadcast %add3A_1066 : i32 to vector<16xi32>
        %add3A_1318 = arith.addi %add3A_1317, %iota3A : vector<16xi32>
        tpu.vector_store_idx %arg14[%shift_right_arithmetic3A_1313, %and3A_1316], %add3A_1318 masked %and3A_1293 : memref<32x16xi32, #tpu.memory_space<vmem>>[vector<16xi32>, vector<16xi32>], vector<16xi32>, vector<16xi1>
        %lt3A_1319 = arith.constant 0 : i32
        %lt3A_1320 = vector.broadcast %lt3A_1319 : i32 to vector<16xi32>
        %lt3A_1321 = arith.cmpi slt, %broadcast_in_dim3A_5, %lt3A_1320 : vector<16xi32>
        %add3A_1322 = arith.constant 16 : i32
        %add3A_1323 = vector.broadcast %add3A_1322 : i32 to vector<16xi32>
        %add3A_1324 = arith.addi %broadcast_in_dim3A_5, %add3A_1323 : vector<16xi32>
        %select_n3A_1325 = arith.select %lt3A_1321, %add3A_1324, %broadcast_in_dim3A_5 : vector<16xi1>, vector<16xi32>
        %broadcast_in_dim3A_1326 = vector.shape_cast %select_n3A_1325 : vector<16xi32> to vector<16x1xi32>
        %gather3A_1327 = vector.shape_cast %broadcast_in_dim3A_1326 : vector<16x1xi32> to vector<16xi32>
        %gather3A_1328 = tpu.dynamic_gather %masked_cumsum3A_1106[%gather3A_1327] in [0] : vector<16xi32>, vector<16xi32> -> vector<16xi32>
        %add3A_1329 = arith.addi %add3A_1285, %gather3A_1328 : vector<16xi32>
        %add3A_1330 = arith.addi %add3A_1329, %masked_cumsum3A_1110 : vector<16xi32>
        %sub3A_1331 = arith.constant 1 : i32
        %sub3A_1332 = vector.broadcast %sub3A_1331 : i32 to vector<16xi32>
        %sub3A_1333 = arith.subi %add3A_1330, %sub3A_1332 : vector<16xi32>
        %lt3A_1334 = arith.constant 512 : i32
        %lt3A_1335 = vector.broadcast %lt3A_1334 : i32 to vector<16xi32>
        %lt3A_1336 = arith.cmpi slt, %sub3A_1333, %lt3A_1335 : vector<16xi32>
        %and3A_1337 = arith.andi %ge3A_1047, %lt3A_1336 : vector<16xi1>
        %jit3A_1338 = arith.constant 0 : i32
        %broadcast_in_dim3A_1339 = vector.broadcast %jit3A_1338 : i32 to vector<16xi32>
        %select_n3A_1340 = arith.select %and3A_1337, %sub3A_1333, %broadcast_in_dim3A_1339 : vector<16xi1>, vector<16xi32>
        %bitcast_convert_type3A_1341 = tpu.bitcast %get3A_998 : vector<16xf32> -> vector<16xi32>
        %shift_right_arithmetic3A_1342 = arith.constant 31 : i32
        %shift_right_arithmetic3A_1343 = vector.broadcast %shift_right_arithmetic3A_1342 : i32 to vector<16xi32>
        %shift_right_arithmetic3A_1344 = arith.shrsi %bitcast_convert_type3A_1341, %shift_right_arithmetic3A_1343 : vector<16xi32>
        %and3A_1345 = arith.constant 2147483647 : i32
        %and3A_1346 = vector.broadcast %and3A_1345 : i32 to vector<16xi32>
        %and3A_1347 = arith.andi %shift_right_arithmetic3A_1344, %and3A_1346 : vector<16xi32>
        %xor3A_1348 = arith.xori %bitcast_convert_type3A_1341, %and3A_1347 : vector<16xi32>
        %shift_right_arithmetic3A_1349 = arith.constant 4 : i32
        %shift_right_arithmetic3A_1350 = vector.broadcast %shift_right_arithmetic3A_1349 : i32 to vector<16xi32>
        %shift_right_arithmetic3A_1351 = arith.shrsi %select_n3A_1340, %shift_right_arithmetic3A_1350 : vector<16xi32>
        %and3A_1352 = arith.constant 15 : i32
        %and3A_1353 = vector.broadcast %and3A_1352 : i32 to vector<16xi32>
        %and3A_1354 = arith.andi %select_n3A_1340, %and3A_1353 : vector<16xi32>
        tpu.vector_store_idx %arg13[%shift_right_arithmetic3A_1351, %and3A_1354], %xor3A_1348 masked %and3A_1337 : memref<32x16xi32, #tpu.memory_space<vmem>>[vector<16xi32>, vector<16xi32>], vector<16xi32>, vector<16xi1>
        %shift_right_arithmetic3A_1355 = arith.constant 4 : i32
        %shift_right_arithmetic3A_1356 = vector.broadcast %shift_right_arithmetic3A_1355 : i32 to vector<16xi32>
        %shift_right_arithmetic3A_1357 = arith.shrsi %select_n3A_1340, %shift_right_arithmetic3A_1356 : vector<16xi32>
        %and3A_1358 = arith.constant 15 : i32
        %and3A_1359 = vector.broadcast %and3A_1358 : i32 to vector<16xi32>
        %and3A_1360 = arith.andi %select_n3A_1340, %and3A_1359 : vector<16xi32>
        %add3A_1361 = vector.broadcast %add3A_1068 : i32 to vector<16xi32>
        %add3A_1362 = arith.addi %add3A_1361, %iota3A : vector<16xi32>
        tpu.vector_store_idx %arg14[%shift_right_arithmetic3A_1357, %and3A_1360], %add3A_1362 masked %and3A_1337 : memref<32x16xi32, #tpu.memory_space<vmem>>[vector<16xi32>, vector<16xi32>], vector<16xi32>, vector<16xi1>
        %lt3A_1363 = arith.constant 0 : i32
        %lt3A_1364 = vector.broadcast %lt3A_1363 : i32 to vector<16xi32>
        %lt3A_1365 = arith.cmpi slt, %broadcast_in_dim3A_5, %lt3A_1364 : vector<16xi32>
        %add3A_1366 = arith.constant 16 : i32
        %add3A_1367 = vector.broadcast %add3A_1366 : i32 to vector<16xi32>
        %add3A_1368 = arith.addi %broadcast_in_dim3A_5, %add3A_1367 : vector<16xi32>
        %select_n3A_1369 = arith.select %lt3A_1365, %add3A_1368, %broadcast_in_dim3A_5 : vector<16xi1>, vector<16xi32>
        %broadcast_in_dim3A_1370 = vector.shape_cast %select_n3A_1369 : vector<16xi32> to vector<16x1xi32>
        %gather3A_1371 = vector.shape_cast %broadcast_in_dim3A_1370 : vector<16x1xi32> to vector<16xi32>
        %gather3A_1372 = tpu.dynamic_gather %masked_cumsum3A_1110[%gather3A_1371] in [0] : vector<16xi32>, vector<16xi32> -> vector<16xi32>
        %add3A_1373 = arith.addi %add3A_1329, %gather3A_1372 : vector<16xi32>
        %add3A_1374 = arith.addi %add3A_1373, %masked_cumsum3A_1114 : vector<16xi32>
        %sub3A_1375 = arith.constant 1 : i32
        %sub3A_1376 = vector.broadcast %sub3A_1375 : i32 to vector<16xi32>
        %sub3A_1377 = arith.subi %add3A_1374, %sub3A_1376 : vector<16xi32>
        %lt3A_1378 = arith.constant 512 : i32
        %lt3A_1379 = vector.broadcast %lt3A_1378 : i32 to vector<16xi32>
        %lt3A_1380 = arith.cmpi slt, %sub3A_1377, %lt3A_1379 : vector<16xi32>
        %and3A_1381 = arith.andi %ge3A_1048, %lt3A_1380 : vector<16xi1>
        %jit3A_1382 = arith.constant 0 : i32
        %broadcast_in_dim3A_1383 = vector.broadcast %jit3A_1382 : i32 to vector<16xi32>
        %select_n3A_1384 = arith.select %and3A_1381, %sub3A_1377, %broadcast_in_dim3A_1383 : vector<16xi1>, vector<16xi32>
        %bitcast_convert_type3A_1385 = tpu.bitcast %get3A_1002 : vector<16xf32> -> vector<16xi32>
        %shift_right_arithmetic3A_1386 = arith.constant 31 : i32
        %shift_right_arithmetic3A_1387 = vector.broadcast %shift_right_arithmetic3A_1386 : i32 to vector<16xi32>
        %shift_right_arithmetic3A_1388 = arith.shrsi %bitcast_convert_type3A_1385, %shift_right_arithmetic3A_1387 : vector<16xi32>
        %and3A_1389 = arith.constant 2147483647 : i32
        %and3A_1390 = vector.broadcast %and3A_1389 : i32 to vector<16xi32>
        %and3A_1391 = arith.andi %shift_right_arithmetic3A_1388, %and3A_1390 : vector<16xi32>
        %xor3A_1392 = arith.xori %bitcast_convert_type3A_1385, %and3A_1391 : vector<16xi32>
        %shift_right_arithmetic3A_1393 = arith.constant 4 : i32
        %shift_right_arithmetic3A_1394 = vector.broadcast %shift_right_arithmetic3A_1393 : i32 to vector<16xi32>
        %shift_right_arithmetic3A_1395 = arith.shrsi %select_n3A_1384, %shift_right_arithmetic3A_1394 : vector<16xi32>
        %and3A_1396 = arith.constant 15 : i32
        %and3A_1397 = vector.broadcast %and3A_1396 : i32 to vector<16xi32>
        %and3A_1398 = arith.andi %select_n3A_1384, %and3A_1397 : vector<16xi32>
        tpu.vector_store_idx %arg13[%shift_right_arithmetic3A_1395, %and3A_1398], %xor3A_1392 masked %and3A_1381 : memref<32x16xi32, #tpu.memory_space<vmem>>[vector<16xi32>, vector<16xi32>], vector<16xi32>, vector<16xi1>
        %shift_right_arithmetic3A_1399 = arith.constant 4 : i32
        %shift_right_arithmetic3A_1400 = vector.broadcast %shift_right_arithmetic3A_1399 : i32 to vector<16xi32>
        %shift_right_arithmetic3A_1401 = arith.shrsi %select_n3A_1384, %shift_right_arithmetic3A_1400 : vector<16xi32>
        %and3A_1402 = arith.constant 15 : i32
        %and3A_1403 = vector.broadcast %and3A_1402 : i32 to vector<16xi32>
        %and3A_1404 = arith.andi %select_n3A_1384, %and3A_1403 : vector<16xi32>
        %add3A_1405 = vector.broadcast %add3A_1070 : i32 to vector<16xi32>
        %add3A_1406 = arith.addi %add3A_1405, %iota3A : vector<16xi32>
        tpu.vector_store_idx %arg14[%shift_right_arithmetic3A_1401, %and3A_1404], %add3A_1406 masked %and3A_1381 : memref<32x16xi32, #tpu.memory_space<vmem>>[vector<16xi32>, vector<16xi32>], vector<16xi32>, vector<16xi1>
        %lt3A_1407 = arith.constant 0 : i32
        %lt3A_1408 = vector.broadcast %lt3A_1407 : i32 to vector<16xi32>
        %lt3A_1409 = arith.cmpi slt, %broadcast_in_dim3A_5, %lt3A_1408 : vector<16xi32>
        %add3A_1410 = arith.constant 16 : i32
        %add3A_1411 = vector.broadcast %add3A_1410 : i32 to vector<16xi32>
        %add3A_1412 = arith.addi %broadcast_in_dim3A_5, %add3A_1411 : vector<16xi32>
        %select_n3A_1413 = arith.select %lt3A_1409, %add3A_1412, %broadcast_in_dim3A_5 : vector<16xi1>, vector<16xi32>
        %broadcast_in_dim3A_1414 = vector.shape_cast %select_n3A_1413 : vector<16xi32> to vector<16x1xi32>
        %gather3A_1415 = vector.shape_cast %broadcast_in_dim3A_1414 : vector<16x1xi32> to vector<16xi32>
        %gather3A_1416 = tpu.dynamic_gather %masked_cumsum3A_1114[%gather3A_1415] in [0] : vector<16xi32>, vector<16xi32> -> vector<16xi32>
        %add3A_1417 = arith.addi %add3A_1373, %gather3A_1416 : vector<16xi32>
        %add3A_1418 = arith.addi %add3A_1417, %masked_cumsum3A_1118 : vector<16xi32>
        %sub3A_1419 = arith.constant 1 : i32
        %sub3A_1420 = vector.broadcast %sub3A_1419 : i32 to vector<16xi32>
        %sub3A_1421 = arith.subi %add3A_1418, %sub3A_1420 : vector<16xi32>
        %lt3A_1422 = arith.constant 512 : i32
        %lt3A_1423 = vector.broadcast %lt3A_1422 : i32 to vector<16xi32>
        %lt3A_1424 = arith.cmpi slt, %sub3A_1421, %lt3A_1423 : vector<16xi32>
        %and3A_1425 = arith.andi %ge3A_1049, %lt3A_1424 : vector<16xi1>
        %jit3A_1426 = arith.constant 0 : i32
        %broadcast_in_dim3A_1427 = vector.broadcast %jit3A_1426 : i32 to vector<16xi32>
        %select_n3A_1428 = arith.select %and3A_1425, %sub3A_1421, %broadcast_in_dim3A_1427 : vector<16xi1>, vector<16xi32>
        %bitcast_convert_type3A_1429 = tpu.bitcast %get3A_1006 : vector<16xf32> -> vector<16xi32>
        %shift_right_arithmetic3A_1430 = arith.constant 31 : i32
        %shift_right_arithmetic3A_1431 = vector.broadcast %shift_right_arithmetic3A_1430 : i32 to vector<16xi32>
        %shift_right_arithmetic3A_1432 = arith.shrsi %bitcast_convert_type3A_1429, %shift_right_arithmetic3A_1431 : vector<16xi32>
        %and3A_1433 = arith.constant 2147483647 : i32
        %and3A_1434 = vector.broadcast %and3A_1433 : i32 to vector<16xi32>
        %and3A_1435 = arith.andi %shift_right_arithmetic3A_1432, %and3A_1434 : vector<16xi32>
        %xor3A_1436 = arith.xori %bitcast_convert_type3A_1429, %and3A_1435 : vector<16xi32>
        %shift_right_arithmetic3A_1437 = arith.constant 4 : i32
        %shift_right_arithmetic3A_1438 = vector.broadcast %shift_right_arithmetic3A_1437 : i32 to vector<16xi32>
        %shift_right_arithmetic3A_1439 = arith.shrsi %select_n3A_1428, %shift_right_arithmetic3A_1438 : vector<16xi32>
        %and3A_1440 = arith.constant 15 : i32
        %and3A_1441 = vector.broadcast %and3A_1440 : i32 to vector<16xi32>
        %and3A_1442 = arith.andi %select_n3A_1428, %and3A_1441 : vector<16xi32>
        tpu.vector_store_idx %arg13[%shift_right_arithmetic3A_1439, %and3A_1442], %xor3A_1436 masked %and3A_1425 : memref<32x16xi32, #tpu.memory_space<vmem>>[vector<16xi32>, vector<16xi32>], vector<16xi32>, vector<16xi1>
        %shift_right_arithmetic3A_1443 = arith.constant 4 : i32
        %shift_right_arithmetic3A_1444 = vector.broadcast %shift_right_arithmetic3A_1443 : i32 to vector<16xi32>
        %shift_right_arithmetic3A_1445 = arith.shrsi %select_n3A_1428, %shift_right_arithmetic3A_1444 : vector<16xi32>
        %and3A_1446 = arith.constant 15 : i32
        %and3A_1447 = vector.broadcast %and3A_1446 : i32 to vector<16xi32>
        %and3A_1448 = arith.andi %select_n3A_1428, %and3A_1447 : vector<16xi32>
        %add3A_1449 = vector.broadcast %add3A_1072 : i32 to vector<16xi32>
        %add3A_1450 = arith.addi %add3A_1449, %iota3A : vector<16xi32>
        tpu.vector_store_idx %arg14[%shift_right_arithmetic3A_1445, %and3A_1448], %add3A_1450 masked %and3A_1425 : memref<32x16xi32, #tpu.memory_space<vmem>>[vector<16xi32>, vector<16xi32>], vector<16xi32>, vector<16xi1>
        %lt3A_1451 = arith.constant 0 : i32
        %lt3A_1452 = vector.broadcast %lt3A_1451 : i32 to vector<16xi32>
        %lt3A_1453 = arith.cmpi slt, %broadcast_in_dim3A_5, %lt3A_1452 : vector<16xi32>
        %add3A_1454 = arith.constant 16 : i32
        %add3A_1455 = vector.broadcast %add3A_1454 : i32 to vector<16xi32>
        %add3A_1456 = arith.addi %broadcast_in_dim3A_5, %add3A_1455 : vector<16xi32>
        %select_n3A_1457 = arith.select %lt3A_1453, %add3A_1456, %broadcast_in_dim3A_5 : vector<16xi1>, vector<16xi32>
        %broadcast_in_dim3A_1458 = vector.shape_cast %select_n3A_1457 : vector<16xi32> to vector<16x1xi32>
        %gather3A_1459 = vector.shape_cast %broadcast_in_dim3A_1458 : vector<16x1xi32> to vector<16xi32>
        %gather3A_1460 = tpu.dynamic_gather %masked_cumsum3A_1118[%gather3A_1459] in [0] : vector<16xi32>, vector<16xi32> -> vector<16xi32>
        %add3A_1461 = arith.addi %add3A_1417, %gather3A_1460 : vector<16xi32>
        %add3A_1462 = arith.addi %add3A_1461, %masked_cumsum3A_1122 : vector<16xi32>
        %sub3A_1463 = arith.constant 1 : i32
        %sub3A_1464 = vector.broadcast %sub3A_1463 : i32 to vector<16xi32>
        %sub3A_1465 = arith.subi %add3A_1462, %sub3A_1464 : vector<16xi32>
        %lt3A_1466 = arith.constant 512 : i32
        %lt3A_1467 = vector.broadcast %lt3A_1466 : i32 to vector<16xi32>
        %lt3A_1468 = arith.cmpi slt, %sub3A_1465, %lt3A_1467 : vector<16xi32>
        %and3A_1469 = arith.andi %ge3A_1050, %lt3A_1468 : vector<16xi1>
        %jit3A_1470 = arith.constant 0 : i32
        %broadcast_in_dim3A_1471 = vector.broadcast %jit3A_1470 : i32 to vector<16xi32>
        %select_n3A_1472 = arith.select %and3A_1469, %sub3A_1465, %broadcast_in_dim3A_1471 : vector<16xi1>, vector<16xi32>
        %bitcast_convert_type3A_1473 = tpu.bitcast %get3A_1010 : vector<16xf32> -> vector<16xi32>
        %shift_right_arithmetic3A_1474 = arith.constant 31 : i32
        %shift_right_arithmetic3A_1475 = vector.broadcast %shift_right_arithmetic3A_1474 : i32 to vector<16xi32>
        %shift_right_arithmetic3A_1476 = arith.shrsi %bitcast_convert_type3A_1473, %shift_right_arithmetic3A_1475 : vector<16xi32>
        %and3A_1477 = arith.constant 2147483647 : i32
        %and3A_1478 = vector.broadcast %and3A_1477 : i32 to vector<16xi32>
        %and3A_1479 = arith.andi %shift_right_arithmetic3A_1476, %and3A_1478 : vector<16xi32>
        %xor3A_1480 = arith.xori %bitcast_convert_type3A_1473, %and3A_1479 : vector<16xi32>
        %shift_right_arithmetic3A_1481 = arith.constant 4 : i32
        %shift_right_arithmetic3A_1482 = vector.broadcast %shift_right_arithmetic3A_1481 : i32 to vector<16xi32>
        %shift_right_arithmetic3A_1483 = arith.shrsi %select_n3A_1472, %shift_right_arithmetic3A_1482 : vector<16xi32>
        %and3A_1484 = arith.constant 15 : i32
        %and3A_1485 = vector.broadcast %and3A_1484 : i32 to vector<16xi32>
        %and3A_1486 = arith.andi %select_n3A_1472, %and3A_1485 : vector<16xi32>
        tpu.vector_store_idx %arg13[%shift_right_arithmetic3A_1483, %and3A_1486], %xor3A_1480 masked %and3A_1469 : memref<32x16xi32, #tpu.memory_space<vmem>>[vector<16xi32>, vector<16xi32>], vector<16xi32>, vector<16xi1>
        %shift_right_arithmetic3A_1487 = arith.constant 4 : i32
        %shift_right_arithmetic3A_1488 = vector.broadcast %shift_right_arithmetic3A_1487 : i32 to vector<16xi32>
        %shift_right_arithmetic3A_1489 = arith.shrsi %select_n3A_1472, %shift_right_arithmetic3A_1488 : vector<16xi32>
        %and3A_1490 = arith.constant 15 : i32
        %and3A_1491 = vector.broadcast %and3A_1490 : i32 to vector<16xi32>
        %and3A_1492 = arith.andi %select_n3A_1472, %and3A_1491 : vector<16xi32>
        %add3A_1493 = vector.broadcast %add3A_1074 : i32 to vector<16xi32>
        %add3A_1494 = arith.addi %add3A_1493, %iota3A : vector<16xi32>
        tpu.vector_store_idx %arg14[%shift_right_arithmetic3A_1489, %and3A_1492], %add3A_1494 masked %and3A_1469 : memref<32x16xi32, #tpu.memory_space<vmem>>[vector<16xi32>, vector<16xi32>], vector<16xi32>, vector<16xi1>
        %lt3A_1495 = arith.constant 0 : i32
        %lt3A_1496 = vector.broadcast %lt3A_1495 : i32 to vector<16xi32>
        %lt3A_1497 = arith.cmpi slt, %broadcast_in_dim3A_5, %lt3A_1496 : vector<16xi32>
        %add3A_1498 = arith.constant 16 : i32
        %add3A_1499 = vector.broadcast %add3A_1498 : i32 to vector<16xi32>
        %add3A_1500 = arith.addi %broadcast_in_dim3A_5, %add3A_1499 : vector<16xi32>
        %select_n3A_1501 = arith.select %lt3A_1497, %add3A_1500, %broadcast_in_dim3A_5 : vector<16xi1>, vector<16xi32>
        %broadcast_in_dim3A_1502 = vector.shape_cast %select_n3A_1501 : vector<16xi32> to vector<16x1xi32>
        %gather3A_1503 = vector.shape_cast %broadcast_in_dim3A_1502 : vector<16x1xi32> to vector<16xi32>
        %gather3A_1504 = tpu.dynamic_gather %masked_cumsum3A_1122[%gather3A_1503] in [0] : vector<16xi32>, vector<16xi32> -> vector<16xi32>
        %add3A_1505 = arith.addi %add3A_1461, %gather3A_1504 : vector<16xi32>
        %add3A_1506 = arith.addi %add3A_1505, %masked_cumsum3A_1126 : vector<16xi32>
        %sub3A_1507 = arith.constant 1 : i32
        %sub3A_1508 = vector.broadcast %sub3A_1507 : i32 to vector<16xi32>
        %sub3A_1509 = arith.subi %add3A_1506, %sub3A_1508 : vector<16xi32>
        %lt3A_1510 = arith.constant 512 : i32
        %lt3A_1511 = vector.broadcast %lt3A_1510 : i32 to vector<16xi32>
        %lt3A_1512 = arith.cmpi slt, %sub3A_1509, %lt3A_1511 : vector<16xi32>
        %and3A_1513 = arith.andi %ge3A_1051, %lt3A_1512 : vector<16xi1>
        %jit3A_1514 = arith.constant 0 : i32
        %broadcast_in_dim3A_1515 = vector.broadcast %jit3A_1514 : i32 to vector<16xi32>
        %select_n3A_1516 = arith.select %and3A_1513, %sub3A_1509, %broadcast_in_dim3A_1515 : vector<16xi1>, vector<16xi32>
        %bitcast_convert_type3A_1517 = tpu.bitcast %get3A_1014 : vector<16xf32> -> vector<16xi32>
        %shift_right_arithmetic3A_1518 = arith.constant 31 : i32
        %shift_right_arithmetic3A_1519 = vector.broadcast %shift_right_arithmetic3A_1518 : i32 to vector<16xi32>
        %shift_right_arithmetic3A_1520 = arith.shrsi %bitcast_convert_type3A_1517, %shift_right_arithmetic3A_1519 : vector<16xi32>
        %and3A_1521 = arith.constant 2147483647 : i32
        %and3A_1522 = vector.broadcast %and3A_1521 : i32 to vector<16xi32>
        %and3A_1523 = arith.andi %shift_right_arithmetic3A_1520, %and3A_1522 : vector<16xi32>
        %xor3A_1524 = arith.xori %bitcast_convert_type3A_1517, %and3A_1523 : vector<16xi32>
        %shift_right_arithmetic3A_1525 = arith.constant 4 : i32
        %shift_right_arithmetic3A_1526 = vector.broadcast %shift_right_arithmetic3A_1525 : i32 to vector<16xi32>
        %shift_right_arithmetic3A_1527 = arith.shrsi %select_n3A_1516, %shift_right_arithmetic3A_1526 : vector<16xi32>
        %and3A_1528 = arith.constant 15 : i32
        %and3A_1529 = vector.broadcast %and3A_1528 : i32 to vector<16xi32>
        %and3A_1530 = arith.andi %select_n3A_1516, %and3A_1529 : vector<16xi32>
        tpu.vector_store_idx %arg13[%shift_right_arithmetic3A_1527, %and3A_1530], %xor3A_1524 masked %and3A_1513 : memref<32x16xi32, #tpu.memory_space<vmem>>[vector<16xi32>, vector<16xi32>], vector<16xi32>, vector<16xi1>
        %shift_right_arithmetic3A_1531 = arith.constant 4 : i32
        %shift_right_arithmetic3A_1532 = vector.broadcast %shift_right_arithmetic3A_1531 : i32 to vector<16xi32>
        %shift_right_arithmetic3A_1533 = arith.shrsi %select_n3A_1516, %shift_right_arithmetic3A_1532 : vector<16xi32>
        %and3A_1534 = arith.constant 15 : i32
        %and3A_1535 = vector.broadcast %and3A_1534 : i32 to vector<16xi32>
        %and3A_1536 = arith.andi %select_n3A_1516, %and3A_1535 : vector<16xi32>
        %add3A_1537 = vector.broadcast %add3A_1076 : i32 to vector<16xi32>
        %add3A_1538 = arith.addi %add3A_1537, %iota3A : vector<16xi32>
        tpu.vector_store_idx %arg14[%shift_right_arithmetic3A_1533, %and3A_1536], %add3A_1538 masked %and3A_1513 : memref<32x16xi32, #tpu.memory_space<vmem>>[vector<16xi32>, vector<16xi32>], vector<16xi32>, vector<16xi1>
        %lt3A_1539 = arith.constant 0 : i32
        %lt3A_1540 = vector.broadcast %lt3A_1539 : i32 to vector<16xi32>
        %lt3A_1541 = arith.cmpi slt, %broadcast_in_dim3A_5, %lt3A_1540 : vector<16xi32>
        %add3A_1542 = arith.constant 16 : i32
        %add3A_1543 = vector.broadcast %add3A_1542 : i32 to vector<16xi32>
        %add3A_1544 = arith.addi %broadcast_in_dim3A_5, %add3A_1543 : vector<16xi32>
        %select_n3A_1545 = arith.select %lt3A_1541, %add3A_1544, %broadcast_in_dim3A_5 : vector<16xi1>, vector<16xi32>
        %broadcast_in_dim3A_1546 = vector.shape_cast %select_n3A_1545 : vector<16xi32> to vector<16x1xi32>
        %gather3A_1547 = vector.shape_cast %broadcast_in_dim3A_1546 : vector<16x1xi32> to vector<16xi32>
        %gather3A_1548 = tpu.dynamic_gather %masked_cumsum3A_1126[%gather3A_1547] in [0] : vector<16xi32>, vector<16xi32> -> vector<16xi32>
        %add3A_1549 = arith.addi %add3A_1505, %gather3A_1548 : vector<16xi32>
        %add3A_1550 = arith.addi %add3A_1549, %masked_cumsum3A_1130 : vector<16xi32>
        %sub3A_1551 = arith.constant 1 : i32
        %sub3A_1552 = vector.broadcast %sub3A_1551 : i32 to vector<16xi32>
        %sub3A_1553 = arith.subi %add3A_1550, %sub3A_1552 : vector<16xi32>
        %lt3A_1554 = arith.constant 512 : i32
        %lt3A_1555 = vector.broadcast %lt3A_1554 : i32 to vector<16xi32>
        %lt3A_1556 = arith.cmpi slt, %sub3A_1553, %lt3A_1555 : vector<16xi32>
        %and3A_1557 = arith.andi %ge3A_1052, %lt3A_1556 : vector<16xi1>
        %jit3A_1558 = arith.constant 0 : i32
        %broadcast_in_dim3A_1559 = vector.broadcast %jit3A_1558 : i32 to vector<16xi32>
        %select_n3A_1560 = arith.select %and3A_1557, %sub3A_1553, %broadcast_in_dim3A_1559 : vector<16xi1>, vector<16xi32>
        %bitcast_convert_type3A_1561 = tpu.bitcast %get3A_1018 : vector<16xf32> -> vector<16xi32>
        %shift_right_arithmetic3A_1562 = arith.constant 31 : i32
        %shift_right_arithmetic3A_1563 = vector.broadcast %shift_right_arithmetic3A_1562 : i32 to vector<16xi32>
        %shift_right_arithmetic3A_1564 = arith.shrsi %bitcast_convert_type3A_1561, %shift_right_arithmetic3A_1563 : vector<16xi32>
        %and3A_1565 = arith.constant 2147483647 : i32
        %and3A_1566 = vector.broadcast %and3A_1565 : i32 to vector<16xi32>
        %and3A_1567 = arith.andi %shift_right_arithmetic3A_1564, %and3A_1566 : vector<16xi32>
        %xor3A_1568 = arith.xori %bitcast_convert_type3A_1561, %and3A_1567 : vector<16xi32>
        %shift_right_arithmetic3A_1569 = arith.constant 4 : i32
        %shift_right_arithmetic3A_1570 = vector.broadcast %shift_right_arithmetic3A_1569 : i32 to vector<16xi32>
        %shift_right_arithmetic3A_1571 = arith.shrsi %select_n3A_1560, %shift_right_arithmetic3A_1570 : vector<16xi32>
        %and3A_1572 = arith.constant 15 : i32
        %and3A_1573 = vector.broadcast %and3A_1572 : i32 to vector<16xi32>
        %and3A_1574 = arith.andi %select_n3A_1560, %and3A_1573 : vector<16xi32>
        tpu.vector_store_idx %arg13[%shift_right_arithmetic3A_1571, %and3A_1574], %xor3A_1568 masked %and3A_1557 : memref<32x16xi32, #tpu.memory_space<vmem>>[vector<16xi32>, vector<16xi32>], vector<16xi32>, vector<16xi1>
        %shift_right_arithmetic3A_1575 = arith.constant 4 : i32
        %shift_right_arithmetic3A_1576 = vector.broadcast %shift_right_arithmetic3A_1575 : i32 to vector<16xi32>
        %shift_right_arithmetic3A_1577 = arith.shrsi %select_n3A_1560, %shift_right_arithmetic3A_1576 : vector<16xi32>
        %and3A_1578 = arith.constant 15 : i32
        %and3A_1579 = vector.broadcast %and3A_1578 : i32 to vector<16xi32>
        %and3A_1580 = arith.andi %select_n3A_1560, %and3A_1579 : vector<16xi32>
        %add3A_1581 = vector.broadcast %add3A_1078 : i32 to vector<16xi32>
        %add3A_1582 = arith.addi %add3A_1581, %iota3A : vector<16xi32>
        tpu.vector_store_idx %arg14[%shift_right_arithmetic3A_1577, %and3A_1580], %add3A_1582 masked %and3A_1557 : memref<32x16xi32, #tpu.memory_space<vmem>>[vector<16xi32>, vector<16xi32>], vector<16xi32>, vector<16xi1>
        %lt3A_1583 = arith.constant 0 : i32
        %lt3A_1584 = vector.broadcast %lt3A_1583 : i32 to vector<16xi32>
        %lt3A_1585 = arith.cmpi slt, %broadcast_in_dim3A_5, %lt3A_1584 : vector<16xi32>
        %add3A_1586 = arith.constant 16 : i32
        %add3A_1587 = vector.broadcast %add3A_1586 : i32 to vector<16xi32>
        %add3A_1588 = arith.addi %broadcast_in_dim3A_5, %add3A_1587 : vector<16xi32>
        %select_n3A_1589 = arith.select %lt3A_1585, %add3A_1588, %broadcast_in_dim3A_5 : vector<16xi1>, vector<16xi32>
        %broadcast_in_dim3A_1590 = vector.shape_cast %select_n3A_1589 : vector<16xi32> to vector<16x1xi32>
        %gather3A_1591 = vector.shape_cast %broadcast_in_dim3A_1590 : vector<16x1xi32> to vector<16xi32>
        %gather3A_1592 = tpu.dynamic_gather %masked_cumsum3A_1130[%gather3A_1591] in [0] : vector<16xi32>, vector<16xi32> -> vector<16xi32>
        %add3A_1593 = arith.addi %add3A_1549, %gather3A_1592 : vector<16xi32>
        %add3A_1594 = arith.addi %add3A_1593, %masked_cumsum3A_1134 : vector<16xi32>
        %sub3A_1595 = arith.constant 1 : i32
        %sub3A_1596 = vector.broadcast %sub3A_1595 : i32 to vector<16xi32>
        %sub3A_1597 = arith.subi %add3A_1594, %sub3A_1596 : vector<16xi32>
        %lt3A_1598 = arith.constant 512 : i32
        %lt3A_1599 = vector.broadcast %lt3A_1598 : i32 to vector<16xi32>
        %lt3A_1600 = arith.cmpi slt, %sub3A_1597, %lt3A_1599 : vector<16xi32>
        %and3A_1601 = arith.andi %ge3A_1053, %lt3A_1600 : vector<16xi1>
        %jit3A_1602 = arith.constant 0 : i32
        %broadcast_in_dim3A_1603 = vector.broadcast %jit3A_1602 : i32 to vector<16xi32>
        %select_n3A_1604 = arith.select %and3A_1601, %sub3A_1597, %broadcast_in_dim3A_1603 : vector<16xi1>, vector<16xi32>
        %bitcast_convert_type3A_1605 = tpu.bitcast %get3A_1022 : vector<16xf32> -> vector<16xi32>
        %shift_right_arithmetic3A_1606 = arith.constant 31 : i32
        %shift_right_arithmetic3A_1607 = vector.broadcast %shift_right_arithmetic3A_1606 : i32 to vector<16xi32>
        %shift_right_arithmetic3A_1608 = arith.shrsi %bitcast_convert_type3A_1605, %shift_right_arithmetic3A_1607 : vector<16xi32>
        %and3A_1609 = arith.constant 2147483647 : i32
        %and3A_1610 = vector.broadcast %and3A_1609 : i32 to vector<16xi32>
        %and3A_1611 = arith.andi %shift_right_arithmetic3A_1608, %and3A_1610 : vector<16xi32>
        %xor3A_1612 = arith.xori %bitcast_convert_type3A_1605, %and3A_1611 : vector<16xi32>
        %shift_right_arithmetic3A_1613 = arith.constant 4 : i32
        %shift_right_arithmetic3A_1614 = vector.broadcast %shift_right_arithmetic3A_1613 : i32 to vector<16xi32>
        %shift_right_arithmetic3A_1615 = arith.shrsi %select_n3A_1604, %shift_right_arithmetic3A_1614 : vector<16xi32>
        %and3A_1616 = arith.constant 15 : i32
        %and3A_1617 = vector.broadcast %and3A_1616 : i32 to vector<16xi32>
        %and3A_1618 = arith.andi %select_n3A_1604, %and3A_1617 : vector<16xi32>
        tpu.vector_store_idx %arg13[%shift_right_arithmetic3A_1615, %and3A_1618], %xor3A_1612 masked %and3A_1601 : memref<32x16xi32, #tpu.memory_space<vmem>>[vector<16xi32>, vector<16xi32>], vector<16xi32>, vector<16xi1>
        %shift_right_arithmetic3A_1619 = arith.constant 4 : i32
        %shift_right_arithmetic3A_1620 = vector.broadcast %shift_right_arithmetic3A_1619 : i32 to vector<16xi32>
        %shift_right_arithmetic3A_1621 = arith.shrsi %select_n3A_1604, %shift_right_arithmetic3A_1620 : vector<16xi32>
        %and3A_1622 = arith.constant 15 : i32
        %and3A_1623 = vector.broadcast %and3A_1622 : i32 to vector<16xi32>
        %and3A_1624 = arith.andi %select_n3A_1604, %and3A_1623 : vector<16xi32>
        %add3A_1625 = vector.broadcast %add3A_1080 : i32 to vector<16xi32>
        %add3A_1626 = arith.addi %add3A_1625, %iota3A : vector<16xi32>
        tpu.vector_store_idx %arg14[%shift_right_arithmetic3A_1621, %and3A_1624], %add3A_1626 masked %and3A_1601 : memref<32x16xi32, #tpu.memory_space<vmem>>[vector<16xi32>, vector<16xi32>], vector<16xi32>, vector<16xi1>
        %lt3A_1627 = arith.constant 0 : i32
        %lt3A_1628 = vector.broadcast %lt3A_1627 : i32 to vector<16xi32>
        %lt3A_1629 = arith.cmpi slt, %broadcast_in_dim3A_5, %lt3A_1628 : vector<16xi32>
        %add3A_1630 = arith.constant 16 : i32
        %add3A_1631 = vector.broadcast %add3A_1630 : i32 to vector<16xi32>
        %add3A_1632 = arith.addi %broadcast_in_dim3A_5, %add3A_1631 : vector<16xi32>
        %select_n3A_1633 = arith.select %lt3A_1629, %add3A_1632, %broadcast_in_dim3A_5 : vector<16xi1>, vector<16xi32>
        %broadcast_in_dim3A_1634 = vector.shape_cast %select_n3A_1633 : vector<16xi32> to vector<16x1xi32>
        %gather3A_1635 = vector.shape_cast %broadcast_in_dim3A_1634 : vector<16x1xi32> to vector<16xi32>
        %gather3A_1636 = tpu.dynamic_gather %masked_cumsum3A_1134[%gather3A_1635] in [0] : vector<16xi32>, vector<16xi32> -> vector<16xi32>
        %add3A_1637 = arith.addi %add3A_1593, %gather3A_1636 : vector<16xi32>
        %add3A_1638 = arith.addi %add3A_1637, %masked_cumsum3A_1138 : vector<16xi32>
        %sub3A_1639 = arith.constant 1 : i32
        %sub3A_1640 = vector.broadcast %sub3A_1639 : i32 to vector<16xi32>
        %sub3A_1641 = arith.subi %add3A_1638, %sub3A_1640 : vector<16xi32>
        %lt3A_1642 = arith.constant 512 : i32
        %lt3A_1643 = vector.broadcast %lt3A_1642 : i32 to vector<16xi32>
        %lt3A_1644 = arith.cmpi slt, %sub3A_1641, %lt3A_1643 : vector<16xi32>
        %and3A_1645 = arith.andi %ge3A_1054, %lt3A_1644 : vector<16xi1>
        %jit3A_1646 = arith.constant 0 : i32
        %broadcast_in_dim3A_1647 = vector.broadcast %jit3A_1646 : i32 to vector<16xi32>
        %select_n3A_1648 = arith.select %and3A_1645, %sub3A_1641, %broadcast_in_dim3A_1647 : vector<16xi1>, vector<16xi32>
        %bitcast_convert_type3A_1649 = tpu.bitcast %get3A_1026 : vector<16xf32> -> vector<16xi32>
        %shift_right_arithmetic3A_1650 = arith.constant 31 : i32
        %shift_right_arithmetic3A_1651 = vector.broadcast %shift_right_arithmetic3A_1650 : i32 to vector<16xi32>
        %shift_right_arithmetic3A_1652 = arith.shrsi %bitcast_convert_type3A_1649, %shift_right_arithmetic3A_1651 : vector<16xi32>
        %and3A_1653 = arith.constant 2147483647 : i32
        %and3A_1654 = vector.broadcast %and3A_1653 : i32 to vector<16xi32>
        %and3A_1655 = arith.andi %shift_right_arithmetic3A_1652, %and3A_1654 : vector<16xi32>
        %xor3A_1656 = arith.xori %bitcast_convert_type3A_1649, %and3A_1655 : vector<16xi32>
        %shift_right_arithmetic3A_1657 = arith.constant 4 : i32
        %shift_right_arithmetic3A_1658 = vector.broadcast %shift_right_arithmetic3A_1657 : i32 to vector<16xi32>
        %shift_right_arithmetic3A_1659 = arith.shrsi %select_n3A_1648, %shift_right_arithmetic3A_1658 : vector<16xi32>
        %and3A_1660 = arith.constant 15 : i32
        %and3A_1661 = vector.broadcast %and3A_1660 : i32 to vector<16xi32>
        %and3A_1662 = arith.andi %select_n3A_1648, %and3A_1661 : vector<16xi32>
        tpu.vector_store_idx %arg13[%shift_right_arithmetic3A_1659, %and3A_1662], %xor3A_1656 masked %and3A_1645 : memref<32x16xi32, #tpu.memory_space<vmem>>[vector<16xi32>, vector<16xi32>], vector<16xi32>, vector<16xi1>
        %shift_right_arithmetic3A_1663 = arith.constant 4 : i32
        %shift_right_arithmetic3A_1664 = vector.broadcast %shift_right_arithmetic3A_1663 : i32 to vector<16xi32>
        %shift_right_arithmetic3A_1665 = arith.shrsi %select_n3A_1648, %shift_right_arithmetic3A_1664 : vector<16xi32>
        %and3A_1666 = arith.constant 15 : i32
        %and3A_1667 = vector.broadcast %and3A_1666 : i32 to vector<16xi32>
        %and3A_1668 = arith.andi %select_n3A_1648, %and3A_1667 : vector<16xi32>
        %add3A_1669 = vector.broadcast %add3A_1082 : i32 to vector<16xi32>
        %add3A_1670 = arith.addi %add3A_1669, %iota3A : vector<16xi32>
        tpu.vector_store_idx %arg14[%shift_right_arithmetic3A_1665, %and3A_1668], %add3A_1670 masked %and3A_1645 : memref<32x16xi32, #tpu.memory_space<vmem>>[vector<16xi32>, vector<16xi32>], vector<16xi32>, vector<16xi1>
        %lt3A_1671 = arith.constant 0 : i32
        %lt3A_1672 = vector.broadcast %lt3A_1671 : i32 to vector<16xi32>
        %lt3A_1673 = arith.cmpi slt, %broadcast_in_dim3A_5, %lt3A_1672 : vector<16xi32>
        %add3A_1674 = arith.constant 16 : i32
        %add3A_1675 = vector.broadcast %add3A_1674 : i32 to vector<16xi32>
        %add3A_1676 = arith.addi %broadcast_in_dim3A_5, %add3A_1675 : vector<16xi32>
        %select_n3A_1677 = arith.select %lt3A_1673, %add3A_1676, %broadcast_in_dim3A_5 : vector<16xi1>, vector<16xi32>
        %broadcast_in_dim3A_1678 = vector.shape_cast %select_n3A_1677 : vector<16xi32> to vector<16x1xi32>
        %gather3A_1679 = vector.shape_cast %broadcast_in_dim3A_1678 : vector<16x1xi32> to vector<16xi32>
        %gather3A_1680 = tpu.dynamic_gather %masked_cumsum3A_1138[%gather3A_1679] in [0] : vector<16xi32>, vector<16xi32> -> vector<16xi32>
        %add3A_1681 = arith.addi %add3A_1637, %gather3A_1680 : vector<16xi32>
        %add3A_1682 = arith.addi %add3A_1681, %masked_cumsum3A_1142 : vector<16xi32>
        %sub3A_1683 = arith.constant 1 : i32
        %sub3A_1684 = vector.broadcast %sub3A_1683 : i32 to vector<16xi32>
        %sub3A_1685 = arith.subi %add3A_1682, %sub3A_1684 : vector<16xi32>
        %lt3A_1686 = arith.constant 512 : i32
        %lt3A_1687 = vector.broadcast %lt3A_1686 : i32 to vector<16xi32>
        %lt3A_1688 = arith.cmpi slt, %sub3A_1685, %lt3A_1687 : vector<16xi32>
        %and3A_1689 = arith.andi %ge3A_1055, %lt3A_1688 : vector<16xi1>
        %jit3A_1690 = arith.constant 0 : i32
        %broadcast_in_dim3A_1691 = vector.broadcast %jit3A_1690 : i32 to vector<16xi32>
        %select_n3A_1692 = arith.select %and3A_1689, %sub3A_1685, %broadcast_in_dim3A_1691 : vector<16xi1>, vector<16xi32>
        %bitcast_convert_type3A_1693 = tpu.bitcast %get3A_1030 : vector<16xf32> -> vector<16xi32>
        %shift_right_arithmetic3A_1694 = arith.constant 31 : i32
        %shift_right_arithmetic3A_1695 = vector.broadcast %shift_right_arithmetic3A_1694 : i32 to vector<16xi32>
        %shift_right_arithmetic3A_1696 = arith.shrsi %bitcast_convert_type3A_1693, %shift_right_arithmetic3A_1695 : vector<16xi32>
        %and3A_1697 = arith.constant 2147483647 : i32
        %and3A_1698 = vector.broadcast %and3A_1697 : i32 to vector<16xi32>
        %and3A_1699 = arith.andi %shift_right_arithmetic3A_1696, %and3A_1698 : vector<16xi32>
        %xor3A_1700 = arith.xori %bitcast_convert_type3A_1693, %and3A_1699 : vector<16xi32>
        %shift_right_arithmetic3A_1701 = arith.constant 4 : i32
        %shift_right_arithmetic3A_1702 = vector.broadcast %shift_right_arithmetic3A_1701 : i32 to vector<16xi32>
        %shift_right_arithmetic3A_1703 = arith.shrsi %select_n3A_1692, %shift_right_arithmetic3A_1702 : vector<16xi32>
        %and3A_1704 = arith.constant 15 : i32
        %and3A_1705 = vector.broadcast %and3A_1704 : i32 to vector<16xi32>
        %and3A_1706 = arith.andi %select_n3A_1692, %and3A_1705 : vector<16xi32>
        tpu.vector_store_idx %arg13[%shift_right_arithmetic3A_1703, %and3A_1706], %xor3A_1700 masked %and3A_1689 : memref<32x16xi32, #tpu.memory_space<vmem>>[vector<16xi32>, vector<16xi32>], vector<16xi32>, vector<16xi1>
        %shift_right_arithmetic3A_1707 = arith.constant 4 : i32
        %shift_right_arithmetic3A_1708 = vector.broadcast %shift_right_arithmetic3A_1707 : i32 to vector<16xi32>
        %shift_right_arithmetic3A_1709 = arith.shrsi %select_n3A_1692, %shift_right_arithmetic3A_1708 : vector<16xi32>
        %and3A_1710 = arith.constant 15 : i32
        %and3A_1711 = vector.broadcast %and3A_1710 : i32 to vector<16xi32>
        %and3A_1712 = arith.andi %select_n3A_1692, %and3A_1711 : vector<16xi32>
        %add3A_1713 = vector.broadcast %add3A_1084 : i32 to vector<16xi32>
        %add3A_1714 = arith.addi %add3A_1713, %iota3A : vector<16xi32>
        tpu.vector_store_idx %arg14[%shift_right_arithmetic3A_1709, %and3A_1712], %add3A_1714 masked %and3A_1689 : memref<32x16xi32, #tpu.memory_space<vmem>>[vector<16xi32>, vector<16xi32>], vector<16xi32>, vector<16xi1>
        %lt3A_1715 = arith.constant 0 : i32
        %lt3A_1716 = vector.broadcast %lt3A_1715 : i32 to vector<16xi32>
        %lt3A_1717 = arith.cmpi slt, %broadcast_in_dim3A_5, %lt3A_1716 : vector<16xi32>
        %add3A_1718 = arith.constant 16 : i32
        %add3A_1719 = vector.broadcast %add3A_1718 : i32 to vector<16xi32>
        %add3A_1720 = arith.addi %broadcast_in_dim3A_5, %add3A_1719 : vector<16xi32>
        %select_n3A_1721 = arith.select %lt3A_1717, %add3A_1720, %broadcast_in_dim3A_5 : vector<16xi1>, vector<16xi32>
        %broadcast_in_dim3A_1722 = vector.shape_cast %select_n3A_1721 : vector<16xi32> to vector<16x1xi32>
        %gather3A_1723 = vector.shape_cast %broadcast_in_dim3A_1722 : vector<16x1xi32> to vector<16xi32>
        %gather3A_1724 = tpu.dynamic_gather %masked_cumsum3A_1142[%gather3A_1723] in [0] : vector<16xi32>, vector<16xi32> -> vector<16xi32>
        %add3A_1725 = arith.addi %add3A_1681, %gather3A_1724 : vector<16xi32>
        %add3A_1726 = arith.addi %add3A_1725, %masked_cumsum3A_1146 : vector<16xi32>
        %sub3A_1727 = arith.constant 1 : i32
        %sub3A_1728 = vector.broadcast %sub3A_1727 : i32 to vector<16xi32>
        %sub3A_1729 = arith.subi %add3A_1726, %sub3A_1728 : vector<16xi32>
        %lt3A_1730 = arith.constant 512 : i32
        %lt3A_1731 = vector.broadcast %lt3A_1730 : i32 to vector<16xi32>
        %lt3A_1732 = arith.cmpi slt, %sub3A_1729, %lt3A_1731 : vector<16xi32>
        %and3A_1733 = arith.andi %ge3A_1056, %lt3A_1732 : vector<16xi1>
        %jit3A_1734 = arith.constant 0 : i32
        %broadcast_in_dim3A_1735 = vector.broadcast %jit3A_1734 : i32 to vector<16xi32>
        %select_n3A_1736 = arith.select %and3A_1733, %sub3A_1729, %broadcast_in_dim3A_1735 : vector<16xi1>, vector<16xi32>
        %bitcast_convert_type3A_1737 = tpu.bitcast %get3A_1034 : vector<16xf32> -> vector<16xi32>
        %shift_right_arithmetic3A_1738 = arith.constant 31 : i32
        %shift_right_arithmetic3A_1739 = vector.broadcast %shift_right_arithmetic3A_1738 : i32 to vector<16xi32>
        %shift_right_arithmetic3A_1740 = arith.shrsi %bitcast_convert_type3A_1737, %shift_right_arithmetic3A_1739 : vector<16xi32>
        %and3A_1741 = arith.constant 2147483647 : i32
        %and3A_1742 = vector.broadcast %and3A_1741 : i32 to vector<16xi32>
        %and3A_1743 = arith.andi %shift_right_arithmetic3A_1740, %and3A_1742 : vector<16xi32>
        %xor3A_1744 = arith.xori %bitcast_convert_type3A_1737, %and3A_1743 : vector<16xi32>
        %shift_right_arithmetic3A_1745 = arith.constant 4 : i32
        %shift_right_arithmetic3A_1746 = vector.broadcast %shift_right_arithmetic3A_1745 : i32 to vector<16xi32>
        %shift_right_arithmetic3A_1747 = arith.shrsi %select_n3A_1736, %shift_right_arithmetic3A_1746 : vector<16xi32>
        %and3A_1748 = arith.constant 15 : i32
        %and3A_1749 = vector.broadcast %and3A_1748 : i32 to vector<16xi32>
        %and3A_1750 = arith.andi %select_n3A_1736, %and3A_1749 : vector<16xi32>
        tpu.vector_store_idx %arg13[%shift_right_arithmetic3A_1747, %and3A_1750], %xor3A_1744 masked %and3A_1733 : memref<32x16xi32, #tpu.memory_space<vmem>>[vector<16xi32>, vector<16xi32>], vector<16xi32>, vector<16xi1>
        %shift_right_arithmetic3A_1751 = arith.constant 4 : i32
        %shift_right_arithmetic3A_1752 = vector.broadcast %shift_right_arithmetic3A_1751 : i32 to vector<16xi32>
        %shift_right_arithmetic3A_1753 = arith.shrsi %select_n3A_1736, %shift_right_arithmetic3A_1752 : vector<16xi32>
        %and3A_1754 = arith.constant 15 : i32
        %and3A_1755 = vector.broadcast %and3A_1754 : i32 to vector<16xi32>
        %and3A_1756 = arith.andi %select_n3A_1736, %and3A_1755 : vector<16xi32>
        %add3A_1757 = vector.broadcast %add3A_1086 : i32 to vector<16xi32>
        %add3A_1758 = arith.addi %add3A_1757, %iota3A : vector<16xi32>
        tpu.vector_store_idx %arg14[%shift_right_arithmetic3A_1753, %and3A_1756], %add3A_1758 masked %and3A_1733 : memref<32x16xi32, #tpu.memory_space<vmem>>[vector<16xi32>, vector<16xi32>], vector<16xi32>, vector<16xi1>
        %lt3A_1759 = arith.constant 0 : i32
        %lt3A_1760 = vector.broadcast %lt3A_1759 : i32 to vector<16xi32>
        %lt3A_1761 = arith.cmpi slt, %broadcast_in_dim3A_5, %lt3A_1760 : vector<16xi32>
        %add3A_1762 = arith.constant 16 : i32
        %add3A_1763 = vector.broadcast %add3A_1762 : i32 to vector<16xi32>
        %add3A_1764 = arith.addi %broadcast_in_dim3A_5, %add3A_1763 : vector<16xi32>
        %select_n3A_1765 = arith.select %lt3A_1761, %add3A_1764, %broadcast_in_dim3A_5 : vector<16xi1>, vector<16xi32>
        %broadcast_in_dim3A_1766 = vector.shape_cast %select_n3A_1765 : vector<16xi32> to vector<16x1xi32>
        %gather3A_1767 = vector.shape_cast %broadcast_in_dim3A_1766 : vector<16x1xi32> to vector<16xi32>
        %gather3A_1768 = tpu.dynamic_gather %masked_cumsum3A_1146[%gather3A_1767] in [0] : vector<16xi32>, vector<16xi32> -> vector<16xi32>
        %add3A_1769 = arith.addi %add3A_1725, %gather3A_1768 : vector<16xi32>
        %add3A_1770 = arith.addi %add3A_1769, %masked_cumsum3A_1150 : vector<16xi32>
        %sub3A_1771 = arith.constant 1 : i32
        %sub3A_1772 = vector.broadcast %sub3A_1771 : i32 to vector<16xi32>
        %sub3A_1773 = arith.subi %add3A_1770, %sub3A_1772 : vector<16xi32>
        %lt3A_1774 = arith.constant 512 : i32
        %lt3A_1775 = vector.broadcast %lt3A_1774 : i32 to vector<16xi32>
        %lt3A_1776 = arith.cmpi slt, %sub3A_1773, %lt3A_1775 : vector<16xi32>
        %and3A_1777 = arith.andi %ge3A_1057, %lt3A_1776 : vector<16xi1>
        %jit3A_1778 = arith.constant 0 : i32
        %broadcast_in_dim3A_1779 = vector.broadcast %jit3A_1778 : i32 to vector<16xi32>
        %select_n3A_1780 = arith.select %and3A_1777, %sub3A_1773, %broadcast_in_dim3A_1779 : vector<16xi1>, vector<16xi32>
        %bitcast_convert_type3A_1781 = tpu.bitcast %get3A_1038 : vector<16xf32> -> vector<16xi32>
        %shift_right_arithmetic3A_1782 = arith.constant 31 : i32
        %shift_right_arithmetic3A_1783 = vector.broadcast %shift_right_arithmetic3A_1782 : i32 to vector<16xi32>
        %shift_right_arithmetic3A_1784 = arith.shrsi %bitcast_convert_type3A_1781, %shift_right_arithmetic3A_1783 : vector<16xi32>
        %and3A_1785 = arith.constant 2147483647 : i32
        %and3A_1786 = vector.broadcast %and3A_1785 : i32 to vector<16xi32>
        %and3A_1787 = arith.andi %shift_right_arithmetic3A_1784, %and3A_1786 : vector<16xi32>
        %xor3A_1788 = arith.xori %bitcast_convert_type3A_1781, %and3A_1787 : vector<16xi32>
        %shift_right_arithmetic3A_1789 = arith.constant 4 : i32
        %shift_right_arithmetic3A_1790 = vector.broadcast %shift_right_arithmetic3A_1789 : i32 to vector<16xi32>
        %shift_right_arithmetic3A_1791 = arith.shrsi %select_n3A_1780, %shift_right_arithmetic3A_1790 : vector<16xi32>
        %and3A_1792 = arith.constant 15 : i32
        %and3A_1793 = vector.broadcast %and3A_1792 : i32 to vector<16xi32>
        %and3A_1794 = arith.andi %select_n3A_1780, %and3A_1793 : vector<16xi32>
        tpu.vector_store_idx %arg13[%shift_right_arithmetic3A_1791, %and3A_1794], %xor3A_1788 masked %and3A_1777 : memref<32x16xi32, #tpu.memory_space<vmem>>[vector<16xi32>, vector<16xi32>], vector<16xi32>, vector<16xi1>
        %shift_right_arithmetic3A_1795 = arith.constant 4 : i32
        %shift_right_arithmetic3A_1796 = vector.broadcast %shift_right_arithmetic3A_1795 : i32 to vector<16xi32>
        %shift_right_arithmetic3A_1797 = arith.shrsi %select_n3A_1780, %shift_right_arithmetic3A_1796 : vector<16xi32>
        %and3A_1798 = arith.constant 15 : i32
        %and3A_1799 = vector.broadcast %and3A_1798 : i32 to vector<16xi32>
        %and3A_1800 = arith.andi %select_n3A_1780, %and3A_1799 : vector<16xi32>
        %add3A_1801 = vector.broadcast %add3A_1088 : i32 to vector<16xi32>
        %add3A_1802 = arith.addi %add3A_1801, %iota3A : vector<16xi32>
        tpu.vector_store_idx %arg14[%shift_right_arithmetic3A_1797, %and3A_1800], %add3A_1802 masked %and3A_1777 : memref<32x16xi32, #tpu.memory_space<vmem>>[vector<16xi32>, vector<16xi32>], vector<16xi32>, vector<16xi1>
        %lt3A_1803 = arith.constant 0 : i32
        %lt3A_1804 = vector.broadcast %lt3A_1803 : i32 to vector<16xi32>
        %lt3A_1805 = arith.cmpi slt, %broadcast_in_dim3A_5, %lt3A_1804 : vector<16xi32>
        %add3A_1806 = arith.constant 16 : i32
        %add3A_1807 = vector.broadcast %add3A_1806 : i32 to vector<16xi32>
        %add3A_1808 = arith.addi %broadcast_in_dim3A_5, %add3A_1807 : vector<16xi32>
        %select_n3A_1809 = arith.select %lt3A_1805, %add3A_1808, %broadcast_in_dim3A_5 : vector<16xi1>, vector<16xi32>
        %broadcast_in_dim3A_1810 = vector.shape_cast %select_n3A_1809 : vector<16xi32> to vector<16x1xi32>
        %gather3A_1811 = vector.shape_cast %broadcast_in_dim3A_1810 : vector<16x1xi32> to vector<16xi32>
        %gather3A_1812 = tpu.dynamic_gather %masked_cumsum3A_1150[%gather3A_1811] in [0] : vector<16xi32>, vector<16xi32> -> vector<16xi32>
        %add3A_1813 = arith.addi %add3A_1769, %gather3A_1812 : vector<16xi32>
        %add3A_1814 = arith.addi %add3A_1813, %masked_cumsum3A_1154 : vector<16xi32>
        %sub3A_1815 = arith.constant 1 : i32
        %sub3A_1816 = vector.broadcast %sub3A_1815 : i32 to vector<16xi32>
        %sub3A_1817 = arith.subi %add3A_1814, %sub3A_1816 : vector<16xi32>
        %lt3A_1818 = arith.constant 512 : i32
        %lt3A_1819 = vector.broadcast %lt3A_1818 : i32 to vector<16xi32>
        %lt3A_1820 = arith.cmpi slt, %sub3A_1817, %lt3A_1819 : vector<16xi32>
        %and3A_1821 = arith.andi %ge3A_1058, %lt3A_1820 : vector<16xi1>
        %jit3A_1822 = arith.constant 0 : i32
        %broadcast_in_dim3A_1823 = vector.broadcast %jit3A_1822 : i32 to vector<16xi32>
        %select_n3A_1824 = arith.select %and3A_1821, %sub3A_1817, %broadcast_in_dim3A_1823 : vector<16xi1>, vector<16xi32>
        %bitcast_convert_type3A_1825 = tpu.bitcast %get3A_1042 : vector<16xf32> -> vector<16xi32>
        %shift_right_arithmetic3A_1826 = arith.constant 31 : i32
        %shift_right_arithmetic3A_1827 = vector.broadcast %shift_right_arithmetic3A_1826 : i32 to vector<16xi32>
        %shift_right_arithmetic3A_1828 = arith.shrsi %bitcast_convert_type3A_1825, %shift_right_arithmetic3A_1827 : vector<16xi32>
        %and3A_1829 = arith.constant 2147483647 : i32
        %and3A_1830 = vector.broadcast %and3A_1829 : i32 to vector<16xi32>
        %and3A_1831 = arith.andi %shift_right_arithmetic3A_1828, %and3A_1830 : vector<16xi32>
        %xor3A_1832 = arith.xori %bitcast_convert_type3A_1825, %and3A_1831 : vector<16xi32>
        %shift_right_arithmetic3A_1833 = arith.constant 4 : i32
        %shift_right_arithmetic3A_1834 = vector.broadcast %shift_right_arithmetic3A_1833 : i32 to vector<16xi32>
        %shift_right_arithmetic3A_1835 = arith.shrsi %select_n3A_1824, %shift_right_arithmetic3A_1834 : vector<16xi32>
        %and3A_1836 = arith.constant 15 : i32
        %and3A_1837 = vector.broadcast %and3A_1836 : i32 to vector<16xi32>
        %and3A_1838 = arith.andi %select_n3A_1824, %and3A_1837 : vector<16xi32>
        tpu.vector_store_idx %arg13[%shift_right_arithmetic3A_1835, %and3A_1838], %xor3A_1832 masked %and3A_1821 : memref<32x16xi32, #tpu.memory_space<vmem>>[vector<16xi32>, vector<16xi32>], vector<16xi32>, vector<16xi1>
        %shift_right_arithmetic3A_1839 = arith.constant 4 : i32
        %shift_right_arithmetic3A_1840 = vector.broadcast %shift_right_arithmetic3A_1839 : i32 to vector<16xi32>
        %shift_right_arithmetic3A_1841 = arith.shrsi %select_n3A_1824, %shift_right_arithmetic3A_1840 : vector<16xi32>
        %and3A_1842 = arith.constant 15 : i32
        %and3A_1843 = vector.broadcast %and3A_1842 : i32 to vector<16xi32>
        %and3A_1844 = arith.andi %select_n3A_1824, %and3A_1843 : vector<16xi32>
        %add3A_1845 = vector.broadcast %add3A_1090 : i32 to vector<16xi32>
        %add3A_1846 = arith.addi %add3A_1845, %iota3A : vector<16xi32>
        tpu.vector_store_idx %arg14[%shift_right_arithmetic3A_1841, %and3A_1844], %add3A_1846 masked %and3A_1821 : memref<32x16xi32, #tpu.memory_space<vmem>>[vector<16xi32>, vector<16xi32>], vector<16xi32>, vector<16xi1>
        %lt3A_1847 = arith.constant 0 : i32
        %lt3A_1848 = vector.broadcast %lt3A_1847 : i32 to vector<16xi32>
        %lt3A_1849 = arith.cmpi slt, %broadcast_in_dim3A_5, %lt3A_1848 : vector<16xi32>
        %add3A_1850 = arith.constant 16 : i32
        %add3A_1851 = vector.broadcast %add3A_1850 : i32 to vector<16xi32>
        %add3A_1852 = arith.addi %broadcast_in_dim3A_5, %add3A_1851 : vector<16xi32>
        %select_n3A_1853 = arith.select %lt3A_1849, %add3A_1852, %broadcast_in_dim3A_5 : vector<16xi1>, vector<16xi32>
        %broadcast_in_dim3A_1854 = vector.shape_cast %select_n3A_1853 : vector<16xi32> to vector<16x1xi32>
        %gather3A_1855 = vector.shape_cast %broadcast_in_dim3A_1854 : vector<16x1xi32> to vector<16xi32>
        %gather3A_1856 = tpu.dynamic_gather %masked_cumsum3A_1154[%gather3A_1855] in [0] : vector<16xi32>, vector<16xi32> -> vector<16xi32>
        %add3A_1857 = arith.addi %add3A_1813, %gather3A_1856 : vector<16xi32>
        scf.yield %add3A_1857 : vector<16xi32>
      } else {
        scf.yield %scan3A_957 : vector<16xi32>
      }
      scf.yield %cond3A_976 : vector<16xi32>
    }
    %scan3A_167 = arith.constant 319 : i32
    %get3A_168 = arith.constant 319 : i32
    %get3A_169 = arith.index_cast %get3A_168 : i32 to index
    %get3A_170 = arith.constant 0 : index
    %get3A_171 = tpu.vector_load %arg12[%get3A_169, %get3A_170] {strides = array<i32>} : memref<320x16xf32, #tpu.memory_space<vmem>>, vector<16xf32>,
    %ge3A_172 = arith.cmpf oge, %get3A_171, %broadcast_in_dim3A_152 : vector<16xf32>
    %reduce_or3A = arith.constant 1.000000e+00 : f32
    %reduce_or3A_173 = arith.constant 0.000000e+00 : f32
    %reduce_or3A_174 = vector.broadcast %reduce_or3A : f32 to vector<16xf32>
    %reduce_or3A_175 = vector.broadcast %reduce_or3A_173 : f32 to vector<16xf32>
    %reduce_or3A_176 = arith.select %ge3A_172, %reduce_or3A_174, %reduce_or3A_175 : vector<16xi1>, vector<16xf32>
    %reduce_or3A_177 = arith.constant true
    %reduce_or3A_178 = vector.broadcast %reduce_or3A_177 : i1 to vector<16xi1>
    %reduce_or3A_179 = tpu.scan <max>, %reduce_or3A_176 masked %reduce_or3A_178 : vector<16xf32>, vector<16xi1> -> vector<16xf32>
    %reduce_or3A_180 = vector.extract %reduce_or3A_179[15] : f32 from vector<16xf32>
    %reduce_or3A_181 = arith.constant 0.000000e+00 : f32
    %reduce_or3A_182 = arith.cmpf ogt, %reduce_or3A_180, %reduce_or3A_181 : f32
    %convert_element_type3A = arith.extui %reduce_or3A_182 : i1 to i32
    %cond3A = arith.constant 0 : i32
    %cond3A_183 = arith.cmpi ne, %convert_element_type3A, %cond3A : i32
    %cond3A_184 = scf.if %cond3A_183 -> (vector<16xi32>) {
      %get3A_956 = arith.constant 81664 : index
      %get3A_957 = tpu.vector_load %arg8[%get3A_956] {strides = array<i32>} : memref<81900xf32, #tpu.memory_space<vmem>>, vector<16xf32>,
      %get3A_958 = arith.constant 81680 : index
      %get3A_959 = tpu.vector_load %arg8[%get3A_958] {strides = array<i32>} : memref<81900xf32, #tpu.memory_space<vmem>>, vector<16xf32>,
      %get3A_960 = arith.constant 81696 : index
      %get3A_961 = tpu.vector_load %arg8[%get3A_960] {strides = array<i32>} : memref<81900xf32, #tpu.memory_space<vmem>>, vector<16xf32>,
      %get3A_962 = arith.constant 81712 : index
      %get3A_963 = tpu.vector_load %arg8[%get3A_962] {strides = array<i32>} : memref<81900xf32, #tpu.memory_space<vmem>>, vector<16xf32>,
      %get3A_964 = arith.constant 81728 : index
      %get3A_965 = tpu.vector_load %arg8[%get3A_964] {strides = array<i32>} : memref<81900xf32, #tpu.memory_space<vmem>>, vector<16xf32>,
      %get3A_966 = arith.constant 81744 : index
      %get3A_967 = tpu.vector_load %arg8[%get3A_966] {strides = array<i32>} : memref<81900xf32, #tpu.memory_space<vmem>>, vector<16xf32>,
      %get3A_968 = arith.constant 81760 : index
      %get3A_969 = tpu.vector_load %arg8[%get3A_968] {strides = array<i32>} : memref<81900xf32, #tpu.memory_space<vmem>>, vector<16xf32>,
      %get3A_970 = arith.constant 81776 : index
      %get3A_971 = tpu.vector_load %arg8[%get3A_970] {strides = array<i32>} : memref<81900xf32, #tpu.memory_space<vmem>>, vector<16xf32>,
      %get3A_972 = arith.constant 81792 : index
      %get3A_973 = tpu.vector_load %arg8[%get3A_972] {strides = array<i32>} : memref<81900xf32, #tpu.memory_space<vmem>>, vector<16xf32>,
      %get3A_974 = arith.constant 81808 : index
      %get3A_975 = tpu.vector_load %arg8[%get3A_974] {strides = array<i32>} : memref<81900xf32, #tpu.memory_space<vmem>>, vector<16xf32>,
      %get3A_976 = arith.constant 81824 : index
      %get3A_977 = tpu.vector_load %arg8[%get3A_976] {strides = array<i32>} : memref<81900xf32, #tpu.memory_space<vmem>>, vector<16xf32>,
      %get3A_978 = arith.constant 81840 : index
      %get3A_979 = tpu.vector_load %arg8[%get3A_978] {strides = array<i32>} : memref<81900xf32, #tpu.memory_space<vmem>>, vector<16xf32>,
      %get3A_980 = arith.constant 81856 : index
      %get3A_981 = tpu.vector_load %arg8[%get3A_980] {strides = array<i32>} : memref<81900xf32, #tpu.memory_space<vmem>>, vector<16xf32>,
      %get3A_982 = arith.constant 81872 : index
      %get3A_983 = tpu.vector_load %arg8[%get3A_982] {strides = array<i32>} : memref<81900xf32, #tpu.memory_space<vmem>>, vector<16xf32>,
      %get3A_984 = arith.constant 81884 : index
      %get3A_985 = tpu.vector_load %arg8[%get3A_984] {strides = array<i32>} : memref<81900xf32, #tpu.memory_space<vmem>>, vector<16xf32>,
      %ge3A_986 = arith.cmpf oge, %get3A_957, %broadcast_in_dim3A_152 : vector<16xf32>
      %ge3A_987 = arith.cmpf oge, %get3A_959, %broadcast_in_dim3A_152 : vector<16xf32>
      %ge3A_988 = arith.cmpf oge, %get3A_961, %broadcast_in_dim3A_152 : vector<16xf32>
      %ge3A_989 = arith.cmpf oge, %get3A_963, %broadcast_in_dim3A_152 : vector<16xf32>
      %ge3A_990 = arith.cmpf oge, %get3A_965, %broadcast_in_dim3A_152 : vector<16xf32>
      %ge3A_991 = arith.cmpf oge, %get3A_967, %broadcast_in_dim3A_152 : vector<16xf32>
      %ge3A_992 = arith.cmpf oge, %get3A_969, %broadcast_in_dim3A_152 : vector<16xf32>
      %ge3A_993 = arith.cmpf oge, %get3A_971, %broadcast_in_dim3A_152 : vector<16xf32>
      %ge3A_994 = arith.cmpf oge, %get3A_973, %broadcast_in_dim3A_152 : vector<16xf32>
      %ge3A_995 = arith.cmpf oge, %get3A_975, %broadcast_in_dim3A_152 : vector<16xf32>
      %ge3A_996 = arith.cmpf oge, %get3A_977, %broadcast_in_dim3A_152 : vector<16xf32>
      %ge3A_997 = arith.cmpf oge, %get3A_979, %broadcast_in_dim3A_152 : vector<16xf32>
      %ge3A_998 = arith.cmpf oge, %get3A_981, %broadcast_in_dim3A_152 : vector<16xf32>
      %ge3A_999 = arith.cmpf oge, %get3A_983, %broadcast_in_dim3A_152 : vector<16xf32>
      %ge3A_1000 = arith.cmpf oge, %get3A_985, %broadcast_in_dim3A_152 : vector<16xf32>
      %ge3A_1001 = arith.constant 4 : i32
      %ge3A_1002 = vector.broadcast %ge3A_1001 : i32 to vector<16xi32>
      %ge3A_1003 = arith.cmpi sge, %iota3A, %ge3A_1002 : vector<16xi32>
      %and3A_1004 = arith.andi %ge3A_1000, %ge3A_1003 : vector<16xi1>
      %convert_element_type3A_1005 = arith.extui %ge3A_986 : vector<16xi1> to vector<16xi32>
      %broadcast_in_dim3A_1006 = arith.constant true
      %broadcast_in_dim3A_1007 = vector.broadcast %broadcast_in_dim3A_1006 : i1 to vector<16xi1>
      %masked_cumsum3A_1008 = tpu.scan <sum>, %convert_element_type3A_1005 masked %broadcast_in_dim3A_1007 : vector<16xi32>, vector<16xi1> -> vector<16xi32>
      %convert_element_type3A_1009 = arith.extui %ge3A_987 : vector<16xi1> to vector<16xi32>
      %broadcast_in_dim3A_1010 = arith.constant true
      %broadcast_in_dim3A_1011 = vector.broadcast %broadcast_in_dim3A_1010 : i1 to vector<16xi1>
      %masked_cumsum3A_1012 = tpu.scan <sum>, %convert_element_type3A_1009 masked %broadcast_in_dim3A_1011 : vector<16xi32>, vector<16xi1> -> vector<16xi32>
      %convert_element_type3A_1013 = arith.extui %ge3A_988 : vector<16xi1> to vector<16xi32>
      %broadcast_in_dim3A_1014 = arith.constant true
      %broadcast_in_dim3A_1015 = vector.broadcast %broadcast_in_dim3A_1014 : i1 to vector<16xi1>
      %masked_cumsum3A_1016 = tpu.scan <sum>, %convert_element_type3A_1013 masked %broadcast_in_dim3A_1015 : vector<16xi32>, vector<16xi1> -> vector<16xi32>
      %convert_element_type3A_1017 = arith.extui %ge3A_989 : vector<16xi1> to vector<16xi32>
      %broadcast_in_dim3A_1018 = arith.constant true
      %broadcast_in_dim3A_1019 = vector.broadcast %broadcast_in_dim3A_1018 : i1 to vector<16xi1>
      %masked_cumsum3A_1020 = tpu.scan <sum>, %convert_element_type3A_1017 masked %broadcast_in_dim3A_1019 : vector<16xi32>, vector<16xi1> -> vector<16xi32>
      %convert_element_type3A_1021 = arith.extui %ge3A_990 : vector<16xi1> to vector<16xi32>
      %broadcast_in_dim3A_1022 = arith.constant true
      %broadcast_in_dim3A_1023 = vector.broadcast %broadcast_in_dim3A_1022 : i1 to vector<16xi1>
      %masked_cumsum3A_1024 = tpu.scan <sum>, %convert_element_type3A_1021 masked %broadcast_in_dim3A_1023 : vector<16xi32>, vector<16xi1> -> vector<16xi32>
      %convert_element_type3A_1025 = arith.extui %ge3A_991 : vector<16xi1> to vector<16xi32>
      %broadcast_in_dim3A_1026 = arith.constant true
      %broadcast_in_dim3A_1027 = vector.broadcast %broadcast_in_dim3A_1026 : i1 to vector<16xi1>
      %masked_cumsum3A_1028 = tpu.scan <sum>, %convert_element_type3A_1025 masked %broadcast_in_dim3A_1027 : vector<16xi32>, vector<16xi1> -> vector<16xi32>
      %convert_element_type3A_1029 = arith.extui %ge3A_992 : vector<16xi1> to vector<16xi32>
      %broadcast_in_dim3A_1030 = arith.constant true
      %broadcast_in_dim3A_1031 = vector.broadcast %broadcast_in_dim3A_1030 : i1 to vector<16xi1>
      %masked_cumsum3A_1032 = tpu.scan <sum>, %convert_element_type3A_1029 masked %broadcast_in_dim3A_1031 : vector<16xi32>, vector<16xi1> -> vector<16xi32>
      %convert_element_type3A_1033 = arith.extui %ge3A_993 : vector<16xi1> to vector<16xi32>
      %broadcast_in_dim3A_1034 = arith.constant true
      %broadcast_in_dim3A_1035 = vector.broadcast %broadcast_in_dim3A_1034 : i1 to vector<16xi1>
      %masked_cumsum3A_1036 = tpu.scan <sum>, %convert_element_type3A_1033 masked %broadcast_in_dim3A_1035 : vector<16xi32>, vector<16xi1> -> vector<16xi32>
      %convert_element_type3A_1037 = arith.extui %ge3A_994 : vector<16xi1> to vector<16xi32>
      %broadcast_in_dim3A_1038 = arith.constant true
      %broadcast_in_dim3A_1039 = vector.broadcast %broadcast_in_dim3A_1038 : i1 to vector<16xi1>
      %masked_cumsum3A_1040 = tpu.scan <sum>, %convert_element_type3A_1037 masked %broadcast_in_dim3A_1039 : vector<16xi32>, vector<16xi1> -> vector<16xi32>
      %convert_element_type3A_1041 = arith.extui %ge3A_995 : vector<16xi1> to vector<16xi32>
      %broadcast_in_dim3A_1042 = arith.constant true
      %broadcast_in_dim3A_1043 = vector.broadcast %broadcast_in_dim3A_1042 : i1 to vector<16xi1>
      %masked_cumsum3A_1044 = tpu.scan <sum>, %convert_element_type3A_1041 masked %broadcast_in_dim3A_1043 : vector<16xi32>, vector<16xi1> -> vector<16xi32>
      %convert_element_type3A_1045 = arith.extui %ge3A_996 : vector<16xi1> to vector<16xi32>
      %broadcast_in_dim3A_1046 = arith.constant true
      %broadcast_in_dim3A_1047 = vector.broadcast %broadcast_in_dim3A_1046 : i1 to vector<16xi1>
      %masked_cumsum3A_1048 = tpu.scan <sum>, %convert_element_type3A_1045 masked %broadcast_in_dim3A_1047 : vector<16xi32>, vector<16xi1> -> vector<16xi32>
      %convert_element_type3A_1049 = arith.extui %ge3A_997 : vector<16xi1> to vector<16xi32>
      %broadcast_in_dim3A_1050 = arith.constant true
      %broadcast_in_dim3A_1051 = vector.broadcast %broadcast_in_dim3A_1050 : i1 to vector<16xi1>
      %masked_cumsum3A_1052 = tpu.scan <sum>, %convert_element_type3A_1049 masked %broadcast_in_dim3A_1051 : vector<16xi32>, vector<16xi1> -> vector<16xi32>
      %convert_element_type3A_1053 = arith.extui %ge3A_998 : vector<16xi1> to vector<16xi32>
      %broadcast_in_dim3A_1054 = arith.constant true
      %broadcast_in_dim3A_1055 = vector.broadcast %broadcast_in_dim3A_1054 : i1 to vector<16xi1>
      %masked_cumsum3A_1056 = tpu.scan <sum>, %convert_element_type3A_1053 masked %broadcast_in_dim3A_1055 : vector<16xi32>, vector<16xi1> -> vector<16xi32>
      %convert_element_type3A_1057 = arith.extui %ge3A_999 : vector<16xi1> to vector<16xi32>
      %broadcast_in_dim3A_1058 = arith.constant true
      %broadcast_in_dim3A_1059 = vector.broadcast %broadcast_in_dim3A_1058 : i1 to vector<16xi1>
      %masked_cumsum3A_1060 = tpu.scan <sum>, %convert_element_type3A_1057 masked %broadcast_in_dim3A_1059 : vector<16xi32>, vector<16xi1> -> vector<16xi32>
      %convert_element_type3A_1061 = arith.extui %and3A_1004 : vector<16xi1> to vector<16xi32>
      %broadcast_in_dim3A_1062 = arith.constant true
      %broadcast_in_dim3A_1063 = vector.broadcast %broadcast_in_dim3A_1062 : i1 to vector<16xi1>
      %masked_cumsum3A_1064 = tpu.scan <sum>, %convert_element_type3A_1061 masked %broadcast_in_dim3A_1063 : vector<16xi32>, vector<16xi1> -> vector<16xi32>
      %add3A_1065 = arith.addi %scan3A_166, %masked_cumsum3A_1008 : vector<16xi32>
      %sub3A_1066 = arith.constant 1 : i32
      %sub3A_1067 = vector.broadcast %sub3A_1066 : i32 to vector<16xi32>
      %sub3A_1068 = arith.subi %add3A_1065, %sub3A_1067 : vector<16xi32>
      %lt3A_1069 = arith.constant 512 : i32
      %lt3A_1070 = vector.broadcast %lt3A_1069 : i32 to vector<16xi32>
      %lt3A_1071 = arith.cmpi slt, %sub3A_1068, %lt3A_1070 : vector<16xi32>
      %and3A_1072 = arith.andi %ge3A_986, %lt3A_1071 : vector<16xi1>
      %jit3A = arith.constant 0 : i32
      %broadcast_in_dim3A_1073 = vector.broadcast %jit3A : i32 to vector<16xi32>
      %select_n3A_1074 = arith.select %and3A_1072, %sub3A_1068, %broadcast_in_dim3A_1073 : vector<16xi1>, vector<16xi32>
      %bitcast_convert_type3A_1075 = tpu.bitcast %get3A_957 : vector<16xf32> -> vector<16xi32>
      %shift_right_arithmetic3A_1076 = arith.constant 31 : i32
      %shift_right_arithmetic3A_1077 = vector.broadcast %shift_right_arithmetic3A_1076 : i32 to vector<16xi32>
      %shift_right_arithmetic3A_1078 = arith.shrsi %bitcast_convert_type3A_1075, %shift_right_arithmetic3A_1077 : vector<16xi32>
      %and3A_1079 = arith.constant 2147483647 : i32
      %and3A_1080 = vector.broadcast %and3A_1079 : i32 to vector<16xi32>
      %and3A_1081 = arith.andi %shift_right_arithmetic3A_1078, %and3A_1080 : vector<16xi32>
      %xor3A_1082 = arith.xori %bitcast_convert_type3A_1075, %and3A_1081 : vector<16xi32>
      %shift_right_arithmetic3A_1083 = arith.constant 4 : i32
      %shift_right_arithmetic3A_1084 = vector.broadcast %shift_right_arithmetic3A_1083 : i32 to vector<16xi32>
      %shift_right_arithmetic3A_1085 = arith.shrsi %select_n3A_1074, %shift_right_arithmetic3A_1084 : vector<16xi32>
      %and3A_1086 = arith.constant 15 : i32
      %and3A_1087 = vector.broadcast %and3A_1086 : i32 to vector<16xi32>
      %and3A_1088 = arith.andi %select_n3A_1074, %and3A_1087 : vector<16xi32>
      tpu.vector_store_idx %arg13[%shift_right_arithmetic3A_1085, %and3A_1088], %xor3A_1082 masked %and3A_1072 : memref<32x16xi32, #tpu.memory_space<vmem>>[vector<16xi32>, vector<16xi32>], vector<16xi32>, vector<16xi1>
      %shift_right_arithmetic3A_1089 = arith.constant 4 : i32
      %shift_right_arithmetic3A_1090 = vector.broadcast %shift_right_arithmetic3A_1089 : i32 to vector<16xi32>
      %shift_right_arithmetic3A_1091 = arith.shrsi %select_n3A_1074, %shift_right_arithmetic3A_1090 : vector<16xi32>
      %and3A_1092 = arith.constant 15 : i32
      %and3A_1093 = vector.broadcast %and3A_1092 : i32 to vector<16xi32>
      %and3A_1094 = arith.andi %select_n3A_1074, %and3A_1093 : vector<16xi32>
      %add3A_1095 = arith.constant 81664 : i32
      %add3A_1096 = vector.broadcast %add3A_1095 : i32 to vector<16xi32>
      %add3A_1097 = arith.addi %add3A_1096, %iota3A : vector<16xi32>
      tpu.vector_store_idx %arg14[%shift_right_arithmetic3A_1091, %and3A_1094], %add3A_1097 masked %and3A_1072 : memref<32x16xi32, #tpu.memory_space<vmem>>[vector<16xi32>, vector<16xi32>], vector<16xi32>, vector<16xi1>
      %lt3A_1098 = arith.constant 0 : i32
      %lt3A_1099 = vector.broadcast %lt3A_1098 : i32 to vector<16xi32>
      %lt3A_1100 = arith.cmpi slt, %broadcast_in_dim3A_5, %lt3A_1099 : vector<16xi32>
      %add3A_1101 = arith.constant 16 : i32
      %add3A_1102 = vector.broadcast %add3A_1101 : i32 to vector<16xi32>
      %add3A_1103 = arith.addi %broadcast_in_dim3A_5, %add3A_1102 : vector<16xi32>
      %select_n3A_1104 = arith.select %lt3A_1100, %add3A_1103, %broadcast_in_dim3A_5 : vector<16xi1>, vector<16xi32>
      %broadcast_in_dim3A_1105 = vector.shape_cast %select_n3A_1104 : vector<16xi32> to vector<16x1xi32>
      %gather3A_1106 = vector.shape_cast %broadcast_in_dim3A_1105 : vector<16x1xi32> to vector<16xi32>
      %gather3A_1107 = tpu.dynamic_gather %masked_cumsum3A_1008[%gather3A_1106] in [0] : vector<16xi32>, vector<16xi32> -> vector<16xi32>
      %add3A_1108 = arith.addi %scan3A_166, %gather3A_1107 : vector<16xi32>
      %add3A_1109 = arith.addi %add3A_1108, %masked_cumsum3A_1012 : vector<16xi32>
      %sub3A_1110 = arith.constant 1 : i32
      %sub3A_1111 = vector.broadcast %sub3A_1110 : i32 to vector<16xi32>
      %sub3A_1112 = arith.subi %add3A_1109, %sub3A_1111 : vector<16xi32>
      %lt3A_1113 = arith.constant 512 : i32
      %lt3A_1114 = vector.broadcast %lt3A_1113 : i32 to vector<16xi32>
      %lt3A_1115 = arith.cmpi slt, %sub3A_1112, %lt3A_1114 : vector<16xi32>
      %and3A_1116 = arith.andi %ge3A_987, %lt3A_1115 : vector<16xi1>
      %jit3A_1117 = arith.constant 0 : i32
      %broadcast_in_dim3A_1118 = vector.broadcast %jit3A_1117 : i32 to vector<16xi32>
      %select_n3A_1119 = arith.select %and3A_1116, %sub3A_1112, %broadcast_in_dim3A_1118 : vector<16xi1>, vector<16xi32>
      %bitcast_convert_type3A_1120 = tpu.bitcast %get3A_959 : vector<16xf32> -> vector<16xi32>
      %shift_right_arithmetic3A_1121 = arith.constant 31 : i32
      %shift_right_arithmetic3A_1122 = vector.broadcast %shift_right_arithmetic3A_1121 : i32 to vector<16xi32>
      %shift_right_arithmetic3A_1123 = arith.shrsi %bitcast_convert_type3A_1120, %shift_right_arithmetic3A_1122 : vector<16xi32>
      %and3A_1124 = arith.constant 2147483647 : i32
      %and3A_1125 = vector.broadcast %and3A_1124 : i32 to vector<16xi32>
      %and3A_1126 = arith.andi %shift_right_arithmetic3A_1123, %and3A_1125 : vector<16xi32>
      %xor3A_1127 = arith.xori %bitcast_convert_type3A_1120, %and3A_1126 : vector<16xi32>
      %shift_right_arithmetic3A_1128 = arith.constant 4 : i32
      %shift_right_arithmetic3A_1129 = vector.broadcast %shift_right_arithmetic3A_1128 : i32 to vector<16xi32>
      %shift_right_arithmetic3A_1130 = arith.shrsi %select_n3A_1119, %shift_right_arithmetic3A_1129 : vector<16xi32>
      %and3A_1131 = arith.constant 15 : i32
      %and3A_1132 = vector.broadcast %and3A_1131 : i32 to vector<16xi32>
      %and3A_1133 = arith.andi %select_n3A_1119, %and3A_1132 : vector<16xi32>
      tpu.vector_store_idx %arg13[%shift_right_arithmetic3A_1130, %and3A_1133], %xor3A_1127 masked %and3A_1116 : memref<32x16xi32, #tpu.memory_space<vmem>>[vector<16xi32>, vector<16xi32>], vector<16xi32>, vector<16xi1>
      %shift_right_arithmetic3A_1134 = arith.constant 4 : i32
      %shift_right_arithmetic3A_1135 = vector.broadcast %shift_right_arithmetic3A_1134 : i32 to vector<16xi32>
      %shift_right_arithmetic3A_1136 = arith.shrsi %select_n3A_1119, %shift_right_arithmetic3A_1135 : vector<16xi32>
      %and3A_1137 = arith.constant 15 : i32
      %and3A_1138 = vector.broadcast %and3A_1137 : i32 to vector<16xi32>
      %and3A_1139 = arith.andi %select_n3A_1119, %and3A_1138 : vector<16xi32>
      %add3A_1140 = arith.constant 81680 : i32
      %add3A_1141 = vector.broadcast %add3A_1140 : i32 to vector<16xi32>
      %add3A_1142 = arith.addi %add3A_1141, %iota3A : vector<16xi32>
      tpu.vector_store_idx %arg14[%shift_right_arithmetic3A_1136, %and3A_1139], %add3A_1142 masked %and3A_1116 : memref<32x16xi32, #tpu.memory_space<vmem>>[vector<16xi32>, vector<16xi32>], vector<16xi32>, vector<16xi1>
      %lt3A_1143 = arith.constant 0 : i32
      %lt3A_1144 = vector.broadcast %lt3A_1143 : i32 to vector<16xi32>
      %lt3A_1145 = arith.cmpi slt, %broadcast_in_dim3A_5, %lt3A_1144 : vector<16xi32>
      %add3A_1146 = arith.constant 16 : i32
      %add3A_1147 = vector.broadcast %add3A_1146 : i32 to vector<16xi32>
      %add3A_1148 = arith.addi %broadcast_in_dim3A_5, %add3A_1147 : vector<16xi32>
      %select_n3A_1149 = arith.select %lt3A_1145, %add3A_1148, %broadcast_in_dim3A_5 : vector<16xi1>, vector<16xi32>
      %broadcast_in_dim3A_1150 = vector.shape_cast %select_n3A_1149 : vector<16xi32> to vector<16x1xi32>
      %gather3A_1151 = vector.shape_cast %broadcast_in_dim3A_1150 : vector<16x1xi32> to vector<16xi32>
      %gather3A_1152 = tpu.dynamic_gather %masked_cumsum3A_1012[%gather3A_1151] in [0] : vector<16xi32>, vector<16xi32> -> vector<16xi32>
      %add3A_1153 = arith.addi %add3A_1108, %gather3A_1152 : vector<16xi32>
      %add3A_1154 = arith.addi %add3A_1153, %masked_cumsum3A_1016 : vector<16xi32>
      %sub3A_1155 = arith.constant 1 : i32
      %sub3A_1156 = vector.broadcast %sub3A_1155 : i32 to vector<16xi32>
      %sub3A_1157 = arith.subi %add3A_1154, %sub3A_1156 : vector<16xi32>
      %lt3A_1158 = arith.constant 512 : i32
      %lt3A_1159 = vector.broadcast %lt3A_1158 : i32 to vector<16xi32>
      %lt3A_1160 = arith.cmpi slt, %sub3A_1157, %lt3A_1159 : vector<16xi32>
      %and3A_1161 = arith.andi %ge3A_988, %lt3A_1160 : vector<16xi1>
      %jit3A_1162 = arith.constant 0 : i32
      %broadcast_in_dim3A_1163 = vector.broadcast %jit3A_1162 : i32 to vector<16xi32>
      %select_n3A_1164 = arith.select %and3A_1161, %sub3A_1157, %broadcast_in_dim3A_1163 : vector<16xi1>, vector<16xi32>
      %bitcast_convert_type3A_1165 = tpu.bitcast %get3A_961 : vector<16xf32> -> vector<16xi32>
      %shift_right_arithmetic3A_1166 = arith.constant 31 : i32
      %shift_right_arithmetic3A_1167 = vector.broadcast %shift_right_arithmetic3A_1166 : i32 to vector<16xi32>
      %shift_right_arithmetic3A_1168 = arith.shrsi %bitcast_convert_type3A_1165, %shift_right_arithmetic3A_1167 : vector<16xi32>
      %and3A_1169 = arith.constant 2147483647 : i32
      %and3A_1170 = vector.broadcast %and3A_1169 : i32 to vector<16xi32>
      %and3A_1171 = arith.andi %shift_right_arithmetic3A_1168, %and3A_1170 : vector<16xi32>
      %xor3A_1172 = arith.xori %bitcast_convert_type3A_1165, %and3A_1171 : vector<16xi32>
      %shift_right_arithmetic3A_1173 = arith.constant 4 : i32
      %shift_right_arithmetic3A_1174 = vector.broadcast %shift_right_arithmetic3A_1173 : i32 to vector<16xi32>
      %shift_right_arithmetic3A_1175 = arith.shrsi %select_n3A_1164, %shift_right_arithmetic3A_1174 : vector<16xi32>
      %and3A_1176 = arith.constant 15 : i32
      %and3A_1177 = vector.broadcast %and3A_1176 : i32 to vector<16xi32>
      %and3A_1178 = arith.andi %select_n3A_1164, %and3A_1177 : vector<16xi32>
      tpu.vector_store_idx %arg13[%shift_right_arithmetic3A_1175, %and3A_1178], %xor3A_1172 masked %and3A_1161 : memref<32x16xi32, #tpu.memory_space<vmem>>[vector<16xi32>, vector<16xi32>], vector<16xi32>, vector<16xi1>
      %shift_right_arithmetic3A_1179 = arith.constant 4 : i32
      %shift_right_arithmetic3A_1180 = vector.broadcast %shift_right_arithmetic3A_1179 : i32 to vector<16xi32>
      %shift_right_arithmetic3A_1181 = arith.shrsi %select_n3A_1164, %shift_right_arithmetic3A_1180 : vector<16xi32>
      %and3A_1182 = arith.constant 15 : i32
      %and3A_1183 = vector.broadcast %and3A_1182 : i32 to vector<16xi32>
      %and3A_1184 = arith.andi %select_n3A_1164, %and3A_1183 : vector<16xi32>
      %add3A_1185 = arith.constant 81696 : i32
      %add3A_1186 = vector.broadcast %add3A_1185 : i32 to vector<16xi32>
      %add3A_1187 = arith.addi %add3A_1186, %iota3A : vector<16xi32>
      tpu.vector_store_idx %arg14[%shift_right_arithmetic3A_1181, %and3A_1184], %add3A_1187 masked %and3A_1161 : memref<32x16xi32, #tpu.memory_space<vmem>>[vector<16xi32>, vector<16xi32>], vector<16xi32>, vector<16xi1>
      %lt3A_1188 = arith.constant 0 : i32
      %lt3A_1189 = vector.broadcast %lt3A_1188 : i32 to vector<16xi32>
      %lt3A_1190 = arith.cmpi slt, %broadcast_in_dim3A_5, %lt3A_1189 : vector<16xi32>
      %add3A_1191 = arith.constant 16 : i32
      %add3A_1192 = vector.broadcast %add3A_1191 : i32 to vector<16xi32>
      %add3A_1193 = arith.addi %broadcast_in_dim3A_5, %add3A_1192 : vector<16xi32>
      %select_n3A_1194 = arith.select %lt3A_1190, %add3A_1193, %broadcast_in_dim3A_5 : vector<16xi1>, vector<16xi32>
      %broadcast_in_dim3A_1195 = vector.shape_cast %select_n3A_1194 : vector<16xi32> to vector<16x1xi32>
      %gather3A_1196 = vector.shape_cast %broadcast_in_dim3A_1195 : vector<16x1xi32> to vector<16xi32>
      %gather3A_1197 = tpu.dynamic_gather %masked_cumsum3A_1016[%gather3A_1196] in [0] : vector<16xi32>, vector<16xi32> -> vector<16xi32>
      %add3A_1198 = arith.addi %add3A_1153, %gather3A_1197 : vector<16xi32>
      %add3A_1199 = arith.addi %add3A_1198, %masked_cumsum3A_1020 : vector<16xi32>
      %sub3A_1200 = arith.constant 1 : i32
      %sub3A_1201 = vector.broadcast %sub3A_1200 : i32 to vector<16xi32>
      %sub3A_1202 = arith.subi %add3A_1199, %sub3A_1201 : vector<16xi32>
      %lt3A_1203 = arith.constant 512 : i32
      %lt3A_1204 = vector.broadcast %lt3A_1203 : i32 to vector<16xi32>
      %lt3A_1205 = arith.cmpi slt, %sub3A_1202, %lt3A_1204 : vector<16xi32>
      %and3A_1206 = arith.andi %ge3A_989, %lt3A_1205 : vector<16xi1>
      %jit3A_1207 = arith.constant 0 : i32
      %broadcast_in_dim3A_1208 = vector.broadcast %jit3A_1207 : i32 to vector<16xi32>
      %select_n3A_1209 = arith.select %and3A_1206, %sub3A_1202, %broadcast_in_dim3A_1208 : vector<16xi1>, vector<16xi32>
      %bitcast_convert_type3A_1210 = tpu.bitcast %get3A_963 : vector<16xf32> -> vector<16xi32>
      %shift_right_arithmetic3A_1211 = arith.constant 31 : i32
      %shift_right_arithmetic3A_1212 = vector.broadcast %shift_right_arithmetic3A_1211 : i32 to vector<16xi32>
      %shift_right_arithmetic3A_1213 = arith.shrsi %bitcast_convert_type3A_1210, %shift_right_arithmetic3A_1212 : vector<16xi32>
      %and3A_1214 = arith.constant 2147483647 : i32
      %and3A_1215 = vector.broadcast %and3A_1214 : i32 to vector<16xi32>
      %and3A_1216 = arith.andi %shift_right_arithmetic3A_1213, %and3A_1215 : vector<16xi32>
      %xor3A_1217 = arith.xori %bitcast_convert_type3A_1210, %and3A_1216 : vector<16xi32>
      %shift_right_arithmetic3A_1218 = arith.constant 4 : i32
      %shift_right_arithmetic3A_1219 = vector.broadcast %shift_right_arithmetic3A_1218 : i32 to vector<16xi32>
      %shift_right_arithmetic3A_1220 = arith.shrsi %select_n3A_1209, %shift_right_arithmetic3A_1219 : vector<16xi32>
      %and3A_1221 = arith.constant 15 : i32
      %and3A_1222 = vector.broadcast %and3A_1221 : i32 to vector<16xi32>
      %and3A_1223 = arith.andi %select_n3A_1209, %and3A_1222 : vector<16xi32>
      tpu.vector_store_idx %arg13[%shift_right_arithmetic3A_1220, %and3A_1223], %xor3A_1217 masked %and3A_1206 : memref<32x16xi32, #tpu.memory_space<vmem>>[vector<16xi32>, vector<16xi32>], vector<16xi32>, vector<16xi1>
      %shift_right_arithmetic3A_1224 = arith.constant 4 : i32
      %shift_right_arithmetic3A_1225 = vector.broadcast %shift_right_arithmetic3A_1224 : i32 to vector<16xi32>
      %shift_right_arithmetic3A_1226 = arith.shrsi %select_n3A_1209, %shift_right_arithmetic3A_1225 : vector<16xi32>
      %and3A_1227 = arith.constant 15 : i32
      %and3A_1228 = vector.broadcast %and3A_1227 : i32 to vector<16xi32>
      %and3A_1229 = arith.andi %select_n3A_1209, %and3A_1228 : vector<16xi32>
      %add3A_1230 = arith.constant 81712 : i32
      %add3A_1231 = vector.broadcast %add3A_1230 : i32 to vector<16xi32>
      %add3A_1232 = arith.addi %add3A_1231, %iota3A : vector<16xi32>
      tpu.vector_store_idx %arg14[%shift_right_arithmetic3A_1226, %and3A_1229], %add3A_1232 masked %and3A_1206 : memref<32x16xi32, #tpu.memory_space<vmem>>[vector<16xi32>, vector<16xi32>], vector<16xi32>, vector<16xi1>
      %lt3A_1233 = arith.constant 0 : i32
      %lt3A_1234 = vector.broadcast %lt3A_1233 : i32 to vector<16xi32>
      %lt3A_1235 = arith.cmpi slt, %broadcast_in_dim3A_5, %lt3A_1234 : vector<16xi32>
      %add3A_1236 = arith.constant 16 : i32
      %add3A_1237 = vector.broadcast %add3A_1236 : i32 to vector<16xi32>
      %add3A_1238 = arith.addi %broadcast_in_dim3A_5, %add3A_1237 : vector<16xi32>
      %select_n3A_1239 = arith.select %lt3A_1235, %add3A_1238, %broadcast_in_dim3A_5 : vector<16xi1>, vector<16xi32>
      %broadcast_in_dim3A_1240 = vector.shape_cast %select_n3A_1239 : vector<16xi32> to vector<16x1xi32>
      %gather3A_1241 = vector.shape_cast %broadcast_in_dim3A_1240 : vector<16x1xi32> to vector<16xi32>
      %gather3A_1242 = tpu.dynamic_gather %masked_cumsum3A_1020[%gather3A_1241] in [0] : vector<16xi32>, vector<16xi32> -> vector<16xi32>
      %add3A_1243 = arith.addi %add3A_1198, %gather3A_1242 : vector<16xi32>
      %add3A_1244 = arith.addi %add3A_1243, %masked_cumsum3A_1024 : vector<16xi32>
      %sub3A_1245 = arith.constant 1 : i32
      %sub3A_1246 = vector.broadcast %sub3A_1245 : i32 to vector<16xi32>
      %sub3A_1247 = arith.subi %add3A_1244, %sub3A_1246 : vector<16xi32>
      %lt3A_1248 = arith.constant 512 : i32
      %lt3A_1249 = vector.broadcast %lt3A_1248 : i32 to vector<16xi32>
      %lt3A_1250 = arith.cmpi slt, %sub3A_1247, %lt3A_1249 : vector<16xi32>
      %and3A_1251 = arith.andi %ge3A_990, %lt3A_1250 : vector<16xi1>
      %jit3A_1252 = arith.constant 0 : i32
      %broadcast_in_dim3A_1253 = vector.broadcast %jit3A_1252 : i32 to vector<16xi32>
      %select_n3A_1254 = arith.select %and3A_1251, %sub3A_1247, %broadcast_in_dim3A_1253 : vector<16xi1>, vector<16xi32>
      %bitcast_convert_type3A_1255 = tpu.bitcast %get3A_965 : vector<16xf32> -> vector<16xi32>
      %shift_right_arithmetic3A_1256 = arith.constant 31 : i32
      %shift_right_arithmetic3A_1257 = vector.broadcast %shift_right_arithmetic3A_1256 : i32 to vector<16xi32>
      %shift_right_arithmetic3A_1258 = arith.shrsi %bitcast_convert_type3A_1255, %shift_right_arithmetic3A_1257 : vector<16xi32>
      %and3A_1259 = arith.constant 2147483647 : i32
      %and3A_1260 = vector.broadcast %and3A_1259 : i32 to vector<16xi32>
      %and3A_1261 = arith.andi %shift_right_arithmetic3A_1258, %and3A_1260 : vector<16xi32>
      %xor3A_1262 = arith.xori %bitcast_convert_type3A_1255, %and3A_1261 : vector<16xi32>
      %shift_right_arithmetic3A_1263 = arith.constant 4 : i32
      %shift_right_arithmetic3A_1264 = vector.broadcast %shift_right_arithmetic3A_1263 : i32 to vector<16xi32>
      %shift_right_arithmetic3A_1265 = arith.shrsi %select_n3A_1254, %shift_right_arithmetic3A_1264 : vector<16xi32>
      %and3A_1266 = arith.constant 15 : i32
      %and3A_1267 = vector.broadcast %and3A_1266 : i32 to vector<16xi32>
      %and3A_1268 = arith.andi %select_n3A_1254, %and3A_1267 : vector<16xi32>
      tpu.vector_store_idx %arg13[%shift_right_arithmetic3A_1265, %and3A_1268], %xor3A_1262 masked %and3A_1251 : memref<32x16xi32, #tpu.memory_space<vmem>>[vector<16xi32>, vector<16xi32>], vector<16xi32>, vector<16xi1>
      %shift_right_arithmetic3A_1269 = arith.constant 4 : i32
      %shift_right_arithmetic3A_1270 = vector.broadcast %shift_right_arithmetic3A_1269 : i32 to vector<16xi32>
      %shift_right_arithmetic3A_1271 = arith.shrsi %select_n3A_1254, %shift_right_arithmetic3A_1270 : vector<16xi32>
      %and3A_1272 = arith.constant 15 : i32
      %and3A_1273 = vector.broadcast %and3A_1272 : i32 to vector<16xi32>
      %and3A_1274 = arith.andi %select_n3A_1254, %and3A_1273 : vector<16xi32>
      %add3A_1275 = arith.constant 81728 : i32
      %add3A_1276 = vector.broadcast %add3A_1275 : i32 to vector<16xi32>
      %add3A_1277 = arith.addi %add3A_1276, %iota3A : vector<16xi32>
      tpu.vector_store_idx %arg14[%shift_right_arithmetic3A_1271, %and3A_1274], %add3A_1277 masked %and3A_1251 : memref<32x16xi32, #tpu.memory_space<vmem>>[vector<16xi32>, vector<16xi32>], vector<16xi32>, vector<16xi1>
      %lt3A_1278 = arith.constant 0 : i32
      %lt3A_1279 = vector.broadcast %lt3A_1278 : i32 to vector<16xi32>
      %lt3A_1280 = arith.cmpi slt, %broadcast_in_dim3A_5, %lt3A_1279 : vector<16xi32>
      %add3A_1281 = arith.constant 16 : i32
      %add3A_1282 = vector.broadcast %add3A_1281 : i32 to vector<16xi32>
      %add3A_1283 = arith.addi %broadcast_in_dim3A_5, %add3A_1282 : vector<16xi32>
      %select_n3A_1284 = arith.select %lt3A_1280, %add3A_1283, %broadcast_in_dim3A_5 : vector<16xi1>, vector<16xi32>
      %broadcast_in_dim3A_1285 = vector.shape_cast %select_n3A_1284 : vector<16xi32> to vector<16x1xi32>
      %gather3A_1286 = vector.shape_cast %broadcast_in_dim3A_1285 : vector<16x1xi32> to vector<16xi32>
      %gather3A_1287 = tpu.dynamic_gather %masked_cumsum3A_1024[%gather3A_1286] in [0] : vector<16xi32>, vector<16xi32> -> vector<16xi32>
      %add3A_1288 = arith.addi %add3A_1243, %gather3A_1287 : vector<16xi32>
      %add3A_1289 = arith.addi %add3A_1288, %masked_cumsum3A_1028 : vector<16xi32>
      %sub3A_1290 = arith.constant 1 : i32
      %sub3A_1291 = vector.broadcast %sub3A_1290 : i32 to vector<16xi32>
      %sub3A_1292 = arith.subi %add3A_1289, %sub3A_1291 : vector<16xi32>
      %lt3A_1293 = arith.constant 512 : i32
      %lt3A_1294 = vector.broadcast %lt3A_1293 : i32 to vector<16xi32>
      %lt3A_1295 = arith.cmpi slt, %sub3A_1292, %lt3A_1294 : vector<16xi32>
      %and3A_1296 = arith.andi %ge3A_991, %lt3A_1295 : vector<16xi1>
      %jit3A_1297 = arith.constant 0 : i32
      %broadcast_in_dim3A_1298 = vector.broadcast %jit3A_1297 : i32 to vector<16xi32>
      %select_n3A_1299 = arith.select %and3A_1296, %sub3A_1292, %broadcast_in_dim3A_1298 : vector<16xi1>, vector<16xi32>
      %bitcast_convert_type3A_1300 = tpu.bitcast %get3A_967 : vector<16xf32> -> vector<16xi32>
      %shift_right_arithmetic3A_1301 = arith.constant 31 : i32
      %shift_right_arithmetic3A_1302 = vector.broadcast %shift_right_arithmetic3A_1301 : i32 to vector<16xi32>
      %shift_right_arithmetic3A_1303 = arith.shrsi %bitcast_convert_type3A_1300, %shift_right_arithmetic3A_1302 : vector<16xi32>
      %and3A_1304 = arith.constant 2147483647 : i32
      %and3A_1305 = vector.broadcast %and3A_1304 : i32 to vector<16xi32>
      %and3A_1306 = arith.andi %shift_right_arithmetic3A_1303, %and3A_1305 : vector<16xi32>
      %xor3A_1307 = arith.xori %bitcast_convert_type3A_1300, %and3A_1306 : vector<16xi32>
      %shift_right_arithmetic3A_1308 = arith.constant 4 : i32
      %shift_right_arithmetic3A_1309 = vector.broadcast %shift_right_arithmetic3A_1308 : i32 to vector<16xi32>
      %shift_right_arithmetic3A_1310 = arith.shrsi %select_n3A_1299, %shift_right_arithmetic3A_1309 : vector<16xi32>
      %and3A_1311 = arith.constant 15 : i32
      %and3A_1312 = vector.broadcast %and3A_1311 : i32 to vector<16xi32>
      %and3A_1313 = arith.andi %select_n3A_1299, %and3A_1312 : vector<16xi32>
      tpu.vector_store_idx %arg13[%shift_right_arithmetic3A_1310, %and3A_1313], %xor3A_1307 masked %and3A_1296 : memref<32x16xi32, #tpu.memory_space<vmem>>[vector<16xi32>, vector<16xi32>], vector<16xi32>, vector<16xi1>
      %shift_right_arithmetic3A_1314 = arith.constant 4 : i32
      %shift_right_arithmetic3A_1315 = vector.broadcast %shift_right_arithmetic3A_1314 : i32 to vector<16xi32>
      %shift_right_arithmetic3A_1316 = arith.shrsi %select_n3A_1299, %shift_right_arithmetic3A_1315 : vector<16xi32>
      %and3A_1317 = arith.constant 15 : i32
      %and3A_1318 = vector.broadcast %and3A_1317 : i32 to vector<16xi32>
      %and3A_1319 = arith.andi %select_n3A_1299, %and3A_1318 : vector<16xi32>
      %add3A_1320 = arith.constant 81744 : i32
      %add3A_1321 = vector.broadcast %add3A_1320 : i32 to vector<16xi32>
      %add3A_1322 = arith.addi %add3A_1321, %iota3A : vector<16xi32>
      tpu.vector_store_idx %arg14[%shift_right_arithmetic3A_1316, %and3A_1319], %add3A_1322 masked %and3A_1296 : memref<32x16xi32, #tpu.memory_space<vmem>>[vector<16xi32>, vector<16xi32>], vector<16xi32>, vector<16xi1>
      %lt3A_1323 = arith.constant 0 : i32
      %lt3A_1324 = vector.broadcast %lt3A_1323 : i32 to vector<16xi32>
      %lt3A_1325 = arith.cmpi slt, %broadcast_in_dim3A_5, %lt3A_1324 : vector<16xi32>
      %add3A_1326 = arith.constant 16 : i32
      %add3A_1327 = vector.broadcast %add3A_1326 : i32 to vector<16xi32>
      %add3A_1328 = arith.addi %broadcast_in_dim3A_5, %add3A_1327 : vector<16xi32>
      %select_n3A_1329 = arith.select %lt3A_1325, %add3A_1328, %broadcast_in_dim3A_5 : vector<16xi1>, vector<16xi32>
      %broadcast_in_dim3A_1330 = vector.shape_cast %select_n3A_1329 : vector<16xi32> to vector<16x1xi32>
      %gather3A_1331 = vector.shape_cast %broadcast_in_dim3A_1330 : vector<16x1xi32> to vector<16xi32>
      %gather3A_1332 = tpu.dynamic_gather %masked_cumsum3A_1028[%gather3A_1331] in [0] : vector<16xi32>, vector<16xi32> -> vector<16xi32>
      %add3A_1333 = arith.addi %add3A_1288, %gather3A_1332 : vector<16xi32>
      %add3A_1334 = arith.addi %add3A_1333, %masked_cumsum3A_1032 : vector<16xi32>
      %sub3A_1335 = arith.constant 1 : i32
      %sub3A_1336 = vector.broadcast %sub3A_1335 : i32 to vector<16xi32>
      %sub3A_1337 = arith.subi %add3A_1334, %sub3A_1336 : vector<16xi32>
      %lt3A_1338 = arith.constant 512 : i32
      %lt3A_1339 = vector.broadcast %lt3A_1338 : i32 to vector<16xi32>
      %lt3A_1340 = arith.cmpi slt, %sub3A_1337, %lt3A_1339 : vector<16xi32>
      %and3A_1341 = arith.andi %ge3A_992, %lt3A_1340 : vector<16xi1>
      %jit3A_1342 = arith.constant 0 : i32
      %broadcast_in_dim3A_1343 = vector.broadcast %jit3A_1342 : i32 to vector<16xi32>
      %select_n3A_1344 = arith.select %and3A_1341, %sub3A_1337, %broadcast_in_dim3A_1343 : vector<16xi1>, vector<16xi32>
      %bitcast_convert_type3A_1345 = tpu.bitcast %get3A_969 : vector<16xf32> -> vector<16xi32>
      %shift_right_arithmetic3A_1346 = arith.constant 31 : i32
      %shift_right_arithmetic3A_1347 = vector.broadcast %shift_right_arithmetic3A_1346 : i32 to vector<16xi32>
      %shift_right_arithmetic3A_1348 = arith.shrsi %bitcast_convert_type3A_1345, %shift_right_arithmetic3A_1347 : vector<16xi32>
      %and3A_1349 = arith.constant 2147483647 : i32
      %and3A_1350 = vector.broadcast %and3A_1349 : i32 to vector<16xi32>
      %and3A_1351 = arith.andi %shift_right_arithmetic3A_1348, %and3A_1350 : vector<16xi32>
      %xor3A_1352 = arith.xori %bitcast_convert_type3A_1345, %and3A_1351 : vector<16xi32>
      %shift_right_arithmetic3A_1353 = arith.constant 4 : i32
      %shift_right_arithmetic3A_1354 = vector.broadcast %shift_right_arithmetic3A_1353 : i32 to vector<16xi32>
      %shift_right_arithmetic3A_1355 = arith.shrsi %select_n3A_1344, %shift_right_arithmetic3A_1354 : vector<16xi32>
      %and3A_1356 = arith.constant 15 : i32
      %and3A_1357 = vector.broadcast %and3A_1356 : i32 to vector<16xi32>
      %and3A_1358 = arith.andi %select_n3A_1344, %and3A_1357 : vector<16xi32>
      tpu.vector_store_idx %arg13[%shift_right_arithmetic3A_1355, %and3A_1358], %xor3A_1352 masked %and3A_1341 : memref<32x16xi32, #tpu.memory_space<vmem>>[vector<16xi32>, vector<16xi32>], vector<16xi32>, vector<16xi1>
      %shift_right_arithmetic3A_1359 = arith.constant 4 : i32
      %shift_right_arithmetic3A_1360 = vector.broadcast %shift_right_arithmetic3A_1359 : i32 to vector<16xi32>
      %shift_right_arithmetic3A_1361 = arith.shrsi %select_n3A_1344, %shift_right_arithmetic3A_1360 : vector<16xi32>
      %and3A_1362 = arith.constant 15 : i32
      %and3A_1363 = vector.broadcast %and3A_1362 : i32 to vector<16xi32>
      %and3A_1364 = arith.andi %select_n3A_1344, %and3A_1363 : vector<16xi32>
      %add3A_1365 = arith.constant 81760 : i32
      %add3A_1366 = vector.broadcast %add3A_1365 : i32 to vector<16xi32>
      %add3A_1367 = arith.addi %add3A_1366, %iota3A : vector<16xi32>
      tpu.vector_store_idx %arg14[%shift_right_arithmetic3A_1361, %and3A_1364], %add3A_1367 masked %and3A_1341 : memref<32x16xi32, #tpu.memory_space<vmem>>[vector<16xi32>, vector<16xi32>], vector<16xi32>, vector<16xi1>
      %lt3A_1368 = arith.constant 0 : i32
      %lt3A_1369 = vector.broadcast %lt3A_1368 : i32 to vector<16xi32>
      %lt3A_1370 = arith.cmpi slt, %broadcast_in_dim3A_5, %lt3A_1369 : vector<16xi32>
      %add3A_1371 = arith.constant 16 : i32
      %add3A_1372 = vector.broadcast %add3A_1371 : i32 to vector<16xi32>
      %add3A_1373 = arith.addi %broadcast_in_dim3A_5, %add3A_1372 : vector<16xi32>
      %select_n3A_1374 = arith.select %lt3A_1370, %add3A_1373, %broadcast_in_dim3A_5 : vector<16xi1>, vector<16xi32>
      %broadcast_in_dim3A_1375 = vector.shape_cast %select_n3A_1374 : vector<16xi32> to vector<16x1xi32>
      %gather3A_1376 = vector.shape_cast %broadcast_in_dim3A_1375 : vector<16x1xi32> to vector<16xi32>
      %gather3A_1377 = tpu.dynamic_gather %masked_cumsum3A_1032[%gather3A_1376] in [0] : vector<16xi32>, vector<16xi32> -> vector<16xi32>
      %add3A_1378 = arith.addi %add3A_1333, %gather3A_1377 : vector<16xi32>
      %add3A_1379 = arith.addi %add3A_1378, %masked_cumsum3A_1036 : vector<16xi32>
      %sub3A_1380 = arith.constant 1 : i32
      %sub3A_1381 = vector.broadcast %sub3A_1380 : i32 to vector<16xi32>
      %sub3A_1382 = arith.subi %add3A_1379, %sub3A_1381 : vector<16xi32>
      %lt3A_1383 = arith.constant 512 : i32
      %lt3A_1384 = vector.broadcast %lt3A_1383 : i32 to vector<16xi32>
      %lt3A_1385 = arith.cmpi slt, %sub3A_1382, %lt3A_1384 : vector<16xi32>
      %and3A_1386 = arith.andi %ge3A_993, %lt3A_1385 : vector<16xi1>
      %jit3A_1387 = arith.constant 0 : i32
      %broadcast_in_dim3A_1388 = vector.broadcast %jit3A_1387 : i32 to vector<16xi32>
      %select_n3A_1389 = arith.select %and3A_1386, %sub3A_1382, %broadcast_in_dim3A_1388 : vector<16xi1>, vector<16xi32>
      %bitcast_convert_type3A_1390 = tpu.bitcast %get3A_971 : vector<16xf32> -> vector<16xi32>
      %shift_right_arithmetic3A_1391 = arith.constant 31 : i32
      %shift_right_arithmetic3A_1392 = vector.broadcast %shift_right_arithmetic3A_1391 : i32 to vector<16xi32>
      %shift_right_arithmetic3A_1393 = arith.shrsi %bitcast_convert_type3A_1390, %shift_right_arithmetic3A_1392 : vector<16xi32>
      %and3A_1394 = arith.constant 2147483647 : i32
      %and3A_1395 = vector.broadcast %and3A_1394 : i32 to vector<16xi32>
      %and3A_1396 = arith.andi %shift_right_arithmetic3A_1393, %and3A_1395 : vector<16xi32>
      %xor3A_1397 = arith.xori %bitcast_convert_type3A_1390, %and3A_1396 : vector<16xi32>
      %shift_right_arithmetic3A_1398 = arith.constant 4 : i32
      %shift_right_arithmetic3A_1399 = vector.broadcast %shift_right_arithmetic3A_1398 : i32 to vector<16xi32>
      %shift_right_arithmetic3A_1400 = arith.shrsi %select_n3A_1389, %shift_right_arithmetic3A_1399 : vector<16xi32>
      %and3A_1401 = arith.constant 15 : i32
      %and3A_1402 = vector.broadcast %and3A_1401 : i32 to vector<16xi32>
      %and3A_1403 = arith.andi %select_n3A_1389, %and3A_1402 : vector<16xi32>
      tpu.vector_store_idx %arg13[%shift_right_arithmetic3A_1400, %and3A_1403], %xor3A_1397 masked %and3A_1386 : memref<32x16xi32, #tpu.memory_space<vmem>>[vector<16xi32>, vector<16xi32>], vector<16xi32>, vector<16xi1>
      %shift_right_arithmetic3A_1404 = arith.constant 4 : i32
      %shift_right_arithmetic3A_1405 = vector.broadcast %shift_right_arithmetic3A_1404 : i32 to vector<16xi32>
      %shift_right_arithmetic3A_1406 = arith.shrsi %select_n3A_1389, %shift_right_arithmetic3A_1405 : vector<16xi32>
      %and3A_1407 = arith.constant 15 : i32
      %and3A_1408 = vector.broadcast %and3A_1407 : i32 to vector<16xi32>
      %and3A_1409 = arith.andi %select_n3A_1389, %and3A_1408 : vector<16xi32>
      %add3A_1410 = arith.constant 81776 : i32
      %add3A_1411 = vector.broadcast %add3A_1410 : i32 to vector<16xi32>
      %add3A_1412 = arith.addi %add3A_1411, %iota3A : vector<16xi32>
      tpu.vector_store_idx %arg14[%shift_right_arithmetic3A_1406, %and3A_1409], %add3A_1412 masked %and3A_1386 : memref<32x16xi32, #tpu.memory_space<vmem>>[vector<16xi32>, vector<16xi32>], vector<16xi32>, vector<16xi1>
      %lt3A_1413 = arith.constant 0 : i32
      %lt3A_1414 = vector.broadcast %lt3A_1413 : i32 to vector<16xi32>
      %lt3A_1415 = arith.cmpi slt, %broadcast_in_dim3A_5, %lt3A_1414 : vector<16xi32>
      %add3A_1416 = arith.constant 16 : i32
      %add3A_1417 = vector.broadcast %add3A_1416 : i32 to vector<16xi32>
      %add3A_1418 = arith.addi %broadcast_in_dim3A_5, %add3A_1417 : vector<16xi32>
      %select_n3A_1419 = arith.select %lt3A_1415, %add3A_1418, %broadcast_in_dim3A_5 : vector<16xi1>, vector<16xi32>
      %broadcast_in_dim3A_1420 = vector.shape_cast %select_n3A_1419 : vector<16xi32> to vector<16x1xi32>
      %gather3A_1421 = vector.shape_cast %broadcast_in_dim3A_1420 : vector<16x1xi32> to vector<16xi32>
      %gather3A_1422 = tpu.dynamic_gather %masked_cumsum3A_1036[%gather3A_1421] in [0] : vector<16xi32>, vector<16xi32> -> vector<16xi32>
      %add3A_1423 = arith.addi %add3A_1378, %gather3A_1422 : vector<16xi32>
      %add3A_1424 = arith.addi %add3A_1423, %masked_cumsum3A_1040 : vector<16xi32>
      %sub3A_1425 = arith.constant 1 : i32
      %sub3A_1426 = vector.broadcast %sub3A_1425 : i32 to vector<16xi32>
      %sub3A_1427 = arith.subi %add3A_1424, %sub3A_1426 : vector<16xi32>
      %lt3A_1428 = arith.constant 512 : i32
      %lt3A_1429 = vector.broadcast %lt3A_1428 : i32 to vector<16xi32>
      %lt3A_1430 = arith.cmpi slt, %sub3A_1427, %lt3A_1429 : vector<16xi32>
      %and3A_1431 = arith.andi %ge3A_994, %lt3A_1430 : vector<16xi1>
      %jit3A_1432 = arith.constant 0 : i32
      %broadcast_in_dim3A_1433 = vector.broadcast %jit3A_1432 : i32 to vector<16xi32>
      %select_n3A_1434 = arith.select %and3A_1431, %sub3A_1427, %broadcast_in_dim3A_1433 : vector<16xi1>, vector<16xi32>
      %bitcast_convert_type3A_1435 = tpu.bitcast %get3A_973 : vector<16xf32> -> vector<16xi32>
      %shift_right_arithmetic3A_1436 = arith.constant 31 : i32
      %shift_right_arithmetic3A_1437 = vector.broadcast %shift_right_arithmetic3A_1436 : i32 to vector<16xi32>
      %shift_right_arithmetic3A_1438 = arith.shrsi %bitcast_convert_type3A_1435, %shift_right_arithmetic3A_1437 : vector<16xi32>
      %and3A_1439 = arith.constant 2147483647 : i32
      %and3A_1440 = vector.broadcast %and3A_1439 : i32 to vector<16xi32>
      %and3A_1441 = arith.andi %shift_right_arithmetic3A_1438, %and3A_1440 : vector<16xi32>
      %xor3A_1442 = arith.xori %bitcast_convert_type3A_1435, %and3A_1441 : vector<16xi32>
      %shift_right_arithmetic3A_1443 = arith.constant 4 : i32
      %shift_right_arithmetic3A_1444 = vector.broadcast %shift_right_arithmetic3A_1443 : i32 to vector<16xi32>
      %shift_right_arithmetic3A_1445 = arith.shrsi %select_n3A_1434, %shift_right_arithmetic3A_1444 : vector<16xi32>
      %and3A_1446 = arith.constant 15 : i32
      %and3A_1447 = vector.broadcast %and3A_1446 : i32 to vector<16xi32>
      %and3A_1448 = arith.andi %select_n3A_1434, %and3A_1447 : vector<16xi32>
      tpu.vector_store_idx %arg13[%shift_right_arithmetic3A_1445, %and3A_1448], %xor3A_1442 masked %and3A_1431 : memref<32x16xi32, #tpu.memory_space<vmem>>[vector<16xi32>, vector<16xi32>], vector<16xi32>, vector<16xi1>
      %shift_right_arithmetic3A_1449 = arith.constant 4 : i32
      %shift_right_arithmetic3A_1450 = vector.broadcast %shift_right_arithmetic3A_1449 : i32 to vector<16xi32>
      %shift_right_arithmetic3A_1451 = arith.shrsi %select_n3A_1434, %shift_right_arithmetic3A_1450 : vector<16xi32>
      %and3A_1452 = arith.constant 15 : i32
      %and3A_1453 = vector.broadcast %and3A_1452 : i32 to vector<16xi32>
      %and3A_1454 = arith.andi %select_n3A_1434, %and3A_1453 : vector<16xi32>
      %add3A_1455 = arith.constant 81792 : i32
      %add3A_1456 = vector.broadcast %add3A_1455 : i32 to vector<16xi32>
      %add3A_1457 = arith.addi %add3A_1456, %iota3A : vector<16xi32>
      tpu.vector_store_idx %arg14[%shift_right_arithmetic3A_1451, %and3A_1454], %add3A_1457 masked %and3A_1431 : memref<32x16xi32, #tpu.memory_space<vmem>>[vector<16xi32>, vector<16xi32>], vector<16xi32>, vector<16xi1>
      %lt3A_1458 = arith.constant 0 : i32
      %lt3A_1459 = vector.broadcast %lt3A_1458 : i32 to vector<16xi32>
      %lt3A_1460 = arith.cmpi slt, %broadcast_in_dim3A_5, %lt3A_1459 : vector<16xi32>
      %add3A_1461 = arith.constant 16 : i32
      %add3A_1462 = vector.broadcast %add3A_1461 : i32 to vector<16xi32>
      %add3A_1463 = arith.addi %broadcast_in_dim3A_5, %add3A_1462 : vector<16xi32>
      %select_n3A_1464 = arith.select %lt3A_1460, %add3A_1463, %broadcast_in_dim3A_5 : vector<16xi1>, vector<16xi32>
      %broadcast_in_dim3A_1465 = vector.shape_cast %select_n3A_1464 : vector<16xi32> to vector<16x1xi32>
      %gather3A_1466 = vector.shape_cast %broadcast_in_dim3A_1465 : vector<16x1xi32> to vector<16xi32>
      %gather3A_1467 = tpu.dynamic_gather %masked_cumsum3A_1040[%gather3A_1466] in [0] : vector<16xi32>, vector<16xi32> -> vector<16xi32>
      %add3A_1468 = arith.addi %add3A_1423, %gather3A_1467 : vector<16xi32>
      %add3A_1469 = arith.addi %add3A_1468, %masked_cumsum3A_1044 : vector<16xi32>
      %sub3A_1470 = arith.constant 1 : i32
      %sub3A_1471 = vector.broadcast %sub3A_1470 : i32 to vector<16xi32>
      %sub3A_1472 = arith.subi %add3A_1469, %sub3A_1471 : vector<16xi32>
      %lt3A_1473 = arith.constant 512 : i32
      %lt3A_1474 = vector.broadcast %lt3A_1473 : i32 to vector<16xi32>
      %lt3A_1475 = arith.cmpi slt, %sub3A_1472, %lt3A_1474 : vector<16xi32>
      %and3A_1476 = arith.andi %ge3A_995, %lt3A_1475 : vector<16xi1>
      %jit3A_1477 = arith.constant 0 : i32
      %broadcast_in_dim3A_1478 = vector.broadcast %jit3A_1477 : i32 to vector<16xi32>
      %select_n3A_1479 = arith.select %and3A_1476, %sub3A_1472, %broadcast_in_dim3A_1478 : vector<16xi1>, vector<16xi32>
      %bitcast_convert_type3A_1480 = tpu.bitcast %get3A_975 : vector<16xf32> -> vector<16xi32>
      %shift_right_arithmetic3A_1481 = arith.constant 31 : i32
      %shift_right_arithmetic3A_1482 = vector.broadcast %shift_right_arithmetic3A_1481 : i32 to vector<16xi32>
      %shift_right_arithmetic3A_1483 = arith.shrsi %bitcast_convert_type3A_1480, %shift_right_arithmetic3A_1482 : vector<16xi32>
      %and3A_1484 = arith.constant 2147483647 : i32
      %and3A_1485 = vector.broadcast %and3A_1484 : i32 to vector<16xi32>
      %and3A_1486 = arith.andi %shift_right_arithmetic3A_1483, %and3A_1485 : vector<16xi32>
      %xor3A_1487 = arith.xori %bitcast_convert_type3A_1480, %and3A_1486 : vector<16xi32>
      %shift_right_arithmetic3A_1488 = arith.constant 4 : i32
      %shift_right_arithmetic3A_1489 = vector.broadcast %shift_right_arithmetic3A_1488 : i32 to vector<16xi32>
      %shift_right_arithmetic3A_1490 = arith.shrsi %select_n3A_1479, %shift_right_arithmetic3A_1489 : vector<16xi32>
      %and3A_1491 = arith.constant 15 : i32
      %and3A_1492 = vector.broadcast %and3A_1491 : i32 to vector<16xi32>
      %and3A_1493 = arith.andi %select_n3A_1479, %and3A_1492 : vector<16xi32>
      tpu.vector_store_idx %arg13[%shift_right_arithmetic3A_1490, %and3A_1493], %xor3A_1487 masked %and3A_1476 : memref<32x16xi32, #tpu.memory_space<vmem>>[vector<16xi32>, vector<16xi32>], vector<16xi32>, vector<16xi1>
      %shift_right_arithmetic3A_1494 = arith.constant 4 : i32
      %shift_right_arithmetic3A_1495 = vector.broadcast %shift_right_arithmetic3A_1494 : i32 to vector<16xi32>
      %shift_right_arithmetic3A_1496 = arith.shrsi %select_n3A_1479, %shift_right_arithmetic3A_1495 : vector<16xi32>
      %and3A_1497 = arith.constant 15 : i32
      %and3A_1498 = vector.broadcast %and3A_1497 : i32 to vector<16xi32>
      %and3A_1499 = arith.andi %select_n3A_1479, %and3A_1498 : vector<16xi32>
      %add3A_1500 = arith.constant 81808 : i32
      %add3A_1501 = vector.broadcast %add3A_1500 : i32 to vector<16xi32>
      %add3A_1502 = arith.addi %add3A_1501, %iota3A : vector<16xi32>
      tpu.vector_store_idx %arg14[%shift_right_arithmetic3A_1496, %and3A_1499], %add3A_1502 masked %and3A_1476 : memref<32x16xi32, #tpu.memory_space<vmem>>[vector<16xi32>, vector<16xi32>], vector<16xi32>, vector<16xi1>
      %lt3A_1503 = arith.constant 0 : i32
      %lt3A_1504 = vector.broadcast %lt3A_1503 : i32 to vector<16xi32>
      %lt3A_1505 = arith.cmpi slt, %broadcast_in_dim3A_5, %lt3A_1504 : vector<16xi32>
      %add3A_1506 = arith.constant 16 : i32
      %add3A_1507 = vector.broadcast %add3A_1506 : i32 to vector<16xi32>
      %add3A_1508 = arith.addi %broadcast_in_dim3A_5, %add3A_1507 : vector<16xi32>
      %select_n3A_1509 = arith.select %lt3A_1505, %add3A_1508, %broadcast_in_dim3A_5 : vector<16xi1>, vector<16xi32>
      %broadcast_in_dim3A_1510 = vector.shape_cast %select_n3A_1509 : vector<16xi32> to vector<16x1xi32>
      %gather3A_1511 = vector.shape_cast %broadcast_in_dim3A_1510 : vector<16x1xi32> to vector<16xi32>
      %gather3A_1512 = tpu.dynamic_gather %masked_cumsum3A_1044[%gather3A_1511] in [0] : vector<16xi32>, vector<16xi32> -> vector<16xi32>
      %add3A_1513 = arith.addi %add3A_1468, %gather3A_1512 : vector<16xi32>
      %add3A_1514 = arith.addi %add3A_1513, %masked_cumsum3A_1048 : vector<16xi32>
      %sub3A_1515 = arith.constant 1 : i32
      %sub3A_1516 = vector.broadcast %sub3A_1515 : i32 to vector<16xi32>
      %sub3A_1517 = arith.subi %add3A_1514, %sub3A_1516 : vector<16xi32>
      %lt3A_1518 = arith.constant 512 : i32
      %lt3A_1519 = vector.broadcast %lt3A_1518 : i32 to vector<16xi32>
      %lt3A_1520 = arith.cmpi slt, %sub3A_1517, %lt3A_1519 : vector<16xi32>
      %and3A_1521 = arith.andi %ge3A_996, %lt3A_1520 : vector<16xi1>
      %jit3A_1522 = arith.constant 0 : i32
      %broadcast_in_dim3A_1523 = vector.broadcast %jit3A_1522 : i32 to vector<16xi32>
      %select_n3A_1524 = arith.select %and3A_1521, %sub3A_1517, %broadcast_in_dim3A_1523 : vector<16xi1>, vector<16xi32>
      %bitcast_convert_type3A_1525 = tpu.bitcast %get3A_977 : vector<16xf32> -> vector<16xi32>
      %shift_right_arithmetic3A_1526 = arith.constant 31 : i32
      %shift_right_arithmetic3A_1527 = vector.broadcast %shift_right_arithmetic3A_1526 : i32 to vector<16xi32>
      %shift_right_arithmetic3A_1528 = arith.shrsi %bitcast_convert_type3A_1525, %shift_right_arithmetic3A_1527 : vector<16xi32>
      %and3A_1529 = arith.constant 2147483647 : i32
      %and3A_1530 = vector.broadcast %and3A_1529 : i32 to vector<16xi32>
      %and3A_1531 = arith.andi %shift_right_arithmetic3A_1528, %and3A_1530 : vector<16xi32>
      %xor3A_1532 = arith.xori %bitcast_convert_type3A_1525, %and3A_1531 : vector<16xi32>
      %shift_right_arithmetic3A_1533 = arith.constant 4 : i32
      %shift_right_arithmetic3A_1534 = vector.broadcast %shift_right_arithmetic3A_1533 : i32 to vector<16xi32>
      %shift_right_arithmetic3A_1535 = arith.shrsi %select_n3A_1524, %shift_right_arithmetic3A_1534 : vector<16xi32>
      %and3A_1536 = arith.constant 15 : i32
      %and3A_1537 = vector.broadcast %and3A_1536 : i32 to vector<16xi32>
      %and3A_1538 = arith.andi %select_n3A_1524, %and3A_1537 : vector<16xi32>
      tpu.vector_store_idx %arg13[%shift_right_arithmetic3A_1535, %and3A_1538], %xor3A_1532 masked %and3A_1521 : memref<32x16xi32, #tpu.memory_space<vmem>>[vector<16xi32>, vector<16xi32>], vector<16xi32>, vector<16xi1>
      %shift_right_arithmetic3A_1539 = arith.constant 4 : i32
      %shift_right_arithmetic3A_1540 = vector.broadcast %shift_right_arithmetic3A_1539 : i32 to vector<16xi32>
      %shift_right_arithmetic3A_1541 = arith.shrsi %select_n3A_1524, %shift_right_arithmetic3A_1540 : vector<16xi32>
      %and3A_1542 = arith.constant 15 : i32
      %and3A_1543 = vector.broadcast %and3A_1542 : i32 to vector<16xi32>
      %and3A_1544 = arith.andi %select_n3A_1524, %and3A_1543 : vector<16xi32>
      %add3A_1545 = arith.constant 81824 : i32
      %add3A_1546 = vector.broadcast %add3A_1545 : i32 to vector<16xi32>
      %add3A_1547 = arith.addi %add3A_1546, %iota3A : vector<16xi32>
      tpu.vector_store_idx %arg14[%shift_right_arithmetic3A_1541, %and3A_1544], %add3A_1547 masked %and3A_1521 : memref<32x16xi32, #tpu.memory_space<vmem>>[vector<16xi32>, vector<16xi32>], vector<16xi32>, vector<16xi1>
      %lt3A_1548 = arith.constant 0 : i32
      %lt3A_1549 = vector.broadcast %lt3A_1548 : i32 to vector<16xi32>
      %lt3A_1550 = arith.cmpi slt, %broadcast_in_dim3A_5, %lt3A_1549 : vector<16xi32>
      %add3A_1551 = arith.constant 16 : i32
      %add3A_1552 = vector.broadcast %add3A_1551 : i32 to vector<16xi32>
      %add3A_1553 = arith.addi %broadcast_in_dim3A_5, %add3A_1552 : vector<16xi32>
      %select_n3A_1554 = arith.select %lt3A_1550, %add3A_1553, %broadcast_in_dim3A_5 : vector<16xi1>, vector<16xi32>
      %broadcast_in_dim3A_1555 = vector.shape_cast %select_n3A_1554 : vector<16xi32> to vector<16x1xi32>
      %gather3A_1556 = vector.shape_cast %broadcast_in_dim3A_1555 : vector<16x1xi32> to vector<16xi32>
      %gather3A_1557 = tpu.dynamic_gather %masked_cumsum3A_1048[%gather3A_1556] in [0] : vector<16xi32>, vector<16xi32> -> vector<16xi32>
      %add3A_1558 = arith.addi %add3A_1513, %gather3A_1557 : vector<16xi32>
      %add3A_1559 = arith.addi %add3A_1558, %masked_cumsum3A_1052 : vector<16xi32>
      %sub3A_1560 = arith.constant 1 : i32
      %sub3A_1561 = vector.broadcast %sub3A_1560 : i32 to vector<16xi32>
      %sub3A_1562 = arith.subi %add3A_1559, %sub3A_1561 : vector<16xi32>
      %lt3A_1563 = arith.constant 512 : i32
      %lt3A_1564 = vector.broadcast %lt3A_1563 : i32 to vector<16xi32>
      %lt3A_1565 = arith.cmpi slt, %sub3A_1562, %lt3A_1564 : vector<16xi32>
      %and3A_1566 = arith.andi %ge3A_997, %lt3A_1565 : vector<16xi1>
      %jit3A_1567 = arith.constant 0 : i32
      %broadcast_in_dim3A_1568 = vector.broadcast %jit3A_1567 : i32 to vector<16xi32>
      %select_n3A_1569 = arith.select %and3A_1566, %sub3A_1562, %broadcast_in_dim3A_1568 : vector<16xi1>, vector<16xi32>
      %bitcast_convert_type3A_1570 = tpu.bitcast %get3A_979 : vector<16xf32> -> vector<16xi32>
      %shift_right_arithmetic3A_1571 = arith.constant 31 : i32
      %shift_right_arithmetic3A_1572 = vector.broadcast %shift_right_arithmetic3A_1571 : i32 to vector<16xi32>
      %shift_right_arithmetic3A_1573 = arith.shrsi %bitcast_convert_type3A_1570, %shift_right_arithmetic3A_1572 : vector<16xi32>
      %and3A_1574 = arith.constant 2147483647 : i32
      %and3A_1575 = vector.broadcast %and3A_1574 : i32 to vector<16xi32>
      %and3A_1576 = arith.andi %shift_right_arithmetic3A_1573, %and3A_1575 : vector<16xi32>
      %xor3A_1577 = arith.xori %bitcast_convert_type3A_1570, %and3A_1576 : vector<16xi32>
      %shift_right_arithmetic3A_1578 = arith.constant 4 : i32
      %shift_right_arithmetic3A_1579 = vector.broadcast %shift_right_arithmetic3A_1578 : i32 to vector<16xi32>
      %shift_right_arithmetic3A_1580 = arith.shrsi %select_n3A_1569, %shift_right_arithmetic3A_1579 : vector<16xi32>
      %and3A_1581 = arith.constant 15 : i32
      %and3A_1582 = vector.broadcast %and3A_1581 : i32 to vector<16xi32>
      %and3A_1583 = arith.andi %select_n3A_1569, %and3A_1582 : vector<16xi32>
      tpu.vector_store_idx %arg13[%shift_right_arithmetic3A_1580, %and3A_1583], %xor3A_1577 masked %and3A_1566 : memref<32x16xi32, #tpu.memory_space<vmem>>[vector<16xi32>, vector<16xi32>], vector<16xi32>, vector<16xi1>
      %shift_right_arithmetic3A_1584 = arith.constant 4 : i32
      %shift_right_arithmetic3A_1585 = vector.broadcast %shift_right_arithmetic3A_1584 : i32 to vector<16xi32>
      %shift_right_arithmetic3A_1586 = arith.shrsi %select_n3A_1569, %shift_right_arithmetic3A_1585 : vector<16xi32>
      %and3A_1587 = arith.constant 15 : i32
      %and3A_1588 = vector.broadcast %and3A_1587 : i32 to vector<16xi32>
      %and3A_1589 = arith.andi %select_n3A_1569, %and3A_1588 : vector<16xi32>
      %add3A_1590 = arith.constant 81840 : i32
      %add3A_1591 = vector.broadcast %add3A_1590 : i32 to vector<16xi32>
      %add3A_1592 = arith.addi %add3A_1591, %iota3A : vector<16xi32>
      tpu.vector_store_idx %arg14[%shift_right_arithmetic3A_1586, %and3A_1589], %add3A_1592 masked %and3A_1566 : memref<32x16xi32, #tpu.memory_space<vmem>>[vector<16xi32>, vector<16xi32>], vector<16xi32>, vector<16xi1>
      %lt3A_1593 = arith.constant 0 : i32
      %lt3A_1594 = vector.broadcast %lt3A_1593 : i32 to vector<16xi32>
      %lt3A_1595 = arith.cmpi slt, %broadcast_in_dim3A_5, %lt3A_1594 : vector<16xi32>
      %add3A_1596 = arith.constant 16 : i32
      %add3A_1597 = vector.broadcast %add3A_1596 : i32 to vector<16xi32>
      %add3A_1598 = arith.addi %broadcast_in_dim3A_5, %add3A_1597 : vector<16xi32>
      %select_n3A_1599 = arith.select %lt3A_1595, %add3A_1598, %broadcast_in_dim3A_5 : vector<16xi1>, vector<16xi32>
      %broadcast_in_dim3A_1600 = vector.shape_cast %select_n3A_1599 : vector<16xi32> to vector<16x1xi32>
      %gather3A_1601 = vector.shape_cast %broadcast_in_dim3A_1600 : vector<16x1xi32> to vector<16xi32>
      %gather3A_1602 = tpu.dynamic_gather %masked_cumsum3A_1052[%gather3A_1601] in [0] : vector<16xi32>, vector<16xi32> -> vector<16xi32>
      %add3A_1603 = arith.addi %add3A_1558, %gather3A_1602 : vector<16xi32>
      %add3A_1604 = arith.addi %add3A_1603, %masked_cumsum3A_1056 : vector<16xi32>
      %sub3A_1605 = arith.constant 1 : i32
      %sub3A_1606 = vector.broadcast %sub3A_1605 : i32 to vector<16xi32>
      %sub3A_1607 = arith.subi %add3A_1604, %sub3A_1606 : vector<16xi32>
      %lt3A_1608 = arith.constant 512 : i32
      %lt3A_1609 = vector.broadcast %lt3A_1608 : i32 to vector<16xi32>
      %lt3A_1610 = arith.cmpi slt, %sub3A_1607, %lt3A_1609 : vector<16xi32>
      %and3A_1611 = arith.andi %ge3A_998, %lt3A_1610 : vector<16xi1>
      %jit3A_1612 = arith.constant 0 : i32
      %broadcast_in_dim3A_1613 = vector.broadcast %jit3A_1612 : i32 to vector<16xi32>
      %select_n3A_1614 = arith.select %and3A_1611, %sub3A_1607, %broadcast_in_dim3A_1613 : vector<16xi1>, vector<16xi32>
      %bitcast_convert_type3A_1615 = tpu.bitcast %get3A_981 : vector<16xf32> -> vector<16xi32>
      %shift_right_arithmetic3A_1616 = arith.constant 31 : i32
      %shift_right_arithmetic3A_1617 = vector.broadcast %shift_right_arithmetic3A_1616 : i32 to vector<16xi32>
      %shift_right_arithmetic3A_1618 = arith.shrsi %bitcast_convert_type3A_1615, %shift_right_arithmetic3A_1617 : vector<16xi32>
      %and3A_1619 = arith.constant 2147483647 : i32
      %and3A_1620 = vector.broadcast %and3A_1619 : i32 to vector<16xi32>
      %and3A_1621 = arith.andi %shift_right_arithmetic3A_1618, %and3A_1620 : vector<16xi32>
      %xor3A_1622 = arith.xori %bitcast_convert_type3A_1615, %and3A_1621 : vector<16xi32>
      %shift_right_arithmetic3A_1623 = arith.constant 4 : i32
      %shift_right_arithmetic3A_1624 = vector.broadcast %shift_right_arithmetic3A_1623 : i32 to vector<16xi32>
      %shift_right_arithmetic3A_1625 = arith.shrsi %select_n3A_1614, %shift_right_arithmetic3A_1624 : vector<16xi32>
      %and3A_1626 = arith.constant 15 : i32
      %and3A_1627 = vector.broadcast %and3A_1626 : i32 to vector<16xi32>
      %and3A_1628 = arith.andi %select_n3A_1614, %and3A_1627 : vector<16xi32>
      tpu.vector_store_idx %arg13[%shift_right_arithmetic3A_1625, %and3A_1628], %xor3A_1622 masked %and3A_1611 : memref<32x16xi32, #tpu.memory_space<vmem>>[vector<16xi32>, vector<16xi32>], vector<16xi32>, vector<16xi1>
      %shift_right_arithmetic3A_1629 = arith.constant 4 : i32
      %shift_right_arithmetic3A_1630 = vector.broadcast %shift_right_arithmetic3A_1629 : i32 to vector<16xi32>
      %shift_right_arithmetic3A_1631 = arith.shrsi %select_n3A_1614, %shift_right_arithmetic3A_1630 : vector<16xi32>
      %and3A_1632 = arith.constant 15 : i32
      %and3A_1633 = vector.broadcast %and3A_1632 : i32 to vector<16xi32>
      %and3A_1634 = arith.andi %select_n3A_1614, %and3A_1633 : vector<16xi32>
      %add3A_1635 = arith.constant 81856 : i32
      %add3A_1636 = vector.broadcast %add3A_1635 : i32 to vector<16xi32>
      %add3A_1637 = arith.addi %add3A_1636, %iota3A : vector<16xi32>
      tpu.vector_store_idx %arg14[%shift_right_arithmetic3A_1631, %and3A_1634], %add3A_1637 masked %and3A_1611 : memref<32x16xi32, #tpu.memory_space<vmem>>[vector<16xi32>, vector<16xi32>], vector<16xi32>, vector<16xi1>
      %lt3A_1638 = arith.constant 0 : i32
      %lt3A_1639 = vector.broadcast %lt3A_1638 : i32 to vector<16xi32>
      %lt3A_1640 = arith.cmpi slt, %broadcast_in_dim3A_5, %lt3A_1639 : vector<16xi32>
      %add3A_1641 = arith.constant 16 : i32
      %add3A_1642 = vector.broadcast %add3A_1641 : i32 to vector<16xi32>
      %add3A_1643 = arith.addi %broadcast_in_dim3A_5, %add3A_1642 : vector<16xi32>
      %select_n3A_1644 = arith.select %lt3A_1640, %add3A_1643, %broadcast_in_dim3A_5 : vector<16xi1>, vector<16xi32>
      %broadcast_in_dim3A_1645 = vector.shape_cast %select_n3A_1644 : vector<16xi32> to vector<16x1xi32>
      %gather3A_1646 = vector.shape_cast %broadcast_in_dim3A_1645 : vector<16x1xi32> to vector<16xi32>
      %gather3A_1647 = tpu.dynamic_gather %masked_cumsum3A_1056[%gather3A_1646] in [0] : vector<16xi32>, vector<16xi32> -> vector<16xi32>
      %add3A_1648 = arith.addi %add3A_1603, %gather3A_1647 : vector<16xi32>
      %add3A_1649 = arith.addi %add3A_1648, %masked_cumsum3A_1060 : vector<16xi32>
      %sub3A_1650 = arith.constant 1 : i32
      %sub3A_1651 = vector.broadcast %sub3A_1650 : i32 to vector<16xi32>
      %sub3A_1652 = arith.subi %add3A_1649, %sub3A_1651 : vector<16xi32>
      %lt3A_1653 = arith.constant 512 : i32
      %lt3A_1654 = vector.broadcast %lt3A_1653 : i32 to vector<16xi32>
      %lt3A_1655 = arith.cmpi slt, %sub3A_1652, %lt3A_1654 : vector<16xi32>
      %and3A_1656 = arith.andi %ge3A_999, %lt3A_1655 : vector<16xi1>
      %jit3A_1657 = arith.constant 0 : i32
      %broadcast_in_dim3A_1658 = vector.broadcast %jit3A_1657 : i32 to vector<16xi32>
      %select_n3A_1659 = arith.select %and3A_1656, %sub3A_1652, %broadcast_in_dim3A_1658 : vector<16xi1>, vector<16xi32>
      %bitcast_convert_type3A_1660 = tpu.bitcast %get3A_983 : vector<16xf32> -> vector<16xi32>
      %shift_right_arithmetic3A_1661 = arith.constant 31 : i32
      %shift_right_arithmetic3A_1662 = vector.broadcast %shift_right_arithmetic3A_1661 : i32 to vector<16xi32>
      %shift_right_arithmetic3A_1663 = arith.shrsi %bitcast_convert_type3A_1660, %shift_right_arithmetic3A_1662 : vector<16xi32>
      %and3A_1664 = arith.constant 2147483647 : i32
      %and3A_1665 = vector.broadcast %and3A_1664 : i32 to vector<16xi32>
      %and3A_1666 = arith.andi %shift_right_arithmetic3A_1663, %and3A_1665 : vector<16xi32>
      %xor3A_1667 = arith.xori %bitcast_convert_type3A_1660, %and3A_1666 : vector<16xi32>
      %shift_right_arithmetic3A_1668 = arith.constant 4 : i32
      %shift_right_arithmetic3A_1669 = vector.broadcast %shift_right_arithmetic3A_1668 : i32 to vector<16xi32>
      %shift_right_arithmetic3A_1670 = arith.shrsi %select_n3A_1659, %shift_right_arithmetic3A_1669 : vector<16xi32>
      %and3A_1671 = arith.constant 15 : i32
      %and3A_1672 = vector.broadcast %and3A_1671 : i32 to vector<16xi32>
      %and3A_1673 = arith.andi %select_n3A_1659, %and3A_1672 : vector<16xi32>
      tpu.vector_store_idx %arg13[%shift_right_arithmetic3A_1670, %and3A_1673], %xor3A_1667 masked %and3A_1656 : memref<32x16xi32, #tpu.memory_space<vmem>>[vector<16xi32>, vector<16xi32>], vector<16xi32>, vector<16xi1>
      %shift_right_arithmetic3A_1674 = arith.constant 4 : i32
      %shift_right_arithmetic3A_1675 = vector.broadcast %shift_right_arithmetic3A_1674 : i32 to vector<16xi32>
      %shift_right_arithmetic3A_1676 = arith.shrsi %select_n3A_1659, %shift_right_arithmetic3A_1675 : vector<16xi32>
      %and3A_1677 = arith.constant 15 : i32
      %and3A_1678 = vector.broadcast %and3A_1677 : i32 to vector<16xi32>
      %and3A_1679 = arith.andi %select_n3A_1659, %and3A_1678 : vector<16xi32>
      %add3A_1680 = arith.constant 81872 : i32
      %add3A_1681 = vector.broadcast %add3A_1680 : i32 to vector<16xi32>
      %add3A_1682 = arith.addi %add3A_1681, %iota3A : vector<16xi32>
      tpu.vector_store_idx %arg14[%shift_right_arithmetic3A_1676, %and3A_1679], %add3A_1682 masked %and3A_1656 : memref<32x16xi32, #tpu.memory_space<vmem>>[vector<16xi32>, vector<16xi32>], vector<16xi32>, vector<16xi1>
      %lt3A_1683 = arith.constant 0 : i32
      %lt3A_1684 = vector.broadcast %lt3A_1683 : i32 to vector<16xi32>
      %lt3A_1685 = arith.cmpi slt, %broadcast_in_dim3A_5, %lt3A_1684 : vector<16xi32>
      %add3A_1686 = arith.constant 16 : i32
      %add3A_1687 = vector.broadcast %add3A_1686 : i32 to vector<16xi32>
      %add3A_1688 = arith.addi %broadcast_in_dim3A_5, %add3A_1687 : vector<16xi32>
      %select_n3A_1689 = arith.select %lt3A_1685, %add3A_1688, %broadcast_in_dim3A_5 : vector<16xi1>, vector<16xi32>
      %broadcast_in_dim3A_1690 = vector.shape_cast %select_n3A_1689 : vector<16xi32> to vector<16x1xi32>
      %gather3A_1691 = vector.shape_cast %broadcast_in_dim3A_1690 : vector<16x1xi32> to vector<16xi32>
      %gather3A_1692 = tpu.dynamic_gather %masked_cumsum3A_1060[%gather3A_1691] in [0] : vector<16xi32>, vector<16xi32> -> vector<16xi32>
      %add3A_1693 = arith.addi %add3A_1648, %gather3A_1692 : vector<16xi32>
      %add3A_1694 = arith.addi %add3A_1693, %masked_cumsum3A_1064 : vector<16xi32>
      %sub3A_1695 = arith.constant 1 : i32
      %sub3A_1696 = vector.broadcast %sub3A_1695 : i32 to vector<16xi32>
      %sub3A_1697 = arith.subi %add3A_1694, %sub3A_1696 : vector<16xi32>
      %lt3A_1698 = arith.constant 512 : i32
      %lt3A_1699 = vector.broadcast %lt3A_1698 : i32 to vector<16xi32>
      %lt3A_1700 = arith.cmpi slt, %sub3A_1697, %lt3A_1699 : vector<16xi32>
      %and3A_1701 = arith.andi %and3A_1004, %lt3A_1700 : vector<16xi1>
      %jit3A_1702 = arith.constant 0 : i32
      %broadcast_in_dim3A_1703 = vector.broadcast %jit3A_1702 : i32 to vector<16xi32>
      %select_n3A_1704 = arith.select %and3A_1701, %sub3A_1697, %broadcast_in_dim3A_1703 : vector<16xi1>, vector<16xi32>
      %bitcast_convert_type3A_1705 = tpu.bitcast %get3A_985 : vector<16xf32> -> vector<16xi32>
      %shift_right_arithmetic3A_1706 = arith.constant 31 : i32
      %shift_right_arithmetic3A_1707 = vector.broadcast %shift_right_arithmetic3A_1706 : i32 to vector<16xi32>
      %shift_right_arithmetic3A_1708 = arith.shrsi %bitcast_convert_type3A_1705, %shift_right_arithmetic3A_1707 : vector<16xi32>
      %and3A_1709 = arith.constant 2147483647 : i32
      %and3A_1710 = vector.broadcast %and3A_1709 : i32 to vector<16xi32>
      %and3A_1711 = arith.andi %shift_right_arithmetic3A_1708, %and3A_1710 : vector<16xi32>
      %xor3A_1712 = arith.xori %bitcast_convert_type3A_1705, %and3A_1711 : vector<16xi32>
      %shift_right_arithmetic3A_1713 = arith.constant 4 : i32
      %shift_right_arithmetic3A_1714 = vector.broadcast %shift_right_arithmetic3A_1713 : i32 to vector<16xi32>
      %shift_right_arithmetic3A_1715 = arith.shrsi %select_n3A_1704, %shift_right_arithmetic3A_1714 : vector<16xi32>
      %and3A_1716 = arith.constant 15 : i32
      %and3A_1717 = vector.broadcast %and3A_1716 : i32 to vector<16xi32>
      %and3A_1718 = arith.andi %select_n3A_1704, %and3A_1717 : vector<16xi32>
      tpu.vector_store_idx %arg13[%shift_right_arithmetic3A_1715, %and3A_1718], %xor3A_1712 masked %and3A_1701 : memref<32x16xi32, #tpu.memory_space<vmem>>[vector<16xi32>, vector<16xi32>], vector<16xi32>, vector<16xi1>
      %shift_right_arithmetic3A_1719 = arith.constant 4 : i32
      %shift_right_arithmetic3A_1720 = vector.broadcast %shift_right_arithmetic3A_1719 : i32 to vector<16xi32>
      %shift_right_arithmetic3A_1721 = arith.shrsi %select_n3A_1704, %shift_right_arithmetic3A_1720 : vector<16xi32>
      %and3A_1722 = arith.constant 15 : i32
      %and3A_1723 = vector.broadcast %and3A_1722 : i32 to vector<16xi32>
      %and3A_1724 = arith.andi %select_n3A_1704, %and3A_1723 : vector<16xi32>
      %add3A_1725 = arith.constant 81884 : i32
      %add3A_1726 = vector.broadcast %add3A_1725 : i32 to vector<16xi32>
      %add3A_1727 = arith.addi %add3A_1726, %iota3A : vector<16xi32>
      tpu.vector_store_idx %arg14[%shift_right_arithmetic3A_1721, %and3A_1724], %add3A_1727 masked %and3A_1701 : memref<32x16xi32, #tpu.memory_space<vmem>>[vector<16xi32>, vector<16xi32>], vector<16xi32>, vector<16xi1>
      %lt3A_1728 = arith.constant 0 : i32
      %lt3A_1729 = vector.broadcast %lt3A_1728 : i32 to vector<16xi32>
      %lt3A_1730 = arith.cmpi slt, %broadcast_in_dim3A_5, %lt3A_1729 : vector<16xi32>
      %add3A_1731 = arith.constant 16 : i32
      %add3A_1732 = vector.broadcast %add3A_1731 : i32 to vector<16xi32>
      %add3A_1733 = arith.addi %broadcast_in_dim3A_5, %add3A_1732 : vector<16xi32>
      %select_n3A_1734 = arith.select %lt3A_1730, %add3A_1733, %broadcast_in_dim3A_5 : vector<16xi1>, vector<16xi32>
      %broadcast_in_dim3A_1735 = vector.shape_cast %select_n3A_1734 : vector<16xi32> to vector<16x1xi32>
      %gather3A_1736 = vector.shape_cast %broadcast_in_dim3A_1735 : vector<16x1xi32> to vector<16xi32>
      %gather3A_1737 = tpu.dynamic_gather %masked_cumsum3A_1064[%gather3A_1736] in [0] : vector<16xi32>, vector<16xi32> -> vector<16xi32>
      %add3A_1738 = arith.addi %add3A_1693, %gather3A_1737 : vector<16xi32>
      scf.yield %add3A_1738 : vector<16xi32>
    } else {
      scf.yield %scan3A_166 : vector<16xi32>
    }
    %reduce_max3A_185 = arith.constant true
    %reduce_max3A_186 = vector.broadcast %reduce_max3A_185 : i1 to vector<16xi1>
    %reduce_max3A_187 = arith.constant -2147483648 : i32
    %reduce_max3A_188 = vector.broadcast %reduce_max3A_187 : i32 to vector<16xi32>
    %reduce_max3A_189 = arith.xori %cond3A_184, %reduce_max3A_188 : vector<16xi32>
    %reduce_max3A_190 = tpu.scan <max>, %reduce_max3A_189 masked %reduce_max3A_186 : vector<16xi32>, vector<16xi1> -> vector<16xi32>
    %reduce_max3A_191 = arith.xori %reduce_max3A_190, %reduce_max3A_188 : vector<16xi32>
    %reduce_max3A_192 = vector.extract %reduce_max3A_191[15] : i32 from vector<16xi32>
    %min3A = arith.constant 512 : i32
    %min3A_193 = arith.minsi %reduce_max3A_192, %min3A : i32
    %add3A_194 = arith.constant 15 : i32
    %add3A_195 = arith.addi %min3A_193, %add3A_194 : i32
    %shift_right_arithmetic3A_196 = arith.constant 4 : i32
    %shift_right_arithmetic3A_197 = arith.shrsi %add3A_195, %shift_right_arithmetic3A_196 : i32
    %scan3A_198 = arith.constant 0 : i32
    %scan3A_199 = arith.constant 0 : i32
    %scan3A_200 = arith.constant 8 : i32
    %scan3A_201 = arith.addi %scan3A_199, %scan3A_200 : i32
    %scan3A_202 = arith.constant 1 : i32
    %scan3A_203 = scf.for %scan3A_956 = %scan3A_199 to %scan3A_201 step %scan3A_202 iter_args(%scan3A_957 = %scan3A_198) -> (i32)  : i32 {
      %swap3A_958 = arith.index_cast %scan3A_956 : i32 to index
      %swap3A_959 = arith.constant 0 : index
      %swap3A_960 = tpu.vector_load %arg15[%swap3A_958, %swap3A_959] {strides = array<i32>} : memref<8x16xi32, #tpu.memory_space<vmem>>, vector<16xi32>,
      tpu.vector_store %arg15[%swap3A_958, %swap3A_959], %broadcast_in_dim3A_3 {strides = array<i32>} : memref<8x16xi32, #tpu.memory_space<vmem>>, vector<16xi32>,
      %broadcast_in_dim3A_961 = arith.constant 0 : i32
      %broadcast_in_dim3A_962 = vector.broadcast %broadcast_in_dim3A_961 : i32 to vector<16xi32>
      %swap3A_963 = arith.index_cast %scan3A_956 : i32 to index
      %swap3A_964 = arith.constant 0 : index
      %swap3A_965 = tpu.vector_load %arg16[%swap3A_963, %swap3A_964] {strides = array<i32>} : memref<8x16xi32, #tpu.memory_space<vmem>>, vector<16xi32>,
      tpu.vector_store %arg16[%swap3A_963, %swap3A_964], %broadcast_in_dim3A_962 {strides = array<i32>} : memref<8x16xi32, #tpu.memory_space<vmem>>, vector<16xi32>,
      %scan3A_966 = arith.constant 0 : i32
      scf.yield %scan3A_966 : i32
    }
    %scan3A_204 = arith.constant 8 : i32
    %eq3A = arith.constant 0 : i32
    %eq3A_205 = vector.broadcast %eq3A : i32 to vector<16xi32>
    %eq3A_206 = arith.cmpi eq, %iota3A, %eq3A_205 : vector<16xi32>
    %scan3A_207 = arith.constant 0 : i32
    %scan3A_208 = arith.constant 0 : i32
    %scan3A_209 = arith.constant 100 : i32
    %scan3A_210 = arith.addi %scan3A_208, %scan3A_209 : i32
    %scan3A_211 = arith.constant 1 : i32
    %scan3A_212 = scf.for %scan3A_956 = %scan3A_208 to %scan3A_210 step %scan3A_211 iter_args(%scan3A_957 = %scan3A_207) -> (i32)  : i32 {
      %broadcast_in_dim3A_958 = arith.constant 0 : i32
      %broadcast_in_dim3A_959 = vector.broadcast %broadcast_in_dim3A_958 : i32 to vector<16xi32>
      %while3A_960 = arith.constant 0 : i32
      %while3A_961 = arith.subi %shift_right_arithmetic3A_197, %while3A_960 : i32
      %while3A_962 = arith.addi %while3A_960, %while3A_961 : i32
      %while3A_963 = arith.constant 1 : i32
      %while3A_964 = arith.divsi %while3A_961, %while3A_963 : i32
      %while3A_965 = arith.muli %while3A_964, %while3A_963 : i32
      %while3A_966 = arith.addi %while3A_960, %while3A_965 : i32
      %while3A_967 = arith.constant 1 : i32
      %while3A_968:2 = scf.for %while3A_1029 = %while3A_960 to %while3A_966 step %while3A_967 iter_args(%while3A_1030 = %broadcast_in_dim3A_3, %while3A_1031 = %broadcast_in_dim3A_959) -> (vector<16xi32>, vector<16xi32>)  : i32 {
        %get3A_1032 = arith.index_cast %while3A_1029 : i32 to index
        %get3A_1033 = arith.constant 0 : index
        %get3A_1034 = tpu.vector_load %arg13[%get3A_1032, %get3A_1033] {strides = array<i32>} : memref<32x16xi32, #tpu.memory_space<vmem>>, vector<16xi32>,
        %gt3A = arith.cmpi sgt, %get3A_1034, %while3A_1030 : vector<16xi32>
        %select_n3A_1035 = arith.select %gt3A, %get3A_1034, %while3A_1030 : vector<16xi1>, vector<16xi32>
        %mul3A_1036 = arith.constant 16 : i32
        %mul3A_1037 = arith.muli %while3A_1029, %mul3A_1036 : i32
        %add3A_1038 = vector.broadcast %mul3A_1037 : i32 to vector<16xi32>
        %add3A_1039 = arith.addi %add3A_1038, %iota3A : vector<16xi32>
        %select_n3A_1040 = arith.select %gt3A, %add3A_1039, %while3A_1031 : vector<16xi1>, vector<16xi32>
        scf.yield %select_n3A_1035, %select_n3A_1040 : vector<16xi32>, vector<16xi32>
      }
      %while3A_969 = arith.constant 1 : i32
      %while3A_970:2 = scf.for %while3A_1029 = %while3A_966 to %while3A_962 step %while3A_969 iter_args(%while3A_1030 = %while3A_968#0, %while3A_1031 = %while3A_968#1) -> (vector<16xi32>, vector<16xi32>)  : i32 {
        %get3A_1032 = arith.index_cast %while3A_1029 : i32 to index
        %get3A_1033 = arith.constant 0 : index
        %get3A_1034 = tpu.vector_load %arg13[%get3A_1032, %get3A_1033] {strides = array<i32>} : memref<32x16xi32, #tpu.memory_space<vmem>>, vector<16xi32>,
        %gt3A = arith.cmpi sgt, %get3A_1034, %while3A_1030 : vector<16xi32>
        %select_n3A_1035 = arith.select %gt3A, %get3A_1034, %while3A_1030 : vector<16xi1>, vector<16xi32>
        %mul3A_1036 = arith.constant 16 : i32
        %mul3A_1037 = arith.muli %while3A_1029, %mul3A_1036 : i32
        %add3A_1038 = vector.broadcast %mul3A_1037 : i32 to vector<16xi32>
        %add3A_1039 = arith.addi %add3A_1038, %iota3A : vector<16xi32>
        %select_n3A_1040 = arith.select %gt3A, %add3A_1039, %while3A_1031 : vector<16xi1>, vector<16xi32>
        scf.yield %select_n3A_1035, %select_n3A_1040 : vector<16xi32>, vector<16xi32>
      }
      %broadcast_in_dim3A_971 = arith.constant true
      %broadcast_in_dim3A_972 = vector.broadcast %broadcast_in_dim3A_971 : i1 to vector<16xi1>
      %masked_cummax3A_973 = arith.constant -2147483648 : i32
      %masked_cummax3A_974 = vector.broadcast %masked_cummax3A_973 : i32 to vector<16xi32>
      %masked_cummax3A_975 = arith.xori %while3A_970#0, %masked_cummax3A_974 : vector<16xi32>
      %masked_cummax3A_976 = tpu.scan <max>, %masked_cummax3A_975 masked %broadcast_in_dim3A_972 : vector<16xi32>, vector<16xi1> -> vector<16xi32>
      %masked_cummax3A_977 = arith.xori %masked_cummax3A_976, %masked_cummax3A_974 : vector<16xi32>
      %lt3A_978 = arith.constant 0 : i32
      %lt3A_979 = vector.broadcast %lt3A_978 : i32 to vector<16xi32>
      %lt3A_980 = arith.cmpi slt, %broadcast_in_dim3A_5, %lt3A_979 : vector<16xi32>
      %add3A_981 = arith.constant 16 : i32
      %add3A_982 = vector.broadcast %add3A_981 : i32 to vector<16xi32>
      %add3A_983 = arith.addi %broadcast_in_dim3A_5, %add3A_982 : vector<16xi32>
      %select_n3A_984 = arith.select %lt3A_980, %add3A_983, %broadcast_in_dim3A_5 : vector<16xi1>, vector<16xi32>
      %broadcast_in_dim3A_985 = vector.shape_cast %select_n3A_984 : vector<16xi32> to vector<16x1xi32>
      %gather3A_986 = vector.shape_cast %broadcast_in_dim3A_985 : vector<16x1xi32> to vector<16xi32>
      %gather3A_987 = tpu.dynamic_gather %masked_cummax3A_977[%gather3A_986] in [0] : vector<16xi32>, vector<16xi32> -> vector<16xi32>
      %eq3A_988 = arith.cmpi eq, %while3A_970#0, %gather3A_987 : vector<16xi32>
      %jit3A = arith.constant 2147483647 : i32
      %broadcast_in_dim3A_989 = vector.broadcast %jit3A : i32 to vector<16xi32>
      %select_n3A_990 = arith.select %eq3A_988, %while3A_970#1, %broadcast_in_dim3A_989 : vector<16xi1>, vector<16xi32>
      %neg3A_991 = arith.constant 0 : i32
      %neg3A_992 = vector.broadcast %neg3A_991 : i32 to vector<16xi32>
      %neg3A_993 = arith.subi %neg3A_992, %select_n3A_990 : vector<16xi32>
      %broadcast_in_dim3A_994 = arith.constant true
      %broadcast_in_dim3A_995 = vector.broadcast %broadcast_in_dim3A_994 : i1 to vector<16xi1>
      %masked_cummax3A_996 = arith.constant -2147483648 : i32
      %masked_cummax3A_997 = vector.broadcast %masked_cummax3A_996 : i32 to vector<16xi32>
      %masked_cummax3A_998 = arith.xori %neg3A_993, %masked_cummax3A_997 : vector<16xi32>
      %masked_cummax3A_999 = tpu.scan <max>, %masked_cummax3A_998 masked %broadcast_in_dim3A_995 : vector<16xi32>, vector<16xi1> -> vector<16xi32>
      %masked_cummax3A_1000 = arith.xori %masked_cummax3A_999, %masked_cummax3A_997 : vector<16xi32>
      %lt3A_1001 = arith.constant 0 : i32
      %lt3A_1002 = vector.broadcast %lt3A_1001 : i32 to vector<16xi32>
      %lt3A_1003 = arith.cmpi slt, %broadcast_in_dim3A_5, %lt3A_1002 : vector<16xi32>
      %add3A_1004 = arith.constant 16 : i32
      %add3A_1005 = vector.broadcast %add3A_1004 : i32 to vector<16xi32>
      %add3A_1006 = arith.addi %broadcast_in_dim3A_5, %add3A_1005 : vector<16xi32>
      %select_n3A_1007 = arith.select %lt3A_1003, %add3A_1006, %broadcast_in_dim3A_5 : vector<16xi1>, vector<16xi32>
      %broadcast_in_dim3A_1008 = vector.shape_cast %select_n3A_1007 : vector<16xi32> to vector<16x1xi32>
      %gather3A_1009 = vector.shape_cast %broadcast_in_dim3A_1008 : vector<16x1xi32> to vector<16xi32>
      %gather3A_1010 = tpu.dynamic_gather %masked_cummax3A_1000[%gather3A_1009] in [0] : vector<16xi32>, vector<16xi32> -> vector<16xi32>
      %neg3A_1011 = arith.constant 0 : i32
      %neg3A_1012 = vector.broadcast %neg3A_1011 : i32 to vector<16xi32>
      %neg3A_1013 = arith.subi %neg3A_1012, %gather3A_1010 : vector<16xi32>
      %shift_right_arithmetic3A_1014 = arith.constant 4 : i32
      %shift_right_arithmetic3A_1015 = vector.broadcast %shift_right_arithmetic3A_1014 : i32 to vector<16xi32>
      %shift_right_arithmetic3A_1016 = arith.shrsi %neg3A_1013, %shift_right_arithmetic3A_1015 : vector<16xi32>
      %and3A_1017 = arith.constant 15 : i32
      %and3A_1018 = vector.broadcast %and3A_1017 : i32 to vector<16xi32>
      %and3A_1019 = arith.andi %neg3A_1013, %and3A_1018 : vector<16xi32>
      %gather3A_1020 = tpu.vector_load_idx %arg13[%shift_right_arithmetic3A_1016, %and3A_1019] : memref<32x16xi32, #tpu.memory_space<vmem>>[vector<16xi32>, vector<16xi32>], vector<16xi32>,
      %gather3A_1021 = tpu.vector_load_idx %arg14[%shift_right_arithmetic3A_1016, %and3A_1019] : memref<32x16xi32, #tpu.memory_space<vmem>>[vector<16xi32>, vector<16xi32>], vector<16xi32>,
      tpu.vector_store_idx %arg13[%shift_right_arithmetic3A_1016, %and3A_1019], %broadcast_in_dim3A_3 masked %eq3A_206 : memref<32x16xi32, #tpu.memory_space<vmem>>[vector<16xi32>, vector<16xi32>], vector<16xi32>, vector<16xi1>
      %shift_right_arithmetic3A_1022 = arith.constant 4 : i32
      %shift_right_arithmetic3A_1023 = arith.shrsi %scan3A_956, %shift_right_arithmetic3A_1022 : i32
      %broadcast_in_dim3A_1024 = vector.broadcast %shift_right_arithmetic3A_1023 : i32 to vector<16xi32>
      %and3A_1025 = arith.constant 15 : i32
      %and3A_1026 = arith.andi %scan3A_956, %and3A_1025 : i32
      %broadcast_in_dim3A_1027 = vector.broadcast %and3A_1026 : i32 to vector<16xi32>
      tpu.vector_store_idx %arg15[%broadcast_in_dim3A_1024, %broadcast_in_dim3A_1027], %gather3A_1020 masked %eq3A_206 : memref<8x16xi32, #tpu.memory_space<vmem>>[vector<16xi32>, vector<16xi32>], vector<16xi32>, vector<16xi1>
      tpu.vector_store_idx %arg16[%broadcast_in_dim3A_1024, %broadcast_in_dim3A_1027], %gather3A_1021 masked %eq3A_206 : memref<8x16xi32, #tpu.memory_space<vmem>>[vector<16xi32>, vector<16xi32>], vector<16xi32>, vector<16xi1>
      %scan3A_1028 = arith.constant 0 : i32
      scf.yield %scan3A_1028 : i32
    }
    %scan3A_213 = arith.constant 100 : i32
    %broadcast_in_dim3A_214 = vector.broadcast %add3A : i32 to vector<16xi32>
    %broadcast_in_dim3A_215 = arith.constant 0 : i32
    %broadcast_in_dim3A_216 = vector.broadcast %broadcast_in_dim3A_215 : i32 to vector<16xi32>
    %gather3A_217 = tpu.vector_load_idx %arg10[%broadcast_in_dim3A_214, %broadcast_in_dim3A_216] : memref<32x2xi32, #tpu.memory_space<vmem>>[vector<16xi32>, vector<16xi32>], vector<16xi32>,
    %convert_element_type3A_218 = arith.sitofp %gather3A_217 : vector<16xi32> to vector<16xf32>
    %broadcast_in_dim3A_219 = arith.constant 1 : i32
    %broadcast_in_dim3A_220 = vector.broadcast %broadcast_in_dim3A_219 : i32 to vector<16xi32>
    %gather3A_221 = tpu.vector_load_idx %arg10[%broadcast_in_dim3A_214, %broadcast_in_dim3A_220] : memref<32x2xi32, #tpu.memory_space<vmem>>[vector<16xi32>, vector<16xi32>], vector<16xi32>,
    %convert_element_type3A_222 = arith.sitofp %gather3A_221 : vector<16xi32> to vector<16xf32>
    %get3A_223 = arith.constant 0 : i32
    %get3A_224 = arith.index_cast %get3A_223 : i32 to index
    %get3A_225 = arith.constant 0 : index
    %get3A_226 = tpu.vector_load %arg15[%get3A_224, %get3A_225] {strides = array<i32>} : memref<8x16xi32, #tpu.memory_space<vmem>>, vector<16xi32>,
    %shift_right_arithmetic3A_227 = arith.constant 31 : i32
    %shift_right_arithmetic3A_228 = vector.broadcast %shift_right_arithmetic3A_227 : i32 to vector<16xi32>
    %shift_right_arithmetic3A_229 = arith.shrsi %get3A_226, %shift_right_arithmetic3A_228 : vector<16xi32>
    %and3A_230 = arith.constant 2147483647 : i32
    %and3A_231 = vector.broadcast %and3A_230 : i32 to vector<16xi32>
    %and3A_232 = arith.andi %shift_right_arithmetic3A_229, %and3A_231 : vector<16xi32>
    %xor3A_233 = arith.xori %get3A_226, %and3A_232 : vector<16xi32>
    %bitcast_convert_type3A_234 = tpu.bitcast %xor3A_233 : vector<16xi32> -> vector<16xf32>
    %neg3A = arith.constant 0.000000e+00 : f32
    %neg3A_235 = vector.broadcast %neg3A : f32 to vector<16xf32>
    %neg3A_236 = arith.subf %neg3A_235, %bitcast_convert_type3A_234 : vector<16xf32>
    %exp3A = math.exp %neg3A_236 : vector<16xf32>
    %add3A_237 = arith.constant 1.000000e+00 : f32
    %add3A_238 = vector.broadcast %add3A_237 : f32 to vector<16xf32>
    %add3A_239 = arith.addf %add3A_238, %exp3A : vector<16xf32>
    %div3A = arith.constant 1.000000e+00 : f32
    %div3A_240 = vector.broadcast %div3A : f32 to vector<16xf32>
    %div3A_241 = arith.divf %div3A_240, %add3A_239 : vector<16xf32>
    %get3A_242 = arith.constant 0 : i32
    %get3A_243 = arith.index_cast %get3A_242 : i32 to index
    %get3A_244 = arith.constant 0 : index
    %get3A_245 = tpu.vector_load %arg16[%get3A_243, %get3A_244] {strides = array<i32>} : memref<8x16xi32, #tpu.memory_space<vmem>>, vector<16xi32>,
    %convert_element_type3A_246 = arith.sitofp %get3A_245 : vector<16xi32> to vector<16xf32>
    %add3A_247 = arith.constant 5.000000e-01 : f32
    %add3A_248 = vector.broadcast %add3A_247 : f32 to vector<16xf32>
    %add3A_249 = arith.addf %convert_element_type3A_246, %add3A_248 : vector<16xf32>
    %mul3A_250 = arith.constant 0.0109890113 : f32
    %mul3A_251 = vector.broadcast %mul3A_250 : f32 to vector<16xf32>
    %mul3A_252 = arith.mulf %add3A_249, %mul3A_251 : vector<16xf32>
    %convert_element_type3A_253 = arith.fptosi %mul3A_252 : vector<16xf32> to vector<16xi32>
    %mul3A_254 = arith.constant 91 : i32
    %mul3A_255 = vector.broadcast %mul3A_254 : i32 to vector<16xi32>
    %mul3A_256 = arith.muli %convert_element_type3A_253, %mul3A_255 : vector<16xi32>
    %sub3A_257 = arith.subi %get3A_245, %mul3A_256 : vector<16xi32>
    %broadcast_in_dim3A_258 = arith.constant 0 : i32
    %broadcast_in_dim3A_259 = vector.broadcast %broadcast_in_dim3A_258 : i32 to vector<16xi32>
    %gather3A_260 = tpu.vector_load_idx %arg9[%convert_element_type3A_253, %broadcast_in_dim3A_259] : memref<900x4xf32, #tpu.memory_space<vmem>>[vector<16xi32>, vector<16xi32>], vector<16xf32>,
    %add3A_261 = arith.constant 1 : i32
    %add3A_262 = vector.broadcast %add3A_261 : i32 to vector<16xi32>
    %add3A_263 = arith.addi %broadcast_in_dim3A_259, %add3A_262 : vector<16xi32>
    %gather3A_264 = tpu.vector_load_idx %arg9[%convert_element_type3A_253, %add3A_263] : memref<900x4xf32, #tpu.memory_space<vmem>>[vector<16xi32>, vector<16xi32>], vector<16xf32>,
    %add3A_265 = arith.constant 2 : i32
    %add3A_266 = vector.broadcast %add3A_265 : i32 to vector<16xi32>
    %add3A_267 = arith.addi %broadcast_in_dim3A_259, %add3A_266 : vector<16xi32>
    %gather3A_268 = tpu.vector_load_idx %arg9[%convert_element_type3A_253, %add3A_267] : memref<900x4xf32, #tpu.memory_space<vmem>>[vector<16xi32>, vector<16xi32>], vector<16xf32>,
    %add3A_269 = arith.constant 3 : i32
    %add3A_270 = vector.broadcast %add3A_269 : i32 to vector<16xi32>
    %add3A_271 = arith.addi %broadcast_in_dim3A_259, %add3A_270 : vector<16xi32>
    %gather3A_272 = tpu.vector_load_idx %arg9[%convert_element_type3A_253, %add3A_271] : memref<900x4xf32, #tpu.memory_space<vmem>>[vector<16xi32>, vector<16xi32>], vector<16xf32>,
    %swap3A_273 = arith.constant 0 : index
    %swap3A_274 = tpu.vector_load %arg17[%swap3A_273] {strides = array<i32>} : memref<128xf32, #tpu.memory_space<vmem>>, vector<16xf32>,
    tpu.vector_store %arg17[%swap3A_273], %div3A_241 {strides = array<i32>} : memref<128xf32, #tpu.memory_space<vmem>>, vector<16xf32>,
    %swap3A_275 = arith.constant 0 : index
    %swap3A_276 = tpu.vector_load %arg18[%swap3A_275] {strides = array<i32>} : memref<128xi32, #tpu.memory_space<vmem>>, vector<16xi32>,
    tpu.vector_store %arg18[%swap3A_275], %sub3A_257 {strides = array<i32>} : memref<128xi32, #tpu.memory_space<vmem>>, vector<16xi32>,
    %add3A_277 = arith.constant 0 : i32
    %add3A_278 = vector.broadcast %add3A_277 : i32 to vector<16xi32>
    %add3A_279 = arith.addi %add3A_278, %iota3A : vector<16xi32>
    %mul3A_280 = arith.constant 4 : i32
    %mul3A_281 = vector.broadcast %mul3A_280 : i32 to vector<16xi32>
    %mul3A_282 = arith.muli %add3A_279, %mul3A_281 : vector<16xi32>
    %mul3A_283 = arith.constant 5.000000e-01 : f32
    %mul3A_284 = vector.broadcast %mul3A_283 : f32 to vector<16xf32>
    %mul3A_285 = arith.mulf %mul3A_284, %gather3A_268 : vector<16xf32>
    %sub3A_286 = arith.subf %gather3A_260, %mul3A_285 : vector<16xf32>
    %mul3A_287 = arith.mulf %sub3A_286, %convert_element_type3A_222 : vector<16xf32>
    tpu.vector_store_idx %arg19[%mul3A_282], %mul3A_287 : memref<512xf32, #tpu.memory_space<vmem>>[vector<16xi32>], vector<16xf32>,
    %add3A_288 = arith.constant 1 : i32
    %add3A_289 = vector.broadcast %add3A_288 : i32 to vector<16xi32>
    %add3A_290 = arith.addi %mul3A_282, %add3A_289 : vector<16xi32>
    %mul3A_291 = arith.constant 5.000000e-01 : f32
    %mul3A_292 = vector.broadcast %mul3A_291 : f32 to vector<16xf32>
    %mul3A_293 = arith.mulf %mul3A_292, %gather3A_272 : vector<16xf32>
    %sub3A_294 = arith.subf %gather3A_264, %mul3A_293 : vector<16xf32>
    %mul3A_295 = arith.mulf %sub3A_294, %convert_element_type3A_218 : vector<16xf32>
    tpu.vector_store_idx %arg19[%add3A_290], %mul3A_295 : memref<512xf32, #tpu.memory_space<vmem>>[vector<16xi32>], vector<16xf32>,
    %add3A_296 = arith.constant 2 : i32
    %add3A_297 = vector.broadcast %add3A_296 : i32 to vector<16xi32>
    %add3A_298 = arith.addi %mul3A_282, %add3A_297 : vector<16xi32>
    %mul3A_299 = arith.constant 5.000000e-01 : f32
    %mul3A_300 = vector.broadcast %mul3A_299 : f32 to vector<16xf32>
    %mul3A_301 = arith.mulf %mul3A_300, %gather3A_268 : vector<16xf32>
    %add3A_302 = arith.addf %gather3A_260, %mul3A_301 : vector<16xf32>
    %mul3A_303 = arith.mulf %add3A_302, %convert_element_type3A_222 : vector<16xf32>
    tpu.vector_store_idx %arg19[%add3A_298], %mul3A_303 : memref<512xf32, #tpu.memory_space<vmem>>[vector<16xi32>], vector<16xf32>,
    %add3A_304 = arith.constant 3 : i32
    %add3A_305 = vector.broadcast %add3A_304 : i32 to vector<16xi32>
    %add3A_306 = arith.addi %mul3A_282, %add3A_305 : vector<16xi32>
    %mul3A_307 = arith.constant 5.000000e-01 : f32
    %mul3A_308 = vector.broadcast %mul3A_307 : f32 to vector<16xf32>
    %mul3A_309 = arith.mulf %mul3A_308, %gather3A_272 : vector<16xf32>
    %add3A_310 = arith.addf %gather3A_264, %mul3A_309 : vector<16xf32>
    %mul3A_311 = arith.mulf %add3A_310, %convert_element_type3A_218 : vector<16xf32>
    tpu.vector_store_idx %arg19[%add3A_306], %mul3A_311 : memref<512xf32, #tpu.memory_space<vmem>>[vector<16xi32>], vector<16xf32>,
    %get3A_312 = arith.constant 1 : i32
    %get3A_313 = arith.index_cast %get3A_312 : i32 to index
    %get3A_314 = arith.constant 0 : index
    %get3A_315 = tpu.vector_load %arg15[%get3A_313, %get3A_314] {strides = array<i32>} : memref<8x16xi32, #tpu.memory_space<vmem>>, vector<16xi32>,
    %shift_right_arithmetic3A_316 = arith.constant 31 : i32
    %shift_right_arithmetic3A_317 = vector.broadcast %shift_right_arithmetic3A_316 : i32 to vector<16xi32>
    %shift_right_arithmetic3A_318 = arith.shrsi %get3A_315, %shift_right_arithmetic3A_317 : vector<16xi32>
    %and3A_319 = arith.constant 2147483647 : i32
    %and3A_320 = vector.broadcast %and3A_319 : i32 to vector<16xi32>
    %and3A_321 = arith.andi %shift_right_arithmetic3A_318, %and3A_320 : vector<16xi32>
    %xor3A_322 = arith.xori %get3A_315, %and3A_321 : vector<16xi32>
    %bitcast_convert_type3A_323 = tpu.bitcast %xor3A_322 : vector<16xi32> -> vector<16xf32>
    %neg3A_324 = arith.constant 0.000000e+00 : f32
    %neg3A_325 = vector.broadcast %neg3A_324 : f32 to vector<16xf32>
    %neg3A_326 = arith.subf %neg3A_325, %bitcast_convert_type3A_323 : vector<16xf32>
    %exp3A_327 = math.exp %neg3A_326 : vector<16xf32>
    %add3A_328 = arith.constant 1.000000e+00 : f32
    %add3A_329 = vector.broadcast %add3A_328 : f32 to vector<16xf32>
    %add3A_330 = arith.addf %add3A_329, %exp3A_327 : vector<16xf32>
    %div3A_331 = arith.constant 1.000000e+00 : f32
    %div3A_332 = vector.broadcast %div3A_331 : f32 to vector<16xf32>
    %div3A_333 = arith.divf %div3A_332, %add3A_330 : vector<16xf32>
    %get3A_334 = arith.constant 1 : i32
    %get3A_335 = arith.index_cast %get3A_334 : i32 to index
    %get3A_336 = arith.constant 0 : index
    %get3A_337 = tpu.vector_load %arg16[%get3A_335, %get3A_336] {strides = array<i32>} : memref<8x16xi32, #tpu.memory_space<vmem>>, vector<16xi32>,
    %convert_element_type3A_338 = arith.sitofp %get3A_337 : vector<16xi32> to vector<16xf32>
    %add3A_339 = arith.constant 5.000000e-01 : f32
    %add3A_340 = vector.broadcast %add3A_339 : f32 to vector<16xf32>
    %add3A_341 = arith.addf %convert_element_type3A_338, %add3A_340 : vector<16xf32>
    %mul3A_342 = arith.constant 0.0109890113 : f32
    %mul3A_343 = vector.broadcast %mul3A_342 : f32 to vector<16xf32>
    %mul3A_344 = arith.mulf %add3A_341, %mul3A_343 : vector<16xf32>
    %convert_element_type3A_345 = arith.fptosi %mul3A_344 : vector<16xf32> to vector<16xi32>
    %mul3A_346 = arith.constant 91 : i32
    %mul3A_347 = vector.broadcast %mul3A_346 : i32 to vector<16xi32>
    %mul3A_348 = arith.muli %convert_element_type3A_345, %mul3A_347 : vector<16xi32>
    %sub3A_349 = arith.subi %get3A_337, %mul3A_348 : vector<16xi32>
    %broadcast_in_dim3A_350 = arith.constant 0 : i32
    %broadcast_in_dim3A_351 = vector.broadcast %broadcast_in_dim3A_350 : i32 to vector<16xi32>
    %gather3A_352 = tpu.vector_load_idx %arg9[%convert_element_type3A_345, %broadcast_in_dim3A_351] : memref<900x4xf32, #tpu.memory_space<vmem>>[vector<16xi32>, vector<16xi32>], vector<16xf32>,
    %add3A_353 = arith.constant 1 : i32
    %add3A_354 = vector.broadcast %add3A_353 : i32 to vector<16xi32>
    %add3A_355 = arith.addi %broadcast_in_dim3A_351, %add3A_354 : vector<16xi32>
    %gather3A_356 = tpu.vector_load_idx %arg9[%convert_element_type3A_345, %add3A_355] : memref<900x4xf32, #tpu.memory_space<vmem>>[vector<16xi32>, vector<16xi32>], vector<16xf32>,
    %add3A_357 = arith.constant 2 : i32
    %add3A_358 = vector.broadcast %add3A_357 : i32 to vector<16xi32>
    %add3A_359 = arith.addi %broadcast_in_dim3A_351, %add3A_358 : vector<16xi32>
    %gather3A_360 = tpu.vector_load_idx %arg9[%convert_element_type3A_345, %add3A_359] : memref<900x4xf32, #tpu.memory_space<vmem>>[vector<16xi32>, vector<16xi32>], vector<16xf32>,
    %add3A_361 = arith.constant 3 : i32
    %add3A_362 = vector.broadcast %add3A_361 : i32 to vector<16xi32>
    %add3A_363 = arith.addi %broadcast_in_dim3A_351, %add3A_362 : vector<16xi32>
    %gather3A_364 = tpu.vector_load_idx %arg9[%convert_element_type3A_345, %add3A_363] : memref<900x4xf32, #tpu.memory_space<vmem>>[vector<16xi32>, vector<16xi32>], vector<16xf32>,
    %swap3A_365 = arith.constant 16 : index
    %swap3A_366 = tpu.vector_load %arg17[%swap3A_365] {strides = array<i32>} : memref<128xf32, #tpu.memory_space<vmem>>, vector<16xf32>,
    tpu.vector_store %arg17[%swap3A_365], %div3A_333 {strides = array<i32>} : memref<128xf32, #tpu.memory_space<vmem>>, vector<16xf32>,
    %swap3A_367 = arith.constant 16 : index
    %swap3A_368 = tpu.vector_load %arg18[%swap3A_367] {strides = array<i32>} : memref<128xi32, #tpu.memory_space<vmem>>, vector<16xi32>,
    tpu.vector_store %arg18[%swap3A_367], %sub3A_349 {strides = array<i32>} : memref<128xi32, #tpu.memory_space<vmem>>, vector<16xi32>,
    %add3A_369 = arith.constant 16 : i32
    %add3A_370 = vector.broadcast %add3A_369 : i32 to vector<16xi32>
    %add3A_371 = arith.addi %add3A_370, %iota3A : vector<16xi32>
    %mul3A_372 = arith.constant 4 : i32
    %mul3A_373 = vector.broadcast %mul3A_372 : i32 to vector<16xi32>
    %mul3A_374 = arith.muli %add3A_371, %mul3A_373 : vector<16xi32>
    %mul3A_375 = arith.constant 5.000000e-01 : f32
    %mul3A_376 = vector.broadcast %mul3A_375 : f32 to vector<16xf32>
    %mul3A_377 = arith.mulf %mul3A_376, %gather3A_360 : vector<16xf32>
    %sub3A_378 = arith.subf %gather3A_352, %mul3A_377 : vector<16xf32>
    %mul3A_379 = arith.mulf %sub3A_378, %convert_element_type3A_222 : vector<16xf32>
    tpu.vector_store_idx %arg19[%mul3A_374], %mul3A_379 : memref<512xf32, #tpu.memory_space<vmem>>[vector<16xi32>], vector<16xf32>,
    %add3A_380 = arith.constant 1 : i32
    %add3A_381 = vector.broadcast %add3A_380 : i32 to vector<16xi32>
    %add3A_382 = arith.addi %mul3A_374, %add3A_381 : vector<16xi32>
    %mul3A_383 = arith.constant 5.000000e-01 : f32
    %mul3A_384 = vector.broadcast %mul3A_383 : f32 to vector<16xf32>
    %mul3A_385 = arith.mulf %mul3A_384, %gather3A_364 : vector<16xf32>
    %sub3A_386 = arith.subf %gather3A_356, %mul3A_385 : vector<16xf32>
    %mul3A_387 = arith.mulf %sub3A_386, %convert_element_type3A_218 : vector<16xf32>
    tpu.vector_store_idx %arg19[%add3A_382], %mul3A_387 : memref<512xf32, #tpu.memory_space<vmem>>[vector<16xi32>], vector<16xf32>,
    %add3A_388 = arith.constant 2 : i32
    %add3A_389 = vector.broadcast %add3A_388 : i32 to vector<16xi32>
    %add3A_390 = arith.addi %mul3A_374, %add3A_389 : vector<16xi32>
    %mul3A_391 = arith.constant 5.000000e-01 : f32
    %mul3A_392 = vector.broadcast %mul3A_391 : f32 to vector<16xf32>
    %mul3A_393 = arith.mulf %mul3A_392, %gather3A_360 : vector<16xf32>
    %add3A_394 = arith.addf %gather3A_352, %mul3A_393 : vector<16xf32>
    %mul3A_395 = arith.mulf %add3A_394, %convert_element_type3A_222 : vector<16xf32>
    tpu.vector_store_idx %arg19[%add3A_390], %mul3A_395 : memref<512xf32, #tpu.memory_space<vmem>>[vector<16xi32>], vector<16xf32>,
    %add3A_396 = arith.constant 3 : i32
    %add3A_397 = vector.broadcast %add3A_396 : i32 to vector<16xi32>
    %add3A_398 = arith.addi %mul3A_374, %add3A_397 : vector<16xi32>
    %mul3A_399 = arith.constant 5.000000e-01 : f32
    %mul3A_400 = vector.broadcast %mul3A_399 : f32 to vector<16xf32>
    %mul3A_401 = arith.mulf %mul3A_400, %gather3A_364 : vector<16xf32>
    %add3A_402 = arith.addf %gather3A_356, %mul3A_401 : vector<16xf32>
    %mul3A_403 = arith.mulf %add3A_402, %convert_element_type3A_218 : vector<16xf32>
    tpu.vector_store_idx %arg19[%add3A_398], %mul3A_403 : memref<512xf32, #tpu.memory_space<vmem>>[vector<16xi32>], vector<16xf32>,
    %get3A_404 = arith.constant 2 : i32
    %get3A_405 = arith.index_cast %get3A_404 : i32 to index
    %get3A_406 = arith.constant 0 : index
    %get3A_407 = tpu.vector_load %arg15[%get3A_405, %get3A_406] {strides = array<i32>} : memref<8x16xi32, #tpu.memory_space<vmem>>, vector<16xi32>,
    %shift_right_arithmetic3A_408 = arith.constant 31 : i32
    %shift_right_arithmetic3A_409 = vector.broadcast %shift_right_arithmetic3A_408 : i32 to vector<16xi32>
    %shift_right_arithmetic3A_410 = arith.shrsi %get3A_407, %shift_right_arithmetic3A_409 : vector<16xi32>
    %and3A_411 = arith.constant 2147483647 : i32
    %and3A_412 = vector.broadcast %and3A_411 : i32 to vector<16xi32>
    %and3A_413 = arith.andi %shift_right_arithmetic3A_410, %and3A_412 : vector<16xi32>
    %xor3A_414 = arith.xori %get3A_407, %and3A_413 : vector<16xi32>
    %bitcast_convert_type3A_415 = tpu.bitcast %xor3A_414 : vector<16xi32> -> vector<16xf32>
    %neg3A_416 = arith.constant 0.000000e+00 : f32
    %neg3A_417 = vector.broadcast %neg3A_416 : f32 to vector<16xf32>
    %neg3A_418 = arith.subf %neg3A_417, %bitcast_convert_type3A_415 : vector<16xf32>
    %exp3A_419 = math.exp %neg3A_418 : vector<16xf32>
    %add3A_420 = arith.constant 1.000000e+00 : f32
    %add3A_421 = vector.broadcast %add3A_420 : f32 to vector<16xf32>
    %add3A_422 = arith.addf %add3A_421, %exp3A_419 : vector<16xf32>
    %div3A_423 = arith.constant 1.000000e+00 : f32
    %div3A_424 = vector.broadcast %div3A_423 : f32 to vector<16xf32>
    %div3A_425 = arith.divf %div3A_424, %add3A_422 : vector<16xf32>
    %get3A_426 = arith.constant 2 : i32
    %get3A_427 = arith.index_cast %get3A_426 : i32 to index
    %get3A_428 = arith.constant 0 : index
    %get3A_429 = tpu.vector_load %arg16[%get3A_427, %get3A_428] {strides = array<i32>} : memref<8x16xi32, #tpu.memory_space<vmem>>, vector<16xi32>,
    %convert_element_type3A_430 = arith.sitofp %get3A_429 : vector<16xi32> to vector<16xf32>
    %add3A_431 = arith.constant 5.000000e-01 : f32
    %add3A_432 = vector.broadcast %add3A_431 : f32 to vector<16xf32>
    %add3A_433 = arith.addf %convert_element_type3A_430, %add3A_432 : vector<16xf32>
    %mul3A_434 = arith.constant 0.0109890113 : f32
    %mul3A_435 = vector.broadcast %mul3A_434 : f32 to vector<16xf32>
    %mul3A_436 = arith.mulf %add3A_433, %mul3A_435 : vector<16xf32>
    %convert_element_type3A_437 = arith.fptosi %mul3A_436 : vector<16xf32> to vector<16xi32>
    %mul3A_438 = arith.constant 91 : i32
    %mul3A_439 = vector.broadcast %mul3A_438 : i32 to vector<16xi32>
    %mul3A_440 = arith.muli %convert_element_type3A_437, %mul3A_439 : vector<16xi32>
    %sub3A_441 = arith.subi %get3A_429, %mul3A_440 : vector<16xi32>
    %broadcast_in_dim3A_442 = arith.constant 0 : i32
    %broadcast_in_dim3A_443 = vector.broadcast %broadcast_in_dim3A_442 : i32 to vector<16xi32>
    %gather3A_444 = tpu.vector_load_idx %arg9[%convert_element_type3A_437, %broadcast_in_dim3A_443] : memref<900x4xf32, #tpu.memory_space<vmem>>[vector<16xi32>, vector<16xi32>], vector<16xf32>,
    %add3A_445 = arith.constant 1 : i32
    %add3A_446 = vector.broadcast %add3A_445 : i32 to vector<16xi32>
    %add3A_447 = arith.addi %broadcast_in_dim3A_443, %add3A_446 : vector<16xi32>
    %gather3A_448 = tpu.vector_load_idx %arg9[%convert_element_type3A_437, %add3A_447] : memref<900x4xf32, #tpu.memory_space<vmem>>[vector<16xi32>, vector<16xi32>], vector<16xf32>,
    %add3A_449 = arith.constant 2 : i32
    %add3A_450 = vector.broadcast %add3A_449 : i32 to vector<16xi32>
    %add3A_451 = arith.addi %broadcast_in_dim3A_443, %add3A_450 : vector<16xi32>
    %gather3A_452 = tpu.vector_load_idx %arg9[%convert_element_type3A_437, %add3A_451] : memref<900x4xf32, #tpu.memory_space<vmem>>[vector<16xi32>, vector<16xi32>], vector<16xf32>,
    %add3A_453 = arith.constant 3 : i32
    %add3A_454 = vector.broadcast %add3A_453 : i32 to vector<16xi32>
    %add3A_455 = arith.addi %broadcast_in_dim3A_443, %add3A_454 : vector<16xi32>
    %gather3A_456 = tpu.vector_load_idx %arg9[%convert_element_type3A_437, %add3A_455] : memref<900x4xf32, #tpu.memory_space<vmem>>[vector<16xi32>, vector<16xi32>], vector<16xf32>,
    %swap3A_457 = arith.constant 32 : index
    %swap3A_458 = tpu.vector_load %arg17[%swap3A_457] {strides = array<i32>} : memref<128xf32, #tpu.memory_space<vmem>>, vector<16xf32>,
    tpu.vector_store %arg17[%swap3A_457], %div3A_425 {strides = array<i32>} : memref<128xf32, #tpu.memory_space<vmem>>, vector<16xf32>,
    %swap3A_459 = arith.constant 32 : index
    %swap3A_460 = tpu.vector_load %arg18[%swap3A_459] {strides = array<i32>} : memref<128xi32, #tpu.memory_space<vmem>>, vector<16xi32>,
    tpu.vector_store %arg18[%swap3A_459], %sub3A_441 {strides = array<i32>} : memref<128xi32, #tpu.memory_space<vmem>>, vector<16xi32>,
    %add3A_461 = arith.constant 32 : i32
    %add3A_462 = vector.broadcast %add3A_461 : i32 to vector<16xi32>
    %add3A_463 = arith.addi %add3A_462, %iota3A : vector<16xi32>
    %mul3A_464 = arith.constant 4 : i32
    %mul3A_465 = vector.broadcast %mul3A_464 : i32 to vector<16xi32>
    %mul3A_466 = arith.muli %add3A_463, %mul3A_465 : vector<16xi32>
    %mul3A_467 = arith.constant 5.000000e-01 : f32
    %mul3A_468 = vector.broadcast %mul3A_467 : f32 to vector<16xf32>
    %mul3A_469 = arith.mulf %mul3A_468, %gather3A_452 : vector<16xf32>
    %sub3A_470 = arith.subf %gather3A_444, %mul3A_469 : vector<16xf32>
    %mul3A_471 = arith.mulf %sub3A_470, %convert_element_type3A_222 : vector<16xf32>
    tpu.vector_store_idx %arg19[%mul3A_466], %mul3A_471 : memref<512xf32, #tpu.memory_space<vmem>>[vector<16xi32>], vector<16xf32>,
    %add3A_472 = arith.constant 1 : i32
    %add3A_473 = vector.broadcast %add3A_472 : i32 to vector<16xi32>
    %add3A_474 = arith.addi %mul3A_466, %add3A_473 : vector<16xi32>
    %mul3A_475 = arith.constant 5.000000e-01 : f32
    %mul3A_476 = vector.broadcast %mul3A_475 : f32 to vector<16xf32>
    %mul3A_477 = arith.mulf %mul3A_476, %gather3A_456 : vector<16xf32>
    %sub3A_478 = arith.subf %gather3A_448, %mul3A_477 : vector<16xf32>
    %mul3A_479 = arith.mulf %sub3A_478, %convert_element_type3A_218 : vector<16xf32>
    tpu.vector_store_idx %arg19[%add3A_474], %mul3A_479 : memref<512xf32, #tpu.memory_space<vmem>>[vector<16xi32>], vector<16xf32>,
    %add3A_480 = arith.constant 2 : i32
    %add3A_481 = vector.broadcast %add3A_480 : i32 to vector<16xi32>
    %add3A_482 = arith.addi %mul3A_466, %add3A_481 : vector<16xi32>
    %mul3A_483 = arith.constant 5.000000e-01 : f32
    %mul3A_484 = vector.broadcast %mul3A_483 : f32 to vector<16xf32>
    %mul3A_485 = arith.mulf %mul3A_484, %gather3A_452 : vector<16xf32>
    %add3A_486 = arith.addf %gather3A_444, %mul3A_485 : vector<16xf32>
    %mul3A_487 = arith.mulf %add3A_486, %convert_element_type3A_222 : vector<16xf32>
    tpu.vector_store_idx %arg19[%add3A_482], %mul3A_487 : memref<512xf32, #tpu.memory_space<vmem>>[vector<16xi32>], vector<16xf32>,
    %add3A_488 = arith.constant 3 : i32
    %add3A_489 = vector.broadcast %add3A_488 : i32 to vector<16xi32>
    %add3A_490 = arith.addi %mul3A_466, %add3A_489 : vector<16xi32>
    %mul3A_491 = arith.constant 5.000000e-01 : f32
    %mul3A_492 = vector.broadcast %mul3A_491 : f32 to vector<16xf32>
    %mul3A_493 = arith.mulf %mul3A_492, %gather3A_456 : vector<16xf32>
    %add3A_494 = arith.addf %gather3A_448, %mul3A_493 : vector<16xf32>
    %mul3A_495 = arith.mulf %add3A_494, %convert_element_type3A_218 : vector<16xf32>
    tpu.vector_store_idx %arg19[%add3A_490], %mul3A_495 : memref<512xf32, #tpu.memory_space<vmem>>[vector<16xi32>], vector<16xf32>,
    %get3A_496 = arith.constant 3 : i32
    %get3A_497 = arith.index_cast %get3A_496 : i32 to index
    %get3A_498 = arith.constant 0 : index
    %get3A_499 = tpu.vector_load %arg15[%get3A_497, %get3A_498] {strides = array<i32>} : memref<8x16xi32, #tpu.memory_space<vmem>>, vector<16xi32>,
    %shift_right_arithmetic3A_500 = arith.constant 31 : i32
    %shift_right_arithmetic3A_501 = vector.broadcast %shift_right_arithmetic3A_500 : i32 to vector<16xi32>
    %shift_right_arithmetic3A_502 = arith.shrsi %get3A_499, %shift_right_arithmetic3A_501 : vector<16xi32>
    %and3A_503 = arith.constant 2147483647 : i32
    %and3A_504 = vector.broadcast %and3A_503 : i32 to vector<16xi32>
    %and3A_505 = arith.andi %shift_right_arithmetic3A_502, %and3A_504 : vector<16xi32>
    %xor3A_506 = arith.xori %get3A_499, %and3A_505 : vector<16xi32>
    %bitcast_convert_type3A_507 = tpu.bitcast %xor3A_506 : vector<16xi32> -> vector<16xf32>
    %neg3A_508 = arith.constant 0.000000e+00 : f32
    %neg3A_509 = vector.broadcast %neg3A_508 : f32 to vector<16xf32>
    %neg3A_510 = arith.subf %neg3A_509, %bitcast_convert_type3A_507 : vector<16xf32>
    %exp3A_511 = math.exp %neg3A_510 : vector<16xf32>
    %add3A_512 = arith.constant 1.000000e+00 : f32
    %add3A_513 = vector.broadcast %add3A_512 : f32 to vector<16xf32>
    %add3A_514 = arith.addf %add3A_513, %exp3A_511 : vector<16xf32>
    %div3A_515 = arith.constant 1.000000e+00 : f32
    %div3A_516 = vector.broadcast %div3A_515 : f32 to vector<16xf32>
    %div3A_517 = arith.divf %div3A_516, %add3A_514 : vector<16xf32>
    %get3A_518 = arith.constant 3 : i32
    %get3A_519 = arith.index_cast %get3A_518 : i32 to index
    %get3A_520 = arith.constant 0 : index
    %get3A_521 = tpu.vector_load %arg16[%get3A_519, %get3A_520] {strides = array<i32>} : memref<8x16xi32, #tpu.memory_space<vmem>>, vector<16xi32>,
    %convert_element_type3A_522 = arith.sitofp %get3A_521 : vector<16xi32> to vector<16xf32>
    %add3A_523 = arith.constant 5.000000e-01 : f32
    %add3A_524 = vector.broadcast %add3A_523 : f32 to vector<16xf32>
    %add3A_525 = arith.addf %convert_element_type3A_522, %add3A_524 : vector<16xf32>
    %mul3A_526 = arith.constant 0.0109890113 : f32
    %mul3A_527 = vector.broadcast %mul3A_526 : f32 to vector<16xf32>
    %mul3A_528 = arith.mulf %add3A_525, %mul3A_527 : vector<16xf32>
    %convert_element_type3A_529 = arith.fptosi %mul3A_528 : vector<16xf32> to vector<16xi32>
    %mul3A_530 = arith.constant 91 : i32
    %mul3A_531 = vector.broadcast %mul3A_530 : i32 to vector<16xi32>
    %mul3A_532 = arith.muli %convert_element_type3A_529, %mul3A_531 : vector<16xi32>
    %sub3A_533 = arith.subi %get3A_521, %mul3A_532 : vector<16xi32>
    %broadcast_in_dim3A_534 = arith.constant 0 : i32
    %broadcast_in_dim3A_535 = vector.broadcast %broadcast_in_dim3A_534 : i32 to vector<16xi32>
    %gather3A_536 = tpu.vector_load_idx %arg9[%convert_element_type3A_529, %broadcast_in_dim3A_535] : memref<900x4xf32, #tpu.memory_space<vmem>>[vector<16xi32>, vector<16xi32>], vector<16xf32>,
    %add3A_537 = arith.constant 1 : i32
    %add3A_538 = vector.broadcast %add3A_537 : i32 to vector<16xi32>
    %add3A_539 = arith.addi %broadcast_in_dim3A_535, %add3A_538 : vector<16xi32>
    %gather3A_540 = tpu.vector_load_idx %arg9[%convert_element_type3A_529, %add3A_539] : memref<900x4xf32, #tpu.memory_space<vmem>>[vector<16xi32>, vector<16xi32>], vector<16xf32>,
    %add3A_541 = arith.constant 2 : i32
    %add3A_542 = vector.broadcast %add3A_541 : i32 to vector<16xi32>
    %add3A_543 = arith.addi %broadcast_in_dim3A_535, %add3A_542 : vector<16xi32>
    %gather3A_544 = tpu.vector_load_idx %arg9[%convert_element_type3A_529, %add3A_543] : memref<900x4xf32, #tpu.memory_space<vmem>>[vector<16xi32>, vector<16xi32>], vector<16xf32>,
    %add3A_545 = arith.constant 3 : i32
    %add3A_546 = vector.broadcast %add3A_545 : i32 to vector<16xi32>
    %add3A_547 = arith.addi %broadcast_in_dim3A_535, %add3A_546 : vector<16xi32>
    %gather3A_548 = tpu.vector_load_idx %arg9[%convert_element_type3A_529, %add3A_547] : memref<900x4xf32, #tpu.memory_space<vmem>>[vector<16xi32>, vector<16xi32>], vector<16xf32>,
    %swap3A_549 = arith.constant 48 : index
    %swap3A_550 = tpu.vector_load %arg17[%swap3A_549] {strides = array<i32>} : memref<128xf32, #tpu.memory_space<vmem>>, vector<16xf32>,
    tpu.vector_store %arg17[%swap3A_549], %div3A_517 {strides = array<i32>} : memref<128xf32, #tpu.memory_space<vmem>>, vector<16xf32>,
    %swap3A_551 = arith.constant 48 : index
    %swap3A_552 = tpu.vector_load %arg18[%swap3A_551] {strides = array<i32>} : memref<128xi32, #tpu.memory_space<vmem>>, vector<16xi32>,
    tpu.vector_store %arg18[%swap3A_551], %sub3A_533 {strides = array<i32>} : memref<128xi32, #tpu.memory_space<vmem>>, vector<16xi32>,
    %add3A_553 = arith.constant 48 : i32
    %add3A_554 = vector.broadcast %add3A_553 : i32 to vector<16xi32>
    %add3A_555 = arith.addi %add3A_554, %iota3A : vector<16xi32>
    %mul3A_556 = arith.constant 4 : i32
    %mul3A_557 = vector.broadcast %mul3A_556 : i32 to vector<16xi32>
    %mul3A_558 = arith.muli %add3A_555, %mul3A_557 : vector<16xi32>
    %mul3A_559 = arith.constant 5.000000e-01 : f32
    %mul3A_560 = vector.broadcast %mul3A_559 : f32 to vector<16xf32>
    %mul3A_561 = arith.mulf %mul3A_560, %gather3A_544 : vector<16xf32>
    %sub3A_562 = arith.subf %gather3A_536, %mul3A_561 : vector<16xf32>
    %mul3A_563 = arith.mulf %sub3A_562, %convert_element_type3A_222 : vector<16xf32>
    tpu.vector_store_idx %arg19[%mul3A_558], %mul3A_563 : memref<512xf32, #tpu.memory_space<vmem>>[vector<16xi32>], vector<16xf32>,
    %add3A_564 = arith.constant 1 : i32
    %add3A_565 = vector.broadcast %add3A_564 : i32 to vector<16xi32>
    %add3A_566 = arith.addi %mul3A_558, %add3A_565 : vector<16xi32>
    %mul3A_567 = arith.constant 5.000000e-01 : f32
    %mul3A_568 = vector.broadcast %mul3A_567 : f32 to vector<16xf32>
    %mul3A_569 = arith.mulf %mul3A_568, %gather3A_548 : vector<16xf32>
    %sub3A_570 = arith.subf %gather3A_540, %mul3A_569 : vector<16xf32>
    %mul3A_571 = arith.mulf %sub3A_570, %convert_element_type3A_218 : vector<16xf32>
    tpu.vector_store_idx %arg19[%add3A_566], %mul3A_571 : memref<512xf32, #tpu.memory_space<vmem>>[vector<16xi32>], vector<16xf32>,
    %add3A_572 = arith.constant 2 : i32
    %add3A_573 = vector.broadcast %add3A_572 : i32 to vector<16xi32>
    %add3A_574 = arith.addi %mul3A_558, %add3A_573 : vector<16xi32>
    %mul3A_575 = arith.constant 5.000000e-01 : f32
    %mul3A_576 = vector.broadcast %mul3A_575 : f32 to vector<16xf32>
    %mul3A_577 = arith.mulf %mul3A_576, %gather3A_544 : vector<16xf32>
    %add3A_578 = arith.addf %gather3A_536, %mul3A_577 : vector<16xf32>
    %mul3A_579 = arith.mulf %add3A_578, %convert_element_type3A_222 : vector<16xf32>
    tpu.vector_store_idx %arg19[%add3A_574], %mul3A_579 : memref<512xf32, #tpu.memory_space<vmem>>[vector<16xi32>], vector<16xf32>,
    %add3A_580 = arith.constant 3 : i32
    %add3A_581 = vector.broadcast %add3A_580 : i32 to vector<16xi32>
    %add3A_582 = arith.addi %mul3A_558, %add3A_581 : vector<16xi32>
    %mul3A_583 = arith.constant 5.000000e-01 : f32
    %mul3A_584 = vector.broadcast %mul3A_583 : f32 to vector<16xf32>
    %mul3A_585 = arith.mulf %mul3A_584, %gather3A_548 : vector<16xf32>
    %add3A_586 = arith.addf %gather3A_540, %mul3A_585 : vector<16xf32>
    %mul3A_587 = arith.mulf %add3A_586, %convert_element_type3A_218 : vector<16xf32>
    tpu.vector_store_idx %arg19[%add3A_582], %mul3A_587 : memref<512xf32, #tpu.memory_space<vmem>>[vector<16xi32>], vector<16xf32>,
    %get3A_588 = arith.constant 4 : i32
    %get3A_589 = arith.index_cast %get3A_588 : i32 to index
    %get3A_590 = arith.constant 0 : index
    %get3A_591 = tpu.vector_load %arg15[%get3A_589, %get3A_590] {strides = array<i32>} : memref<8x16xi32, #tpu.memory_space<vmem>>, vector<16xi32>,
    %shift_right_arithmetic3A_592 = arith.constant 31 : i32
    %shift_right_arithmetic3A_593 = vector.broadcast %shift_right_arithmetic3A_592 : i32 to vector<16xi32>
    %shift_right_arithmetic3A_594 = arith.shrsi %get3A_591, %shift_right_arithmetic3A_593 : vector<16xi32>
    %and3A_595 = arith.constant 2147483647 : i32
    %and3A_596 = vector.broadcast %and3A_595 : i32 to vector<16xi32>
    %and3A_597 = arith.andi %shift_right_arithmetic3A_594, %and3A_596 : vector<16xi32>
    %xor3A_598 = arith.xori %get3A_591, %and3A_597 : vector<16xi32>
    %bitcast_convert_type3A_599 = tpu.bitcast %xor3A_598 : vector<16xi32> -> vector<16xf32>
    %neg3A_600 = arith.constant 0.000000e+00 : f32
    %neg3A_601 = vector.broadcast %neg3A_600 : f32 to vector<16xf32>
    %neg3A_602 = arith.subf %neg3A_601, %bitcast_convert_type3A_599 : vector<16xf32>
    %exp3A_603 = math.exp %neg3A_602 : vector<16xf32>
    %add3A_604 = arith.constant 1.000000e+00 : f32
    %add3A_605 = vector.broadcast %add3A_604 : f32 to vector<16xf32>
    %add3A_606 = arith.addf %add3A_605, %exp3A_603 : vector<16xf32>
    %div3A_607 = arith.constant 1.000000e+00 : f32
    %div3A_608 = vector.broadcast %div3A_607 : f32 to vector<16xf32>
    %div3A_609 = arith.divf %div3A_608, %add3A_606 : vector<16xf32>
    %get3A_610 = arith.constant 4 : i32
    %get3A_611 = arith.index_cast %get3A_610 : i32 to index
    %get3A_612 = arith.constant 0 : index
    %get3A_613 = tpu.vector_load %arg16[%get3A_611, %get3A_612] {strides = array<i32>} : memref<8x16xi32, #tpu.memory_space<vmem>>, vector<16xi32>,
    %convert_element_type3A_614 = arith.sitofp %get3A_613 : vector<16xi32> to vector<16xf32>
    %add3A_615 = arith.constant 5.000000e-01 : f32
    %add3A_616 = vector.broadcast %add3A_615 : f32 to vector<16xf32>
    %add3A_617 = arith.addf %convert_element_type3A_614, %add3A_616 : vector<16xf32>
    %mul3A_618 = arith.constant 0.0109890113 : f32
    %mul3A_619 = vector.broadcast %mul3A_618 : f32 to vector<16xf32>
    %mul3A_620 = arith.mulf %add3A_617, %mul3A_619 : vector<16xf32>
    %convert_element_type3A_621 = arith.fptosi %mul3A_620 : vector<16xf32> to vector<16xi32>
    %mul3A_622 = arith.constant 91 : i32
    %mul3A_623 = vector.broadcast %mul3A_622 : i32 to vector<16xi32>
    %mul3A_624 = arith.muli %convert_element_type3A_621, %mul3A_623 : vector<16xi32>
    %sub3A_625 = arith.subi %get3A_613, %mul3A_624 : vector<16xi32>
    %broadcast_in_dim3A_626 = arith.constant 0 : i32
    %broadcast_in_dim3A_627 = vector.broadcast %broadcast_in_dim3A_626 : i32 to vector<16xi32>
    %gather3A_628 = tpu.vector_load_idx %arg9[%convert_element_type3A_621, %broadcast_in_dim3A_627] : memref<900x4xf32, #tpu.memory_space<vmem>>[vector<16xi32>, vector<16xi32>], vector<16xf32>,
    %add3A_629 = arith.constant 1 : i32
    %add3A_630 = vector.broadcast %add3A_629 : i32 to vector<16xi32>
    %add3A_631 = arith.addi %broadcast_in_dim3A_627, %add3A_630 : vector<16xi32>
    %gather3A_632 = tpu.vector_load_idx %arg9[%convert_element_type3A_621, %add3A_631] : memref<900x4xf32, #tpu.memory_space<vmem>>[vector<16xi32>, vector<16xi32>], vector<16xf32>,
    %add3A_633 = arith.constant 2 : i32
    %add3A_634 = vector.broadcast %add3A_633 : i32 to vector<16xi32>
    %add3A_635 = arith.addi %broadcast_in_dim3A_627, %add3A_634 : vector<16xi32>
    %gather3A_636 = tpu.vector_load_idx %arg9[%convert_element_type3A_621, %add3A_635] : memref<900x4xf32, #tpu.memory_space<vmem>>[vector<16xi32>, vector<16xi32>], vector<16xf32>,
    %add3A_637 = arith.constant 3 : i32
    %add3A_638 = vector.broadcast %add3A_637 : i32 to vector<16xi32>
    %add3A_639 = arith.addi %broadcast_in_dim3A_627, %add3A_638 : vector<16xi32>
    %gather3A_640 = tpu.vector_load_idx %arg9[%convert_element_type3A_621, %add3A_639] : memref<900x4xf32, #tpu.memory_space<vmem>>[vector<16xi32>, vector<16xi32>], vector<16xf32>,
    %swap3A_641 = arith.constant 64 : index
    %swap3A_642 = tpu.vector_load %arg17[%swap3A_641] {strides = array<i32>} : memref<128xf32, #tpu.memory_space<vmem>>, vector<16xf32>,
    tpu.vector_store %arg17[%swap3A_641], %div3A_609 {strides = array<i32>} : memref<128xf32, #tpu.memory_space<vmem>>, vector<16xf32>,
    %swap3A_643 = arith.constant 64 : index
    %swap3A_644 = tpu.vector_load %arg18[%swap3A_643] {strides = array<i32>} : memref<128xi32, #tpu.memory_space<vmem>>, vector<16xi32>,
    tpu.vector_store %arg18[%swap3A_643], %sub3A_625 {strides = array<i32>} : memref<128xi32, #tpu.memory_space<vmem>>, vector<16xi32>,
    %add3A_645 = arith.constant 64 : i32
    %add3A_646 = vector.broadcast %add3A_645 : i32 to vector<16xi32>
    %add3A_647 = arith.addi %add3A_646, %iota3A : vector<16xi32>
    %mul3A_648 = arith.constant 4 : i32
    %mul3A_649 = vector.broadcast %mul3A_648 : i32 to vector<16xi32>
    %mul3A_650 = arith.muli %add3A_647, %mul3A_649 : vector<16xi32>
    %mul3A_651 = arith.constant 5.000000e-01 : f32
    %mul3A_652 = vector.broadcast %mul3A_651 : f32 to vector<16xf32>
    %mul3A_653 = arith.mulf %mul3A_652, %gather3A_636 : vector<16xf32>
    %sub3A_654 = arith.subf %gather3A_628, %mul3A_653 : vector<16xf32>
    %mul3A_655 = arith.mulf %sub3A_654, %convert_element_type3A_222 : vector<16xf32>
    tpu.vector_store_idx %arg19[%mul3A_650], %mul3A_655 : memref<512xf32, #tpu.memory_space<vmem>>[vector<16xi32>], vector<16xf32>,
    %add3A_656 = arith.constant 1 : i32
    %add3A_657 = vector.broadcast %add3A_656 : i32 to vector<16xi32>
    %add3A_658 = arith.addi %mul3A_650, %add3A_657 : vector<16xi32>
    %mul3A_659 = arith.constant 5.000000e-01 : f32
    %mul3A_660 = vector.broadcast %mul3A_659 : f32 to vector<16xf32>
    %mul3A_661 = arith.mulf %mul3A_660, %gather3A_640 : vector<16xf32>
    %sub3A_662 = arith.subf %gather3A_632, %mul3A_661 : vector<16xf32>
    %mul3A_663 = arith.mulf %sub3A_662, %convert_element_type3A_218 : vector<16xf32>
    tpu.vector_store_idx %arg19[%add3A_658], %mul3A_663 : memref<512xf32, #tpu.memory_space<vmem>>[vector<16xi32>], vector<16xf32>,
    %add3A_664 = arith.constant 2 : i32
    %add3A_665 = vector.broadcast %add3A_664 : i32 to vector<16xi32>
    %add3A_666 = arith.addi %mul3A_650, %add3A_665 : vector<16xi32>
    %mul3A_667 = arith.constant 5.000000e-01 : f32
    %mul3A_668 = vector.broadcast %mul3A_667 : f32 to vector<16xf32>
    %mul3A_669 = arith.mulf %mul3A_668, %gather3A_636 : vector<16xf32>
    %add3A_670 = arith.addf %gather3A_628, %mul3A_669 : vector<16xf32>
    %mul3A_671 = arith.mulf %add3A_670, %convert_element_type3A_222 : vector<16xf32>
    tpu.vector_store_idx %arg19[%add3A_666], %mul3A_671 : memref<512xf32, #tpu.memory_space<vmem>>[vector<16xi32>], vector<16xf32>,
    %add3A_672 = arith.constant 3 : i32
    %add3A_673 = vector.broadcast %add3A_672 : i32 to vector<16xi32>
    %add3A_674 = arith.addi %mul3A_650, %add3A_673 : vector<16xi32>
    %mul3A_675 = arith.constant 5.000000e-01 : f32
    %mul3A_676 = vector.broadcast %mul3A_675 : f32 to vector<16xf32>
    %mul3A_677 = arith.mulf %mul3A_676, %gather3A_640 : vector<16xf32>
    %add3A_678 = arith.addf %gather3A_632, %mul3A_677 : vector<16xf32>
    %mul3A_679 = arith.mulf %add3A_678, %convert_element_type3A_218 : vector<16xf32>
    tpu.vector_store_idx %arg19[%add3A_674], %mul3A_679 : memref<512xf32, #tpu.memory_space<vmem>>[vector<16xi32>], vector<16xf32>,
    %get3A_680 = arith.constant 5 : i32
    %get3A_681 = arith.index_cast %get3A_680 : i32 to index
    %get3A_682 = arith.constant 0 : index
    %get3A_683 = tpu.vector_load %arg15[%get3A_681, %get3A_682] {strides = array<i32>} : memref<8x16xi32, #tpu.memory_space<vmem>>, vector<16xi32>,
    %shift_right_arithmetic3A_684 = arith.constant 31 : i32
    %shift_right_arithmetic3A_685 = vector.broadcast %shift_right_arithmetic3A_684 : i32 to vector<16xi32>
    %shift_right_arithmetic3A_686 = arith.shrsi %get3A_683, %shift_right_arithmetic3A_685 : vector<16xi32>
    %and3A_687 = arith.constant 2147483647 : i32
    %and3A_688 = vector.broadcast %and3A_687 : i32 to vector<16xi32>
    %and3A_689 = arith.andi %shift_right_arithmetic3A_686, %and3A_688 : vector<16xi32>
    %xor3A_690 = arith.xori %get3A_683, %and3A_689 : vector<16xi32>
    %bitcast_convert_type3A_691 = tpu.bitcast %xor3A_690 : vector<16xi32> -> vector<16xf32>
    %neg3A_692 = arith.constant 0.000000e+00 : f32
    %neg3A_693 = vector.broadcast %neg3A_692 : f32 to vector<16xf32>
    %neg3A_694 = arith.subf %neg3A_693, %bitcast_convert_type3A_691 : vector<16xf32>
    %exp3A_695 = math.exp %neg3A_694 : vector<16xf32>
    %add3A_696 = arith.constant 1.000000e+00 : f32
    %add3A_697 = vector.broadcast %add3A_696 : f32 to vector<16xf32>
    %add3A_698 = arith.addf %add3A_697, %exp3A_695 : vector<16xf32>
    %div3A_699 = arith.constant 1.000000e+00 : f32
    %div3A_700 = vector.broadcast %div3A_699 : f32 to vector<16xf32>
    %div3A_701 = arith.divf %div3A_700, %add3A_698 : vector<16xf32>
    %get3A_702 = arith.constant 5 : i32
    %get3A_703 = arith.index_cast %get3A_702 : i32 to index
    %get3A_704 = arith.constant 0 : index
    %get3A_705 = tpu.vector_load %arg16[%get3A_703, %get3A_704] {strides = array<i32>} : memref<8x16xi32, #tpu.memory_space<vmem>>, vector<16xi32>,
    %convert_element_type3A_706 = arith.sitofp %get3A_705 : vector<16xi32> to vector<16xf32>
    %add3A_707 = arith.constant 5.000000e-01 : f32
    %add3A_708 = vector.broadcast %add3A_707 : f32 to vector<16xf32>
    %add3A_709 = arith.addf %convert_element_type3A_706, %add3A_708 : vector<16xf32>
    %mul3A_710 = arith.constant 0.0109890113 : f32
    %mul3A_711 = vector.broadcast %mul3A_710 : f32 to vector<16xf32>
    %mul3A_712 = arith.mulf %add3A_709, %mul3A_711 : vector<16xf32>
    %convert_element_type3A_713 = arith.fptosi %mul3A_712 : vector<16xf32> to vector<16xi32>
    %mul3A_714 = arith.constant 91 : i32
    %mul3A_715 = vector.broadcast %mul3A_714 : i32 to vector<16xi32>
    %mul3A_716 = arith.muli %convert_element_type3A_713, %mul3A_715 : vector<16xi32>
    %sub3A_717 = arith.subi %get3A_705, %mul3A_716 : vector<16xi32>
    %broadcast_in_dim3A_718 = arith.constant 0 : i32
    %broadcast_in_dim3A_719 = vector.broadcast %broadcast_in_dim3A_718 : i32 to vector<16xi32>
    %gather3A_720 = tpu.vector_load_idx %arg9[%convert_element_type3A_713, %broadcast_in_dim3A_719] : memref<900x4xf32, #tpu.memory_space<vmem>>[vector<16xi32>, vector<16xi32>], vector<16xf32>,
    %add3A_721 = arith.constant 1 : i32
    %add3A_722 = vector.broadcast %add3A_721 : i32 to vector<16xi32>
    %add3A_723 = arith.addi %broadcast_in_dim3A_719, %add3A_722 : vector<16xi32>
    %gather3A_724 = tpu.vector_load_idx %arg9[%convert_element_type3A_713, %add3A_723] : memref<900x4xf32, #tpu.memory_space<vmem>>[vector<16xi32>, vector<16xi32>], vector<16xf32>,
    %add3A_725 = arith.constant 2 : i32
    %add3A_726 = vector.broadcast %add3A_725 : i32 to vector<16xi32>
    %add3A_727 = arith.addi %broadcast_in_dim3A_719, %add3A_726 : vector<16xi32>
    %gather3A_728 = tpu.vector_load_idx %arg9[%convert_element_type3A_713, %add3A_727] : memref<900x4xf32, #tpu.memory_space<vmem>>[vector<16xi32>, vector<16xi32>], vector<16xf32>,
    %add3A_729 = arith.constant 3 : i32
    %add3A_730 = vector.broadcast %add3A_729 : i32 to vector<16xi32>
    %add3A_731 = arith.addi %broadcast_in_dim3A_719, %add3A_730 : vector<16xi32>
    %gather3A_732 = tpu.vector_load_idx %arg9[%convert_element_type3A_713, %add3A_731] : memref<900x4xf32, #tpu.memory_space<vmem>>[vector<16xi32>, vector<16xi32>], vector<16xf32>,
    %swap3A_733 = arith.constant 80 : index
    %swap3A_734 = tpu.vector_load %arg17[%swap3A_733] {strides = array<i32>} : memref<128xf32, #tpu.memory_space<vmem>>, vector<16xf32>,
    tpu.vector_store %arg17[%swap3A_733], %div3A_701 {strides = array<i32>} : memref<128xf32, #tpu.memory_space<vmem>>, vector<16xf32>,
    %swap3A_735 = arith.constant 80 : index
    %swap3A_736 = tpu.vector_load %arg18[%swap3A_735] {strides = array<i32>} : memref<128xi32, #tpu.memory_space<vmem>>, vector<16xi32>,
    tpu.vector_store %arg18[%swap3A_735], %sub3A_717 {strides = array<i32>} : memref<128xi32, #tpu.memory_space<vmem>>, vector<16xi32>,
    %add3A_737 = arith.constant 80 : i32
    %add3A_738 = vector.broadcast %add3A_737 : i32 to vector<16xi32>
    %add3A_739 = arith.addi %add3A_738, %iota3A : vector<16xi32>
    %mul3A_740 = arith.constant 4 : i32
    %mul3A_741 = vector.broadcast %mul3A_740 : i32 to vector<16xi32>
    %mul3A_742 = arith.muli %add3A_739, %mul3A_741 : vector<16xi32>
    %mul3A_743 = arith.constant 5.000000e-01 : f32
    %mul3A_744 = vector.broadcast %mul3A_743 : f32 to vector<16xf32>
    %mul3A_745 = arith.mulf %mul3A_744, %gather3A_728 : vector<16xf32>
    %sub3A_746 = arith.subf %gather3A_720, %mul3A_745 : vector<16xf32>
    %mul3A_747 = arith.mulf %sub3A_746, %convert_element_type3A_222 : vector<16xf32>
    tpu.vector_store_idx %arg19[%mul3A_742], %mul3A_747 : memref<512xf32, #tpu.memory_space<vmem>>[vector<16xi32>], vector<16xf32>,
    %add3A_748 = arith.constant 1 : i32
    %add3A_749 = vector.broadcast %add3A_748 : i32 to vector<16xi32>
    %add3A_750 = arith.addi %mul3A_742, %add3A_749 : vector<16xi32>
    %mul3A_751 = arith.constant 5.000000e-01 : f32
    %mul3A_752 = vector.broadcast %mul3A_751 : f32 to vector<16xf32>
    %mul3A_753 = arith.mulf %mul3A_752, %gather3A_732 : vector<16xf32>
    %sub3A_754 = arith.subf %gather3A_724, %mul3A_753 : vector<16xf32>
    %mul3A_755 = arith.mulf %sub3A_754, %convert_element_type3A_218 : vector<16xf32>
    tpu.vector_store_idx %arg19[%add3A_750], %mul3A_755 : memref<512xf32, #tpu.memory_space<vmem>>[vector<16xi32>], vector<16xf32>,
    %add3A_756 = arith.constant 2 : i32
    %add3A_757 = vector.broadcast %add3A_756 : i32 to vector<16xi32>
    %add3A_758 = arith.addi %mul3A_742, %add3A_757 : vector<16xi32>
    %mul3A_759 = arith.constant 5.000000e-01 : f32
    %mul3A_760 = vector.broadcast %mul3A_759 : f32 to vector<16xf32>
    %mul3A_761 = arith.mulf %mul3A_760, %gather3A_728 : vector<16xf32>
    %add3A_762 = arith.addf %gather3A_720, %mul3A_761 : vector<16xf32>
    %mul3A_763 = arith.mulf %add3A_762, %convert_element_type3A_222 : vector<16xf32>
    tpu.vector_store_idx %arg19[%add3A_758], %mul3A_763 : memref<512xf32, #tpu.memory_space<vmem>>[vector<16xi32>], vector<16xf32>,
    %add3A_764 = arith.constant 3 : i32
    %add3A_765 = vector.broadcast %add3A_764 : i32 to vector<16xi32>
    %add3A_766 = arith.addi %mul3A_742, %add3A_765 : vector<16xi32>
    %mul3A_767 = arith.constant 5.000000e-01 : f32
    %mul3A_768 = vector.broadcast %mul3A_767 : f32 to vector<16xf32>
    %mul3A_769 = arith.mulf %mul3A_768, %gather3A_732 : vector<16xf32>
    %add3A_770 = arith.addf %gather3A_724, %mul3A_769 : vector<16xf32>
    %mul3A_771 = arith.mulf %add3A_770, %convert_element_type3A_218 : vector<16xf32>
    tpu.vector_store_idx %arg19[%add3A_766], %mul3A_771 : memref<512xf32, #tpu.memory_space<vmem>>[vector<16xi32>], vector<16xf32>,
    %get3A_772 = arith.constant 6 : i32
    %get3A_773 = arith.index_cast %get3A_772 : i32 to index
    %get3A_774 = arith.constant 0 : index
    %get3A_775 = tpu.vector_load %arg15[%get3A_773, %get3A_774] {strides = array<i32>} : memref<8x16xi32, #tpu.memory_space<vmem>>, vector<16xi32>,
    %shift_right_arithmetic3A_776 = arith.constant 31 : i32
    %shift_right_arithmetic3A_777 = vector.broadcast %shift_right_arithmetic3A_776 : i32 to vector<16xi32>
    %shift_right_arithmetic3A_778 = arith.shrsi %get3A_775, %shift_right_arithmetic3A_777 : vector<16xi32>
    %and3A_779 = arith.constant 2147483647 : i32
    %and3A_780 = vector.broadcast %and3A_779 : i32 to vector<16xi32>
    %and3A_781 = arith.andi %shift_right_arithmetic3A_778, %and3A_780 : vector<16xi32>
    %xor3A_782 = arith.xori %get3A_775, %and3A_781 : vector<16xi32>
    %bitcast_convert_type3A_783 = tpu.bitcast %xor3A_782 : vector<16xi32> -> vector<16xf32>
    %neg3A_784 = arith.constant 0.000000e+00 : f32
    %neg3A_785 = vector.broadcast %neg3A_784 : f32 to vector<16xf32>
    %neg3A_786 = arith.subf %neg3A_785, %bitcast_convert_type3A_783 : vector<16xf32>
    %exp3A_787 = math.exp %neg3A_786 : vector<16xf32>
    %add3A_788 = arith.constant 1.000000e+00 : f32
    %add3A_789 = vector.broadcast %add3A_788 : f32 to vector<16xf32>
    %add3A_790 = arith.addf %add3A_789, %exp3A_787 : vector<16xf32>
    %div3A_791 = arith.constant 1.000000e+00 : f32
    %div3A_792 = vector.broadcast %div3A_791 : f32 to vector<16xf32>
    %div3A_793 = arith.divf %div3A_792, %add3A_790 : vector<16xf32>
    %get3A_794 = arith.constant 6 : i32
    %get3A_795 = arith.index_cast %get3A_794 : i32 to index
    %get3A_796 = arith.constant 0 : index
    %get3A_797 = tpu.vector_load %arg16[%get3A_795, %get3A_796] {strides = array<i32>} : memref<8x16xi32, #tpu.memory_space<vmem>>, vector<16xi32>,
    %convert_element_type3A_798 = arith.sitofp %get3A_797 : vector<16xi32> to vector<16xf32>
    %add3A_799 = arith.constant 5.000000e-01 : f32
    %add3A_800 = vector.broadcast %add3A_799 : f32 to vector<16xf32>
    %add3A_801 = arith.addf %convert_element_type3A_798, %add3A_800 : vector<16xf32>
    %mul3A_802 = arith.constant 0.0109890113 : f32
    %mul3A_803 = vector.broadcast %mul3A_802 : f32 to vector<16xf32>
    %mul3A_804 = arith.mulf %add3A_801, %mul3A_803 : vector<16xf32>
    %convert_element_type3A_805 = arith.fptosi %mul3A_804 : vector<16xf32> to vector<16xi32>
    %mul3A_806 = arith.constant 91 : i32
    %mul3A_807 = vector.broadcast %mul3A_806 : i32 to vector<16xi32>
    %mul3A_808 = arith.muli %convert_element_type3A_805, %mul3A_807 : vector<16xi32>
    %sub3A_809 = arith.subi %get3A_797, %mul3A_808 : vector<16xi32>
    %broadcast_in_dim3A_810 = arith.constant 0 : i32
    %broadcast_in_dim3A_811 = vector.broadcast %broadcast_in_dim3A_810 : i32 to vector<16xi32>
    %gather3A_812 = tpu.vector_load_idx %arg9[%convert_element_type3A_805, %broadcast_in_dim3A_811] : memref<900x4xf32, #tpu.memory_space<vmem>>[vector<16xi32>, vector<16xi32>], vector<16xf32>,
    %add3A_813 = arith.constant 1 : i32
    %add3A_814 = vector.broadcast %add3A_813 : i32 to vector<16xi32>
    %add3A_815 = arith.addi %broadcast_in_dim3A_811, %add3A_814 : vector<16xi32>
    %gather3A_816 = tpu.vector_load_idx %arg9[%convert_element_type3A_805, %add3A_815] : memref<900x4xf32, #tpu.memory_space<vmem>>[vector<16xi32>, vector<16xi32>], vector<16xf32>,
    %add3A_817 = arith.constant 2 : i32
    %add3A_818 = vector.broadcast %add3A_817 : i32 to vector<16xi32>
    %add3A_819 = arith.addi %broadcast_in_dim3A_811, %add3A_818 : vector<16xi32>
    %gather3A_820 = tpu.vector_load_idx %arg9[%convert_element_type3A_805, %add3A_819] : memref<900x4xf32, #tpu.memory_space<vmem>>[vector<16xi32>, vector<16xi32>], vector<16xf32>,
    %add3A_821 = arith.constant 3 : i32
    %add3A_822 = vector.broadcast %add3A_821 : i32 to vector<16xi32>
    %add3A_823 = arith.addi %broadcast_in_dim3A_811, %add3A_822 : vector<16xi32>
    %gather3A_824 = tpu.vector_load_idx %arg9[%convert_element_type3A_805, %add3A_823] : memref<900x4xf32, #tpu.memory_space<vmem>>[vector<16xi32>, vector<16xi32>], vector<16xf32>,
    %swap3A_825 = arith.constant 96 : index
    %swap3A_826 = tpu.vector_load %arg17[%swap3A_825] {strides = array<i32>} : memref<128xf32, #tpu.memory_space<vmem>>, vector<16xf32>,
    tpu.vector_store %arg17[%swap3A_825], %div3A_793 {strides = array<i32>} : memref<128xf32, #tpu.memory_space<vmem>>, vector<16xf32>,
    %swap3A_827 = arith.constant 96 : index
    %swap3A_828 = tpu.vector_load %arg18[%swap3A_827] {strides = array<i32>} : memref<128xi32, #tpu.memory_space<vmem>>, vector<16xi32>,
    tpu.vector_store %arg18[%swap3A_827], %sub3A_809 {strides = array<i32>} : memref<128xi32, #tpu.memory_space<vmem>>, vector<16xi32>,
    %add3A_829 = arith.constant 96 : i32
    %add3A_830 = vector.broadcast %add3A_829 : i32 to vector<16xi32>
    %add3A_831 = arith.addi %add3A_830, %iota3A : vector<16xi32>
    %mul3A_832 = arith.constant 4 : i32
    %mul3A_833 = vector.broadcast %mul3A_832 : i32 to vector<16xi32>
    %mul3A_834 = arith.muli %add3A_831, %mul3A_833 : vector<16xi32>
    %mul3A_835 = arith.constant 5.000000e-01 : f32
    %mul3A_836 = vector.broadcast %mul3A_835 : f32 to vector<16xf32>
    %mul3A_837 = arith.mulf %mul3A_836, %gather3A_820 : vector<16xf32>
    %sub3A_838 = arith.subf %gather3A_812, %mul3A_837 : vector<16xf32>
    %mul3A_839 = arith.mulf %sub3A_838, %convert_element_type3A_222 : vector<16xf32>
    tpu.vector_store_idx %arg19[%mul3A_834], %mul3A_839 : memref<512xf32, #tpu.memory_space<vmem>>[vector<16xi32>], vector<16xf32>,
    %add3A_840 = arith.constant 1 : i32
    %add3A_841 = vector.broadcast %add3A_840 : i32 to vector<16xi32>
    %add3A_842 = arith.addi %mul3A_834, %add3A_841 : vector<16xi32>
    %mul3A_843 = arith.constant 5.000000e-01 : f32
    %mul3A_844 = vector.broadcast %mul3A_843 : f32 to vector<16xf32>
    %mul3A_845 = arith.mulf %mul3A_844, %gather3A_824 : vector<16xf32>
    %sub3A_846 = arith.subf %gather3A_816, %mul3A_845 : vector<16xf32>
    %mul3A_847 = arith.mulf %sub3A_846, %convert_element_type3A_218 : vector<16xf32>
    tpu.vector_store_idx %arg19[%add3A_842], %mul3A_847 : memref<512xf32, #tpu.memory_space<vmem>>[vector<16xi32>], vector<16xf32>,
    %add3A_848 = arith.constant 2 : i32
    %add3A_849 = vector.broadcast %add3A_848 : i32 to vector<16xi32>
    %add3A_850 = arith.addi %mul3A_834, %add3A_849 : vector<16xi32>
    %mul3A_851 = arith.constant 5.000000e-01 : f32
    %mul3A_852 = vector.broadcast %mul3A_851 : f32 to vector<16xf32>
    %mul3A_853 = arith.mulf %mul3A_852, %gather3A_820 : vector<16xf32>
    %add3A_854 = arith.addf %gather3A_812, %mul3A_853 : vector<16xf32>
    %mul3A_855 = arith.mulf %add3A_854, %convert_element_type3A_222 : vector<16xf32>
    tpu.vector_store_idx %arg19[%add3A_850], %mul3A_855 : memref<512xf32, #tpu.memory_space<vmem>>[vector<16xi32>], vector<16xf32>,
    %add3A_856 = arith.constant 3 : i32
    %add3A_857 = vector.broadcast %add3A_856 : i32 to vector<16xi32>
    %add3A_858 = arith.addi %mul3A_834, %add3A_857 : vector<16xi32>
    %mul3A_859 = arith.constant 5.000000e-01 : f32
    %mul3A_860 = vector.broadcast %mul3A_859 : f32 to vector<16xf32>
    %mul3A_861 = arith.mulf %mul3A_860, %gather3A_824 : vector<16xf32>
    %add3A_862 = arith.addf %gather3A_816, %mul3A_861 : vector<16xf32>
    %mul3A_863 = arith.mulf %add3A_862, %convert_element_type3A_218 : vector<16xf32>
    tpu.vector_store_idx %arg19[%add3A_858], %mul3A_863 : memref<512xf32, #tpu.memory_space<vmem>>[vector<16xi32>], vector<16xf32>,
    %get3A_864 = arith.constant 7 : i32
    %get3A_865 = arith.index_cast %get3A_864 : i32 to index
    %get3A_866 = arith.constant 0 : index
    %get3A_867 = tpu.vector_load %arg15[%get3A_865, %get3A_866] {strides = array<i32>} : memref<8x16xi32, #tpu.memory_space<vmem>>, vector<16xi32>,
    %shift_right_arithmetic3A_868 = arith.constant 31 : i32
    %shift_right_arithmetic3A_869 = vector.broadcast %shift_right_arithmetic3A_868 : i32 to vector<16xi32>
    %shift_right_arithmetic3A_870 = arith.shrsi %get3A_867, %shift_right_arithmetic3A_869 : vector<16xi32>
    %and3A_871 = arith.constant 2147483647 : i32
    %and3A_872 = vector.broadcast %and3A_871 : i32 to vector<16xi32>
    %and3A_873 = arith.andi %shift_right_arithmetic3A_870, %and3A_872 : vector<16xi32>
    %xor3A_874 = arith.xori %get3A_867, %and3A_873 : vector<16xi32>
    %bitcast_convert_type3A_875 = tpu.bitcast %xor3A_874 : vector<16xi32> -> vector<16xf32>
    %neg3A_876 = arith.constant 0.000000e+00 : f32
    %neg3A_877 = vector.broadcast %neg3A_876 : f32 to vector<16xf32>
    %neg3A_878 = arith.subf %neg3A_877, %bitcast_convert_type3A_875 : vector<16xf32>
    %exp3A_879 = math.exp %neg3A_878 : vector<16xf32>
    %add3A_880 = arith.constant 1.000000e+00 : f32
    %add3A_881 = vector.broadcast %add3A_880 : f32 to vector<16xf32>
    %add3A_882 = arith.addf %add3A_881, %exp3A_879 : vector<16xf32>
    %div3A_883 = arith.constant 1.000000e+00 : f32
    %div3A_884 = vector.broadcast %div3A_883 : f32 to vector<16xf32>
    %div3A_885 = arith.divf %div3A_884, %add3A_882 : vector<16xf32>
    %get3A_886 = arith.constant 7 : i32
    %get3A_887 = arith.index_cast %get3A_886 : i32 to index
    %get3A_888 = arith.constant 0 : index
    %get3A_889 = tpu.vector_load %arg16[%get3A_887, %get3A_888] {strides = array<i32>} : memref<8x16xi32, #tpu.memory_space<vmem>>, vector<16xi32>,
    %convert_element_type3A_890 = arith.sitofp %get3A_889 : vector<16xi32> to vector<16xf32>
    %add3A_891 = arith.constant 5.000000e-01 : f32
    %add3A_892 = vector.broadcast %add3A_891 : f32 to vector<16xf32>
    %add3A_893 = arith.addf %convert_element_type3A_890, %add3A_892 : vector<16xf32>
    %mul3A_894 = arith.constant 0.0109890113 : f32
    %mul3A_895 = vector.broadcast %mul3A_894 : f32 to vector<16xf32>
    %mul3A_896 = arith.mulf %add3A_893, %mul3A_895 : vector<16xf32>
    %convert_element_type3A_897 = arith.fptosi %mul3A_896 : vector<16xf32> to vector<16xi32>
    %mul3A_898 = arith.constant 91 : i32
    %mul3A_899 = vector.broadcast %mul3A_898 : i32 to vector<16xi32>
    %mul3A_900 = arith.muli %convert_element_type3A_897, %mul3A_899 : vector<16xi32>
    %sub3A_901 = arith.subi %get3A_889, %mul3A_900 : vector<16xi32>
    %broadcast_in_dim3A_902 = arith.constant 0 : i32
    %broadcast_in_dim3A_903 = vector.broadcast %broadcast_in_dim3A_902 : i32 to vector<16xi32>
    %gather3A_904 = tpu.vector_load_idx %arg9[%convert_element_type3A_897, %broadcast_in_dim3A_903] : memref<900x4xf32, #tpu.memory_space<vmem>>[vector<16xi32>, vector<16xi32>], vector<16xf32>,
    %add3A_905 = arith.constant 1 : i32
    %add3A_906 = vector.broadcast %add3A_905 : i32 to vector<16xi32>
    %add3A_907 = arith.addi %broadcast_in_dim3A_903, %add3A_906 : vector<16xi32>
    %gather3A_908 = tpu.vector_load_idx %arg9[%convert_element_type3A_897, %add3A_907] : memref<900x4xf32, #tpu.memory_space<vmem>>[vector<16xi32>, vector<16xi32>], vector<16xf32>,
    %add3A_909 = arith.constant 2 : i32
    %add3A_910 = vector.broadcast %add3A_909 : i32 to vector<16xi32>
    %add3A_911 = arith.addi %broadcast_in_dim3A_903, %add3A_910 : vector<16xi32>
    %gather3A_912 = tpu.vector_load_idx %arg9[%convert_element_type3A_897, %add3A_911] : memref<900x4xf32, #tpu.memory_space<vmem>>[vector<16xi32>, vector<16xi32>], vector<16xf32>,
    %add3A_913 = arith.constant 3 : i32
    %add3A_914 = vector.broadcast %add3A_913 : i32 to vector<16xi32>
    %add3A_915 = arith.addi %broadcast_in_dim3A_903, %add3A_914 : vector<16xi32>
    %gather3A_916 = tpu.vector_load_idx %arg9[%convert_element_type3A_897, %add3A_915] : memref<900x4xf32, #tpu.memory_space<vmem>>[vector<16xi32>, vector<16xi32>], vector<16xf32>,
    %swap3A_917 = arith.constant 112 : index
    %swap3A_918 = tpu.vector_load %arg17[%swap3A_917] {strides = array<i32>} : memref<128xf32, #tpu.memory_space<vmem>>, vector<16xf32>,
    tpu.vector_store %arg17[%swap3A_917], %div3A_885 {strides = array<i32>} : memref<128xf32, #tpu.memory_space<vmem>>, vector<16xf32>,
    %swap3A_919 = arith.constant 112 : index
    %swap3A_920 = tpu.vector_load %arg18[%swap3A_919] {strides = array<i32>} : memref<128xi32, #tpu.memory_space<vmem>>, vector<16xi32>,
    tpu.vector_store %arg18[%swap3A_919], %sub3A_901 {strides = array<i32>} : memref<128xi32, #tpu.memory_space<vmem>>, vector<16xi32>,
    %add3A_921 = arith.constant 112 : i32
    %add3A_922 = vector.broadcast %add3A_921 : i32 to vector<16xi32>
    %add3A_923 = arith.addi %add3A_922, %iota3A : vector<16xi32>
    %mul3A_924 = arith.constant 4 : i32
    %mul3A_925 = vector.broadcast %mul3A_924 : i32 to vector<16xi32>
    %mul3A_926 = arith.muli %add3A_923, %mul3A_925 : vector<16xi32>
    %mul3A_927 = arith.constant 5.000000e-01 : f32
    %mul3A_928 = vector.broadcast %mul3A_927 : f32 to vector<16xf32>
    %mul3A_929 = arith.mulf %mul3A_928, %gather3A_912 : vector<16xf32>
    %sub3A_930 = arith.subf %gather3A_904, %mul3A_929 : vector<16xf32>
    %mul3A_931 = arith.mulf %sub3A_930, %convert_element_type3A_222 : vector<16xf32>
    tpu.vector_store_idx %arg19[%mul3A_926], %mul3A_931 : memref<512xf32, #tpu.memory_space<vmem>>[vector<16xi32>], vector<16xf32>,
    %add3A_932 = arith.constant 1 : i32
    %add3A_933 = vector.broadcast %add3A_932 : i32 to vector<16xi32>
    %add3A_934 = arith.addi %mul3A_926, %add3A_933 : vector<16xi32>
    %mul3A_935 = arith.constant 5.000000e-01 : f32
    %mul3A_936 = vector.broadcast %mul3A_935 : f32 to vector<16xf32>
    %mul3A_937 = arith.mulf %mul3A_936, %gather3A_916 : vector<16xf32>
    %sub3A_938 = arith.subf %gather3A_908, %mul3A_937 : vector<16xf32>
    %mul3A_939 = arith.mulf %sub3A_938, %convert_element_type3A_218 : vector<16xf32>
    tpu.vector_store_idx %arg19[%add3A_934], %mul3A_939 : memref<512xf32, #tpu.memory_space<vmem>>[vector<16xi32>], vector<16xf32>,
    %add3A_940 = arith.constant 2 : i32
    %add3A_941 = vector.broadcast %add3A_940 : i32 to vector<16xi32>
    %add3A_942 = arith.addi %mul3A_926, %add3A_941 : vector<16xi32>
    %mul3A_943 = arith.constant 5.000000e-01 : f32
    %mul3A_944 = vector.broadcast %mul3A_943 : f32 to vector<16xf32>
    %mul3A_945 = arith.mulf %mul3A_944, %gather3A_912 : vector<16xf32>
    %add3A_946 = arith.addf %gather3A_904, %mul3A_945 : vector<16xf32>
    %mul3A_947 = arith.mulf %add3A_946, %convert_element_type3A_222 : vector<16xf32>
    tpu.vector_store_idx %arg19[%add3A_942], %mul3A_947 : memref<512xf32, #tpu.memory_space<vmem>>[vector<16xi32>], vector<16xf32>,
    %add3A_948 = arith.constant 3 : i32
    %add3A_949 = vector.broadcast %add3A_948 : i32 to vector<16xi32>
    %add3A_950 = arith.addi %mul3A_926, %add3A_949 : vector<16xi32>
    %mul3A_951 = arith.constant 5.000000e-01 : f32
    %mul3A_952 = vector.broadcast %mul3A_951 : f32 to vector<16xf32>
    %mul3A_953 = arith.mulf %mul3A_952, %gather3A_916 : vector<16xf32>
    %add3A_954 = arith.addf %gather3A_908, %mul3A_953 : vector<16xf32>
    %mul3A_955 = arith.mulf %add3A_954, %convert_element_type3A_218 : vector<16xf32>
    tpu.vector_store_idx %arg19[%add3A_950], %mul3A_955 : memref<512xf32, #tpu.memory_space<vmem>>[vector<16xi32>], vector<16xf32>,
    "tpu.region"() ({
      %run_scoped3A = tpu.sem_alloc : memref<!tpu.dma_semaphore, #tpu.memory_space<semaphore_mem>>
      %dma_start3A = arith.constant 0 : i32
      %dma_start3A_956 = tpu.memref_slice %arg5[%add3A, %dma_start3A] : memref<32x128xf32, #tpu.memory_space<hbm>> -> memref<1x128xf32, #tpu.memory_space<hbm>>
      %dma_start3A_957 = tpu.memref_squeeze %dma_start3A_956 : memref<1x128xf32, #tpu.memory_space<hbm>> -> memref<128xf32, #tpu.memory_space<hbm>>
      %dma_start3A_958 = arith.constant 0 : i32
      %dma_start3A_959 = tpu.memref_slice %arg5[%add3A, %dma_start3A_958] : memref<32x128xf32, #tpu.memory_space<hbm>> -> memref<1x128xf32, #tpu.memory_space<hbm>>
      %dma_start3A_960 = tpu.memref_squeeze %dma_start3A_959 : memref<1x128xf32, #tpu.memory_space<hbm>> -> memref<128xf32, #tpu.memory_space<hbm>>
      tpu.enqueue_dma source(%arg17 : memref<128xf32, #tpu.memory_space<vmem>>) target(%dma_start3A_960 : memref<128xf32, #tpu.memory_space<hbm>>) target_semaphore(%run_scoped3A : memref<!tpu.dma_semaphore, #tpu.memory_space<semaphore_mem>>)
      %dma_wait3A = arith.constant 0 : i32
      %dma_wait3A_961 = tpu.memref_slice %arg5[%add3A, %dma_wait3A] : memref<32x128xf32, #tpu.memory_space<hbm>> -> memref<1x128xf32, #tpu.memory_space<hbm>>
      %dma_wait3A_962 = tpu.memref_squeeze %dma_wait3A_961 : memref<1x128xf32, #tpu.memory_space<hbm>> -> memref<128xf32, #tpu.memory_space<hbm>>
      %dma_wait3A_963 = arith.constant 0 : i32
      %dma_wait3A_964 = tpu.memref_slice %arg5[%add3A, %dma_wait3A_963] : memref<32x128xf32, #tpu.memory_space<hbm>> -> memref<1x128xf32, #tpu.memory_space<hbm>>
      %dma_wait3A_965 = tpu.memref_squeeze %dma_wait3A_964 : memref<1x128xf32, #tpu.memory_space<hbm>> -> memref<128xf32, #tpu.memory_space<hbm>>
      tpu.wait_dma2 semaphore(%run_scoped3A : memref<!tpu.dma_semaphore, #tpu.memory_space<semaphore_mem>>) src(%arg17 : memref<128xf32, #tpu.memory_space<vmem>>) dst(%dma_wait3A_965 : memref<128xf32, #tpu.memory_space<hbm>>)
      tpu.yield
    }) : () -> ()
    "tpu.region"() ({
      %run_scoped3A = tpu.sem_alloc : memref<!tpu.dma_semaphore, #tpu.memory_space<semaphore_mem>>
      %dma_start3A = arith.constant 0 : i32
      %dma_start3A_956 = tpu.memref_slice %arg6[%add3A, %dma_start3A] : memref<32x128xi32, #tpu.memory_space<hbm>> -> memref<1x128xi32, #tpu.memory_space<hbm>>
      %dma_start3A_957 = tpu.memref_squeeze %dma_start3A_956 : memref<1x128xi32, #tpu.memory_space<hbm>> -> memref<128xi32, #tpu.memory_space<hbm>>
      %dma_start3A_958 = arith.constant 0 : i32
      %dma_start3A_959 = tpu.memref_slice %arg6[%add3A, %dma_start3A_958] : memref<32x128xi32, #tpu.memory_space<hbm>> -> memref<1x128xi32, #tpu.memory_space<hbm>>
      %dma_start3A_960 = tpu.memref_squeeze %dma_start3A_959 : memref<1x128xi32, #tpu.memory_space<hbm>> -> memref<128xi32, #tpu.memory_space<hbm>>
      tpu.enqueue_dma source(%arg18 : memref<128xi32, #tpu.memory_space<vmem>>) target(%dma_start3A_960 : memref<128xi32, #tpu.memory_space<hbm>>) target_semaphore(%run_scoped3A : memref<!tpu.dma_semaphore, #tpu.memory_space<semaphore_mem>>)
      %dma_wait3A = arith.constant 0 : i32
      %dma_wait3A_961 = tpu.memref_slice %arg6[%add3A, %dma_wait3A] : memref<32x128xi32, #tpu.memory_space<hbm>> -> memref<1x128xi32, #tpu.memory_space<hbm>>
      %dma_wait3A_962 = tpu.memref_squeeze %dma_wait3A_961 : memref<1x128xi32, #tpu.memory_space<hbm>> -> memref<128xi32, #tpu.memory_space<hbm>>
      %dma_wait3A_963 = arith.constant 0 : i32
      %dma_wait3A_964 = tpu.memref_slice %arg6[%add3A, %dma_wait3A_963] : memref<32x128xi32, #tpu.memory_space<hbm>> -> memref<1x128xi32, #tpu.memory_space<hbm>>
      %dma_wait3A_965 = tpu.memref_squeeze %dma_wait3A_964 : memref<1x128xi32, #tpu.memory_space<hbm>> -> memref<128xi32, #tpu.memory_space<hbm>>
      tpu.wait_dma2 semaphore(%run_scoped3A : memref<!tpu.dma_semaphore, #tpu.memory_space<semaphore_mem>>) src(%arg18 : memref<128xi32, #tpu.memory_space<vmem>>) dst(%dma_wait3A_965 : memref<128xi32, #tpu.memory_space<hbm>>)
      tpu.yield
    }) : () -> ()
    "tpu.region"() ({
      %run_scoped3A = tpu.sem_alloc : memref<!tpu.dma_semaphore, #tpu.memory_space<semaphore_mem>>
      %dma_start3A = arith.constant 0 : i32
      %dma_start3A_956 = tpu.memref_slice %arg7[%add3A, %dma_start3A] : memref<32x512xf32, #tpu.memory_space<hbm>> -> memref<1x512xf32, #tpu.memory_space<hbm>>
      %dma_start3A_957 = tpu.memref_squeeze %dma_start3A_956 : memref<1x512xf32, #tpu.memory_space<hbm>> -> memref<512xf32, #tpu.memory_space<hbm>>
      %dma_start3A_958 = arith.constant 0 : i32
      %dma_start3A_959 = tpu.memref_slice %arg7[%add3A, %dma_start3A_958] : memref<32x512xf32, #tpu.memory_space<hbm>> -> memref<1x512xf32, #tpu.memory_space<hbm>>
      %dma_start3A_960 = tpu.memref_squeeze %dma_start3A_959 : memref<1x512xf32, #tpu.memory_space<hbm>> -> memref<512xf32, #tpu.memory_space<hbm>>
      tpu.enqueue_dma source(%arg19 : memref<512xf32, #tpu.memory_space<vmem>>) target(%dma_start3A_960 : memref<512xf32, #tpu.memory_space<hbm>>) target_semaphore(%run_scoped3A : memref<!tpu.dma_semaphore, #tpu.memory_space<semaphore_mem>>)
      %dma_wait3A = arith.constant 0 : i32
      %dma_wait3A_961 = tpu.memref_slice %arg7[%add3A, %dma_wait3A] : memref<32x512xf32, #tpu.memory_space<hbm>> -> memref<1x512xf32, #tpu.memory_space<hbm>>
      %dma_wait3A_962 = tpu.memref_squeeze %dma_wait3A_961 : memref<1x512xf32, #tpu.memory_space<hbm>> -> memref<512xf32, #tpu.memory_space<hbm>>
      %dma_wait3A_963 = arith.constant 0 : i32
      %dma_wait3A_964 = tpu.memref_slice %arg7[%add3A, %dma_wait3A_963] : memref<32x512xf32, #tpu.memory_space<hbm>> -> memref<1x512xf32, #tpu.memory_space<hbm>>
      %dma_wait3A_965 = tpu.memref_squeeze %dma_wait3A_964 : memref<1x512xf32, #tpu.memory_space<hbm>> -> memref<512xf32, #tpu.memory_space<hbm>>
      tpu.wait_dma2 semaphore(%run_scoped3A : memref<!tpu.dma_semaphore, #tpu.memory_space<semaphore_mem>>) src(%arg19 : memref<512xf32, #tpu.memory_space<vmem>>) dst(%dma_wait3A_965 : memref<512xf32, #tpu.memory_space<hbm>>)
      tpu.yield
    }) : () -> ()
    return
  }
}

</mosaic_0001>

<sc_bundles>
// kernel: _postprocess_sc.3.cloned.1.call-start
scs
__scs_entry_jumppad:
0x0: {  	(pc) =	sbr.rel $0x88, $3  }
0x1: {  	(tag) =	ssettag $0x0;
	lr =	simm.s32 $0x1  }
0x2: {  	[smem:$0x3F9E] =	sst lr;
	_ =	strace $0xD0000000  }
0x3: {  	_ = 	snop  }
0x4: {  	_ = 	snop  }
0x5: {  	_ = 	snop  }
0x6: {  	_ = 	snop  }
0x7: {  	_ = 	snop  }
__scs_overlays_trampoline_lowered:
0x8: {  	[smem:$0x3FAD] =	sst s0  }
0x9: {  	[smem:$0x3FAE] =	sst s1  }
0xa: {  	[smem:$0x3FAF] =	sst s2  }
0xb: {  	[smem:$0x3FB0] =	sst s3  }
0xc: {  	[smem:$0x3FB1] =	sst s4  }
0xd: {  	[smem:$0x3FB2] =	sst s5  }
0xe: {  	[smem:$0x3FB3] =	sst s6  }
0xf: {  	[smem:$0x3FB4] =	sst s7  }
0x10: {  	[smem:$0x3FB5] =	sst s8  }
0x11: {  	[smem:$0x3FB6] =	sst s9;
	s0 =	simm.s32 @!p0 $0x0  }
0x12: {  	s1 =	sld [smem:$0x3F9C];
	s0 =	simm.s32 @p0 $0x1  }
0x13: {  	[smem:$0x3FB7] =	sst s0;
	s0 =	simm.s32 @!p1 $0x0  }
0x14: {  	s2 =	sld [smem:$0x3F9B];
	s0 =	simm.s32 @p1 $0x1  }
0x15: {  	[smem:$0x3FB8] =	sst s0;
	s0 =	simm.s32 @!p2 $0x0  }
0x16: {  	s3 =	sld [smem:$0x3FDB];
	s0 =	simm.s32 @p2 $0x1  }
0x17: {  	s4 =	simm.s32 $0x1BF5;
	[smem:$0x3FBA] =	sst s0  }
0x18: {  	s0 =	sld [smem:$0x3F9D];
	_ =	swait.ge [sflag:s4], $0x0  }
0x19: {  	s7 =	sld [smem:$0x3F9E]  }
0x1a: {  	s8 =	sadd.s32 $0xFFFFE003, lr  }
0x1b: {  	s9 =	sadd.s32 $0xFFFFFEF7, lr;
	s5 =	simm.s32 $0xFFFFFFFF;
	p2 =	slt.u32 s8, $0xFFFFF086  }
0x1c: {  	p1 =	slt.u32 s9, $0xF7A;
	s5 =	simm.s32 @!p2 $0x0  }
0x1d: {  	s5 =	simm.s32 @p1 $0x1;
	p0 =	seq.s32 s7, s2  }
0x1e: {  	s7 =	smul.u32 @!p0 $0xF7A, s2;
	p2 =	seq.s32 @!p0 s5, $0x0  }
0x1f: {  	s9 =	smul.u32 $0xF7A, s1;
	s8 =	simm.s32 @!p0 $0x1BF5;
	p2 =	por !p2, p0  }
0x20: {  	[sflag:s8] =	ssyncset.s32 @!p0 $0xFFFFF086;
	s6 =	sadd.s32 @!p0 s3, s7;
	s7 =	simm.s32 @!p0 $0x108  }
0x21: {  	s3 =	sadd.s32 s3, s9;
	s6 =	sadd.s32 @!p0 $0x88, s6;
	s7 =	simm.s32 @p2 $0x1082  }
0x22: {  	[simem:s7], [sflag:s8] =	dma.local @!p0 [hbm:s6], $0xF7A  }
0x23: {  	s9 =	sor.u32 $0xD0000000, s2;
	s6 =	simm.s32 $0x108;
	_ =	swait.ge @!p0 [sflag:s8], $0x0  }
0x24: {  	s3 =	sadd.s32 $0x88, s3;
	s6 =	simm.s32 @!p1 $0x1082;
	[sflag:s4] =	ssyncset.s32 $0xFFFFF086  }
0x25: {  	[simem:s6], [sflag:s4] =	dma.local [hbm:s3], $0xF7A  }
0x26: {  	[smem:$0x3F9E] =	sst s1;
	(tag) =	ssettag s2;
	_ =	strace s9  }
0x27: {  	s1 =	sld [smem:$0x3FAE]  }
0x28: {  	s2 =	sld [smem:$0x3FAF]  }
0x29: {  	s4 =	sld [smem:$0x3FB1]  }
0x2a: {  	p0 =	seq.s32 s5, $0x0;
	s5 =	sld [smem:$0x3FB2]  }
0x2b: {  	s6 =	sld [smem:$0x3FB3]  }
0x2c: {  	s7 =	sld [smem:$0x3FB4]  }
0x2d: {  	s3 =	simm.s32 $0x108;
	s8 =	sld [smem:$0x3FB5]  }
0x2e: {  	s3 =	simm.s32 @!p0 $0x1082;
	s9 =	sld [smem:$0x3FB6]  }
0x2f: {  	lr =	sadd.s32 s0, s3;
	s0 =	sld [smem:$0x3FAD]  }
0x30: {  	s3 =	sld [smem:$0x3FB0]  }
0x31: {  	[smem:$0x3FB9] =	sst s10  }
0x32: {  	s10 =	sld [smem:$0x3FB7];
	_ =	sdelay $0x3  }
0x33: {  	p0 =	seq.s32 s10, $0x1;
	s10 =	sld [smem:$0x3FB9];
	_ =	sdelay $0x3  }
0x34: {  	[smem:$0x3FB9] =	sst s10  }
0x35: {  	s10 =	sld [smem:$0x3FB8];
	_ =	sdelay $0x3  }
0x36: {  	p1 =	seq.s32 s10, $0x1;
	s10 =	sld [smem:$0x3FB9];
	_ =	sdelay $0x3  }
0x37: {  	[smem:$0x3FB9] =	sst s10  }
0x38: {  	s10 =	sld [smem:$0x3FBA]  }
0x39: {  	_ = 	snop;
	(pc) =	sbr.ind lr, $3  }
0x3a: {  	_ = 	snop  }
0x3b: {  	_ = 	snop  }
0x3c: {  	p2 =	seq.s32 s10, $0x1;
	s10 =	sld [smem:$0x3FB9]  }
0x3d: {  	_ =	shalt  }
0x3e: {  	_ =	shalt  }
0x3f: {  	_ =	shalt  }
0x40: {  	_ =	shalt  }
0x41: {  	_ =	shalt  }
0x42: {  	_ =	shalt  }
0x43: {  	_ =	shalt  }
0x44: {  	_ =	shalt  }
0x45: {  	_ =	shalt  }
0x46: {  	_ =	shalt  }
0x47: {  	_ =	shalt  }
0x48: {  	_ =	shalt  }
0x49: {  	_ =	shalt  }
0x4a: {  	_ =	shalt  }
0x4b: {  	_ =	shalt  }
0x4c: {  	_ =	shalt  }
0x4d: {  	_ =	shalt  }
0x4e: {  	_ =	shalt  }
0x4f: {  	_ =	shalt  }
0x50: {  	_ =	shalt  }
0x51: {  	_ =	shalt  }
0x52: {  	_ =	shalt  }
0x53: {  	_ =	shalt  }
0x54: {  	_ =	shalt  }
0x55: {  	_ =	shalt  }
0x56: {  	_ =	shalt  }
0x57: {  	_ =	shalt  }
0x58: {  	_ =	shalt  }
0x59: {  	_ =	shalt  }
0x5a: {  	_ =	shalt  }
0x5b: {  	_ =	shalt  }
0x5c: {  	_ =	shalt  }
0x5d: {  	_ =	shalt  }
0x5e: {  	_ =	shalt  }
0x5f: {  	_ =	shalt  }
0x60: {  	_ =	shalt  }
0x61: {  	_ =	shalt  }
0x62: {  	_ =	shalt  }
0x63: {  	_ =	shalt  }
0x64: {  	_ =	shalt  }
0x65: {  	_ =	shalt  }
0x66: {  	_ =	shalt  }
0x67: {  	_ =	shalt  }
0x68: {  	_ =	shalt  }
0x69: {  	_ =	shalt  }
0x6a: {  	_ =	shalt  }
0x6b: {  	_ =	shalt  }
0x6c: {  	_ =	shalt  }
0x6d: {  	_ =	shalt  }
0x6e: {  	_ =	shalt  }
0x6f: {  	_ =	shalt  }
0x70: {  	_ =	shalt  }
0x71: {  	_ =	shalt  }
0x72: {  	_ =	shalt  }
0x73: {  	_ =	shalt  }
0x74: {  	_ =	shalt  }
0x75: {  	_ =	shalt  }
0x76: {  	_ =	shalt  }
0x77: {  	_ =	shalt  }
0x78: {  	_ =	shalt  }
0x79: {  	_ =	shalt  }
0x7a: {  	_ =	shalt  }
0x7b: {  	_ =	shalt  }
0x7c: {  	_ =	shalt  }
0x7d: {  	_ =	shalt  }
0x7e: {  	_ =	shalt  }
0x7f: {  	_ =	shalt  }
0x80: {  	_ =	shalt  }
0x81: {  	_ =	shalt  }
0x82: {  	_ =	shalt  }
0x83: {  	_ =	shalt  }
0x84: {  	_ =	shalt  }
0x85: {  	_ =	shalt  }
0x86: {  	_ =	shalt  }
0x87: {  	_ =	shalt  }
.Lfunc_end0:
.L_simem_size_0:
called_computation_lowered:
.L_overlay_start_0:
0x88: {  	s2 =	sld [smem:$0x3FD9]  }
0x89: {  	s3 =	sld [smem:$0x3FFE];
	_ =	sdelay $0x1  }
0x8a: {  	s1 =	srdreg.scid  }
0x8b: {  	s0 =	sand.u32 $0x1, s1  }
0x8c: {  	s14 =	sshll.u32 s0, $0xA;
	s2 =	sadd.s32 s3, s2  }
0x8d: {  	s2 =	sadd.s32 s2, s14  }
0x8e: {  	[smem:$0x3FC5] =	sst s2  }
0x8f: {  	_ = 	snop  }
0x90: {  	s2 =	sld [smem:$0x3FD0];
	_ =	sdelay $0x2  }
0x91: {  	s4 =	simm.s32 $0xA;
	s5 =	simm.s32 $0x10;
	s15 =	sld [smem:$0x3FC9]  }
0x92: {  	[smem:s5], [sflag:s4] =	dma.local [hbm:s2], $0x1  }
0x93: {  	_ =	swait.eq [sflag:s4], $0x1  }
0x94: {  	s16 =	sld [smem:$0x10];
	[sflag:s4] =	ssyncset.done $0x0  }
0x95: {  	s17 =	sld [smem:$0x11];
	[sflag:s4] =	ssyncadd.s32 $0xFFFFFFFF  }
0x96: {  	s18 =	sld [smem:$0x12];
	(tm) =	ssettm $0x1  }
0x97: {  	s6 =	sld [smem:$0x3FFB];
	_ =	sdelay $0x3  }
0x98: {  	_ =	strace s6  }
0x99: {  	s6 =	sld [smem:$0x3FFC];
	_ =	sdelay $0x3  }
0x9a: {  	_ =	strace s6  }
0x9b: {  	s6 =	sld [smem:$0x3FFD];
	_ =	sdelay $0x3  }
0x9c: {  	_ =	strace s6  }
0x9d: {  	_ =	strace $0x8FFFFFFF  }
0x9e: {  	s19 =	sld [smem:$0x3FDB];
	_ =	sdelay $0x1  }
0x9f: {  	s7 =	simm.s32 $_scs_section_size  }
0xa0: {  	s8 =	simm.s32 $_size__tile_overlayer_lowered;
	s9 =	simm.s32 $_tile_overlayer_lowered  }
0xa1: {  	s22 =	simm.s32 $0x1BFF;
	s21 =	sshll.u32 s9, $0x1;
	s6 =	sadd.s32 s7, s19  }
0xa2: {  	s10 =	simm.s32 $0x0;
	s20 =	sshll.u32 s8, $0x1;
	s8 =	sadd.s32 s21, s6  }
0xa3: {  	[timem:s10], [sflag:s22] =	dma.local [hbm:s8], s20  }
0xa4: {  	_ =	swait.ge [sflag:s22], s20  }
0xa5: {  	s7 =	ssub.s32 $0x0, s20;
	[sflag:s22] =	ssyncset.done $0x0  }
0xa6: {  	[sflag:s22] =	ssyncadd.s32 s7;
	_ =	sdelay $0x1  }
0xa7: {  	s23 =	simm.s32 $0x1B8B  }
0xa8: {  	_ =	swait.ge [sflag:s23], $0x1  }
0xa9: {  	[sflag:s23] =	ssyncset.done $0x0  }
0xaa: {  	s25 =	simm.s32 $0x1B8E;
	s24 =	sld [smem:$0x3FFE];
	[sflag:s23] =	ssyncadd.s32 $0xFFFFFFFF  }
0xab: {  	s26 =	simm.s32 $execute0_lowered;
	[smem:$0x3FD2] =	sst s25  }
0xac: {  	s8 =	sshll.u32 s26, $0x1;
	_ =	strace $0x80000046;
	[dreg:$0x1] =	wrdreg $0xFFFFFFFF  }
0xad: {  	s28 =	simm.s32 $_size_execute0_lowered;
	s6 =	sadd.s32 s6, s8;
	[dreg:$0x0] =	wrdreg $0x0  }
0xae: {  	s8 =	sshll.u32 s28, $0x1;
	[dreg:$0x2] =	wrdreg s6  }
0xaf: {  	[dreg:$0x3] =	wrdreg s8  }
0xb0: {  	[dreg:$0x4] =	wrdreg $0xC0  }
0xb1: {  	_ =	task [dreg:s10], $0x5FFFF  }
0xb2: {  	[dreg:$0x1] =	wrdreg $0xFFFFFFFF  }
0xb3: {  	[dreg:$0x0] =	wrdreg $0x60  }
0xb4: {  	[dreg:$0x2] =	wrdreg s15  }
0xb5: {  	[dreg:$0x3] =	wrdreg s24  }
0xb6: {  	[dreg:$0x4] =	wrdreg s18  }
0xb7: {  	[dreg:$0x5] =	wrdreg s16  }
0xb8: {  	[dreg:$0x6] =	wrdreg s17  }
0xb9: {  	[dreg:$0x7] =	wrdreg $0x9  }
0xba: {  	_ =	task.clear_ibuf [dreg:s10], $0x8FFFF;
	_ =	strace $0x90000046  }
0xbb: {  	s29 =	simm.s32 $0x9;
	_ =	strace $0x80000048  }
0xbc: {  	_ =	swait.ge [sflag:s29], $0x1  }
0xbd: {  	[sflag:s29] =	ssyncadd.s32 $0xFFFFFFFF  }
0xbe: {  	_ =	strace $0x90000048  }
0xbf: {  	_ =	sfence  }
0xc0: {  	s30 =	sld [smem:$0x0];
	_ =	sdelay $0x2  }
0xc1: {  	s31 =	sshll.u32 s1, $0xD;
	s1 =	sshrl.u32 s1, $0x2  }
0xc2: {  	s3 =	sand.u32 $0x4000, s31;
	s1 =	sadd.s32 s1, s30  }
0xc3: {  	s0 =	sor.u32 s3, s0;
	s1 =	sshll.u32 s1, $0x11  }
0xc4: {  	s0 =	sor.u32 s1, s0  }
0xc5: {  	s0 =	sadd.s32 $0x8F2B, s0  }
0xc6: {  	[sflag:s0] =	ssyncadd.remote.s32 $0x1  }
0xc7: {  	_ =	sfence.sel $0xFFFF  }
0xc8: {  	[dreg:$0x0] =	wrdreg $0xFFFFFFFF;
	(pc) =	sbr.abs _section_cstart, $3  }
0xc9: {  	[dreg:$0x1] =	wrdreg $0xFFFFFFFF  }
0xca: {  	_ =	task.clear_ibuf [dreg:s10], $0x2FFFF;
	_ =	strace $0x9FFFFFFF  }
0xcb: {  	(tm) =	ssettm $0x7FFFFFFF  }
tec
execute0_lowered:
.L_overlay_start_1:
0x0: {  	(tag) =	ssettag $0x1  }
0x1: {  	s4 =	rddreg [dreg:$0x0]  }
0x2: {  	s5 =	rddreg [dreg:$0x1]  }
0x3: {  	s1 =	rddreg [dreg:$0x2]  }
0x4: {  	s6 =	rddreg [dreg:$0x3]  }
0x5: {  	s7 =	rddreg [dreg:$0x4]  }
0x6: {  	s0 =	rddreg [dreg:$0x5];
	s8 =	srdreg.scid  }
0x7: {  	s2 =	stileid.u32;
	s3 =	simm.s32 $0x0;
	s14 =	simm.s32 $0x18110  }
0x8: {  	s15 =	simm.s32 $0x18310;
	s16 =	simm.s32 $0x18510;
	s17 =	simm.s32 $0x18590  }
0x9: {  	s18 =	simm.s32 $0x18710;
	s19 =	simm.s32 $0x18610;
	s20 =	simm.s32 $0x18690  }
0xa: {  	s8 =	sand.u32 $0x1, s8;
	s9 =	sshll.u32 s2, $0x1;
	[smem:$0x7FF] =	sst s3  }
0xb: {  	s21 =	simm.s32 $0x0;
	s9 =	sor.u32 s8, s9;
	_ =	strace $0x80000047  }
0xc: {  	s8 =	ssub.s32 $0x2, s8;
	s10 =	smul.u32 $0x384, s9;
	s11 =	sshll.u32 s9, $0x6  }
0xd: {  	s12 =	smul.u32 $0x27FE, s9;
	s29 =	sshrl.u32 s8, $0x1;
	s30 =	sshll.u32 s9, $0x4  }
.Ltmp0:
0xe: {  	s31 =	sshll.u32 s9, $0x3;
	s11 =	sadd.s32 s11, s5;
	(pc) =	sbr.rel .LBB2_1-.Ltmp0, $4  }
0xf: {  	v0 =	vlaneseq.u32;
	s13 =	ssub.s32 s8, s29;
	s6 =	sadd.s32 s6, s30;
	s7 =	sadd.s32 s7, s30  }
0x10: {  	v3 =	vimm.s32 $0x0;
	v4 =	vimm.s32 $0x1;
	v6 =	vmul.u32 $0xFFFFFFFF, v0;
	s10 =	sadd.s32 s10, s5;
	s4 =	sadd.s32 s4, s12;
	s8 =	sadd.s32 $0x7C00, s11  }
0x11: {  	v5 =	vimm.s32 $0xF;
	v7 =	vimm.s32 $0x80000000;
	v1 =	vmov s31;
	s9 =	smax.u32 s13, $0x1;
	s11 =	simm.s32 $0x13FF0;
	s12 =	simm.s32 $0x15C10  }
0x12: {  	v8 =	vimm.f32 $0.0e+00;
	v6 =	vadd.s32 $0xF, v6;
	v2 =	vor.u32 $0x1, v1;
	s13 =	simm.s32 $0x15D10;
	s5 =	sadd.s32 $0xA00, s10;
	s10 =	simm.s32 $0x1  }
.LBB2_22:
0x13: {  	v9 =	vld [tilespmem:$0x18510];
	_ =	sdelay $0x4  }
0x14: {  	v12 =	vld [tilespmem:$0x18590];
	v10 =	vshra.s32 v9, $0x1F  }
0x15: {  	v10 =	vand.u32 $0x7FFFFFFF, v10  }
0x16: {  	v9 =	vxor.u32 v9, v10  }
0x17: {  	v9 =	vsub.f32 $0.0e+00, v9;
	_ =	sdelay $0x1  }
0x18: {  	v10 =	vcvt.s32.f32 v12;
	v9 =	vmul.f32 $1.442695020e+00, v9;
	_ =	sdelay $0x1  }
0x19: {  	(erf) = vpow2.f32 v9;
	v9 =	vadd.f32 $5.000000000e-01, v10;
	_ =	sdelay $0x1  }
0x1a: {  	v9 =	vmul.f32 $1.098901130e-02, v9;
	_ =	sdelay $0x1  }
0x1b: {  	v9 =	vtrunc.f32 v9  }
0x1c: {  	v10 =	vcvt.f32.s32 v9;
	_ =	sdelay $0x1  }
0x1d: {  	v9 =	vshll.u32 v10, $0x3  }
0x1e: {  	v11 =	vor.u32 $0x2, v9  }
0x1f: {  	v14 =	vor.u32 $0x3, v9  }
0x20: {  	v13 =	vpop (erf)  }
0x21: {  	v15 =	vld.idx.msk [tilespmem:v1+s12+$0x0], $0xffff;
	v16 =	vor.u32 $0x1, v9;
	v13 =	vadd.f32 $1.000000000e+00, v13  }
0x22: {  	v17 =	vld.idx.msk [tilespmem:v2+s12+$0x0], $0xffff  }
0x23: {  	(erf) = vrcp.f32 v13;
	v11 =	vld.idx.msk [tilespmem:v11+s11+$0x0], $0xffff  }
0x24: {  	v39 =	vld.idx.msk [tilespmem:v14+s11+$0x0], $0xffff  }
0x25: {  	v40 =	vld.idx.msk [tilespmem:v9+s11+$0x0], $0xffff  }
0x26: {  	v16 =	vld.idx.msk [tilespmem:v16+s11+$0x0], $0xffff;
	_ =	sdelay $0x1  }
0x27: {  	v41 =	vmul.u32 $0xFFFFFFA5, v10;
	v18 =	vmul.f32 $5.000000000e-01, v11;
	v11 =	vmul.u32 $0x4, v0  }
0x28: {  	v10 =	vcvt.s32.f32 v17;
	v13 =	vmul.f32 $5.000000000e-01, v39  }
0x29: {  	v12 =	vadd.s32 v12, v41;
	v42 =	vsub.f32 v40, v18;
	v19 =	vor.u32 $0x1, v11  }
0x2a: {  	v9 =	vcvt.s32.f32 v15;
	v43 =	vsub.f32 v16, v13;
	v21 =	vor.u32 $0x2, v11  }
0x2b: {  	[tilespmem:$0x18690] =	vst v12;
	v14 =	vadd.f32 v18, v40;
	v44 =	vor.u32 $0x3, v11;
	v20 =	vpop (erf);
	v17 =	vmul.f32 v10, v42  }
0x2c: {  	v13 =	vadd.f32 v13, v16;
	[tilespmem:$0x18610] =	vst v20;
	v45 =	vmul.f32 v9, v43  }
0x2d: {  	v14 =	vmul.f32 v10, v14;
	[tilespmem:v11+s18+$0x0] =	vst.idx.msk $0xffff, v17  }
0x2e: {  	v46 =	vmul.f32 v9, v13;
	[tilespmem:v19+s18+$0x0] =	vst.idx.msk $0xffff, v45  }
0x2f: {  	[tilespmem:v21+s18+$0x0] =	vst.idx.msk $0xffff, v14  }
0x30: {  	[tilespmem:v44+s18+$0x0] =	vst.idx.msk $0xffff, v46  }
0x31: {  	v12 =	vld [tilespmem:$0x18520];
	_ =	sdelay $0x3  }
0x32: {  	v14 =	vld [tilespmem:$0x185A0]  }
0x33: {  	v47 =	vshra.s32 v12, $0x1F  }
0x34: {  	v13 =	vand.u32 $0x7FFFFFFF, v47  }
0x35: {  	v12 =	vxor.u32 v12, v13  }
0x36: {  	v12 =	vsub.f32 $0.0e+00, v12  }
0x37: {  	v48 =	vcvt.s32.f32 v14  }
0x38: {  	v12 =	vmul.f32 $1.442695020e+00, v12  }
0x39: {  	v49 =	vadd.f32 $5.000000000e-01, v48  }
0x3a: {  	(erf) = vpow2.f32 v12  }
0x3b: {  	v12 =	vmul.f32 $1.098901130e-02, v49;
	_ =	sdelay $0x1  }
0x3c: {  	v12 =	vtrunc.f32 v12  }
0x3d: {  	v12 =	vcvt.f32.s32 v12;
	_ =	sdelay $0x1  }
0x3e: {  	v50 =	vshll.u32 v12, $0x3  }
0x3f: {  	v51 =	vor.u32 $0x2, v50  }
0x40: {  	v53 =	vor.u32 $0x3, v50  }
0x41: {  	v52 =	vpop (erf)  }
0x42: {  	v54 =	vor.u32 $0x1, v50;
	v16 =	vadd.f32 $1.000000000e+00, v52;
	_ =	sdelay $0x1  }
0x43: {  	v15 =	vld.idx.msk [tilespmem:v51+s11+$0x0], $0xffff;
	(erf) = vrcp.f32 v16  }
0x44: {  	v55 =	vld.idx.msk [tilespmem:v53+s11+$0x0], $0xffff  }
0x45: {  	v13 =	vld.idx.msk [tilespmem:v50+s11+$0x0], $0xffff  }
0x46: {  	v56 =	vld.idx.msk [tilespmem:v54+s11+$0x0], $0xffff;
	_ =	sdelay $0x1  }
0x47: {  	v15 =	vmul.f32 $5.000000000e-01, v15  }
0x48: {  	v57 =	vor.u32 $0x40, v11;
	v12 =	vmul.u32 $0xFFFFFFA5, v12;
	v16 =	vmul.f32 $5.000000000e-01, v55  }
0x49: {  	v59 =	vor.u32 $0x41, v11;
	v58 =	vsub.f32 v13, v15  }
0x4a: {  	v22 =	vor.u32 $0x42, v11;
	v12 =	vadd.s32 v14, v12;
	v61 =	vsub.f32 v56, v16  }
0x4b: {  	v62 =	vor.u32 $0x43, v11;
	[tilespmem:$0x186A0] =	vst v12;
	v13 =	vadd.f32 v15, v13;
	v19 =	vmul.f32 v10, v58;
	v60 =	vpop (erf)  }
0x4c: {  	v21 =	vadd.f32 v16, v56;
	v63 =	vmul.f32 v9, v61;
	[tilespmem:$0x18620] =	vst v60  }
0x4d: {  	v13 =	vmul.f32 v10, v13;
	[tilespmem:v57+s18+$0x0] =	vst.idx.msk $0xffff, v19  }
0x4e: {  	v23 =	vmul.f32 v9, v21;
	[tilespmem:v59+s18+$0x0] =	vst.idx.msk $0xffff, v63  }
0x4f: {  	[tilespmem:v22+s18+$0x0] =	vst.idx.msk $0xffff, v13  }
0x50: {  	[tilespmem:v62+s18+$0x0] =	vst.idx.msk $0xffff, v23  }
0x51: {  	v12 =	vld [tilespmem:$0x18530];
	_ =	sdelay $0x3  }
0x52: {  	v25 =	vld [tilespmem:$0x185B0]  }
0x53: {  	v24 =	vshra.s32 v12, $0x1F  }
0x54: {  	v13 =	vand.u32 $0x7FFFFFFF, v24  }
0x55: {  	v12 =	vxor.u32 v12, v13  }
0x56: {  	v12 =	vsub.f32 $0.0e+00, v12  }
0x57: {  	v26 =	vcvt.s32.f32 v25  }
0x58: {  	v12 =	vmul.f32 $1.442695020e+00, v12  }
0x59: {  	v27 =	vadd.f32 $5.000000000e-01, v26  }
0x5a: {  	(erf) = vpow2.f32 v12  }
0x5b: {  	v12 =	vmul.f32 $1.098901130e-02, v27;
	_ =	sdelay $0x1  }
0x5c: {  	v12 =	vtrunc.f32 v12  }
0x5d: {  	v12 =	vcvt.f32.s32 v12;
	_ =	sdelay $0x1  }
0x5e: {  	v28 =	vshll.u32 v12, $0x3  }
0x5f: {  	v29 =	vor.u32 $0x2, v28  }
0x60: {  	v31 =	vor.u32 $0x3, v28  }
0x61: {  	v30 =	vpop (erf)  }
0x62: {  	v32 =	vor.u32 $0x1, v28;
	v16 =	vadd.f32 $1.000000000e+00, v30;
	_ =	sdelay $0x1  }
0x63: {  	v15 =	vld.idx.msk [tilespmem:v29+s11+$0x0], $0xffff;
	(erf) = vrcp.f32 v16  }
0x64: {  	v33 =	vld.idx.msk [tilespmem:v31+s11+$0x0], $0xffff  }
0x65: {  	v13 =	vld.idx.msk [tilespmem:v28+s11+$0x0], $0xffff  }
0x66: {  	v34 =	vld.idx.msk [tilespmem:v32+s11+$0x0], $0xffff;
	_ =	sdelay $0x1  }
0x67: {  	v15 =	vmul.f32 $5.000000000e-01, v15  }
0x68: {  	v35 =	vor.u32 $0x80, v11;
	v12 =	vmul.u32 $0xFFFFFFA5, v12;
	v16 =	vmul.f32 $5.000000000e-01, v33  }
0x69: {  	v37 =	vor.u32 $0x81, v11;
	v36 =	vsub.f32 v13, v15  }
0x6a: {  	v40 =	vor.u32 $0x82, v11;
	v12 =	vadd.s32 v25, v12;
	v39 =	vsub.f32 v34, v16  }
0x6b: {  	v41 =	vor.u32 $0x83, v11;
	[tilespmem:$0x186B0] =	vst v12;
	v13 =	vadd.f32 v15, v13;
	v19 =	vmul.f32 v10, v36;
	v38 =	vpop (erf)  }
0x6c: {  	v43 =	vadd.f32 v16, v34;
	v42 =	vmul.f32 v9, v39;
	[tilespmem:$0x18630] =	vst v38  }
0x6d: {  	v13 =	vmul.f32 v10, v13;
	[tilespmem:v35+s18+$0x0] =	vst.idx.msk $0xffff, v19  }
0x6e: {  	v44 =	vmul.f32 v9, v43;
	[tilespmem:v37+s18+$0x0] =	vst.idx.msk $0xffff, v42  }
0x6f: {  	[tilespmem:v40+s18+$0x0] =	vst.idx.msk $0xffff, v13  }
0x70: {  	[tilespmem:v41+s18+$0x0] =	vst.idx.msk $0xffff, v44  }
0x71: {  	v12 =	vld [tilespmem:$0x18540];
	_ =	sdelay $0x3  }
0x72: {  	v46 =	vld [tilespmem:$0x185C0]  }
0x73: {  	v45 =	vshra.s32 v12, $0x1F  }
0x74: {  	v13 =	vand.u32 $0x7FFFFFFF, v45  }
0x75: {  	v12 =	vxor.u32 v12, v13  }
0x76: {  	v12 =	vsub.f32 $0.0e+00, v12  }
0x77: {  	v47 =	vcvt.s32.f32 v46  }
0x78: {  	v12 =	vmul.f32 $1.442695020e+00, v12  }
0x79: {  	v48 =	vadd.f32 $5.000000000e-01, v47  }
0x7a: {  	(erf) = vpow2.f32 v12  }
0x7b: {  	v12 =	vmul.f32 $1.098901130e-02, v48;
	_ =	sdelay $0x1  }
0x7c: {  	v12 =	vtrunc.f32 v12  }
0x7d: {  	v12 =	vcvt.f32.s32 v12;
	_ =	sdelay $0x1  }
0x7e: {  	v49 =	vshll.u32 v12, $0x3  }
0x7f: {  	v50 =	vor.u32 $0x2, v49  }
0x80: {  	v52 =	vor.u32 $0x3, v49  }
0x81: {  	v51 =	vpop (erf)  }
0x82: {  	v53 =	vor.u32 $0x1, v49;
	v16 =	vadd.f32 $1.000000000e+00, v51;
	_ =	sdelay $0x1  }
0x83: {  	v15 =	vld.idx.msk [tilespmem:v50+s11+$0x0], $0xffff;
	(erf) = vrcp.f32 v16  }
0x84: {  	v54 =	vld.idx.msk [tilespmem:v52+s11+$0x0], $0xffff  }
0x85: {  	v13 =	vld.idx.msk [tilespmem:v49+s11+$0x0], $0xffff  }
0x86: {  	v55 =	vld.idx.msk [tilespmem:v53+s11+$0x0], $0xffff;
	_ =	sdelay $0x1  }
0x87: {  	v15 =	vmul.f32 $5.000000000e-01, v15  }
0x88: {  	v56 =	vor.u32 $0xC0, v11;
	v12 =	vmul.u32 $0xFFFFFFA5, v12;
	v16 =	vmul.f32 $5.000000000e-01, v54  }
0x89: {  	v58 =	vor.u32 $0xC1, v11;
	v57 =	vsub.f32 v13, v15  }
0x8a: {  	v61 =	vor.u32 $0xC2, v11;
	v12 =	vadd.s32 v46, v12;
	v60 =	vsub.f32 v55, v16  }
0x8b: {  	v62 =	vor.u32 $0xC3, v11;
	[tilespmem:$0x186C0] =	vst v12;
	v13 =	vadd.f32 v15, v13;
	v19 =	vmul.f32 v10, v57;
	v59 =	vpop (erf)  }
0x8c: {  	v21 =	vadd.f32 v16, v55;
	v63 =	vmul.f32 v9, v60;
	[tilespmem:$0x18640] =	vst v59  }
0x8d: {  	v13 =	vmul.f32 v10, v13;
	[tilespmem:v56+s18+$0x0] =	vst.idx.msk $0xffff, v19  }
0x8e: {  	v23 =	vmul.f32 v9, v21;
	[tilespmem:v58+s18+$0x0] =	vst.idx.msk $0xffff, v63  }
0x8f: {  	[tilespmem:v61+s18+$0x0] =	vst.idx.msk $0xffff, v13  }
0x90: {  	[tilespmem:v62+s18+$0x0] =	vst.idx.msk $0xffff, v23  }
0x91: {  	v12 =	vld [tilespmem:$0x18550];
	_ =	sdelay $0x3  }
0x92: {  	v25 =	vld [tilespmem:$0x185D0]  }
0x93: {  	v24 =	vshra.s32 v12, $0x1F  }
0x94: {  	v13 =	vand.u32 $0x7FFFFFFF, v24  }
0x95: {  	v12 =	vxor.u32 v12, v13  }
0x96: {  	v12 =	vsub.f32 $0.0e+00, v12  }
0x97: {  	v26 =	vcvt.s32.f32 v25  }
0x98: {  	v12 =	vmul.f32 $1.442695020e+00, v12  }
0x99: {  	v27 =	vadd.f32 $5.000000000e-01, v26  }
0x9a: {  	(erf) = vpow2.f32 v12  }
0x9b: {  	v12 =	vmul.f32 $1.098901130e-02, v27;
	_ =	sdelay $0x1  }
0x9c: {  	v12 =	vtrunc.f32 v12  }
0x9d: {  	v12 =	vcvt.f32.s32 v12;
	_ =	sdelay $0x1  }
0x9e: {  	v28 =	vshll.u32 v12, $0x3  }
0x9f: {  	v29 =	vor.u32 $0x2, v28  }
0xa0: {  	v31 =	vor.u32 $0x3, v28  }
0xa1: {  	v30 =	vpop (erf)  }
0xa2: {  	v32 =	vor.u32 $0x1, v28;
	v16 =	vadd.f32 $1.000000000e+00, v30;
	_ =	sdelay $0x1  }
0xa3: {  	v15 =	vld.idx.msk [tilespmem:v29+s11+$0x0], $0xffff;
	(erf) = vrcp.f32 v16  }
0xa4: {  	v33 =	vld.idx.msk [tilespmem:v31+s11+$0x0], $0xffff  }
0xa5: {  	v13 =	vld.idx.msk [tilespmem:v28+s11+$0x0], $0xffff  }
0xa6: {  	v34 =	vld.idx.msk [tilespmem:v32+s11+$0x0], $0xffff;
	_ =	sdelay $0x1  }
0xa7: {  	v15 =	vmul.f32 $5.000000000e-01, v15  }
0xa8: {  	v35 =	vor.u32 $0x100, v11;
	v12 =	vmul.u32 $0xFFFFFFA5, v12;
	v16 =	vmul.f32 $5.000000000e-01, v33  }
0xa9: {  	v37 =	vor.u32 $0x101, v11;
	v36 =	vsub.f32 v13, v15  }
0xaa: {  	v40 =	vor.u32 $0x102, v11;
	v12 =	vadd.s32 v25, v12;
	v39 =	vsub.f32 v34, v16  }
0xab: {  	v41 =	vor.u32 $0x103, v11;
	[tilespmem:$0x186D0] =	vst v12;
	v13 =	vadd.f32 v15, v13;
	v19 =	vmul.f32 v10, v36;
	v38 =	vpop (erf)  }
0xac: {  	v43 =	vadd.f32 v16, v34;
	v42 =	vmul.f32 v9, v39;
	[tilespmem:$0x18650] =	vst v38  }
0xad: {  	v13 =	vmul.f32 v10, v13;
	[tilespmem:v35+s18+$0x0] =	vst.idx.msk $0xffff, v19  }
0xae: {  	v44 =	vmul.f32 v9, v43;
	[tilespmem:v37+s18+$0x0] =	vst.idx.msk $0xffff, v42  }
0xaf: {  	[tilespmem:v40+s18+$0x0] =	vst.idx.msk $0xffff, v13  }
0xb0: {  	[tilespmem:v41+s18+$0x0] =	vst.idx.msk $0xffff, v44  }
0xb1: {  	v12 =	vld [tilespmem:$0x18560];
	_ =	sdelay $0x3  }
0xb2: {  	v46 =	vld [tilespmem:$0x185E0]  }
0xb3: {  	v45 =	vshra.s32 v12, $0x1F  }
0xb4: {  	v13 =	vand.u32 $0x7FFFFFFF, v45  }
0xb5: {  	v12 =	vxor.u32 v12, v13  }
0xb6: {  	v12 =	vsub.f32 $0.0e+00, v12  }
0xb7: {  	v47 =	vcvt.s32.f32 v46  }
0xb8: {  	v12 =	vmul.f32 $1.442695020e+00, v12  }
0xb9: {  	v48 =	vadd.f32 $5.000000000e-01, v47  }
0xba: {  	(erf) = vpow2.f32 v12  }
0xbb: {  	v12 =	vmul.f32 $1.098901130e-02, v48;
	_ =	sdelay $0x1  }
0xbc: {  	v12 =	vtrunc.f32 v12  }
0xbd: {  	v12 =	vcvt.f32.s32 v12;
	_ =	sdelay $0x1  }
0xbe: {  	v49 =	vshll.u32 v12, $0x3  }
0xbf: {  	v50 =	vor.u32 $0x2, v49  }
0xc0: {  	v52 =	vor.u32 $0x3, v49  }
0xc1: {  	v51 =	vpop (erf)  }
0xc2: {  	v53 =	vor.u32 $0x1, v49;
	v16 =	vadd.f32 $1.000000000e+00, v51;
	_ =	sdelay $0x1  }
0xc3: {  	v15 =	vld.idx.msk [tilespmem:v50+s11+$0x0], $0xffff;
	(erf) = vrcp.f32 v16  }
0xc4: {  	v54 =	vld.idx.msk [tilespmem:v52+s11+$0x0], $0xffff  }
0xc5: {  	v13 =	vld.idx.msk [tilespmem:v49+s11+$0x0], $0xffff  }
0xc6: {  	v55 =	vld.idx.msk [tilespmem:v53+s11+$0x0], $0xffff;
	_ =	sdelay $0x1  }
0xc7: {  	v15 =	vmul.f32 $5.000000000e-01, v15  }
0xc8: {  	v56 =	vor.u32 $0x140, v11;
	v12 =	vmul.u32 $0xFFFFFFA5, v12;
	v16 =	vmul.f32 $5.000000000e-01, v54  }
0xc9: {  	v58 =	vor.u32 $0x141, v11;
	v57 =	vsub.f32 v13, v15  }
0xca: {  	v61 =	vor.u32 $0x142, v11;
	v12 =	vadd.s32 v46, v12;
	v60 =	vsub.f32 v55, v16  }
0xcb: {  	v62 =	vor.u32 $0x143, v11;
	[tilespmem:$0x186E0] =	vst v12;
	v13 =	vadd.f32 v15, v13;
	v19 =	vmul.f32 v10, v57;
	v59 =	vpop (erf)  }
0xcc: {  	v21 =	vadd.f32 v16, v55;
	v63 =	vmul.f32 v9, v60;
	[tilespmem:$0x18660] =	vst v59  }
0xcd: {  	v13 =	vmul.f32 v10, v13;
	[tilespmem:v56+s18+$0x0] =	vst.idx.msk $0xffff, v19  }
0xce: {  	v23 =	vmul.f32 v9, v21;
	[tilespmem:v58+s18+$0x0] =	vst.idx.msk $0xffff, v63  }
0xcf: {  	[tilespmem:v61+s18+$0x0] =	vst.idx.msk $0xffff, v13  }
0xd0: {  	[tilespmem:v62+s18+$0x0] =	vst.idx.msk $0xffff, v23  }
0xd1: {  	v12 =	vld [tilespmem:$0x18570];
	_ =	sdelay $0x3  }
0xd2: {  	v25 =	vld [tilespmem:$0x185F0]  }
0xd3: {  	v24 =	vshra.s32 v12, $0x1F  }
0xd4: {  	v13 =	vand.u32 $0x7FFFFFFF, v24  }
0xd5: {  	v12 =	vxor.u32 v12, v13  }
0xd6: {  	v12 =	vsub.f32 $0.0e+00, v12  }
0xd7: {  	v26 =	vcvt.s32.f32 v25  }
0xd8: {  	v12 =	vmul.f32 $1.442695020e+00, v12  }
0xd9: {  	v27 =	vadd.f32 $5.000000000e-01, v26  }
0xda: {  	(erf) = vpow2.f32 v12  }
0xdb: {  	v12 =	vmul.f32 $1.098901130e-02, v27;
	_ =	sdelay $0x1  }
0xdc: {  	v12 =	vtrunc.f32 v12  }
0xdd: {  	v12 =	vcvt.f32.s32 v12;
	_ =	sdelay $0x1  }
0xde: {  	v28 =	vshll.u32 v12, $0x3  }
0xdf: {  	v29 =	vor.u32 $0x2, v28  }
0xe0: {  	v31 =	vor.u32 $0x3, v28  }
0xe1: {  	v30 =	vpop (erf)  }
0xe2: {  	v32 =	vor.u32 $0x1, v28;
	v16 =	vadd.f32 $1.000000000e+00, v30;
	_ =	sdelay $0x1  }
0xe3: {  	v15 =	vld.idx.msk [tilespmem:v29+s11+$0x0], $0xffff;
	(erf) = vrcp.f32 v16  }
0xe4: {  	v33 =	vld.idx.msk [tilespmem:v31+s11+$0x0], $0xffff  }
0xe5: {  	v13 =	vld.idx.msk [tilespmem:v28+s11+$0x0], $0xffff  }
0xe6: {  	v34 =	vld.idx.msk [tilespmem:v32+s11+$0x0], $0xffff;
	_ =	sdelay $0x1  }
0xe7: {  	v15 =	vmul.f32 $5.000000000e-01, v15  }
0xe8: {  	v35 =	vor.u32 $0x180, v11;
	v12 =	vmul.u32 $0xFFFFFFA5, v12;
	v16 =	vmul.f32 $5.000000000e-01, v33  }
0xe9: {  	v37 =	vor.u32 $0x181, v11;
	v36 =	vsub.f32 v13, v15  }
0xea: {  	v40 =	vor.u32 $0x182, v11;
	v12 =	vadd.s32 v25, v12;
	v39 =	vsub.f32 v34, v16  }
0xeb: {  	v41 =	vor.u32 $0x183, v11;
	[tilespmem:$0x186F0] =	vst v12;
	v13 =	vadd.f32 v15, v13;
	v19 =	vmul.f32 v10, v36;
	v38 =	vpop (erf)  }
0xec: {  	v43 =	vadd.f32 v16, v34;
	v42 =	vmul.f32 v9, v39;
	[tilespmem:$0x18670] =	vst v38  }
0xed: {  	v13 =	vmul.f32 v10, v13;
	[tilespmem:v35+s18+$0x0] =	vst.idx.msk $0xffff, v19  }
0xee: {  	v44 =	vmul.f32 v9, v43;
	[tilespmem:v37+s18+$0x0] =	vst.idx.msk $0xffff, v42  }
0xef: {  	[tilespmem:v40+s18+$0x0] =	vst.idx.msk $0xffff, v13  }
0xf0: {  	[tilespmem:v41+s18+$0x0] =	vst.idx.msk $0xffff, v44  }
0xf1: {  	v12 =	vld [tilespmem:$0x18580];
	_ =	sdelay $0x3  }
0xf2: {  	v46 =	vld [tilespmem:$0x18600]  }
0xf3: {  	v45 =	vshra.s32 v12, $0x1F  }
0xf4: {  	v13 =	vand.u32 $0x7FFFFFFF, v45  }
0xf5: {  	v12 =	vxor.u32 v12, v13  }
0xf6: {  	v12 =	vsub.f32 $0.0e+00, v12  }
0xf7: {  	v47 =	vcvt.s32.f32 v46  }
0xf8: {  	v12 =	vmul.f32 $1.442695020e+00, v12  }
0xf9: {  	v48 =	vadd.f32 $5.000000000e-01, v47  }
0xfa: {  	(erf) = vpow2.f32 v12  }
0xfb: {  	v12 =	vmul.f32 $1.098901130e-02, v48;
	_ =	sdelay $0x1  }
0xfc: {  	v12 =	vtrunc.f32 v12  }
0xfd: {  	v12 =	vcvt.f32.s32 v12;
	_ =	sdelay $0x1  }
0xfe: {  	v49 =	vshll.u32 v12, $0x3  }
0xff: {  	v50 =	vor.u32 $0x2, v49  }
0x100: {  	v52 =	vor.u32 $0x3, v49  }
0x101: {  	v51 =	vpop (erf)  }
0x102: {  	v53 =	vor.u32 $0x1, v49;
	v16 =	vadd.f32 $1.000000000e+00, v51;
	_ =	sdelay $0x1  }
0x103: {  	v15 =	vld.idx.msk [tilespmem:v50+s11+$0x0], $0xffff;
	(erf) = vrcp.f32 v16  }
0x104: {  	v54 =	vld.idx.msk [tilespmem:v52+s11+$0x0], $0xffff  }
0x105: {  	v13 =	vld.idx.msk [tilespmem:v49+s11+$0x0], $0xffff  }
0x106: {  	v55 =	vld.idx.msk [tilespmem:v53+s11+$0x0], $0xffff;
	_ =	sdelay $0x1  }
0x107: {  	v15 =	vmul.f32 $5.000000000e-01, v15  }
0x108: {  	v56 =	vor.u32 $0x1C0, v11;
	v12 =	vmul.u32 $0xFFFFFFA5, v12;
	v16 =	vmul.f32 $5.000000000e-01, v54  }
0x109: {  	v58 =	vor.u32 $0x1C1, v11;
	v57 =	vsub.f32 v13, v15  }
0x10a: {  	v61 =	vor.u32 $0x1C2, v11;
	v12 =	vadd.s32 v46, v12;
	v60 =	vsub.f32 v55, v16  }
0x10b: {  	v11 =	vor.u32 $0x1C3, v11;
	[tilespmem:$0x18700] =	vst v12;
	v13 =	vadd.f32 v15, v13;
	v62 =	vmul.f32 v10, v57;
	v59 =	vpop (erf)  }
0x10c: {  	v63 =	vadd.f32 v16, v55;
	v14 =	vmul.f32 v9, v60;
	[tilespmem:$0x18680] =	vst v59  }
0x10d: {  	v10 =	vmul.f32 v10, v13;
	[tilespmem:v56+s18+$0x0] =	vst.idx.msk $0xffff, v62  }
0x10e: {  	v9 =	vmul.f32 v9, v63;
	[tilespmem:v58+s18+$0x0] =	vst.idx.msk $0xffff, v14  }
0x10f: {  	[tilespmem:v61+s18+$0x0] =	vst.idx.msk $0xffff, v10  }
0x110: {  	[tilespmem:v11+s18+$0x0] =	vst.idx.msk $0xffff, v9  }
0x111: {  	[hbm4b:s6+s3] =	stream.linear.scatter [tilespmem:s19], [sflag:$0x1], $0x80, $0x38;
	[tilespmem:$0x18910] =	vst v63  }
0x112: {  	_ =	swait.ge [sflag:s10], $0x80  }
0x113: {  	[sflag:s10] =	ssyncset.done $0x0  }
0x114: {  	[sflag:s10] =	ssyncadd.s32 $0xFFFFFF80  }
0x115: {  	[hbm4b:s7+s3] =	stream.linear.scatter [tilespmem:s20], [sflag:$0x1], $0x80, $0x38;
	[tilespmem:$0x18910] =	vst v63  }
0x116: {  	s21 =	sadd.s32 $0x1, s21;
	_ =	swait.ge [sflag:s10], $0x80  }
0x117: {  	p0 =	sne.s32 s21, s9;
	[sflag:s10] =	ssyncset.done $0x0  }
.Ltmp1:
0x118: {  	[sflag:s10] =	ssyncadd.s32 $0xFFFFFF80;
	(pc) =	sbr.rel @!p0 .LBB2_23-.Ltmp1, $4  }
0x119: {  	[hbm4b:s8+s3] =	stream.linear.scatter [tilespmem:s18], [sflag:$0x1], $0x200, $0x38;
	[tilespmem:$0x18910] =	vst v63  }
0x11a: {  	_ =	swait.ge [sflag:s10], $0x200  }
0x11b: {  	[sflag:s10] =	ssyncset.done $0x0  }
0x11c: {  	[sflag:s10] =	ssyncadd.s32 $0xFFFFFE00  }
.LBB2_1:
0x11d: {  	[tilespmem:s3], [sflag:$0x1] =	stream.linear.gather [hbm4b:s4+s3], $0x13FEC, $0x38;
	[tilespmem:$0x18910] =	vst v63  }
0x11e: {  	_ =	swait.ge [sflag:s10], $0x13FEC  }
0x11f: {  	[sflag:s10] =	ssyncset.done $0x0  }
0x120: {  	[sflag:s10] =	ssyncadd.s32 $0xFFFEC014  }
0x121: {  	[tilespmem:s11], [sflag:$0x1] =	stream.linear.gather [hbm4b:s5+s3], $0x1C20, $0x38;
	[tilespmem:$0x18910] =	vst v63  }
0x122: {  	_ =	swait.ge [sflag:s10], $0x1C20  }
0x123: {  	[sflag:s10] =	ssyncset.done $0x0  }
0x124: {  	[sflag:s10] =	ssyncadd.s32 $0xFFFFE3E0  }
0x125: {  	[tilespmem:s12], [sflag:$0x1] =	stream.linear.gather [hbm4b:s1+s3], $0x100, $0x38;
	[tilespmem:$0x18910] =	vst v63  }
0x126: {  	_ =	swait.ge [sflag:s10], $0x100  }
0x127: {  	[sflag:s10] =	ssyncset.done $0x0  }
0x128: {  	s22 =	simm.s32 $0x0;
	s23 =	simm.s32 $0x200;
	[sflag:s10] =	ssyncadd.s32 $0xFFFFFF00  }
.LBB2_2:
0x129: {  	p0 =	sne.s32 s23, $0x3E00;
	[tilespmem:s22+$0x15D80] =	vst v3  }
0x12a: {  	[tilespmem:s22+$0x15D10] =	vst v3  }
0x12b: {  	[tilespmem:s22+$0x15D20] =	vst v3  }
.Ltmp2:
0x12c: {  	[tilespmem:s22+$0x15D30] =	vst v3;
	(pc) =	sbr.rel @p0 .LBB2_2-.Ltmp2, $4  }
0x12d: {  	[tilespmem:s22+$0x15D40] =	vst v3  }
0x12e: {  	[tilespmem:s22+$0x15D50] =	vst v3  }
0x12f: {  	[tilespmem:s22+$0x15D60] =	vst v3  }
0x130: {  	[tilespmem:s22+$0x15D70] =	vst v3;
	s22 =	sshra.s32 s23, $0x2;
	s23 =	sadd.s32 $0x200, s23  }
0x131: {  	[tilespmem:s22+$0x15D80] =	vst v3  }
0x132: {  	[tilespmem:s22+$0x15D10] =	vst v3  }
0x133: {  	[tilespmem:s22+$0x15D20] =	vst v3  }
0x134: {  	[tilespmem:s22+$0x15D30] =	vst v3  }
0x135: {  	[tilespmem:s22+$0x15D40] =	vst v3  }
0x136: {  	[tilespmem:s22+$0x15D50] =	vst v3  }
0x137: {  	[tilespmem:s22+$0x15D60] =	vst v3  }
0x138: {  	[tilespmem:s22+$0x15D70] =	vst v3;
	s22 =	simm.s32 $0x80  }
0x139: {  	v10 =	vld [tilespmem:s22+$0xFFFFFF90]  }
0x13a: {  	v11 =	vld [tilespmem:s22+$0xFFFFFF80]  }
0x13b: {  	v12 =	vld [tilespmem:s22+$0xFFFFFFA0]  }
0x13c: {  	v14 =	vld [tilespmem:s22+$0xFFFFFFB0]  }
0x13d: {  	v13 =	vld [tilespmem:s22+$0xFFFFFFC0]  }
0x13e: {  	v15 =	vld [tilespmem:s22+$0xFFFFFFD0]  }
0x13f: {  	v16 =	vld [tilespmem:s22+$0xFFFFFFE0]  }
0x140: {  	v17 =	vld [tilespmem:s22+$0xFFFFFFF0]  }
0x141: {  	v18 =	vld [tilespmem:s22+$0x0]  }
0x142: {  	v19 =	vld [tilespmem:s22+$0x10]  }
0x143: {  	v20 =	vld [tilespmem:s22+$0x20]  }
0x144: {  	v21 =	vld [tilespmem:s22+$0x30]  }
0x145: {  	v22 =	vld [tilespmem:s22+$0x40]  }
0x146: {  	v23 =	vld [tilespmem:s22+$0x50]  }
0x147: {  	v24 =	vld [tilespmem:s22+$0x60]  }
0x148: {  	v9 =	vimm.f32 $-Inf;
	s23 =	simm.s32 $0x0;
	s24 =	simm.s32 $0x40;
	v25 =	vld [tilespmem:s22+$0x70]  }
.LBB2_4:
0x149: {  	p0 =	sne.s32 s24, $0x4F80  }
0x14a: {  	v10 =	vmax.f32 v11, v10;
	v11 =	vmax.f32 v12, v14  }
0x14b: {  	v10 =	vmax.f32 v10, v11  }
0x14c: {  	v12 =	vmax.f32 v16, v17;
	v11 =	vmax.f32 v13, v15;
	v13 =	vmax.f32 v18, v19  }
0x14d: {  	v14 =	vmax.f32 v20, v21;
	v15 =	vmax.f32 v22, v23;
	v16 =	vmax.f32 v24, v25  }
0x14e: {  	v11 =	vmax.f32 v11, v12;
	v12 =	vmax.f32 v13, v14;
	v13 =	vmax.f32 v15, v16  }
0x14f: {  	v10 =	vmax.f32 v10, v11;
	v11 =	vmax.f32 v12, v13  }
0x150: {  	s25 =	sshra.s32 s23, $0x2;
	s23 =	smov.u32 s24;
	v10 =	vmax.f32 v10, v11  }
0x151: {  	s22 =	sadd.s32 $0x100, s22;
	[tilespmem:s25+$0x16D10] =	vst v10;
	v9 =	vmax.f32 v9, v10  }
0x152: {  	v10 =	vld [tilespmem:s22+$0xFFFFFF90]  }
0x153: {  	v11 =	vld [tilespmem:s22+$0xFFFFFF80]  }
0x154: {  	v12 =	vld [tilespmem:s22+$0xFFFFFFA0]  }
0x155: {  	v14 =	vld [tilespmem:s22+$0xFFFFFFB0]  }
0x156: {  	v13 =	vld [tilespmem:s22+$0xFFFFFFC0]  }
0x157: {  	v15 =	vld [tilespmem:s22+$0xFFFFFFD0]  }
0x158: {  	v16 =	vld [tilespmem:s22+$0xFFFFFFE0]  }
0x159: {  	v17 =	vld [tilespmem:s22+$0xFFFFFFF0]  }
0x15a: {  	v18 =	vld [tilespmem:s22+$0x0]  }
0x15b: {  	v19 =	vld [tilespmem:s22+$0x10]  }
0x15c: {  	v20 =	vld [tilespmem:s22+$0x20]  }
.Ltmp3:
0x15d: {  	v21 =	vld [tilespmem:s22+$0x30];
	(pc) =	sbr.rel @p0 .LBB2_4-.Ltmp3, $4  }
0x15e: {  	v22 =	vld [tilespmem:s22+$0x40]  }
0x15f: {  	v23 =	vld [tilespmem:s22+$0x50]  }
0x160: {  	v24 =	vld [tilespmem:s22+$0x60]  }
0x161: {  	s24 =	sadd.s32 $0x40, s24;
	v25 =	vld [tilespmem:s22+$0x70]  }
0x162: {  	_ =	sdelay $0x1  }
0x163: {  	v10 =	vmax.f32 v11, v10;
	v11 =	vmax.f32 v12, v14;
	v33 =	vmax.f32 v16, v17  }
0x164: {  	v34 =	vmax.f32 v18, v19;
	v35 =	vmax.f32 v20, v21;
	v10 =	vmax.f32 v10, v11  }
0x165: {  	v11 =	vmax.f32 v13, v15;
	v36 =	vmax.f32 v22, v23;
	v37 =	vmax.f32 v24, v25  }
0x166: {  	v38 =	vmax.f32 v34, v35;
	v11 =	vmax.f32 v11, v33;
	v39 =	vmax.f32 v36, v37  }
0x167: {  	v10 =	vmax.f32 v10, v11;
	v11 =	vmax.f32 v38, v39  }
0x168: {  	s22 =	sshra.s32 s23, $0x2;
	v11 =	vmax.f32 v10, v11  }
0x169: {  	[tilespmem:s22+$0x16D10] =	vst v11  }
0x16a: {  	v10 =	vld [tilespmem:$0x13F00]  }
0x16b: {  	v40 =	vld [tilespmem:$0x13F10]  }
0x16c: {  	v41 =	vld [tilespmem:$0x13F20]  }
0x16d: {  	v42 =	vld [tilespmem:$0x13F30]  }
0x16e: {  	v43 =	vld [tilespmem:$0x13F40]  }
0x16f: {  	v44 =	vld [tilespmem:$0x13F50]  }
0x170: {  	v45 =	vld [tilespmem:$0x13F60]  }
0x171: {  	v46 =	vld [tilespmem:$0x13F70]  }
0x172: {  	v47 =	vld [tilespmem:$0x13F80]  }
0x173: {  	v48 =	vld [tilespmem:$0x13F90]  }
0x174: {  	v49 =	vld [tilespmem:$0x13FA0]  }
0x175: {  	v50 =	vld [tilespmem:$0x13FB0]  }
0x176: {  	v51 =	vld [tilespmem:$0x13FC0]  }
0x177: {  	v52 =	vld [tilespmem:$0x13FD0]  }
0x178: {  	v53 =	vld [tilespmem:$0x13FDC];
	_ =	sdelay $0x1  }
0x179: {  	v10 =	vmax.f32 v10, v40;
	v54 =	vmax.f32 v41, v42  }
0x17a: {  	v55 =	vmax.f32 v43, v44;
	v56 =	vmax.f32 v45, v46;
	v57 =	vmax.f32 v47, v48  }
0x17b: {  	v58 =	vmax.f32 v49, v50;
	v59 =	vmax.f32 v51, v52;
	v10 =	vmax.f32 v10, v54  }
0x17c: {  	v60 =	vmax.f32 v55, v56;
	v61 =	vmax.f32 v57, v58;
	v62 =	vmax.f32 v59, v53  }
0x17d: {  	v10 =	vmax.f32 v10, v60;
	v63 =	vmax.f32 v61, v62  }
0x17e: {  	v10 =	vmax.f32 v10, v63  }
0x17f: {  	v9 =	vmax.f32 v9, v11;
	s22 =	simm.s32 $0x0;
	[tilespmem:$0x18100] =	vst v10  }
.LBB2_6:
0x180: {  	s23 =	sshra.s32 s22, $0x2  }
0x181: {  	v11 =	vld [tilespmem:s23+$0x16D10];
	_ =	sdelay $0x4  }
0x182: {  	v12 =	vshra.s32 v11, $0x1F  }
0x183: {  	v12 =	vand.u32 $0x7FF00000, v12  }
0x184: {  	v11 =	vxor.u32 v11, v12  }
0x185: {  	v11 =	vshrl.u32 v11, $0x14  }
0x186: {  	v11 =	vxor.u32 $0x800, v11;
	_ =	sdelay $0x4  }
0x187: {  	[tilespmem:v11+s13+$0x0] =	vst.idx.add.s32.msk $0xffff, v4  }
0x188: {  	v11 =	vld [tilespmem:s23+$0x16D20];
	_ =	sdelay $0x4  }
0x189: {  	v61 =	vshra.s32 v11, $0x1F  }
0x18a: {  	v12 =	vand.u32 $0x7FF00000, v61  }
0x18b: {  	v11 =	vxor.u32 v11, v12  }
0x18c: {  	v11 =	vshrl.u32 v11, $0x14  }
0x18d: {  	v11 =	vxor.u32 $0x800, v11;
	_ =	sdelay $0x4  }
0x18e: {  	[tilespmem:v11+s13+$0x0] =	vst.idx.add.s32.msk $0xffff, v4  }
0x18f: {  	v11 =	vld [tilespmem:s23+$0x16D30];
	_ =	sdelay $0x4  }
0x190: {  	v62 =	vshra.s32 v11, $0x1F  }
0x191: {  	v12 =	vand.u32 $0x7FF00000, v62  }
0x192: {  	v11 =	vxor.u32 v11, v12  }
0x193: {  	v11 =	vshrl.u32 v11, $0x14  }
0x194: {  	v11 =	vxor.u32 $0x800, v11;
	_ =	sdelay $0x4  }
0x195: {  	[tilespmem:v11+s13+$0x0] =	vst.idx.add.s32.msk $0xffff, v4  }
0x196: {  	v11 =	vld [tilespmem:s23+$0x16D40];
	_ =	sdelay $0x4  }
0x197: {  	v63 =	vshra.s32 v11, $0x1F  }
0x198: {  	v12 =	vand.u32 $0x7FF00000, v63  }
0x199: {  	v11 =	vxor.u32 v11, v12  }
0x19a: {  	v11 =	vshrl.u32 v11, $0x14  }
0x19b: {  	p0 =	sne.s32 s22, $0x4F00;
	v11 =	vxor.u32 $0x800, v11  }
.Ltmp4:
0x19c: {  	_ = 	snop;
	(pc) =	sbr.rel @p0 .LBB2_6-.Ltmp4, $2  }
0x19d: {  	_ =	sdelay $0x2  }
0x19e: {  	s22 =	sadd.s32 $0x100, s22;
	[tilespmem:v11+s13+$0x0] =	vst.idx.add.s32.msk $0xffff, v4  }
0x19f: {  	v9 =	vmax.f32 v9, v10  }
0x1a0: {  	v10 =	vshra.s32 v9, $0x1F  }
0x1a1: {  	v9 =	vxor.u32 $0x80000000, v9;
	v10 =	vand.u32 $0x7FFFFFFF, v10  }
0x1a2: {  	v9 =	vxor.u32 v9, v10  }
0x1a3: {  	(xrf0) =	vmax.scan.msk.u32 $0xffff, v9;
	_ =	sdelay $0x5  }
0x1a4: {  	v9, _, _ =	vpop (xrf0)  }
0x1a5: {  	v9 =	vxor.u32 $0x80000000, v9  }
0x1a6: {  	v9 =	vperm.xlane v9, v5;
	_ =	sdelay $0x1  }
0x1a7: {  	v9 =	vshrl.u32 v9, $0x18  }
0x1a8: {  	v9 =	vxor.u32 $0x80000080, v9  }
0x1a9: {  	(xrf0) =	vmax.scan.msk.u32 $0xffff, v9;
	_ =	sdelay $0x5  }
0x1aa: {  	v9, _, _ =	vpop (xrf0)  }
0x1ab: {  	(v2sf) =	vpush v9, $0xF;
	_ =	sdelay $0xe  }
0x1ac: {  	s22 =	spop (v2sf)  }
0x1ad: {  	s23 =	sshll.u32 s22, $0x6  }
0x1ae: {  	s22 =	sshll.u32 s22, $0x18;
	s23 =	sshra.s32 s23, $0x2  }
0x1af: {  	s22 =	sadd.s32 $0x81F00000, s22;
	s25 =	sadd.s32 $0x15D20, s23;
	s23 =	simm.s32 $0x0  }
.LBB2_8:
0x1b0: {  	v9 =	vld [tilespmem:s25+$0xFFFFFFF0];
	_ =	sdelay $0x4  }
0x1b1: {  	(xrf0) =	vadd.scan.msk.s32 $0xffff, v9;
	_ =	sdelay $0x5  }
0x1b2: {  	v9, _, _ =	vpop (xrf0)  }
0x1b3: {  	(v2sf) =	vpush v9, $0xF;
	_ =	sdelay $0xe  }
0x1b4: {  	s31 =	spop (v2sf)  }
0x1b5: {  	s23 =	sadd.s32 s23, s31  }
0x1b6: {  	p0 =	slt.s32 s23, $0x64  }
.Ltmp5:
0x1b7: {  	_ = 	snop;
	(pc) =	sbr.rel @p0 .LBB2_8-.Ltmp5, $3  }
0x1b8: {  	_ =	sdelay $0x1  }
0x1b9: {  	s24 =	smov.u32 s25  }
0x1ba: {  	s22 =	sadd.s32 $0xFF000000, s22;
	s25 =	sadd.s32 $0xFFFFFFF0, s24  }
0x1bb: {  	v9 =	vld [tilespmem:s24+$0xFFFFFFF0];
	_ =	sdelay $0x4  }
0x1bc: {  	(xrf0) =	vadd.scan.msk.s32 $0xffff, v9;
	_ =	sdelay $0x5  }
0x1bd: {  	v10, _, _ =	vpop (xrf0)  }
0x1be: {  	(v2sf) =	vpush v10, $0xF;
	_ =	sdelay $0x7  }
0x1bf: {  	v9 =	vperm.xlane v9, v6;
	_ =	sdelay $0x1  }
0x1c0: {  	(xrf0) =	vadd.scan.msk.s32 $0xffff, v9;
	_ =	sdelay $0x4  }
0x1c1: {  	s30 =	spop (v2sf)  }
0x1c2: {  	v9, _, _ =	vpop (xrf0);
	s23 =	ssub.s32 s23, s30  }
0x1c3: {  	v9 =	vadd.s32 s23, v9  }
0x1c4: {  	vm0 =	vgt.s32 v9, $0x63  }
0x1c5: {  	v9 =	vmctz.xlane vm0  }
0x1c6: {  	[tilespmem:$0x18110] =	vst v7  }
0x1c7: {  	[tilespmem:$0x18120] =	vst v7;
	v9 =	vxor.u32 $0x80000000, v9  }
0x1c8: {  	[tilespmem:$0x18130] =	vst v7;
	(xrf0) =	vmax.scan.msk.u32 $0xffff, v9  }
0x1c9: {  	[tilespmem:$0x18140] =	vst v7  }
0x1ca: {  	[tilespmem:$0x18150] =	vst v7  }
0x1cb: {  	[tilespmem:$0x18160] =	vst v7  }
0x1cc: {  	[tilespmem:$0x18170] =	vst v7  }
0x1cd: {  	[tilespmem:$0x18180] =	vst v7  }
0x1ce: {  	[tilespmem:$0x18190] =	vst v7;
	v9, _, _ =	vpop (xrf0)  }
0x1cf: {  	[tilespmem:$0x181A0] =	vst v7;
	(v2sf) =	vpush v9, $0xF  }
0x1d0: {  	[tilespmem:$0x181B0] =	vst v7  }
0x1d1: {  	[tilespmem:$0x181C0] =	vst v7  }
0x1d2: {  	[tilespmem:$0x181D0] =	vst v7  }
0x1d3: {  	[tilespmem:$0x181E0] =	vst v7  }
0x1d4: {  	[tilespmem:$0x181F0] =	vst v7  }
0x1d5: {  	[tilespmem:$0x18200] =	vst v7  }
0x1d6: {  	[tilespmem:$0x18210] =	vst v7  }
0x1d7: {  	[tilespmem:$0x18220] =	vst v7  }
0x1d8: {  	[tilespmem:$0x18230] =	vst v7  }
0x1d9: {  	[tilespmem:$0x18240] =	vst v7  }
0x1da: {  	[tilespmem:$0x18250] =	vst v7  }
0x1db: {  	[tilespmem:$0x18260] =	vst v7  }
0x1dc: {  	[tilespmem:$0x18270] =	vst v7  }
0x1dd: {  	[tilespmem:$0x18280] =	vst v7  }
0x1de: {  	[tilespmem:$0x18290] =	vst v7;
	s31 =	spop (v2sf)  }
0x1df: {  	[tilespmem:$0x182A0] =	vst v7;
	s23 =	sshll.u32 s31, $0x14  }
0x1e0: {  	[tilespmem:$0x182B0] =	vst v7;
	s22 =	ssub.s32 s22, s23  }
.Ltmp6:
0x1e1: {  	[tilespmem:$0x182C0] =	vst v7;
	s23 =	sshra.s32 s22, $0x1F;
	(pc) =	sbr.rel .LBB2_10-.Ltmp6, $4  }
0x1e2: {  	[tilespmem:$0x182D0] =	vst v7;
	s23 =	sand.u32 $0x7FFFFFFF, s23  }
0x1e3: {  	[tilespmem:$0x182E0] =	vst v7;
	s22 =	sxor.u32 s22, s23  }
0x1e4: {  	[tilespmem:$0x182F0] =	vst v7;
	v9 =	vmov s22  }
0x1e5: {  	[tilespmem:$0x18300] =	vst v7;
	v20 =	vimm.s32 $0x0;
	s24 =	simm.s32 $0x80;
	s23 =	simm.s32 $0x16D10;
	s22 =	simm.s32 $0xF0;
	v9 =	vbroadcast v9, $0x0  }
.LBB2_12:
0x1e6: {  	s22 =	sadd.s32 $0x100, s22  }
0x1e7: {  	p0 =	sne.s32 s22, $0x13FF0  }
.Ltmp7:
0x1e8: {  	_ = 	snop;
	(pc) =	sbr.rel @!p0 .LBB2_13-.Ltmp7, $2  }
0x1e9: {  	_ =	sdelay $0x2  }
0x1ea: {  	s23 =	sadd.s32 $0x10, s23;
	s24 =	sadd.s32 $0x100, s24  }
.LBB2_10:
0x1eb: {  	v10 =	vld [tilespmem:s23+$0x0];
	_ =	sdelay $0x4  }
0x1ec: {  	vm0 =	vge.f32 v10, v9  }
0x1ed: {  	v10 =	vsel vm0, $0x3F800000, v8  }
0x1ee: {  	(xrf0) =	vmax.scan.msk.f32 $0xffff, v10;
	_ =	sdelay $0x5  }
0x1ef: {  	v10, _, _ =	vpop (xrf0)  }
0x1f0: {  	(v2sf) =	vpush v10, $0xF;
	_ =	sdelay $0xe  }
0x1f1: {  	s25 =	spop (v2sf)  }
0x1f2: {  	p0 =	sgt.f32 s25, $0.0e+00  }
.Ltmp8:
0x1f3: {  	_ = 	snop;
	(pc) =	sbr.rel @!p0 .LBB2_12-.Ltmp8, $1  }
0x1f4: {  	_ =	sdelay $0x3  }
0x1f5: {  	v25 =	vld [tilespmem:s24+$0xFFFFFF80]  }
0x1f6: {  	v24 =	vld [tilespmem:s24+$0xFFFFFF90]  }
0x1f7: {  	v23 =	vld [tilespmem:s24+$0xFFFFFFA0]  }
0x1f8: {  	v22 =	vld [tilespmem:s24+$0xFFFFFFB0]  }
0x1f9: {  	v21 =	vld [tilespmem:s24+$0xFFFFFFC0]  }
0x1fa: {  	v18 =	vld [tilespmem:s24+$0xFFFFFFD0]  }
0x1fb: {  	v17 =	vld [tilespmem:s24+$0xFFFFFFE0]  }
0x1fc: {  	v16 =	vld [tilespmem:s24+$0xFFFFFFF0]  }
0x1fd: {  	v15 =	vld [tilespmem:s24+$0x0]  }
0x1fe: {  	v14 =	vld [tilespmem:s24+$0x10]  }
0x1ff: {  	v13 =	vld [tilespmem:s24+$0x20]  }
0x200: {  	v12 =	vld [tilespmem:s24+$0x30]  }
0x201: {  	v11 =	vld [tilespmem:s24+$0x40];
	v26 =	vimm.s32 $0x0;
	v44 =	vimm.s32 $0x0  }
0x202: {  	v10 =	vld [tilespmem:s24+$0x50];
	v61 =	vimm.s32 $0x0;
	vm13 =	vge.f32 v25, v9;
	vm12 =	vge.f32 v24, v9  }
0x203: {  	vm11 =	vge.f32 v23, v9;
	vm10 =	vge.f32 v22, v9;
	vm9 =	vge.f32 v21, v9  }
0x204: {  	vm8 =	vge.f32 v18, v9;
	vm0 =	vge.f32 v17, v9;
	vm6 =	vge.f32 v16, v9  }
0x205: {  	vm7 =	vge.f32 v15, v9;
	vm4 =	vge.f32 v14, v9;
	v19 =	vsel vm13, $0x1, v3  }
0x206: {  	vm5 =	vge.f32 v13, v9;
	vm2 =	vge.f32 v12, v9;
	vm1 =	vge.f32 v11, v9;
	(xrf0) =	vadd.scan.msk.s32 $0xffff, v19  }
0x207: {  	vm15 =	vge.f32 v10, v9;
	v42 =	vshra.s32 v25, $0x1F;
	v19 =	vsel vm12, $0x1, v3  }
0x208: {  	v26 =	vsel vm1, $0xFFFFFFFF, v26;
	v27 =	vsel vm8, $0x1, v3;
	(xrf0) =	vadd.scan.msk.s32 $0xffff, v19;
	v19 =	vsel vm11, $0x1, v3  }
0x209: {  	v28 =	vsel vm0, $0x1, v3;
	v29 =	vsel vm6, $0x1, v3;
	v30 =	vsel vm7, $0x1, v3;
	(xrf0) =	vadd.scan.msk.s32 $0xffff, v19  }
0x20a: {  	v33 =	vsel vm4, $0x1, v3;
	[tilespmem:$0x1FFD0] =	vst v26;
	v26 =	vsel vm15, $0xFFFFFFFF, v44;
	v44 =	vshra.s32 v24, $0x1F  }
0x20b: {  	v42 =	vand.u32 $0x7FFFFFFF, v42;
	v63 =	vand.u32 $0x7FFFFFFF, v44;
	v19 =	vsel vm10, $0x1, v3  }
0x20c: {  	v46 =	vsel vm2, $0x1, v3;
	v25 =	vxor.u32 v25, v42;
	v24 =	vxor.u32 v24, v63;
	v45, _, _ =	vpop (xrf0);
	(xrf0) =	vadd.scan.msk.s32 $0xffff, v19  }
0x20d: {  	s25 =	sadd.s32 $0xFFFFFF10, s22;
	[tilespmem:$0x1FFE0] =	vst v26;
	v19 =	vsel vm9, $0x1, v3;
	v31 =	vadd.s32 v45, v20;
	v26 =	vperm.xlane v45, v5  }
0x20e: {  	v32, _, _ =	vpop (xrf0);
	(xrf0) =	vadd.scan.msk.s32 $0xffff, v19;
	v19 =	vsel vm5, $0x1, v3;
	v45 =	vor.u32 s25, v0;
	v31 =	vadd.s32 $0xFFFFFFFF, v31  }
0x20f: {  	v34 =	vperm.xlane v32, v5;
	v47, _, _ =	vpop (xrf0);
	vm14 =	vlt.s32 v31, $0x200;
	v20 =	vadd.s32 v20, v26  }
0x210: {  	(xrf0) =	vadd.scan.msk.s32 $0xffff, v27;
	v26 =	vperm.xlane v47, v5;
	vm15 =	vmand vm13, vm14;
	v32 =	vadd.s32 v20, v32  }
0x211: {  	s26 =	sadd.s32 $0xFFFFFF20, s22;
	v20 =	vadd.s32 v20, v34;
	v31 =	vnsel vm15, $0x0, v31;
	v32 =	vadd.s32 $0xFFFFFFFF, v32  }
0x212: {  	v35 =	vadd.s32 v20, v47;
	v20 =	vadd.s32 v20, v26;
	v47 =	vor.u32 s26, v0;
	v48, _, _ =	vpop (xrf0)  }
0x213: {  	vm3 =	vlt.s32 v32, $0x200;
	v49 =	vadd.s32 $0xFFFFFFFF, v35;
	v50 =	vperm.xlane v48, v5  }
0x214: {  	(xrf0) =	vadd.scan.msk.s32 $0xffff, v28;
	vm14 =	vmand vm12, vm3;
	vm1 =	vlt.s32 v49, $0x200;
	v51, _, _ =	vpop (xrf0);
	v52 =	vadd.s32 v20, v48  }
0x215: {  	(xrf0) =	vadd.scan.msk.s32 $0xffff, v29;
	vm11 =	vmand vm11, vm1;
	v29 =	vadd.s32 $0xFFFFFFFF, v52;
	v26 =	vperm.xlane v51, v5  }
0x216: {  	v53, _, _ =	vpop (xrf0);
	v32 =	vnsel vm14, $0x0, v32;
	v20 =	vadd.s32 v20, v50;
	vm3 =	vlt.s32 v29, $0x200  }
0x217: {  	(xrf0) =	vadd.scan.msk.s32 $0xffff, v30;
	v54 =	vperm.xlane v53, v5;
	v28 =	vnsel vm11, $0x0, v49;
	v35 =	vadd.s32 v20, v51  }
0x218: {  	v50 =	vshra.s32 v22, $0x1F;
	vm13 =	vmand vm10, vm3;
	v30 =	vadd.s32 $0xFFFFFFFF, v35  }
0x219: {  	(xrf0) =	vadd.scan.msk.s32 $0xffff, v33;
	v20 =	vadd.s32 v20, v26;
	v29 =	vnsel vm13, $0x0, v29;
	vm12 =	vlt.s32 v30, $0x200  }
0x21a: {  	v55, _, _ =	vpop (xrf0);
	(xrf0) =	vadd.scan.msk.s32 $0xffff, v19;
	v19 =	vadd.s32 v20, v53;
	v20 =	vadd.s32 v20, v54;
	vm9 =	vmand vm9, vm12  }
0x21b: {  	v34 =	vadd.s32 $0xFFFFFFFF, v19;
	v19 =	vadd.s32 v20, v55;
	v26 =	vperm.xlane v55, v5  }
0x21c: {  	v56, _, _ =	vpop (xrf0);
	(xrf0) =	vadd.scan.msk.s32 $0xffff, v46;
	v46 =	vshra.s32 v23, $0x1F;
	vm1 =	vlt.s32 v34, $0x200;
	v35 =	vadd.s32 $0xFFFFFFFF, v19  }
0x21d: {  	v19 =	vperm.xlane v56, v5;
	v57, _, _ =	vpop (xrf0);
	v48 =	vand.u32 $0x7FFFFFFF, v46;
	vm12 =	vmand vm8, vm1  }
0x21e: {  	vm3 =	vlt.s32 v35, $0x200;
	v20 =	vadd.s32 v20, v26;
	v26 =	vperm.xlane v57, v5  }
0x21f: {  	v59, _, _ =	vpop (xrf0);
	vm8 =	vmand vm0, vm3;
	v58 =	vadd.s32 v20, v56;
	v19 =	vadd.s32 v20, v19  }
0x220: {  	v38 =	vperm.xlane v59, v5;
	v27 =	vadd.s32 $0xFFFFFFFF, v58;
	v20 =	vadd.s32 v19, v57  }
0x221: {  	v26 =	vadd.s32 v19, v26;
	v36, _, _ =	vpop (xrf0);
	vm10 =	vlt.s32 v27, $0x200;
	v37 =	vadd.s32 $0xFFFFFFFF, v20  }
0x222: {  	v19 =	vld [tilespmem:s24+$0x70];
	v38 =	vadd.s32 v26, v38;
	v26 =	vadd.s32 v26, v59;
	v39 =	vperm.xlane v36, v5  }
0x223: {  	v62 =	vld [tilespmem:$0x1FFD0];
	vm0 =	vlt.s32 v37, $0x200;
	vm10 =	vmand vm6, vm10;
	v60 =	vadd.s32 v38, v36  }
0x224: {  	v40, _, _ =	vpop (xrf0);
	v26 =	vadd.s32 $0xFFFFFFFF, v26;
	vm6 =	vmand vm7, vm0;
	v36 =	vadd.s32 v38, v39  }
0x225: {  	v20 =	vld [tilespmem:s24+$0x60];
	[tilespmem:v31+s14+$0x0] =	vst.idx.msk vm15, v25;
	v33 =	vadd.s32 $0xFFFFFFFF, v60;
	vm7 =	vlt.s32 v26, $0x200;
	v38 =	vadd.s32 v36, v40  }
0x226: {  	[tilespmem:v31+s15+$0x0] =	vst.idx.msk vm15, v45;
	vm1 =	vlt.s32 v33, $0x200;
	vm7 =	vmand vm4, vm7;
	v38 =	vadd.s32 $0xFFFFFFFF, v38  }
0x227: {  	[tilespmem:v32+s14+$0x0] =	vst.idx.msk vm14, v24;
	vm5 =	vmand vm5, vm1;
	vm0 =	vge.f32 v19, v9;
	vm1 =	vlt.s32 v38, $0x200  }
0x228: {  	[tilespmem:v32+s15+$0x0] =	vst.idx.msk vm14, v47;
	v39 =	vsel vm0, $0xFFFFFFFF, v61;
	vm4 =	vmand vm2, vm1;
	vm2 =	vnez.u8 v62  }
0x229: {  	s28 =	sadd.s32 $0xFFFFFF30, s22;
	v54 =	vnsel vm9, $0x0, v30;
	v23 =	vxor.u32 v23, v48;
	[tilespmem:$0x1FFF0] =	vst v39;
	v39 =	vsel vm2, $0x1, v3  }
0x22a: {  	v49 =	vor.u32 s28, v0;
	[tilespmem:v28+s14+$0x0] =	vst.idx.msk vm11, v23;
	(xrf0) =	vadd.scan.msk.s32 $0xffff, v39;
	v39 =	vand.u32 $0x7FFFFFFF, v50  }
0x22b: {  	s29 =	sadd.s32 $0xFFFFFF40, s22;
	v51 =	vshra.s32 v21, $0x1F;
	v34 =	vnsel vm12, $0x0, v34;
	[tilespmem:v28+s15+$0x0] =	vst.idx.msk vm11, v49;
	v22 =	vxor.u32 v22, v39  }
0x22c: {  	v41 =	vld [tilespmem:$0x1FFE0];
	v52 =	vor.u32 s29, v0;
	v53 =	vand.u32 $0x7FFFFFFF, v51;
	v55 =	vshra.s32 v18, $0x1F;
	[tilespmem:v29+s14+$0x0] =	vst.idx.msk vm13, v22  }
0x22d: {  	s30 =	sadd.s32 $0xFFFFFF50, s22;
	v21 =	vxor.u32 v21, v53;
	v30 =	vand.u32 $0x7FFFFFFF, v55;
	v59 =	vnsel vm8, $0x0, v35;
	[tilespmem:v29+s15+$0x0] =	vst.idx.msk vm13, v52  }
0x22e: {  	v46 =	vshra.s32 v14, $0x1F;
	v56 =	vor.u32 s30, v0;
	s30 =	sadd.s32 $0xFFFFFF90, s22;
	v57 =	vshra.s32 v17, $0x1F;
	[tilespmem:v54+s14+$0x0] =	vst.idx.msk vm9, v21  }
0x22f: {  	s31 =	sadd.s32 $0xFFFFFF60, s22;
	s29 =	sadd.s32 $0xFFFFFF80, s22;
	v18 =	vxor.u32 v18, v30;
	v48 =	vor.u32 s30, v0;
	v30 =	vand.u32 $0x7FFFFFFF, v57;
	[tilespmem:v54+s15+$0x0] =	vst.idx.msk vm9, v56  }
0x230: {  	v17 =	vxor.u32 v17, v30;
	v45 =	vor.u32 s29, v0;
	v23 =	vor.u32 s31, v0;
	[tilespmem:v34+s14+$0x0] =	vst.idx.msk vm12, v18  }
0x231: {  	s28 =	sadd.s32 $0xFFFFFF70, s22;
	v60 =	vperm.xlane v40, v5;
	v63 =	vnsel vm10, $0x0, v27;
	vm0 =	vnez.u8 v41;
	[tilespmem:v34+s15+$0x0] =	vst.idx.msk vm12, v23  }
0x232: {  	v44 =	vnsel vm6, $0x0, v37;
	v41 =	vsel vm0, $0x1, v3;
	v22 =	vor.u32 s28, v0;
	[tilespmem:v59+s14+$0x0] =	vst.idx.msk vm8, v17  }
0x233: {  	v47 =	vand.u32 $0x7FFFFFFF, v46;
	vm3 =	vge.f32 v20, v9;
	(xrf0) =	vadd.scan.msk.s32 $0xffff, v41;
	[tilespmem:v59+s15+$0x0] =	vst.idx.msk vm8, v22;
	v22 =	vld [tilespmem:$0x1FFF0]  }
0x234: {  	v35 =	vadd.s32 v36, v60;
	v14 =	vxor.u32 v14, v47;
	v43 =	vsel vm3, $0x1, v3  }
0x235: {  	s31 =	sadd.s32 $0xFFFFFFA0, s22;
	v49 =	vshra.s32 v13, $0x1F;
	v51 =	vnsel vm4, $0x0, v38;
	(xrf0) =	vadd.scan.msk.s32 $0xffff, v43;
	v21 =	vshra.s32 v16, $0x1F  }
0x236: {  	s26 =	sadd.s32 $0xFFFFFFB0, s22;
	v50 =	vor.u32 s31, v0;
	v52 =	vshra.s32 v12, $0x1F;
	v21 =	vand.u32 $0x7FFFFFFF, v21  }
0x237: {  	v54 =	vor.u32 s26, v0;
	v56 =	vshra.s32 v11, $0x1F;
	v58, _, _ =	vpop (xrf0);
	v16 =	vxor.u32 v16, v21  }
0x238: {  	v21 =	vshra.s32 v15, $0x1F;
	v62 =	vperm.xlane v58, v5;
	vm14 =	vnez.u8 v22  }
0x239: {  	v61, _, _ =	vpop (xrf0);
	v28 =	vadd.s32 v35, v58;
	v21 =	vand.u32 $0x7FFFFFFF, v21;
	v22 =	vsel vm14, $0x1, v3  }
0x23a: {  	v36 =	vperm.xlane v61, v5;
	v41 =	vadd.s32 $0xFFFFFFFF, v28;
	(xrf0) =	vadd.scan.msk.s32 $0xffff, v22;
	v22 =	vnsel vm7, $0x0, v26  }
0x23b: {  	s28 =	sadd.s32 $0xFFFFFFC0, s22;
	v40, _, _ =	vpop (xrf0);
	v15 =	vxor.u32 v15, v21;
	v21 =	vnsel vm5, $0x0, v33;
	v27 =	vadd.s32 v35, v62;
	[tilespmem:v63+s14+$0x0] =	vst.idx.msk vm10, v16  }
0x23c: {  	vm9 =	vlt.s32 v41, $0x200;
	v53 =	vperm.xlane v40, v5;
	v59 =	vor.u32 s28, v0;
	[tilespmem:v63+s15+$0x0] =	vst.idx.msk vm10, v45  }
0x23d: {  	v42 =	vadd.s32 v27, v61;
	v27 =	vadd.s32 v27, v36;
	vm2 =	vmand vm2, vm9;
	[tilespmem:v44+s14+$0x0] =	vst.idx.msk vm6, v15  }
0x23e: {  	v16 =	vand.u32 $0x7FFFFFFF, v49;
	v61 =	vshra.s32 v10, $0x1F;
	v43 =	vadd.s32 v27, v40;
	[tilespmem:v44+s15+$0x0] =	vst.idx.msk vm6, v48  }
0x23f: {  	v18 =	vadd.s32 $0xFFFFFFFF, v42;
	v13 =	vxor.u32 v13, v16;
	v57 =	vadd.s32 v27, v53;
	[tilespmem:v22+s14+$0x0] =	vst.idx.msk vm7, v14  }
0x240: {  	vm11 =	vlt.s32 v18, $0x200;
	v23 =	vadd.s32 $0xFFFFFFFF, v43;
	[tilespmem:v22+s15+$0x0] =	vst.idx.msk vm7, v50;
	v22 =	vnsel vm2, $0x0, v41  }
0x241: {  	vm1 =	vmand vm0, vm11;
	vm12 =	vlt.s32 v23, $0x200;
	v14 =	vand.u32 $0x7FFFFFFF, v52;
	v55, _, _ =	vpop (xrf0);
	[tilespmem:v21+s14+$0x0] =	vst.idx.msk vm5, v13  }
0x242: {  	v58 =	vnsel vm1, $0x0, v18;
	v12 =	vxor.u32 v12, v14;
	v16 =	vadd.s32 v57, v55;
	[tilespmem:v21+s15+$0x0] =	vst.idx.msk vm5, v54  }
0x243: {  	vm13 =	vmand vm3, vm12;
	v13 =	vand.u32 $0x7FFFFFFF, v56;
	v60 =	vadd.s32 $0xFFFFFFFF, v16;
	[tilespmem:v51+s14+$0x0] =	vst.idx.msk vm4, v12  }
0x244: {  	s29 =	sadd.s32 $0xFFFFFFD0, s22;
	v62 =	vnsel vm13, $0x0, v23;
	v11 =	vxor.u32 v11, v13;
	vm15 =	vlt.s32 v60, $0x200;
	[tilespmem:v51+s15+$0x0] =	vst.idx.msk vm4, v59  }
0x245: {  	v12 =	vand.u32 $0x7FFFFFFF, v61;
	vm3 =	vmand vm14, vm15;
	[tilespmem:v22+s14+$0x0] =	vst.idx.msk vm2, v11;
	v11 =	vor.u32 s29, v0  }
0x246: {  	s30 =	sadd.s32 $0xFFFFFFE0, s22;
	v10 =	vxor.u32 v10, v12;
	v63 =	vnsel vm3, $0x0, v60;
	[tilespmem:v22+s15+$0x0] =	vst.idx.msk vm2, v11;
	v11 =	vshra.s32 v20, $0x1F  }
0x247: {  	[tilespmem:v58+s14+$0x0] =	vst.idx.msk vm1, v10;
	v10 =	vor.u32 s30, v0;
	v11 =	vand.u32 $0x7FFFFFFF, v11  }
.Ltmp9:
0x248: {  	s31 =	sadd.s32 $0xFFFFFFF0, s22;
	[tilespmem:v58+s15+$0x0] =	vst.idx.msk vm1, v10;
	v10 =	vxor.u32 v20, v11;
	v11 =	vshra.s32 v19, $0x1F;
	(pc) =	sbr.rel .LBB2_12-.Ltmp9, $4  }
0x249: {  	[tilespmem:v62+s14+$0x0] =	vst.idx.msk vm13, v10;
	v10 =	vor.u32 s31, v0;
	v11 =	vand.u32 $0x7FFFFFFF, v11  }
0x24a: {  	[tilespmem:v62+s15+$0x0] =	vst.idx.msk vm13, v10;
	v10 =	vxor.u32 v19, v11;
	v11 =	vperm.xlane v55, v5  }
0x24b: {  	[tilespmem:v63+s14+$0x0] =	vst.idx.msk vm3, v10;
	v10 =	vor.u32 s22, v0  }
0x24c: {  	[tilespmem:v63+s15+$0x0] =	vst.idx.msk vm3, v10;
	v20 =	vadd.s32 v57, v11  }
.LBB2_13:
0x24d: {  	v10 =	vld [tilespmem:$0x18100];
	_ =	sdelay $0x4  }
0x24e: {  	vm0 =	vge.f32 v10, v9  }
0x24f: {  	v10 =	vsel vm0, $0x3F800000, v8  }
0x250: {  	(xrf0) =	vmax.scan.msk.f32 $0xffff, v10;
	_ =	sdelay $0x5  }
0x251: {  	v10, _, _ =	vpop (xrf0)  }
0x252: {  	(v2sf) =	vpush v10, $0xF;
	_ =	sdelay $0xe  }
0x253: {  	s22 =	spop (v2sf)  }
0x254: {  	p0 =	sgt.f32 s22, $0.0e+00  }
.Ltmp10:
0x255: {  	_ = 	snop;
	(pc) =	sbr.rel @!p0 .LBB2_15-.Ltmp10, $1  }
0x256: {  	_ =	sdelay $0x3  }
0x257: {  	v24 =	vld [tilespmem:$0x13F00]  }
0x258: {  	v23 =	vld [tilespmem:$0x13F10]  }
0x259: {  	v22 =	vld [tilespmem:$0x13F20]  }
0x25a: {  	v21 =	vld [tilespmem:$0x13F30]  }
0x25b: {  	v19 =	vld [tilespmem:$0x13F40]  }
0x25c: {  	v17 =	vld [tilespmem:$0x13F50]  }
0x25d: {  	v16 =	vld [tilespmem:$0x13F60]  }
0x25e: {  	v15 =	vld [tilespmem:$0x13F70]  }
0x25f: {  	v14 =	vld [tilespmem:$0x13F80]  }
0x260: {  	v13 =	vld [tilespmem:$0x13F90]  }
0x261: {  	v12 =	vld [tilespmem:$0x13FA0]  }
0x262: {  	v11 =	vld [tilespmem:$0x13FB0];
	v54 =	vor.u32 $0x13F20, v0  }
0x263: {  	vm10 =	vge.f32 v24, v9;
	vm12 =	vge.f32 v23, v9;
	vm11 =	vge.f32 v22, v9  }
0x264: {  	vm8 =	vge.f32 v21, v9;
	vm9 =	vge.f32 v19, v9;
	vm7 =	vge.f32 v17, v9  }
0x265: {  	vm0 =	vge.f32 v16, v9;
	vm6 =	vge.f32 v15, v9;
	v10 =	vsel vm10, $0x1, v3  }
0x266: {  	vm4 =	vge.f32 v14, v9;
	vm5 =	vge.f32 v13, v9;
	vm3 =	vge.f32 v12, v9;
	(xrf0) =	vadd.scan.msk.s32 $0xffff, v10  }
0x267: {  	vm2 =	vge.f32 v11, v9;
	v50 =	vshra.s32 v24, $0x1F;
	v51 =	vshra.s32 v23, $0x1F  }
0x268: {  	v52 =	vshra.s32 v22, $0x1F;
	v53 =	vshra.s32 v21, $0x1F;
	v18 =	vsel vm12, $0x1, v3;
	v10 =	vld [tilespmem:$0x13FC0]  }
0x269: {  	v56 =	vshra.s32 v19, $0x1F;
	v25 =	vsel vm8, $0x1, v3;
	(xrf0) =	vadd.scan.msk.s32 $0xffff, v18;
	v18 =	vsel vm11, $0x1, v3  }
0x26a: {  	v26 =	vsel vm9, $0x1, v3;
	v57 =	vsel vm7, $0x1, v3;
	v27 =	vsel vm0, $0x1, v3;
	(xrf0) =	vadd.scan.msk.s32 $0xffff, v18  }
0x26b: {  	v58 =	vsel vm6, $0x1, v3;
	v29 =	vsel vm4, $0x1, v3;
	v30 =	vsel vm5, $0x1, v3  }
0x26c: {  	v32 =	vsel vm3, $0x1, v3;
	v55 =	vand.u32 $0x7FFFFFFF, v53;
	v53 =	vshra.s32 v12, $0x1F;
	v18, _, _ =	vpop (xrf0)  }
0x26d: {  	v21 =	vxor.u32 v21, v55;
	vm1 =	vge.f32 v10, v9;
	(xrf0) =	vadd.scan.msk.s32 $0xffff, v25;
	v28 =	vperm.xlane v18, v5  }
0x26e: {  	v55 =	vor.u32 $0x13F90, v0;
	v39 =	vsel vm1, $0x1, v3;
	(xrf0) =	vadd.scan.msk.s32 $0xffff, v26;
	v18 =	vadd.s32 v18, v20  }
0x26f: {  	v31, _, _ =	vpop (xrf0);
	v33 =	vadd.s32 $0xFFFFFFFF, v18;
	(xrf0) =	vadd.scan.msk.s32 $0xffff, v57;
	v57 =	vor.u32 $0x13F30, v0;
	v20 =	vadd.s32 v20, v28  }
0x270: {  	v59, _, _ =	vpop (xrf0);
	vm13 =	vlt.s32 v33, $0x200;
	v18 =	vadd.s32 v20, v31;
	v31 =	vperm.xlane v31, v5  }
0x271: {  	vm14 =	vmand vm10, vm13;
	v60 =	vadd.s32 $0xFFFFFFFF, v18;
	v18 =	vperm.xlane v59, v5  }
0x272: {  	(xrf0) =	vadd.scan.msk.s32 $0xffff, v27;
	v33 =	vnsel vm14, $0x0, v33;
	vm13 =	vlt.s32 v60, $0x200;
	v20 =	vadd.s32 v20, v31  }
0x273: {  	v61, _, _ =	vpop (xrf0);
	(xrf0) =	vadd.scan.msk.s32 $0xffff, v58;
	v58 =	vshra.s32 v17, $0x1F;
	vm10 =	vmand vm12, vm13;
	v28 =	vadd.s32 v20, v59  }
0x274: {  	v18 =	vadd.s32 v20, v18;
	v27 =	vperm.xlane v61, v5;
	v28 =	vadd.s32 $0xFFFFFFFF, v28  }
0x275: {  	v62 =	vadd.s32 v18, v61;
	v25 =	vnsel vm10, $0x0, v60;
	v60 =	vand.u32 $0x7FFFFFFF, v58  }
0x276: {  	v20, _, _ =	vpop (xrf0);
	vm12 =	vlt.s32 v28, $0x200;
	v63 =	vadd.s32 $0xFFFFFFFF, v62;
	v18 =	vadd.s32 v18, v27  }
0x277: {  	v17 =	vxor.u32 v17, v60;
	v41 =	vperm.xlane v20, v5;
	vm15 =	vlt.s32 v63, $0x200  }
0x278: {  	(xrf0) =	vadd.scan.msk.s32 $0xffff, v29;
	vm13 =	vmand vm11, vm12;
	v42, _, _ =	vpop (xrf0);
	v20 =	vadd.s32 v18, v20;
	vm8 =	vmand vm8, vm15  }
0x279: {  	(xrf0) =	vadd.scan.msk.s32 $0xffff, v30;
	v44 =	vadd.s32 $0xFFFFFFFF, v20;
	v27 =	vperm.xlane v42, v5;
	v28 =	vnsel vm13, $0x0, v28  }
0x27a: {  	v43, _, _ =	vpop (xrf0);
	v18 =	vadd.s32 v18, v41;
	vm12 =	vlt.s32 v44, $0x200;
	v41 =	vor.u32 $0x13F00, v0  }
0x27b: {  	v46, _, _ =	vpop (xrf0);
	v26 =	vnsel vm8, $0x0, v63;
	v20 =	vadd.s32 v18, v42;
	vm11 =	vmand vm9, vm12  }
0x27c: {  	(xrf0) =	vadd.scan.msk.s32 $0xffff, v32;
	v18 =	vadd.s32 v18, v27;
	v27 =	vperm.xlane v46, v5;
	v45 =	vadd.s32 $0xFFFFFFFF, v20  }
0x27d: {  	v20 =	vperm.xlane v43, v5;
	v29 =	vadd.s32 v18, v43;
	vm15 =	vlt.s32 v45, $0x200  }
0x27e: {  	v30 =	vnsel vm11, $0x0, v44;
	v47, _, _ =	vpop (xrf0);
	v29 =	vadd.s32 $0xFFFFFFFF, v29;
	vm7 =	vmand vm7, vm15  }
0x27f: {  	v18 =	vadd.s32 v18, v20;
	v34, _, _ =	vpop (xrf0);
	vm9 =	vlt.s32 v29, $0x200;
	v36 =	vperm.xlane v47, v5  }
0x280: {  	v20 =	vadd.s32 v18, v46;
	v27 =	vadd.s32 v18, v27;
	v37 =	vperm.xlane v34, v5  }
0x281: {  	vm12 =	vmand vm0, vm9;
	v59 =	vnsel vm7, $0x0, v45;
	v46 =	vor.u32 $0x13F60, v0  }
0x282: {  	v38, _, _ =	vpop (xrf0);
	v35 =	vadd.s32 $0xFFFFFFFF, v20;
	v36 =	vadd.s32 v27, v36;
	v27 =	vadd.s32 v27, v47  }
0x283: {  	v20 =	vld [tilespmem:$0x13FD0];
	v61 =	vperm.xlane v38, v5;
	vm15 =	vlt.s32 v35, $0x200;
	v48 =	vadd.s32 v36, v34  }
0x284: {  	v18 =	vld [tilespmem:$0x13FDC];
	v49 =	vadd.s32 v36, v37;
	v27 =	vadd.s32 $0xFFFFFFFF, v27;
	v37 =	vand.u32 $0x7FFFFFFF, v50  }
0x285: {  	vm6 =	vmand vm6, vm15;
	v32 =	vadd.s32 $0xFFFFFFFF, v48;
	v36 =	vadd.s32 v49, v38  }
0x286: {  	vm9 =	vlt.s32 v27, $0x200;
	v24 =	vxor.u32 v24, v37;
	v37 =	vand.u32 $0x7FFFFFFF, v51  }
0x287: {  	vm15 =	vlt.s32 v32, $0x200;
	v36 =	vadd.s32 $0xFFFFFFFF, v36;
	vm9 =	vmand vm4, vm9  }
0x288: {  	vm5 =	vmand vm5, vm15;
	vm15 =	vlt.s32 v36, $0x200;
	vm0 =	vge.f32 v20, v9  }
0x289: {  	[tilespmem:v33+s14+$0x0] =	vst.idx.msk vm14, v24;
	vm4 =	vmand vm3, vm15;
	vm3 =	vge.f32 v18, v9;
	v9 =	vsel vm2, $0x1, v3  }
0x28a: {  	v47 =	vshra.s32 v14, $0x1F;
	[tilespmem:v33+s15+$0x0] =	vst.idx.msk vm14, v41;
	(xrf0) =	vadd.scan.msk.s32 $0xffff, v9;
	v9 =	vxor.u32 v23, v37  }
0x28b: {  	v50 =	vshra.s32 v13, $0x1F;
	v23 =	vor.u32 $0x13F10, v0;
	v37 =	vand.u32 $0x7FFFFFFF, v52;
	[tilespmem:v25+s14+$0x0] =	vst.idx.msk vm10, v9  }
0x28c: {  	v48 =	vand.u32 $0x7FFFFFFF, v47;
	v51 =	vor.u32 $0x13F80, v0;
	v22 =	vxor.u32 v22, v37;
	[tilespmem:v25+s15+$0x0] =	vst.idx.msk vm10, v23  }
0x28d: {  	v45 =	vnsel vm6, $0x0, v35;
	v14 =	vxor.u32 v14, v48;
	v33 =	vand.u32 $0x7FFFFFFF, v56;
	[tilespmem:v28+s14+$0x0] =	vst.idx.msk vm13, v22  }
0x28e: {  	v56 =	vshra.s32 v11, $0x1F;
	vm15 =	vcmask $0x3F10;
	(xrf0) =	vadd.scan.msk.s32 $0xffff, v39;
	[tilespmem:v28+s15+$0x0] =	vst.idx.msk vm13, v54  }
0x28f: {  	vm3 =	vmand vm3, vm15;
	v40 =	vsel vm0, $0x1, v3;
	v52 =	vnsel vm4, $0x0, v36;
	[tilespmem:v26+s14+$0x0] =	vst.idx.msk vm8, v21  }
0x290: {  	v9 =	vxor.u32 v19, v33;
	v19 =	vor.u32 $0x13F40, v0;
	(xrf0) =	vadd.scan.msk.s32 $0xffff, v40;
	[tilespmem:v26+s15+$0x0] =	vst.idx.msk vm8, v57  }
0x291: {  	v39 =	vnsel vm12, $0x0, v29;
	v40 =	vadd.s32 v49, v61;
	v49 =	vor.u32 $0x13F70, v0;
	[tilespmem:v30+s14+$0x0] =	vst.idx.msk vm11, v9  }
0x292: {  	v61 =	vshra.s32 v10, $0x1F;
	v22 =	vor.u32 $0x13F50, v0;
	v21 =	vshra.s32 v16, $0x1F;
	v23, _, _ =	vpop (xrf0);
	[tilespmem:v30+s15+$0x0] =	vst.idx.msk vm11, v19  }
0x293: {  	v21 =	vand.u32 $0x7FFFFFFF, v21;
	v63 =	vperm.xlane v23, v5;
	v23 =	vadd.s32 v40, v23;
	[tilespmem:v59+s14+$0x0] =	vst.idx.msk vm7, v17  }
0x294: {  	v62, _, _ =	vpop (xrf0);
	v16 =	vxor.u32 v16, v21;
	v21 =	vshra.s32 v15, $0x1F;
	[tilespmem:v59+s15+$0x0] =	vst.idx.msk vm7, v22;
	v22 =	vsel vm3, $0x1, v3  }
0x295: {  	v41 =	vperm.xlane v62, v5;
	v23 =	vadd.s32 $0xFFFFFFFF, v23;
	(xrf0) =	vadd.scan.msk.s32 $0xffff, v22;
	v22 =	vnsel vm9, $0x0, v27  }
0x296: {  	v42, _, _ =	vpop (xrf0);
	v21 =	vand.u32 $0x7FFFFFFF, v21;
	v28 =	vadd.s32 v40, v63;
	vm15 =	vlt.s32 v23, $0x200;
	[tilespmem:v39+s14+$0x0] =	vst.idx.msk vm12, v16  }
0x297: {  	v15 =	vxor.u32 v15, v21;
	v21 =	vnsel vm5, $0x0, v32;
	v54 =	vperm.xlane v42, v5;
	[tilespmem:v39+s15+$0x0] =	vst.idx.msk vm12, v46  }
0x298: {  	v43 =	vadd.s32 v28, v62;
	v28 =	vadd.s32 v28, v41;
	vm2 =	vmand vm2, vm15;
	[tilespmem:v45+s14+$0x0] =	vst.idx.msk vm6, v15  }
0x299: {  	v59 =	vor.u32 $0x13FA0, v0;
	v9 =	vadd.s32 $0xFFFFFFFF, v43;
	v44 =	vadd.s32 v28, v42;
	[tilespmem:v45+s15+$0x0] =	vst.idx.msk vm6, v49  }
0x29a: {  	v16 =	vand.u32 $0x7FFFFFFF, v50;
	v57 =	vadd.s32 v28, v54;
	vm13 =	vlt.s32 v9, $0x200;
	[tilespmem:v22+s14+$0x0] =	vst.idx.msk vm9, v14  }
0x29b: {  	v19 =	vadd.s32 $0xFFFFFFFF, v44;
	v13 =	vxor.u32 v13, v16;
	[tilespmem:v22+s15+$0x0] =	vst.idx.msk vm9, v51;
	v22 =	vnsel vm2, $0x0, v23  }
0x29c: {  	vm1 =	vmand vm1, vm13;
	vm14 =	vlt.s32 v19, $0x200;
	v14 =	vand.u32 $0x7FFFFFFF, v53;
	v23, _, _ =	vpop (xrf0);
	[tilespmem:v21+s14+$0x0] =	vst.idx.msk vm5, v13  }
0x29d: {  	v9 =	vnsel vm1, $0x0, v9;
	v12 =	vxor.u32 v12, v14;
	v58 =	vadd.s32 v57, v23;
	[tilespmem:v21+s15+$0x0] =	vst.idx.msk vm5, v55  }
0x29e: {  	vm0 =	vmand vm0, vm14;
	v13 =	vand.u32 $0x7FFFFFFF, v56;
	v60 =	vadd.s32 $0xFFFFFFFF, v58;
	[tilespmem:v52+s14+$0x0] =	vst.idx.msk vm4, v12  }
0x29f: {  	v62 =	vnsel vm0, $0x0, v19;
	v11 =	vxor.u32 v11, v13;
	vm15 =	vlt.s32 v60, $0x200;
	[tilespmem:v52+s15+$0x0] =	vst.idx.msk vm4, v59  }
0x2a0: {  	v12 =	vand.u32 $0x7FFFFFFF, v61;
	vm3 =	vmand vm3, vm15;
	[tilespmem:v22+s14+$0x0] =	vst.idx.msk vm2, v11;
	v11 =	vor.u32 $0x13FB0, v0  }
0x2a1: {  	v10 =	vxor.u32 v10, v12;
	v63 =	vnsel vm3, $0x0, v60;
	[tilespmem:v22+s15+$0x0] =	vst.idx.msk vm2, v11;
	v11 =	vshra.s32 v20, $0x1F  }
0x2a2: {  	[tilespmem:v9+s14+$0x0] =	vst.idx.msk vm1, v10;
	v10 =	vor.u32 $0x13FC0, v0;
	v11 =	vand.u32 $0x7FFFFFFF, v11  }
0x2a3: {  	[tilespmem:v9+s15+$0x0] =	vst.idx.msk vm1, v10;
	v9 =	vxor.u32 v20, v11;
	v10 =	vshra.s32 v18, $0x1F  }
0x2a4: {  	[tilespmem:v62+s14+$0x0] =	vst.idx.msk vm0, v9;
	v9 =	vor.u32 $0x13FD0, v0;
	v10 =	vand.u32 $0x7FFFFFFF, v10  }
0x2a5: {  	[tilespmem:v62+s15+$0x0] =	vst.idx.msk vm0, v9;
	v9 =	vxor.u32 v18, v10;
	v10 =	vperm.xlane v23, v5  }
0x2a6: {  	[tilespmem:v63+s14+$0x0] =	vst.idx.msk vm3, v9;
	v9 =	vadd.s32 $0x13FDC, v0  }
0x2a7: {  	[tilespmem:v63+s15+$0x0] =	vst.idx.msk vm3, v9;
	v20 =	vadd.s32 v57, v10  }
.LBB2_15:
0x2a8: {  	v9 =	vxor.u32 $0x80000000, v20  }
0x2a9: {  	(xrf0) =	vmax.scan.msk.u32 $0xffff, v9;
	_ =	sdelay $0x5  }
0x2aa: {  	v9, _, _ =	vpop (xrf0)  }
0x2ab: {  	(v2sf) =	vpush v9, $0xF;
	_ =	sdelay $0x5  }
0x2ac: {  	[tilespmem:$0x18510] =	vst v7  }
0x2ad: {  	[tilespmem:$0x18590] =	vst v3  }
0x2ae: {  	[tilespmem:$0x18520] =	vst v7  }
0x2af: {  	[tilespmem:$0x185A0] =	vst v3  }
0x2b0: {  	[tilespmem:$0x18530] =	vst v7  }
0x2b1: {  	[tilespmem:$0x185B0] =	vst v3  }
0x2b2: {  	[tilespmem:$0x18540] =	vst v7  }
0x2b3: {  	[tilespmem:$0x185C0] =	vst v3  }
0x2b4: {  	[tilespmem:$0x18550] =	vst v7  }
0x2b5: {  	[tilespmem:$0x185D0] =	vst v3;
	s22 =	spop (v2sf)  }
0x2b6: {  	[tilespmem:$0x18560] =	vst v7;
	s22 =	sxor.u32 $0x80000000, s22  }
.Ltmp11:
0x2b7: {  	[tilespmem:$0x185E0] =	vst v3;
	p0 =	slt.s32 s22, $0x200;
	(pc) =	sbr.rel .LBB2_16-.Ltmp11, $4  }
0x2b8: {  	[tilespmem:$0x18570] =	vst v7;
	s22 =	simm.s32 @!p0 $0x200  }
0x2b9: {  	[tilespmem:$0x185F0] =	vst v3;
	s22 =	sadd.s32 $0xF, s22  }
0x2ba: {  	[tilespmem:$0x18580] =	vst v7;
	s22 =	sshra.s32 s22, $0x4  }
0x2bb: {  	[tilespmem:$0x18600] =	vst v3;
	s23 =	simm.s32 $0x0;
	s24 =	simm.s32 $0x0;
	p0 =	slt.s32 s22, $0x1  }
.LBB2_17:
0x2bc: {  	v10 =	vimm.s32 $0x80000000  }
.LBB2_21:
0x2bd: {  	v11 =	vxor.u32 $0x80000000, v9  }
0x2be: {  	(xrf0) =	vmax.scan.msk.u32 $0xffff, v11;
	_ =	sdelay $0x5  }
0x2bf: {  	v11, _, _ =	vpop (xrf0)  }
0x2c0: {  	v11 =	vxor.u32 $0x80000000, v11  }
0x2c1: {  	v11 =	vperm.xlane v11, v5;
	_ =	sdelay $0x1  }
0x2c2: {  	vm0 =	veq.s32 v9, v11  }
0x2c3: {  	v9 =	vnsel vm0, $0x1, v10  }
0x2c4: {  	(xrf0) =	vmax.scan.msk.u32 $0xffff, v9;
	_ =	sdelay $0x5  }
0x2c5: {  	v9, _, _ =	vpop (xrf0)  }
0x2c6: {  	v9 =	vxor.u32 $0x80000000, v9  }
0x2c7: {  	v9 =	vperm.xlane v9, v5;
	_ =	sdelay $0x1  }
0x2c8: {  	v9 =	vsub.s32 $0x0, v9  }
0x2c9: {  	v10 =	vmov s24  }
0x2ca: {  	s25 =	sand.u32 $0xFFFFFFF0, s24;
	v10 =	vand.u32 $0xF, v10  }
0x2cb: {  	v10 =	vor.u32 s25, v10  }
0x2cc: {  	v10 =	vbroadcast v10, $0x0  }
0x2cd: {  	s24 =	sadd.s32 $0x1, s24;
	v11 =	vld.idx.msk [tilespmem:v9+s14+$0x0], $0xffff  }
0x2ce: {  	p1 =	sne.s32 s24, $0x64;
	v12 =	vld.idx.msk [tilespmem:v9+s15+$0x0], $0xffff  }
.Ltmp12:
0x2cf: {  	_ = 	snop;
	(pc) =	sbr.rel @!p1 .LBB2_22-.Ltmp12, $4  }
0x2d0: {  	_ = 	snop  }
0x2d1: {  	[tilespmem:v9+s14+$0x0] =	vst.idx.msk $0x1, v7  }
0x2d2: {  	[tilespmem:v10+s16+$0x0] =	vst.idx.msk $0x1, v11  }
0x2d3: {  	[tilespmem:v10+s17+$0x0] =	vst.idx.msk $0x1, v12  }
.LBB2_16:
.Ltmp13:
0x2d4: {  	(pc) =	sbr.rel @p0 .LBB2_17-.Ltmp13, $2  }
0x2d5: {  	_ =	sdelay $0x2  }
0x2d6: {  	v9 =	vimm.s32 $0x80000000  }
0x2d7: {  	s25 =	simm.s32 $0x18110  }
0x2d8: {  	p1 =	sne.s32 s22, $0x1;
	v10 =	vld [tilespmem:s25+$0x0]  }
.Ltmp14:
0x2d9: {  	_ = 	snop;
	(pc) =	sbr.rel @!p1 .LBB2_20-.Ltmp14, $2  }
0x2da: {  	_ =	sdelay $0x2  }
0x2db: {  	v11 =	vimm.s32 $0x0;
	v12 =	vor.u32 s23, v0;
	s26 =	simm.s32 $0x18120;
	s28 =	simm.s32 $0x0;
	s25 =	sadd.s32 $0xFFFFFFFF, s22;
	vm0 =	vgt.s32 v10, v9  }
.LBB2_19:
0x2dc: {  	p1 =	sne.s32 s25, $0x1;
	s25 =	sadd.s32 $0xFFFFFFFF, s25;
	v9 =	vsel vm0, v10, v9;
	v10 =	vld [tilespmem:s26+$0x0];
	v11 =	vsel vm0, v12, v11  }
.Ltmp15:
0x2dd: {  	(pc) =	sbr.rel @p1 .LBB2_19-.Ltmp15, $3  }
0x2de: {  	_ =	sdelay $0x1  }
0x2df: {  	s28 =	sadd.s32 $0x10, s28  }
0x2e0: {  	s26 =	sadd.s32 $0x10, s26;
	v12 =	vor.u32 s28, v0;
	vm0 =	vgt.s32 v10, v9  }
.LBB2_20:
.Ltmp16:
0x2e1: {  	(pc) =	sbr.rel .LBB2_21-.Ltmp16, $3  }
0x2e2: {  	_ =	sdelay $0x1  }
0x2e3: {  	v11 =	vsel vm0, v12, v11  }
0x2e4: {  	v9 =	vsel vm0, v10, v9;
	v10 =	vsub.s32 $0x80000000, v11  }
.LBB2_23:
0x2e5: {  	_ =	sfence.sel $0x180000  }
0x2e6: {  	[bflag:$0x0] =	sbarrier.arrive $0xFFFF  }
0x2e7: {  	p0 =	sne.s32 s2, $0x0;
	_ =	strace $0x90000047  }
0x2e8: {  	s0 =	sadd.s32 @!p0 $0x100000, s0;
	[bflag:$0x2] =	sbarrier.arrive $0xFFFF  }
0x2e9: {  	[sflag:s0] =	ssyncadd.tile.s32 @!p0 $0x1;
	_ =	shalt  }
.Lfunc_end2:
_tile_overlayer_lowered:
.L_overlay_start_2:
0x2ea: {  	(tag) =	ssettag $0x2  }
0x2eb: {  	s0 =	rddreg [dreg:$0x0];
	s2 =	stileid.u32  }
0x2ec: {  	s1 =	rddreg [dreg:$0x1];
	p0 =	sne.s32 s2, $0x0  }
0x2ed: {  	s3 =	rddreg [dreg:$0x2];
	[bflag:$0x3] =	sbarrier.arrive $0xFFFF;
	s2 =	simm.s32 @!p0 $0x1C01  }
0x2ee: {  	[timem:s3], [sflag:s2] =	dma.local @!p0 [hbm:s0], s1  }
0x2ef: {  	s0 =	simm.s32 @!p0 $0x1  }
0x2f0: {  	_ =	swait.ge @!p0 [sflag:s0], s1  }
0x2f1: {  	s1 =	ssub.s32 @!p0 $0x0, s1;
	[sflag:s0] =	ssyncset.done @!p0 $0x0  }
0x2f2: {  	[sflag:s0] =	ssyncadd.s32 @!p0 s1  }
0x2f3: {  	[bflag:$0x3] =	sbarrier.arrive $0xFFFF  }
0x2f4: {  	_ =	shalt  }

</sc_bundles>
